<compile_context>
chip_gen: v7x
topology: tpu7x:2x2x1
jax: 0.10.2.dev20260603
libtpu: 0.0.44.dev20260713+nightly
codegen_flags: <defaults>
</compile_context>

<pallas_src>
import dataclasses
import functools

import jax
import jax.numpy as jnp
from jax import lax
from jax.experimental import pallas as pl
from jax.experimental.pallas import tpu as pltpu
from jax.experimental.pallas import tpu_sc as plsc

_N = 10000
_E = 320000
_D = 128
_NC = 2
_NS = 16
_LANES = 16
_NW = _NC * _NS
_EPW = _E // _NW
_K = 80
_CHUNKS = _EPW // _K
_K2 = 40
_CH2 = _EPW // _K2
_NP = 10240
_RPS = _NP // _NS
_ZR = 128

def _sc_mesh():
    return plsc.VectorSubcoreMesh(core_axis_name="c", subcore_axis_name="s")


def _agg_sc(m, src2, dst2):

    @functools.partial(
        pl.kernel,
        out_type=jax.ShapeDtypeStruct((_NC, _NP, _D), jnp.float32),
        mesh=_sc_mesh(),
        scratch_types=[
            pltpu.VMEM((_CH2, _K2), jnp.int32),
            pltpu.VMEM((1, _K2), jnp.int32),
            pltpu.VMEM((1, _K2), jnp.int32),
            pltpu.VMEM((1, _K2), jnp.int32),
            pltpu.VMEM((_K2, _D), jnp.float32),
            pltpu.VMEM((_K2, _D), jnp.float32),
            pltpu.VMEM((_K2, _D), jnp.float32),
            pltpu.VMEM_SHARED((_NP, _D), jnp.float32),
            pltpu.SemaphoreType.DMA,
            pltpu.SemaphoreType.DMA,
            pltpu.SemaphoreType.DMA,
            pltpu.SemaphoreType.DMA,
            pltpu.SemaphoreType.DMA,
            pltpu.SemaphoreType.DMA,
            pltpu.SemaphoreType.DMA,
            pltpu.SemaphoreType.DMA,
            pltpu.SemaphoreType.DMA,
        ],
    )
    def k(m_hbm, src_hbm, dst_hbm, out_hbm,
          src_v, dA, dB, dC, r0, r1, r2, agg_sh,
          g0, g1, g2, s0, s1, s2, e0, e1, e2):
        cid = lax.axis_index("c")
        sid = lax.axis_index("s")
        w = cid * _NS + sid
        rows = (r0, r1, r2)
        dbuf = (dA, dB, dC)
        gsem = (g0, g1, g2)
        ssem = (s0, s1, s2)
        dsem = (e0, e1, e2)

        @pl.loop(0, _K2)
        def _(i):
            @pl.loop(0, _D // _LANES)
            def _(j):
                r0[i, pl.ds(j * _LANES, _LANES)] = jnp.zeros((_LANES,), jnp.float32)

        @pl.loop(0, _RPS // _K2)
        def _(t):
            pltpu.sync_copy(r0, agg_sh.at[pl.ds(sid * _RPS + t * _K2, _K2)])

        pltpu.sync_copy(src_hbm.at[w], src_v)

        plsc.subcore_barrier()

        pltpu.async_copy(m_hbm.at[src_v.at[_CH2 - 1]], r0, g0).wait()
        pltpu.sync_copy(dst_hbm.at[w, _CH2 - 1], dA)
        pltpu.sync_copy(r0, agg_sh.at[dA.at[0]], add=True)

        for b in range(3):
            pltpu.async_copy(m_hbm.at[src_v.at[b]], rows[b], gsem[b])
            pltpu.async_copy(dst_hbm.at[w, b], dbuf[b], dsem[b])

        @pl.loop(0, 82)
        def _(i):
            c = 3 * i
            for b in range(3):
                pltpu.make_async_copy(m_hbm.at[src_v.at[c + b]], rows[b], gsem[b]).wait()
                pltpu.make_async_copy(dst_hbm.at[w, c + b], dbuf[b], dsem[b]).wait()
                pltpu.async_copy(rows[b], agg_sh.at[dbuf[b].at[0]], ssem[b], add=True)
            for b in range(3):
                pltpu.make_async_copy(m_hbm.at[src_v.at[c + b]], rows[b], ssem[b]).wait()
                pltpu.async_copy(m_hbm.at[src_v.at[c + 3 + b]], rows[b], gsem[b])
                pltpu.async_copy(dst_hbm.at[w, c + 3 + b], dbuf[b], dsem[b])

        for b in range(3):
            pltpu.make_async_copy(m_hbm.at[src_v.at[246 + b]], rows[b], gsem[b]).wait()
            pltpu.make_async_copy(dst_hbm.at[w, 246 + b], dbuf[b], dsem[b]).wait()
            pltpu.async_copy(rows[b], agg_sh.at[dbuf[b].at[0]], ssem[b], add=True)
        for b in range(3):
            pltpu.make_async_copy(m_hbm.at[src_v.at[246 + b]], rows[b], ssem[b]).wait()

        plsc.subcore_barrier()

        pltpu.sync_copy(agg_sh.at[pl.ds(sid * _RPS, _RPS)],
                        out_hbm.at[cid, pl.ds(sid * _RPS, _RPS)])

    return k(m, src2, dst2)[:, :_N, :]


def _deg_sc(dst3):
    cp = pltpu.CompilerParams()
    if "needs_layout_passes" in pltpu.CompilerParams.__dataclass_fields__:
        cp = dataclasses.replace(cp, needs_layout_passes=False)

    @functools.partial(
        pl.kernel,
        out_type=jax.ShapeDtypeStruct((_NC, _NP), jnp.float32),
        mesh=_sc_mesh(),
        compiler_params=cp,
        scratch_types=[
            pltpu.VMEM((_EPW // _LANES, _LANES), jnp.int32),
            pltpu.VMEM((_NP,), jnp.float32),
            pltpu.VMEM((_NS, _RPS), jnp.float32),
            pltpu.VMEM_SHARED((_NS, _NP), jnp.float32),
        ],
    )
    def k(dst_hbm, out_hbm, dst_v, cnt_v, red, stage_sh):
        cid = lax.axis_index("c")
        sid = lax.axis_index("s")
        w = cid * _NS + sid

        @pl.loop(0, _NP // _LANES)
        def _(i):
            cnt_v[pl.ds(i * _LANES, _LANES)] = jnp.zeros((_LANES,), jnp.float32)

        pltpu.sync_copy(dst_hbm.at[w], dst_v)

        @pl.loop(0, _EPW // _LANES)
        def _(i):
            plsc.addupdate_scatter(cnt_v, [dst_v[i, :]],
                                   jnp.ones((_LANES,), jnp.float32))

        pltpu.sync_copy(cnt_v, stage_sh.at[sid])
        plsc.subcore_barrier()

        @pl.loop(0, _NS)
        def _(r):
            pltpu.sync_copy(stage_sh.at[r, pl.ds(sid * _RPS, _RPS)], red.at[r])

        @pl.loop(0, _RPS // _LANES)
        def _(j):
            cnt_v[pl.ds(j * _LANES, _LANES)] = jnp.zeros((_LANES,), jnp.float32)

            @pl.loop(0, _NS)
            def _(r):
                cnt_v[pl.ds(j * _LANES, _LANES)] = (
                    cnt_v[pl.ds(j * _LANES, _LANES)]
                    + red[r, pl.ds(j * _LANES, _LANES)])

        pltpu.sync_copy(cnt_v.at[pl.ds(0, _RPS)],
                        out_hbm.at[cid, pl.ds(sid * _RPS, _RPS)])

    return k(dst3)


def _tc_in(x, W_in, b_in, W0, degp):

    def body(x_ref, wi_ref, bi_ref, w0_ref, dg_ref, h_ref, m_ref, inv_ref):
        h = jax.nn.gelu(
            jnp.dot(x_ref[...], wi_ref[...], preferred_element_type=jnp.float32)
            + bi_ref[...])
        h_ref[...] = h
        m_ref[...] = jnp.dot(h, w0_ref[...], preferred_element_type=jnp.float32)
        deg = dg_ref[0] + dg_ref[1]
        inv = 1.0 / jnp.maximum(deg, 1.0)
        inv_ref[...] = jnp.broadcast_to(inv, (_N, _D))

    return pl.pallas_call(
        body,
        out_shape=(jax.ShapeDtypeStruct((_N, _D), jnp.float32),
                   jax.ShapeDtypeStruct((_N, _D), jnp.float32),
                   jax.ShapeDtypeStruct((_N, _D), jnp.float32)),
    )(x, W_in, b_in.reshape(1, _D), W0, degp)


def _tc_combine(p, inv, b, h, W):
    def body(p_ref, inv_ref, b_ref, h_ref, w_ref, hn_ref, mn_ref):
        hn = (p_ref[0] + p_ref[1]) * inv_ref[...] + b_ref[...] + h_ref[...]
        hn_ref[...] = hn
        mn_ref[...] = jnp.dot(hn, w_ref[...], preferred_element_type=jnp.float32)

    return pl.pallas_call(
        body,
        out_shape=(jax.ShapeDtypeStruct((_N, _D), jnp.float32),
                   jax.ShapeDtypeStruct((_N, _D), jnp.float32)),
    )(p, inv, b.reshape(1, _D), h, W)


def _tc_final(p, inv, b, h):
    def body(p_ref, inv_ref, b_ref, h_ref, o_ref):
        o_ref[...] = (p_ref[0] + p_ref[1]) * inv_ref[...] + b_ref[...] + h_ref[...]

    return pl.pallas_call(
        body,
        out_shape=jax.ShapeDtypeStruct((_N, _D), jnp.float32),
    )(p, inv, b.reshape(1, _D), h)


def kernel(x, edge_index, W_in, b_in, W0, b0, W1, b1, W2, b2):
    src = edge_index[0].astype(jnp.int32).reshape(_NW, _CH2, _K2)
    dst = edge_index[1].astype(jnp.int32).reshape(_NW, _CH2, 1, _K2)
    dst3 = edge_index[1].astype(jnp.int32).reshape(_NW, _EPW // _LANES, _LANES)
    degp = _deg_sc(dst3)[:, :_N, None]
    h0, m0, inv = _tc_in(x, W_in, b_in, W0, degp)
    p0 = _agg_sc(m0, src, dst)
    h1, m1 = _tc_combine(p0, inv, b0, h0, W1)
    p1 = _agg_sc(m1, src, dst)
    h2, m2 = _tc_combine(p1, inv, b1, h1, W2)
    p2 = _agg_sc(m2, src, dst)
    return _tc_final(p2, inv, b2, h2)

# --- scband reference (transcript-rebuilt; emitter-appended) ---
"""Pipeline reference for scband-modern-graph-encoder-77000173682741 (READ-ONLY COPY).

The authoritative reference and input builder live on the scoring server;
editing this copy changes nothing except your own understanding.
"""

import jax, jax.numpy as jnp
import numpy as np

N = 10000
E = 320000
D = 128

def setup_inputs(seed: int = 0) -> dict:
    key = jax.random.key(seed)
    ks = jax.random.split(key, 12)
    x = jax.random.normal(ks[0], (N, D), dtype=jnp.float32)
    edge_index = jax.random.randint(ks[1], (2, E), 0, N, dtype=jnp.int64)
    scale = 1.0 / np.sqrt(D)
    W_in = jax.random.normal(ks[2], (D, D), dtype=jnp.float32) * scale
    b_in = jnp.zeros((D,), dtype=jnp.float32)
    W0 = jax.random.normal(ks[3], (D, D), dtype=jnp.float32) * scale
    b0 = jnp.zeros((D,), dtype=jnp.float32)
    W1 = jax.random.normal(ks[4], (D, D), dtype=jnp.float32) * scale
    b1 = jnp.zeros((D,), dtype=jnp.float32)
    W2 = jax.random.normal(ks[5], (D, D), dtype=jnp.float32) * scale
    b2 = jnp.zeros((D,), dtype=jnp.float32)
    return {"x": x, "edge_index": edge_index, "W_in": W_in, "b_in": b_in,
            "W0": W0, "b0": b0, "W1": W1, "b1": b1, "W2": W2, "b2": b2}

def _gcn_layer(h, src, dst, W, b, residual=True):
    m = h @ W  # transform node features
    msgs = jnp.take(m, src, axis=0)  # gather messages from source nodes
    agg = jax.ops.segment_sum(msgs, dst, num_segments=N)  # scatter-add to dst
    deg = jax.ops.segment_sum(jnp.ones((msgs.shape[0],), dtype=h.dtype), dst, num_segments=N)
    agg = agg / jnp.maximum(deg, 1.0)[:, None]  # mean aggregation (VariancePreserving-style mean)
    out = agg + b
    if residual and out.shape == h.shape:
        out = out + h
    return out

def reference(x, edge_index, W_in, b_in, W0, b0, W1, b1, W2, b2):
    src = edge_index[0]
    dst = edge_index[1]
    h = jax.nn.gelu(x @ W_in + b_in)  # input_proj + gelu
    h = _gcn_layer(h, src, dst, W0, b0)
    h = _gcn_layer(h, src, dst, W1, b1)
    h = _gcn_layer(h, src, dst, W2, b2)
    # output_proj is Identity since num_layers=3
    return h

if __name__ == "__main__":
    import jax
    _d = setup_inputs()
    print(jax.jit(kernel)(*tuple(_d.values())))

</pallas_src>

<mosaic_0001>
#map = affine_map<(d0, d1) -> (0, 0)>
#map1 = affine_map<(d0, d1) -> (0, 0, 0)>
#map2 = affine_map<(d0, d1) -> (0, 0, 0, 0)>
module attributes {stable_mosaic.version = 14 : i64} {
  func.func @k(%arg0: i32, %arg1: i32, %arg2: memref<10000x128xf32, #tpu.memory_space<hbm>>, %arg3: memref<32x250x40xi32, #tpu.memory_space<hbm>>, %arg4: memref<32x250x1x40xi32, #tpu.memory_space<hbm>>, %arg5: memref<2x10240x128xf32, #tpu.memory_space<hbm>>, %arg6: memref<250x40xi32, #tpu.memory_space<vmem>>, %arg7: memref<1x40xi32, #tpu.memory_space<vmem>>, %arg8: memref<1x40xi32, #tpu.memory_space<vmem>>, %arg9: memref<1x40xi32, #tpu.memory_space<vmem>>, %arg10: memref<40x128xf32, #tpu.memory_space<vmem>>, %arg11: memref<40x128xf32, #tpu.memory_space<vmem>>, %arg12: memref<40x128xf32, #tpu.memory_space<vmem>>, %arg13: memref<10240x128xf32, #tpu.memory_space<vmem_shared>>, %arg14: memref<!tpu.dma_semaphore, #tpu.memory_space<semaphore_mem>>, %arg15: memref<!tpu.dma_semaphore, #tpu.memory_space<semaphore_mem>>, %arg16: memref<!tpu.dma_semaphore, #tpu.memory_space<semaphore_mem>>, %arg17: memref<!tpu.dma_semaphore, #tpu.memory_space<semaphore_mem>>, %arg18: memref<!tpu.dma_semaphore, #tpu.memory_space<semaphore_mem>>, %arg19: memref<!tpu.dma_semaphore, #tpu.memory_space<semaphore_mem>>, %arg20: memref<!tpu.dma_semaphore, #tpu.memory_space<semaphore_mem>>, %arg21: memref<!tpu.dma_semaphore, #tpu.memory_space<semaphore_mem>>, %arg22: memref<!tpu.dma_semaphore, #tpu.memory_space<semaphore_mem>>) attributes {dimension_semantics = [#tpu.dimension_semantics<core_parallel>, #tpu.dimension_semantics<subcore_parallel>], iteration_bounds = array<i64: 2, 16>, scalar_prefetch = 0 : i64, scratch_operands = 17 : i64, tpu.core_type = #tpu.core_type<sc_vector_subcore>, window_params = [{transform_indices = #map}, {transform_indices = #map1}, {transform_indices = #map2}, {transform_indices = #map1}]} {
    %mul3A = arith.constant 16 : i32
    %mul3A_0 = arith.muli %arg0, %mul3A : i32
    %add3A = arith.addi %mul3A_0, %arg1 : i32
    %scan3A = arith.constant 0 : i32
    %scan3A_1 = arith.constant 40 : i32
    %scan3A_2 = arith.addi %scan3A, %scan3A_1 : i32
    %scan3A_3 = arith.constant 1 : i32
    scf.for %scan3A_171 = %scan3A to %scan3A_2 step %scan3A_3  : i32 {
      %mul3A_172 = arith.constant 1 : i32
      %mul3A_173 = arith.muli %scan3A_171, %mul3A_172 : i32
      %add3A_174 = arith.constant 0 : i32
      %add3A_175 = arith.addi %add3A_174, %mul3A_173 : i32
      %scan3A_176 = arith.constant 0 : i32
      %scan3A_177 = arith.constant 8 : i32
      %scan3A_178 = arith.addi %scan3A_176, %scan3A_177 : i32
      %scan3A_179 = arith.constant 1 : i32
      scf.for %scan3A_181 = %scan3A_176 to %scan3A_178 step %scan3A_179  : i32 {
        %mul3A_182 = arith.constant 1 : i32
        %mul3A_183 = arith.muli %scan3A_181, %mul3A_182 : i32
        %add3A_184 = arith.constant 0 : i32
        %add3A_185 = arith.addi %add3A_184, %mul3A_183 : i32
        %broadcast_in_dim3A = arith.constant 0.000000e+00 : f32
        %broadcast_in_dim3A_186 = vector.broadcast %broadcast_in_dim3A : f32 to vector<16xf32>
        %mul3A_187 = arith.constant 16 : i32
        %mul3A_188 = arith.muli %add3A_185, %mul3A_187 : i32
        %swap3A = arith.index_cast %add3A_175 : i32 to index
        %swap3A_189 = arith.index_cast %mul3A_188 : i32 to index
        %swap3A_190 = tpu.vector_load %arg10[%swap3A, %swap3A_189] {strides = array<i32>} : memref<40x128xf32, #tpu.memory_space<vmem>>, vector<1x16xf32>,
        %swap3A_191 = vector.shape_cast %swap3A_190 : vector<1x16xf32> to vector<16xf32>
        %swap3A_192 = vector.shape_cast %broadcast_in_dim3A_186 : vector<16xf32> to vector<1x16xf32>
        tpu.vector_store %arg10[%swap3A, %swap3A_189], %swap3A_192 {strides = array<i32>} : memref<40x128xf32, #tpu.memory_space<vmem>>, vector<1x16xf32>,
      }
      %scan3A_180 = arith.constant 8 : i32
    }
    %scan3A_4 = arith.constant 40 : i32
    %scan3A_5 = arith.constant 0 : i32
    %scan3A_6 = arith.constant 16 : i32
    %scan3A_7 = arith.addi %scan3A_5, %scan3A_6 : i32
    %scan3A_8 = arith.constant 1 : i32
    scf.for %scan3A_171 = %scan3A_5 to %scan3A_7 step %scan3A_8  : i32 {
      %mul3A_172 = arith.constant 1 : i32
      %mul3A_173 = arith.muli %scan3A_171, %mul3A_172 : i32
      %add3A_174 = arith.constant 0 : i32
      %add3A_175 = arith.addi %add3A_174, %mul3A_173 : i32
      %mul3A_176 = arith.constant 640 : i32
      %mul3A_177 = arith.muli %arg1, %mul3A_176 : i32
      %mul3A_178 = arith.constant 40 : i32
      %mul3A_179 = arith.muli %add3A_175, %mul3A_178 : i32
      %add3A_180 = arith.addi %mul3A_177, %mul3A_179 : i32
      "tpu.region"() ({
        %run_scoped3A_181 = tpu.sem_alloc : memref<!tpu.dma_semaphore, #tpu.memory_space<semaphore_mem>>
        %dma_start3A_182 = arith.constant 0 : i32
        %dma_start3A_183 = tpu.memref_slice %arg13[%add3A_180, %dma_start3A_182] : memref<10240x128xf32, #tpu.memory_space<vmem_shared>> -> memref<40x128xf32, #tpu.memory_space<vmem_shared>>
        %dma_start3A_184 = arith.constant 0 : i32
        %dma_start3A_185 = tpu.memref_slice %arg13[%add3A_180, %dma_start3A_184] : memref<10240x128xf32, #tpu.memory_space<vmem_shared>> -> memref<40x128xf32, #tpu.memory_space<vmem_shared>>
        tpu.enqueue_dma source(%arg10 : memref<40x128xf32, #tpu.memory_space<vmem>>) target(%dma_start3A_185 : memref<40x128xf32, #tpu.memory_space<vmem_shared>>) target_semaphore(%run_scoped3A_181 : memref<!tpu.dma_semaphore, #tpu.memory_space<semaphore_mem>>)
        %dma_wait3A_186 = arith.constant 0 : i32
        %dma_wait3A_187 = tpu.memref_slice %arg13[%add3A_180, %dma_wait3A_186] : memref<10240x128xf32, #tpu.memory_space<vmem_shared>> -> memref<40x128xf32, #tpu.memory_space<vmem_shared>>
        %dma_wait3A_188 = arith.constant 0 : i32
        %dma_wait3A_189 = tpu.memref_slice %arg13[%add3A_180, %dma_wait3A_188] : memref<10240x128xf32, #tpu.memory_space<vmem_shared>> -> memref<40x128xf32, #tpu.memory_space<vmem_shared>>
        tpu.wait_dma2 semaphore(%run_scoped3A_181 : memref<!tpu.dma_semaphore, #tpu.memory_space<semaphore_mem>>) src(%arg10 : memref<40x128xf32, #tpu.memory_space<vmem>>) dst(%dma_wait3A_189 : memref<40x128xf32, #tpu.memory_space<vmem_shared>>)
        tpu.yield
      }) : () -> ()
    }
    %scan3A_9 = arith.constant 16 : i32
    "tpu.region"() ({
      %run_scoped3A_171 = tpu.sem_alloc : memref<!tpu.dma_semaphore, #tpu.memory_space<semaphore_mem>>
      %dma_start3A_172 = arith.constant 0 : i32
      %dma_start3A_173 = arith.constant 0 : i32
      %dma_start3A_174 = tpu.memref_slice %arg3[%add3A, %dma_start3A_172, %dma_start3A_173] : memref<32x250x40xi32, #tpu.memory_space<hbm>> -> memref<1x250x40xi32, #tpu.memory_space<hbm>>
      %dma_start3A_175 = tpu.memref_squeeze %dma_start3A_174 : memref<1x250x40xi32, #tpu.memory_space<hbm>> -> memref<250x40xi32, #tpu.memory_space<hbm>>
      %dma_start3A_176 = arith.constant 0 : i32
      %dma_start3A_177 = arith.constant 0 : i32
      %dma_start3A_178 = tpu.memref_slice %arg3[%add3A, %dma_start3A_176, %dma_start3A_177] : memref<32x250x40xi32, #tpu.memory_space<hbm>> -> memref<1x250x40xi32, #tpu.memory_space<hbm>>
      %dma_start3A_179 = tpu.memref_squeeze %dma_start3A_178 : memref<1x250x40xi32, #tpu.memory_space<hbm>> -> memref<250x40xi32, #tpu.memory_space<hbm>>
      tpu.enqueue_dma source(%dma_start3A_179 : memref<250x40xi32, #tpu.memory_space<hbm>>) target(%arg6 : memref<250x40xi32, #tpu.memory_space<vmem>>) target_semaphore(%run_scoped3A_171 : memref<!tpu.dma_semaphore, #tpu.memory_space<semaphore_mem>>)
      %dma_wait3A_180 = arith.constant 0 : i32
      %dma_wait3A_181 = arith.constant 0 : i32
      %dma_wait3A_182 = tpu.memref_slice %arg3[%add3A, %dma_wait3A_180, %dma_wait3A_181] : memref<32x250x40xi32, #tpu.memory_space<hbm>> -> memref<1x250x40xi32, #tpu.memory_space<hbm>>
      %dma_wait3A_183 = tpu.memref_squeeze %dma_wait3A_182 : memref<1x250x40xi32, #tpu.memory_space<hbm>> -> memref<250x40xi32, #tpu.memory_space<hbm>>
      %dma_wait3A_184 = arith.constant 0 : i32
      %dma_wait3A_185 = arith.constant 0 : i32
      %dma_wait3A_186 = tpu.memref_slice %arg3[%add3A, %dma_wait3A_184, %dma_wait3A_185] : memref<32x250x40xi32, #tpu.memory_space<hbm>> -> memref<1x250x40xi32, #tpu.memory_space<hbm>>
      %dma_wait3A_187 = tpu.memref_squeeze %dma_wait3A_186 : memref<1x250x40xi32, #tpu.memory_space<hbm>> -> memref<250x40xi32, #tpu.memory_space<hbm>>
      tpu.wait_dma2 semaphore(%run_scoped3A_171 : memref<!tpu.dma_semaphore, #tpu.memory_space<semaphore_mem>>) src(%dma_wait3A_187 : memref<250x40xi32, #tpu.memory_space<hbm>>) dst(%arg6 : memref<250x40xi32, #tpu.memory_space<vmem>>)
      tpu.yield
    }) : () -> ()
    %barrier3A = arith.constant 0 : index
    tpu.barrier barrier_id(%barrier3A)
    %dma_start3A = arith.constant 249 : i32
    %dma_start3A_10 = arith.constant 0 : i32
    %dma_start3A_11 = tpu.memref_slice %arg6[%dma_start3A, %dma_start3A_10] : memref<250x40xi32, #tpu.memory_space<vmem>> -> memref<1x40xi32, #tpu.memory_space<vmem>>
    %dma_start3A_12 = tpu.memref_squeeze %dma_start3A_11 : memref<1x40xi32, #tpu.memory_space<vmem>> -> memref<40xi32, #tpu.memory_space<vmem>>
    %dma_start3A_13 = arith.constant 0 : i32
    %dma_start3A_14 = arith.constant 0 : i32
    %dma_start3A_15 = tpu.memref_slice %arg2[%dma_start3A_13, %dma_start3A_14] : memref<10000x128xf32, #tpu.memory_space<hbm>> -> memref<10000x128xf32, #tpu.memory_space<hbm>>
    tpu.enqueue_indirect_dma source(%dma_start3A_15 : memref<10000x128xf32, #tpu.memory_space<hbm>>) target(%arg10 : memref<40x128xf32, #tpu.memory_space<vmem>>) offsets(%dma_start3A_12 : memref<40xi32, #tpu.memory_space<vmem>>) semaphore(%arg14 : memref<!tpu.dma_semaphore, #tpu.memory_space<semaphore_mem>>)
    %dma_wait3A = arith.constant 249 : i32
    %dma_wait3A_16 = arith.constant 0 : i32
    %dma_wait3A_17 = tpu.memref_slice %arg6[%dma_wait3A, %dma_wait3A_16] : memref<250x40xi32, #tpu.memory_space<vmem>> -> memref<1x40xi32, #tpu.memory_space<vmem>>
    %dma_wait3A_18 = tpu.memref_squeeze %dma_wait3A_17 : memref<1x40xi32, #tpu.memory_space<vmem>> -> memref<40xi32, #tpu.memory_space<vmem>>
    %dma_wait3A_19 = arith.constant 0 : i32
    %dma_wait3A_20 = arith.constant 0 : i32
    %dma_wait3A_21 = tpu.memref_slice %arg2[%dma_wait3A_19, %dma_wait3A_20] : memref<10000x128xf32, #tpu.memory_space<hbm>> -> memref<10000x128xf32, #tpu.memory_space<hbm>>
    tpu.wait_indirect_dma semaphore(%arg14 : memref<!tpu.dma_semaphore, #tpu.memory_space<semaphore_mem>>) src(%dma_wait3A_21 : memref<10000x128xf32, #tpu.memory_space<hbm>>) dst(%arg10 : memref<40x128xf32, #tpu.memory_space<vmem>>)
    %run_scoped3A = arith.constant 249 : i32
    "tpu.region"() ({
      %run_scoped3A_171 = tpu.sem_alloc : memref<!tpu.dma_semaphore, #tpu.memory_space<semaphore_mem>>
      %dma_start3A_172 = arith.constant 0 : i32
      %dma_start3A_173 = arith.constant 0 : i32
      %dma_start3A_174 = tpu.memref_slice %arg4[%add3A, %run_scoped3A, %dma_start3A_172, %dma_start3A_173] : memref<32x250x1x40xi32, #tpu.memory_space<hbm>> -> memref<1x1x1x40xi32, #tpu.memory_space<hbm>>
      %dma_start3A_175 = tpu.memref_squeeze %dma_start3A_174 : memref<1x1x1x40xi32, #tpu.memory_space<hbm>> -> memref<1x40xi32, #tpu.memory_space<hbm>>
      %dma_start3A_176 = arith.constant 0 : i32
      %dma_start3A_177 = arith.constant 0 : i32
      %dma_start3A_178 = tpu.memref_slice %arg4[%add3A, %run_scoped3A, %dma_start3A_176, %dma_start3A_177] : memref<32x250x1x40xi32, #tpu.memory_space<hbm>> -> memref<1x1x1x40xi32, #tpu.memory_space<hbm>>
      %dma_start3A_179 = tpu.memref_squeeze %dma_start3A_178 : memref<1x1x1x40xi32, #tpu.memory_space<hbm>> -> memref<1x40xi32, #tpu.memory_space<hbm>>
      tpu.enqueue_dma source(%dma_start3A_179 : memref<1x40xi32, #tpu.memory_space<hbm>>) target(%arg7 : memref<1x40xi32, #tpu.memory_space<vmem>>) target_semaphore(%run_scoped3A_171 : memref<!tpu.dma_semaphore, #tpu.memory_space<semaphore_mem>>)
      %dma_wait3A_180 = arith.constant 0 : i32
      %dma_wait3A_181 = arith.constant 0 : i32
      %dma_wait3A_182 = tpu.memref_slice %arg4[%add3A, %run_scoped3A, %dma_wait3A_180, %dma_wait3A_181] : memref<32x250x1x40xi32, #tpu.memory_space<hbm>> -> memref<1x1x1x40xi32, #tpu.memory_space<hbm>>
      %dma_wait3A_183 = tpu.memref_squeeze %dma_wait3A_182 : memref<1x1x1x40xi32, #tpu.memory_space<hbm>> -> memref<1x40xi32, #tpu.memory_space<hbm>>
      %dma_wait3A_184 = arith.constant 0 : i32
      %dma_wait3A_185 = arith.constant 0 : i32
      %dma_wait3A_186 = tpu.memref_slice %arg4[%add3A, %run_scoped3A, %dma_wait3A_184, %dma_wait3A_185] : memref<32x250x1x40xi32, #tpu.memory_space<hbm>> -> memref<1x1x1x40xi32, #tpu.memory_space<hbm>>
      %dma_wait3A_187 = tpu.memref_squeeze %dma_wait3A_186 : memref<1x1x1x40xi32, #tpu.memory_space<hbm>> -> memref<1x40xi32, #tpu.memory_space<hbm>>
      tpu.wait_dma2 semaphore(%run_scoped3A_171 : memref<!tpu.dma_semaphore, #tpu.memory_space<semaphore_mem>>) src(%dma_wait3A_187 : memref<1x40xi32, #tpu.memory_space<hbm>>) dst(%arg7 : memref<1x40xi32, #tpu.memory_space<vmem>>)
      tpu.yield
    }) : () -> ()
    %run_scoped3A_22 = arith.constant 0 : i32
    "tpu.region"() ({
      %run_scoped3A_171 = tpu.sem_alloc : memref<!tpu.dma_semaphore, #tpu.memory_space<semaphore_mem>>
      %dma_start3A_172 = arith.constant 0 : i32
      %dma_start3A_173 = tpu.memref_slice %arg7[%run_scoped3A_22, %dma_start3A_172] : memref<1x40xi32, #tpu.memory_space<vmem>> -> memref<1x40xi32, #tpu.memory_space<vmem>>
      %dma_start3A_174 = tpu.memref_squeeze %dma_start3A_173 : memref<1x40xi32, #tpu.memory_space<vmem>> -> memref<40xi32, #tpu.memory_space<vmem>>
      %dma_start3A_175 = arith.constant 0 : i32
      %dma_start3A_176 = arith.constant 0 : i32
      %dma_start3A_177 = tpu.memref_slice %arg13[%dma_start3A_175, %dma_start3A_176] : memref<10240x128xf32, #tpu.memory_space<vmem_shared>> -> memref<10240x128xf32, #tpu.memory_space<vmem_shared>>
      tpu.enqueue_indirect_dma source(%arg10 : memref<40x128xf32, #tpu.memory_space<vmem>>) target(%dma_start3A_177 : memref<10240x128xf32, #tpu.memory_space<vmem_shared>>) offsets(%dma_start3A_174 : memref<40xi32, #tpu.memory_space<vmem>>) semaphore(%run_scoped3A_171 : memref<!tpu.dma_semaphore, #tpu.memory_space<semaphore_mem>>) {add = true}
      %dma_wait3A_178 = arith.constant 0 : i32
      %dma_wait3A_179 = tpu.memref_slice %arg7[%run_scoped3A_22, %dma_wait3A_178] : memref<1x40xi32, #tpu.memory_space<vmem>> -> memref<1x40xi32, #tpu.memory_space<vmem>>
      %dma_wait3A_180 = tpu.memref_squeeze %dma_wait3A_179 : memref<1x40xi32, #tpu.memory_space<vmem>> -> memref<40xi32, #tpu.memory_space<vmem>>
      %dma_wait3A_181 = arith.constant 0 : i32
      %dma_wait3A_182 = arith.constant 0 : i32
      %dma_wait3A_183 = tpu.memref_slice %arg13[%dma_wait3A_181, %dma_wait3A_182] : memref<10240x128xf32, #tpu.memory_space<vmem_shared>> -> memref<10240x128xf32, #tpu.memory_space<vmem_shared>>
      tpu.wait_indirect_dma semaphore(%run_scoped3A_171 : memref<!tpu.dma_semaphore, #tpu.memory_space<semaphore_mem>>) src(%arg10 : memref<40x128xf32, #tpu.memory_space<vmem>>) dst(%dma_wait3A_183 : memref<10240x128xf32, #tpu.memory_space<vmem_shared>>)
      tpu.yield
    }) : () -> ()
    %dma_start3A_23 = arith.constant 0 : i32
    %dma_start3A_24 = arith.constant 0 : i32
    %dma_start3A_25 = tpu.memref_slice %arg6[%dma_start3A_23, %dma_start3A_24] : memref<250x40xi32, #tpu.memory_space<vmem>> -> memref<1x40xi32, #tpu.memory_space<vmem>>
    %dma_start3A_26 = tpu.memref_squeeze %dma_start3A_25 : memref<1x40xi32, #tpu.memory_space<vmem>> -> memref<40xi32, #tpu.memory_space<vmem>>
    %dma_start3A_27 = arith.constant 0 : i32
    %dma_start3A_28 = arith.constant 0 : i32
    %dma_start3A_29 = tpu.memref_slice %arg2[%dma_start3A_27, %dma_start3A_28] : memref<10000x128xf32, #tpu.memory_space<hbm>> -> memref<10000x128xf32, #tpu.memory_space<hbm>>
    tpu.enqueue_indirect_dma source(%dma_start3A_29 : memref<10000x128xf32, #tpu.memory_space<hbm>>) target(%arg10 : memref<40x128xf32, #tpu.memory_space<vmem>>) offsets(%dma_start3A_26 : memref<40xi32, #tpu.memory_space<vmem>>) semaphore(%arg14 : memref<!tpu.dma_semaphore, #tpu.memory_space<semaphore_mem>>)
    %dma_start3A_30 = arith.constant 0 : i32
    %dma_start3A_31 = arith.constant 0 : i32
    %dma_start3A_32 = arith.constant 0 : i32
    %dma_start3A_33 = tpu.memref_slice %arg4[%add3A, %dma_start3A_30, %dma_start3A_31, %dma_start3A_32] : memref<32x250x1x40xi32, #tpu.memory_space<hbm>> -> memref<1x1x1x40xi32, #tpu.memory_space<hbm>>
    %dma_start3A_34 = tpu.memref_squeeze %dma_start3A_33 : memref<1x1x1x40xi32, #tpu.memory_space<hbm>> -> memref<1x40xi32, #tpu.memory_space<hbm>>
    %dma_start3A_35 = arith.constant 0 : i32
    %dma_start3A_36 = arith.constant 0 : i32
    %dma_start3A_37 = tpu.memref_slice %arg4[%add3A, %dma_start3A_30, %dma_start3A_35, %dma_start3A_36] : memref<32x250x1x40xi32, #tpu.memory_space<hbm>> -> memref<1x1x1x40xi32, #tpu.memory_space<hbm>>
    %dma_start3A_38 = tpu.memref_squeeze %dma_start3A_37 : memref<1x1x1x40xi32, #tpu.memory_space<hbm>> -> memref<1x40xi32, #tpu.memory_space<hbm>>
    tpu.enqueue_dma source(%dma_start3A_38 : memref<1x40xi32, #tpu.memory_space<hbm>>) target(%arg7 : memref<1x40xi32, #tpu.memory_space<vmem>>) target_semaphore(%arg20 : memref<!tpu.dma_semaphore, #tpu.memory_space<semaphore_mem>>)
    %dma_start3A_39 = arith.constant 1 : i32
    %dma_start3A_40 = arith.constant 0 : i32
    %dma_start3A_41 = tpu.memref_slice %arg6[%dma_start3A_39, %dma_start3A_40] : memref<250x40xi32, #tpu.memory_space<vmem>> -> memref<1x40xi32, #tpu.memory_space<vmem>>
    %dma_start3A_42 = tpu.memref_squeeze %dma_start3A_41 : memref<1x40xi32, #tpu.memory_space<vmem>> -> memref<40xi32, #tpu.memory_space<vmem>>
    %dma_start3A_43 = arith.constant 0 : i32
    %dma_start3A_44 = arith.constant 0 : i32
    %dma_start3A_45 = tpu.memref_slice %arg2[%dma_start3A_43, %dma_start3A_44] : memref<10000x128xf32, #tpu.memory_space<hbm>> -> memref<10000x128xf32, #tpu.memory_space<hbm>>
    tpu.enqueue_indirect_dma source(%dma_start3A_45 : memref<10000x128xf32, #tpu.memory_space<hbm>>) target(%arg11 : memref<40x128xf32, #tpu.memory_space<vmem>>) offsets(%dma_start3A_42 : memref<40xi32, #tpu.memory_space<vmem>>) semaphore(%arg15 : memref<!tpu.dma_semaphore, #tpu.memory_space<semaphore_mem>>)
    %dma_start3A_46 = arith.constant 1 : i32
    %dma_start3A_47 = arith.constant 0 : i32
    %dma_start3A_48 = arith.constant 0 : i32
    %dma_start3A_49 = tpu.memref_slice %arg4[%add3A, %dma_start3A_46, %dma_start3A_47, %dma_start3A_48] : memref<32x250x1x40xi32, #tpu.memory_space<hbm>> -> memref<1x1x1x40xi32, #tpu.memory_space<hbm>>
    %dma_start3A_50 = tpu.memref_squeeze %dma_start3A_49 : memref<1x1x1x40xi32, #tpu.memory_space<hbm>> -> memref<1x40xi32, #tpu.memory_space<hbm>>
    %dma_start3A_51 = arith.constant 0 : i32
    %dma_start3A_52 = arith.constant 0 : i32
    %dma_start3A_53 = tpu.memref_slice %arg4[%add3A, %dma_start3A_46, %dma_start3A_51, %dma_start3A_52] : memref<32x250x1x40xi32, #tpu.memory_space<hbm>> -> memref<1x1x1x40xi32, #tpu.memory_space<hbm>>
    %dma_start3A_54 = tpu.memref_squeeze %dma_start3A_53 : memref<1x1x1x40xi32, #tpu.memory_space<hbm>> -> memref<1x40xi32, #tpu.memory_space<hbm>>
    tpu.enqueue_dma source(%dma_start3A_54 : memref<1x40xi32, #tpu.memory_space<hbm>>) target(%arg8 : memref<1x40xi32, #tpu.memory_space<vmem>>) target_semaphore(%arg21 : memref<!tpu.dma_semaphore, #tpu.memory_space<semaphore_mem>>)
    %dma_start3A_55 = arith.constant 2 : i32
    %dma_start3A_56 = arith.constant 0 : i32
    %dma_start3A_57 = tpu.memref_slice %arg6[%dma_start3A_55, %dma_start3A_56] : memref<250x40xi32, #tpu.memory_space<vmem>> -> memref<1x40xi32, #tpu.memory_space<vmem>>
    %dma_start3A_58 = tpu.memref_squeeze %dma_start3A_57 : memref<1x40xi32, #tpu.memory_space<vmem>> -> memref<40xi32, #tpu.memory_space<vmem>>
    %dma_start3A_59 = arith.constant 0 : i32
    %dma_start3A_60 = arith.constant 0 : i32
    %dma_start3A_61 = tpu.memref_slice %arg2[%dma_start3A_59, %dma_start3A_60] : memref<10000x128xf32, #tpu.memory_space<hbm>> -> memref<10000x128xf32, #tpu.memory_space<hbm>>
    tpu.enqueue_indirect_dma source(%dma_start3A_61 : memref<10000x128xf32, #tpu.memory_space<hbm>>) target(%arg12 : memref<40x128xf32, #tpu.memory_space<vmem>>) offsets(%dma_start3A_58 : memref<40xi32, #tpu.memory_space<vmem>>) semaphore(%arg16 : memref<!tpu.dma_semaphore, #tpu.memory_space<semaphore_mem>>)
    %dma_start3A_62 = arith.constant 2 : i32
    %dma_start3A_63 = arith.constant 0 : i32
    %dma_start3A_64 = arith.constant 0 : i32
    %dma_start3A_65 = tpu.memref_slice %arg4[%add3A, %dma_start3A_62, %dma_start3A_63, %dma_start3A_64] : memref<32x250x1x40xi32, #tpu.memory_space<hbm>> -> memref<1x1x1x40xi32, #tpu.memory_space<hbm>>
    %dma_start3A_66 = tpu.memref_squeeze %dma_start3A_65 : memref<1x1x1x40xi32, #tpu.memory_space<hbm>> -> memref<1x40xi32, #tpu.memory_space<hbm>>
    %dma_start3A_67 = arith.constant 0 : i32
    %dma_start3A_68 = arith.constant 0 : i32
    %dma_start3A_69 = tpu.memref_slice %arg4[%add3A, %dma_start3A_62, %dma_start3A_67, %dma_start3A_68] : memref<32x250x1x40xi32, #tpu.memory_space<hbm>> -> memref<1x1x1x40xi32, #tpu.memory_space<hbm>>
    %dma_start3A_70 = tpu.memref_squeeze %dma_start3A_69 : memref<1x1x1x40xi32, #tpu.memory_space<hbm>> -> memref<1x40xi32, #tpu.memory_space<hbm>>
    tpu.enqueue_dma source(%dma_start3A_70 : memref<1x40xi32, #tpu.memory_space<hbm>>) target(%arg9 : memref<1x40xi32, #tpu.memory_space<vmem>>) target_semaphore(%arg22 : memref<!tpu.dma_semaphore, #tpu.memory_space<semaphore_mem>>)
    %scan3A_71 = arith.constant 0 : i32
    %scan3A_72 = arith.constant 82 : i32
    %scan3A_73 = arith.addi %scan3A_71, %scan3A_72 : i32
    %scan3A_74 = arith.constant 1 : i32
    scf.for %scan3A_171 = %scan3A_71 to %scan3A_73 step %scan3A_74  : i32 {
      %mul3A_172 = arith.constant 1 : i32
      %mul3A_173 = arith.muli %scan3A_171, %mul3A_172 : i32
      %add3A_174 = arith.constant 0 : i32
      %add3A_175 = arith.addi %add3A_174, %mul3A_173 : i32
      %mul3A_176 = arith.constant 3 : i32
      %mul3A_177 = arith.muli %mul3A_176, %add3A_175 : i32
      %add3A_178 = arith.constant 0 : i32
      %add3A_179 = arith.addi %mul3A_177, %add3A_178 : i32
      %dma_wait3A_180 = arith.constant 0 : i32
      %dma_wait3A_181 = tpu.memref_slice %arg6[%add3A_179, %dma_wait3A_180] : memref<250x40xi32, #tpu.memory_space<vmem>> -> memref<1x40xi32, #tpu.memory_space<vmem>>
      %dma_wait3A_182 = tpu.memref_squeeze %dma_wait3A_181 : memref<1x40xi32, #tpu.memory_space<vmem>> -> memref<40xi32, #tpu.memory_space<vmem>>
      %dma_wait3A_183 = arith.constant 0 : i32
      %dma_wait3A_184 = arith.constant 0 : i32
      %dma_wait3A_185 = tpu.memref_slice %arg2[%dma_wait3A_183, %dma_wait3A_184] : memref<10000x128xf32, #tpu.memory_space<hbm>> -> memref<10000x128xf32, #tpu.memory_space<hbm>>
      tpu.wait_indirect_dma semaphore(%arg14 : memref<!tpu.dma_semaphore, #tpu.memory_space<semaphore_mem>>) src(%dma_wait3A_185 : memref<10000x128xf32, #tpu.memory_space<hbm>>) dst(%arg10 : memref<40x128xf32, #tpu.memory_space<vmem>>)
      %add3A_186 = arith.constant 0 : i32
      %add3A_187 = arith.addi %mul3A_177, %add3A_186 : i32
      %dma_wait3A_188 = arith.constant 0 : i32
      %dma_wait3A_189 = arith.constant 0 : i32
      %dma_wait3A_190 = tpu.memref_slice %arg4[%add3A, %add3A_187, %dma_wait3A_188, %dma_wait3A_189] : memref<32x250x1x40xi32, #tpu.memory_space<hbm>> -> memref<1x1x1x40xi32, #tpu.memory_space<hbm>>
      %dma_wait3A_191 = tpu.memref_squeeze %dma_wait3A_190 : memref<1x1x1x40xi32, #tpu.memory_space<hbm>> -> memref<1x40xi32, #tpu.memory_space<hbm>>
      %dma_wait3A_192 = arith.constant 0 : i32
      %dma_wait3A_193 = arith.constant 0 : i32
      %dma_wait3A_194 = tpu.memref_slice %arg4[%add3A, %add3A_187, %dma_wait3A_192, %dma_wait3A_193] : memref<32x250x1x40xi32, #tpu.memory_space<hbm>> -> memref<1x1x1x40xi32, #tpu.memory_space<hbm>>
      %dma_wait3A_195 = tpu.memref_squeeze %dma_wait3A_194 : memref<1x1x1x40xi32, #tpu.memory_space<hbm>> -> memref<1x40xi32, #tpu.memory_space<hbm>>
      tpu.wait_dma2 semaphore(%arg20 : memref<!tpu.dma_semaphore, #tpu.memory_space<semaphore_mem>>) src(%dma_wait3A_195 : memref<1x40xi32, #tpu.memory_space<hbm>>) dst(%arg7 : memref<1x40xi32, #tpu.memory_space<vmem>>)
      %dma_start3A_196 = arith.constant 0 : i32
      %dma_start3A_197 = arith.constant 0 : i32
      %dma_start3A_198 = tpu.memref_slice %arg7[%dma_start3A_196, %dma_start3A_197] : memref<1x40xi32, #tpu.memory_space<vmem>> -> memref<1x40xi32, #tpu.memory_space<vmem>>
      %dma_start3A_199 = tpu.memref_squeeze %dma_start3A_198 : memref<1x40xi32, #tpu.memory_space<vmem>> -> memref<40xi32, #tpu.memory_space<vmem>>
      %dma_start3A_200 = arith.constant 0 : i32
      %dma_start3A_201 = arith.constant 0 : i32
      %dma_start3A_202 = tpu.memref_slice %arg13[%dma_start3A_200, %dma_start3A_201] : memref<10240x128xf32, #tpu.memory_space<vmem_shared>> -> memref<10240x128xf32, #tpu.memory_space<vmem_shared>>
      tpu.enqueue_indirect_dma source(%arg10 : memref<40x128xf32, #tpu.memory_space<vmem>>) target(%dma_start3A_202 : memref<10240x128xf32, #tpu.memory_space<vmem_shared>>) offsets(%dma_start3A_199 : memref<40xi32, #tpu.memory_space<vmem>>) semaphore(%arg17 : memref<!tpu.dma_semaphore, #tpu.memory_space<semaphore_mem>>) {add = true}
      %add3A_203 = arith.constant 1 : i32
      %add3A_204 = arith.addi %mul3A_177, %add3A_203 : i32
      %dma_wait3A_205 = arith.constant 0 : i32
      %dma_wait3A_206 = tpu.memref_slice %arg6[%add3A_204, %dma_wait3A_205] : memref<250x40xi32, #tpu.memory_space<vmem>> -> memref<1x40xi32, #tpu.memory_space<vmem>>
      %dma_wait3A_207 = tpu.memref_squeeze %dma_wait3A_206 : memref<1x40xi32, #tpu.memory_space<vmem>> -> memref<40xi32, #tpu.memory_space<vmem>>
      %dma_wait3A_208 = arith.constant 0 : i32
      %dma_wait3A_209 = arith.constant 0 : i32
      %dma_wait3A_210 = tpu.memref_slice %arg2[%dma_wait3A_208, %dma_wait3A_209] : memref<10000x128xf32, #tpu.memory_space<hbm>> -> memref<10000x128xf32, #tpu.memory_space<hbm>>
      tpu.wait_indirect_dma semaphore(%arg15 : memref<!tpu.dma_semaphore, #tpu.memory_space<semaphore_mem>>) src(%dma_wait3A_210 : memref<10000x128xf32, #tpu.memory_space<hbm>>) dst(%arg11 : memref<40x128xf32, #tpu.memory_space<vmem>>)
      %add3A_211 = arith.constant 1 : i32
      %add3A_212 = arith.addi %mul3A_177, %add3A_211 : i32
      %dma_wait3A_213 = arith.constant 0 : i32
      %dma_wait3A_214 = arith.constant 0 : i32
      %dma_wait3A_215 = tpu.memref_slice %arg4[%add3A, %add3A_212, %dma_wait3A_213, %dma_wait3A_214] : memref<32x250x1x40xi32, #tpu.memory_space<hbm>> -> memref<1x1x1x40xi32, #tpu.memory_space<hbm>>
      %dma_wait3A_216 = tpu.memref_squeeze %dma_wait3A_215 : memref<1x1x1x40xi32, #tpu.memory_space<hbm>> -> memref<1x40xi32, #tpu.memory_space<hbm>>
      %dma_wait3A_217 = arith.constant 0 : i32
      %dma_wait3A_218 = arith.constant 0 : i32
      %dma_wait3A_219 = tpu.memref_slice %arg4[%add3A, %add3A_212, %dma_wait3A_217, %dma_wait3A_218] : memref<32x250x1x40xi32, #tpu.memory_space<hbm>> -> memref<1x1x1x40xi32, #tpu.memory_space<hbm>>
      %dma_wait3A_220 = tpu.memref_squeeze %dma_wait3A_219 : memref<1x1x1x40xi32, #tpu.memory_space<hbm>> -> memref<1x40xi32, #tpu.memory_space<hbm>>
      tpu.wait_dma2 semaphore(%arg21 : memref<!tpu.dma_semaphore, #tpu.memory_space<semaphore_mem>>) src(%dma_wait3A_220 : memref<1x40xi32, #tpu.memory_space<hbm>>) dst(%arg8 : memref<1x40xi32, #tpu.memory_space<vmem>>)
      %dma_start3A_221 = arith.constant 0 : i32
      %dma_start3A_222 = arith.constant 0 : i32
      %dma_start3A_223 = tpu.memref_slice %arg8[%dma_start3A_221, %dma_start3A_222] : memref<1x40xi32, #tpu.memory_space<vmem>> -> memref<1x40xi32, #tpu.memory_space<vmem>>
      %dma_start3A_224 = tpu.memref_squeeze %dma_start3A_223 : memref<1x40xi32, #tpu.memory_space<vmem>> -> memref<40xi32, #tpu.memory_space<vmem>>
      %dma_start3A_225 = arith.constant 0 : i32
      %dma_start3A_226 = arith.constant 0 : i32
      %dma_start3A_227 = tpu.memref_slice %arg13[%dma_start3A_225, %dma_start3A_226] : memref<10240x128xf32, #tpu.memory_space<vmem_shared>> -> memref<10240x128xf32, #tpu.memory_space<vmem_shared>>
      tpu.enqueue_indirect_dma source(%arg11 : memref<40x128xf32, #tpu.memory_space<vmem>>) target(%dma_start3A_227 : memref<10240x128xf32, #tpu.memory_space<vmem_shared>>) offsets(%dma_start3A_224 : memref<40xi32, #tpu.memory_space<vmem>>) semaphore(%arg18 : memref<!tpu.dma_semaphore, #tpu.memory_space<semaphore_mem>>) {add = true}
      %add3A_228 = arith.constant 2 : i32
      %add3A_229 = arith.addi %mul3A_177, %add3A_228 : i32
      %dma_wait3A_230 = arith.constant 0 : i32
      %dma_wait3A_231 = tpu.memref_slice %arg6[%add3A_229, %dma_wait3A_230] : memref<250x40xi32, #tpu.memory_space<vmem>> -> memref<1x40xi32, #tpu.memory_space<vmem>>
      %dma_wait3A_232 = tpu.memref_squeeze %dma_wait3A_231 : memref<1x40xi32, #tpu.memory_space<vmem>> -> memref<40xi32, #tpu.memory_space<vmem>>
      %dma_wait3A_233 = arith.constant 0 : i32
      %dma_wait3A_234 = arith.constant 0 : i32
      %dma_wait3A_235 = tpu.memref_slice %arg2[%dma_wait3A_233, %dma_wait3A_234] : memref<10000x128xf32, #tpu.memory_space<hbm>> -> memref<10000x128xf32, #tpu.memory_space<hbm>>
      tpu.wait_indirect_dma semaphore(%arg16 : memref<!tpu.dma_semaphore, #tpu.memory_space<semaphore_mem>>) src(%dma_wait3A_235 : memref<10000x128xf32, #tpu.memory_space<hbm>>) dst(%arg12 : memref<40x128xf32, #tpu.memory_space<vmem>>)
      %add3A_236 = arith.constant 2 : i32
      %add3A_237 = arith.addi %mul3A_177, %add3A_236 : i32
      %dma_wait3A_238 = arith.constant 0 : i32
      %dma_wait3A_239 = arith.constant 0 : i32
      %dma_wait3A_240 = tpu.memref_slice %arg4[%add3A, %add3A_237, %dma_wait3A_238, %dma_wait3A_239] : memref<32x250x1x40xi32, #tpu.memory_space<hbm>> -> memref<1x1x1x40xi32, #tpu.memory_space<hbm>>
      %dma_wait3A_241 = tpu.memref_squeeze %dma_wait3A_240 : memref<1x1x1x40xi32, #tpu.memory_space<hbm>> -> memref<1x40xi32, #tpu.memory_space<hbm>>
      %dma_wait3A_242 = arith.constant 0 : i32
      %dma_wait3A_243 = arith.constant 0 : i32
      %dma_wait3A_244 = tpu.memref_slice %arg4[%add3A, %add3A_237, %dma_wait3A_242, %dma_wait3A_243] : memref<32x250x1x40xi32, #tpu.memory_space<hbm>> -> memref<1x1x1x40xi32, #tpu.memory_space<hbm>>
      %dma_wait3A_245 = tpu.memref_squeeze %dma_wait3A_244 : memref<1x1x1x40xi32, #tpu.memory_space<hbm>> -> memref<1x40xi32, #tpu.memory_space<hbm>>
      tpu.wait_dma2 semaphore(%arg22 : memref<!tpu.dma_semaphore, #tpu.memory_space<semaphore_mem>>) src(%dma_wait3A_245 : memref<1x40xi32, #tpu.memory_space<hbm>>) dst(%arg9 : memref<1x40xi32, #tpu.memory_space<vmem>>)
      %dma_start3A_246 = arith.constant 0 : i32
      %dma_start3A_247 = arith.constant 0 : i32
      %dma_start3A_248 = tpu.memref_slice %arg9[%dma_start3A_246, %dma_start3A_247] : memref<1x40xi32, #tpu.memory_space<vmem>> -> memref<1x40xi32, #tpu.memory_space<vmem>>
      %dma_start3A_249 = tpu.memref_squeeze %dma_start3A_248 : memref<1x40xi32, #tpu.memory_space<vmem>> -> memref<40xi32, #tpu.memory_space<vmem>>
      %dma_start3A_250 = arith.constant 0 : i32
      %dma_start3A_251 = arith.constant 0 : i32
      %dma_start3A_252 = tpu.memref_slice %arg13[%dma_start3A_250, %dma_start3A_251] : memref<10240x128xf32, #tpu.memory_space<vmem_shared>> -> memref<10240x128xf32, #tpu.memory_space<vmem_shared>>
      tpu.enqueue_indirect_dma source(%arg12 : memref<40x128xf32, #tpu.memory_space<vmem>>) target(%dma_start3A_252 : memref<10240x128xf32, #tpu.memory_space<vmem_shared>>) offsets(%dma_start3A_249 : memref<40xi32, #tpu.memory_space<vmem>>) semaphore(%arg19 : memref<!tpu.dma_semaphore, #tpu.memory_space<semaphore_mem>>) {add = true}
      %add3A_253 = arith.constant 0 : i32
      %add3A_254 = arith.addi %mul3A_177, %add3A_253 : i32
      %dma_wait3A_255 = arith.constant 0 : i32
      %dma_wait3A_256 = tpu.memref_slice %arg6[%add3A_254, %dma_wait3A_255] : memref<250x40xi32, #tpu.memory_space<vmem>> -> memref<1x40xi32, #tpu.memory_space<vmem>>
      %dma_wait3A_257 = tpu.memref_squeeze %dma_wait3A_256 : memref<1x40xi32, #tpu.memory_space<vmem>> -> memref<40xi32, #tpu.memory_space<vmem>>
      %dma_wait3A_258 = arith.constant 0 : i32
      %dma_wait3A_259 = arith.constant 0 : i32
      %dma_wait3A_260 = tpu.memref_slice %arg2[%dma_wait3A_258, %dma_wait3A_259] : memref<10000x128xf32, #tpu.memory_space<hbm>> -> memref<10000x128xf32, #tpu.memory_space<hbm>>
      tpu.wait_indirect_dma semaphore(%arg17 : memref<!tpu.dma_semaphore, #tpu.memory_space<semaphore_mem>>) src(%dma_wait3A_260 : memref<10000x128xf32, #tpu.memory_space<hbm>>) dst(%arg10 : memref<40x128xf32, #tpu.memory_space<vmem>>)
      %add3A_261 = arith.constant 3 : i32
      %add3A_262 = arith.addi %mul3A_177, %add3A_261 : i32
      %add3A_263 = arith.constant 0 : i32
      %add3A_264 = arith.addi %add3A_262, %add3A_263 : i32
      %dma_start3A_265 = arith.constant 0 : i32
      %dma_start3A_266 = tpu.memref_slice %arg6[%add3A_264, %dma_start3A_265] : memref<250x40xi32, #tpu.memory_space<vmem>> -> memref<1x40xi32, #tpu.memory_space<vmem>>
      %dma_start3A_267 = tpu.memref_squeeze %dma_start3A_266 : memref<1x40xi32, #tpu.memory_space<vmem>> -> memref<40xi32, #tpu.memory_space<vmem>>
      %dma_start3A_268 = arith.constant 0 : i32
      %dma_start3A_269 = arith.constant 0 : i32
      %dma_start3A_270 = tpu.memref_slice %arg2[%dma_start3A_268, %dma_start3A_269] : memref<10000x128xf32, #tpu.memory_space<hbm>> -> memref<10000x128xf32, #tpu.memory_space<hbm>>
      tpu.enqueue_indirect_dma source(%dma_start3A_270 : memref<10000x128xf32, #tpu.memory_space<hbm>>) target(%arg10 : memref<40x128xf32, #tpu.memory_space<vmem>>) offsets(%dma_start3A_267 : memref<40xi32, #tpu.memory_space<vmem>>) semaphore(%arg14 : memref<!tpu.dma_semaphore, #tpu.memory_space<semaphore_mem>>)
      %add3A_271 = arith.constant 3 : i32
      %add3A_272 = arith.addi %mul3A_177, %add3A_271 : i32
      %add3A_273 = arith.constant 0 : i32
      %add3A_274 = arith.addi %add3A_272, %add3A_273 : i32
      %dma_start3A_275 = arith.constant 0 : i32
      %dma_start3A_276 = arith.constant 0 : i32
      %dma_start3A_277 = tpu.memref_slice %arg4[%add3A, %add3A_274, %dma_start3A_275, %dma_start3A_276] : memref<32x250x1x40xi32, #tpu.memory_space<hbm>> -> memref<1x1x1x40xi32, #tpu.memory_space<hbm>>
      %dma_start3A_278 = tpu.memref_squeeze %dma_start3A_277 : memref<1x1x1x40xi32, #tpu.memory_space<hbm>> -> memref<1x40xi32, #tpu.memory_space<hbm>>
      %dma_start3A_279 = arith.constant 0 : i32
      %dma_start3A_280 = arith.constant 0 : i32
      %dma_start3A_281 = tpu.memref_slice %arg4[%add3A, %add3A_274, %dma_start3A_279, %dma_start3A_280] : memref<32x250x1x40xi32, #tpu.memory_space<hbm>> -> memref<1x1x1x40xi32, #tpu.memory_space<hbm>>
      %dma_start3A_282 = tpu.memref_squeeze %dma_start3A_281 : memref<1x1x1x40xi32, #tpu.memory_space<hbm>> -> memref<1x40xi32, #tpu.memory_space<hbm>>
      tpu.enqueue_dma source(%dma_start3A_282 : memref<1x40xi32, #tpu.memory_space<hbm>>) target(%arg7 : memref<1x40xi32, #tpu.memory_space<vmem>>) target_semaphore(%arg20 : memref<!tpu.dma_semaphore, #tpu.memory_space<semaphore_mem>>)
      %add3A_283 = arith.constant 1 : i32
      %add3A_284 = arith.addi %mul3A_177, %add3A_283 : i32
      %dma_wait3A_285 = arith.constant 0 : i32
      %dma_wait3A_286 = tpu.memref_slice %arg6[%add3A_284, %dma_wait3A_285] : memref<250x40xi32, #tpu.memory_space<vmem>> -> memref<1x40xi32, #tpu.memory_space<vmem>>
      %dma_wait3A_287 = tpu.memref_squeeze %dma_wait3A_286 : memref<1x40xi32, #tpu.memory_space<vmem>> -> memref<40xi32, #tpu.memory_space<vmem>>
      %dma_wait3A_288 = arith.constant 0 : i32
      %dma_wait3A_289 = arith.constant 0 : i32
      %dma_wait3A_290 = tpu.memref_slice %arg2[%dma_wait3A_288, %dma_wait3A_289] : memref<10000x128xf32, #tpu.memory_space<hbm>> -> memref<10000x128xf32, #tpu.memory_space<hbm>>
      tpu.wait_indirect_dma semaphore(%arg18 : memref<!tpu.dma_semaphore, #tpu.memory_space<semaphore_mem>>) src(%dma_wait3A_290 : memref<10000x128xf32, #tpu.memory_space<hbm>>) dst(%arg11 : memref<40x128xf32, #tpu.memory_space<vmem>>)
      %add3A_291 = arith.constant 3 : i32
      %add3A_292 = arith.addi %mul3A_177, %add3A_291 : i32
      %add3A_293 = arith.constant 1 : i32
      %add3A_294 = arith.addi %add3A_292, %add3A_293 : i32
      %dma_start3A_295 = arith.constant 0 : i32
      %dma_start3A_296 = tpu.memref_slice %arg6[%add3A_294, %dma_start3A_295] : memref<250x40xi32, #tpu.memory_space<vmem>> -> memref<1x40xi32, #tpu.memory_space<vmem>>
      %dma_start3A_297 = tpu.memref_squeeze %dma_start3A_296 : memref<1x40xi32, #tpu.memory_space<vmem>> -> memref<40xi32, #tpu.memory_space<vmem>>
      %dma_start3A_298 = arith.constant 0 : i32
      %dma_start3A_299 = arith.constant 0 : i32
      %dma_start3A_300 = tpu.memref_slice %arg2[%dma_start3A_298, %dma_start3A_299] : memref<10000x128xf32, #tpu.memory_space<hbm>> -> memref<10000x128xf32, #tpu.memory_space<hbm>>
      tpu.enqueue_indirect_dma source(%dma_start3A_300 : memref<10000x128xf32, #tpu.memory_space<hbm>>) target(%arg11 : memref<40x128xf32, #tpu.memory_space<vmem>>) offsets(%dma_start3A_297 : memref<40xi32, #tpu.memory_space<vmem>>) semaphore(%arg15 : memref<!tpu.dma_semaphore, #tpu.memory_space<semaphore_mem>>)
      %add3A_301 = arith.constant 3 : i32
      %add3A_302 = arith.addi %mul3A_177, %add3A_301 : i32
      %add3A_303 = arith.constant 1 : i32
      %add3A_304 = arith.addi %add3A_302, %add3A_303 : i32
      %dma_start3A_305 = arith.constant 0 : i32
      %dma_start3A_306 = arith.constant 0 : i32
      %dma_start3A_307 = tpu.memref_slice %arg4[%add3A, %add3A_304, %dma_start3A_305, %dma_start3A_306] : memref<32x250x1x40xi32, #tpu.memory_space<hbm>> -> memref<1x1x1x40xi32, #tpu.memory_space<hbm>>
      %dma_start3A_308 = tpu.memref_squeeze %dma_start3A_307 : memref<1x1x1x40xi32, #tpu.memory_space<hbm>> -> memref<1x40xi32, #tpu.memory_space<hbm>>
      %dma_start3A_309 = arith.constant 0 : i32
      %dma_start3A_310 = arith.constant 0 : i32
      %dma_start3A_311 = tpu.memref_slice %arg4[%add3A, %add3A_304, %dma_start3A_309, %dma_start3A_310] : memref<32x250x1x40xi32, #tpu.memory_space<hbm>> -> memref<1x1x1x40xi32, #tpu.memory_space<hbm>>
      %dma_start3A_312 = tpu.memref_squeeze %dma_start3A_311 : memref<1x1x1x40xi32, #tpu.memory_space<hbm>> -> memref<1x40xi32, #tpu.memory_space<hbm>>
      tpu.enqueue_dma source(%dma_start3A_312 : memref<1x40xi32, #tpu.memory_space<hbm>>) target(%arg8 : memref<1x40xi32, #tpu.memory_space<vmem>>) target_semaphore(%arg21 : memref<!tpu.dma_semaphore, #tpu.memory_space<semaphore_mem>>)
      %add3A_313 = arith.constant 2 : i32
      %add3A_314 = arith.addi %mul3A_177, %add3A_313 : i32
      %dma_wait3A_315 = arith.constant 0 : i32
      %dma_wait3A_316 = tpu.memref_slice %arg6[%add3A_314, %dma_wait3A_315] : memref<250x40xi32, #tpu.memory_space<vmem>> -> memref<1x40xi32, #tpu.memory_space<vmem>>
      %dma_wait3A_317 = tpu.memref_squeeze %dma_wait3A_316 : memref<1x40xi32, #tpu.memory_space<vmem>> -> memref<40xi32, #tpu.memory_space<vmem>>
      %dma_wait3A_318 = arith.constant 0 : i32
      %dma_wait3A_319 = arith.constant 0 : i32
      %dma_wait3A_320 = tpu.memref_slice %arg2[%dma_wait3A_318, %dma_wait3A_319] : memref<10000x128xf32, #tpu.memory_space<hbm>> -> memref<10000x128xf32, #tpu.memory_space<hbm>>
      tpu.wait_indirect_dma semaphore(%arg19 : memref<!tpu.dma_semaphore, #tpu.memory_space<semaphore_mem>>) src(%dma_wait3A_320 : memref<10000x128xf32, #tpu.memory_space<hbm>>) dst(%arg12 : memref<40x128xf32, #tpu.memory_space<vmem>>)
      %add3A_321 = arith.constant 3 : i32
      %add3A_322 = arith.addi %mul3A_177, %add3A_321 : i32
      %add3A_323 = arith.constant 2 : i32
      %add3A_324 = arith.addi %add3A_322, %add3A_323 : i32
      %dma_start3A_325 = arith.constant 0 : i32
      %dma_start3A_326 = tpu.memref_slice %arg6[%add3A_324, %dma_start3A_325] : memref<250x40xi32, #tpu.memory_space<vmem>> -> memref<1x40xi32, #tpu.memory_space<vmem>>
      %dma_start3A_327 = tpu.memref_squeeze %dma_start3A_326 : memref<1x40xi32, #tpu.memory_space<vmem>> -> memref<40xi32, #tpu.memory_space<vmem>>
      %dma_start3A_328 = arith.constant 0 : i32
      %dma_start3A_329 = arith.constant 0 : i32
      %dma_start3A_330 = tpu.memref_slice %arg2[%dma_start3A_328, %dma_start3A_329] : memref<10000x128xf32, #tpu.memory_space<hbm>> -> memref<10000x128xf32, #tpu.memory_space<hbm>>
      tpu.enqueue_indirect_dma source(%dma_start3A_330 : memref<10000x128xf32, #tpu.memory_space<hbm>>) target(%arg12 : memref<40x128xf32, #tpu.memory_space<vmem>>) offsets(%dma_start3A_327 : memref<40xi32, #tpu.memory_space<vmem>>) semaphore(%arg16 : memref<!tpu.dma_semaphore, #tpu.memory_space<semaphore_mem>>)
      %add3A_331 = arith.constant 3 : i32
      %add3A_332 = arith.addi %mul3A_177, %add3A_331 : i32
      %add3A_333 = arith.constant 2 : i32
      %add3A_334 = arith.addi %add3A_332, %add3A_333 : i32
      %dma_start3A_335 = arith.constant 0 : i32
      %dma_start3A_336 = arith.constant 0 : i32
      %dma_start3A_337 = tpu.memref_slice %arg4[%add3A, %add3A_334, %dma_start3A_335, %dma_start3A_336] : memref<32x250x1x40xi32, #tpu.memory_space<hbm>> -> memref<1x1x1x40xi32, #tpu.memory_space<hbm>>
      %dma_start3A_338 = tpu.memref_squeeze %dma_start3A_337 : memref<1x1x1x40xi32, #tpu.memory_space<hbm>> -> memref<1x40xi32, #tpu.memory_space<hbm>>
      %dma_start3A_339 = arith.constant 0 : i32
      %dma_start3A_340 = arith.constant 0 : i32
      %dma_start3A_341 = tpu.memref_slice %arg4[%add3A, %add3A_334, %dma_start3A_339, %dma_start3A_340] : memref<32x250x1x40xi32, #tpu.memory_space<hbm>> -> memref<1x1x1x40xi32, #tpu.memory_space<hbm>>
      %dma_start3A_342 = tpu.memref_squeeze %dma_start3A_341 : memref<1x1x1x40xi32, #tpu.memory_space<hbm>> -> memref<1x40xi32, #tpu.memory_space<hbm>>
      tpu.enqueue_dma source(%dma_start3A_342 : memref<1x40xi32, #tpu.memory_space<hbm>>) target(%arg9 : memref<1x40xi32, #tpu.memory_space<vmem>>) target_semaphore(%arg22 : memref<!tpu.dma_semaphore, #tpu.memory_space<semaphore_mem>>)
    }
    %scan3A_75 = arith.constant 82 : i32
    %dma_wait3A_76 = arith.constant 246 : i32
    %dma_wait3A_77 = arith.constant 0 : i32
    %dma_wait3A_78 = tpu.memref_slice %arg6[%dma_wait3A_76, %dma_wait3A_77] : memref<250x40xi32, #tpu.memory_space<vmem>> -> memref<1x40xi32, #tpu.memory_space<vmem>>
    %dma_wait3A_79 = tpu.memref_squeeze %dma_wait3A_78 : memref<1x40xi32, #tpu.memory_space<vmem>> -> memref<40xi32, #tpu.memory_space<vmem>>
    %dma_wait3A_80 = arith.constant 0 : i32
    %dma_wait3A_81 = arith.constant 0 : i32
    %dma_wait3A_82 = tpu.memref_slice %arg2[%dma_wait3A_80, %dma_wait3A_81] : memref<10000x128xf32, #tpu.memory_space<hbm>> -> memref<10000x128xf32, #tpu.memory_space<hbm>>
    tpu.wait_indirect_dma semaphore(%arg14 : memref<!tpu.dma_semaphore, #tpu.memory_space<semaphore_mem>>) src(%dma_wait3A_82 : memref<10000x128xf32, #tpu.memory_space<hbm>>) dst(%arg10 : memref<40x128xf32, #tpu.memory_space<vmem>>)
    %dma_wait3A_83 = arith.constant 246 : i32
    %dma_wait3A_84 = arith.constant 0 : i32
    %dma_wait3A_85 = arith.constant 0 : i32
    %dma_wait3A_86 = tpu.memref_slice %arg4[%add3A, %dma_wait3A_83, %dma_wait3A_84, %dma_wait3A_85] : memref<32x250x1x40xi32, #tpu.memory_space<hbm>> -> memref<1x1x1x40xi32, #tpu.memory_space<hbm>>
    %dma_wait3A_87 = tpu.memref_squeeze %dma_wait3A_86 : memref<1x1x1x40xi32, #tpu.memory_space<hbm>> -> memref<1x40xi32, #tpu.memory_space<hbm>>
    %dma_wait3A_88 = arith.constant 0 : i32
    %dma_wait3A_89 = arith.constant 0 : i32
    %dma_wait3A_90 = tpu.memref_slice %arg4[%add3A, %dma_wait3A_83, %dma_wait3A_88, %dma_wait3A_89] : memref<32x250x1x40xi32, #tpu.memory_space<hbm>> -> memref<1x1x1x40xi32, #tpu.memory_space<hbm>>
    %dma_wait3A_91 = tpu.memref_squeeze %dma_wait3A_90 : memref<1x1x1x40xi32, #tpu.memory_space<hbm>> -> memref<1x40xi32, #tpu.memory_space<hbm>>
    tpu.wait_dma2 semaphore(%arg20 : memref<!tpu.dma_semaphore, #tpu.memory_space<semaphore_mem>>) src(%dma_wait3A_91 : memref<1x40xi32, #tpu.memory_space<hbm>>) dst(%arg7 : memref<1x40xi32, #tpu.memory_space<vmem>>)
    %dma_start3A_92 = arith.constant 0 : i32
    %dma_start3A_93 = arith.constant 0 : i32
    %dma_start3A_94 = tpu.memref_slice %arg7[%dma_start3A_92, %dma_start3A_93] : memref<1x40xi32, #tpu.memory_space<vmem>> -> memref<1x40xi32, #tpu.memory_space<vmem>>
    %dma_start3A_95 = tpu.memref_squeeze %dma_start3A_94 : memref<1x40xi32, #tpu.memory_space<vmem>> -> memref<40xi32, #tpu.memory_space<vmem>>
    %dma_start3A_96 = arith.constant 0 : i32
    %dma_start3A_97 = arith.constant 0 : i32
    %dma_start3A_98 = tpu.memref_slice %arg13[%dma_start3A_96, %dma_start3A_97] : memref<10240x128xf32, #tpu.memory_space<vmem_shared>> -> memref<10240x128xf32, #tpu.memory_space<vmem_shared>>
    tpu.enqueue_indirect_dma source(%arg10 : memref<40x128xf32, #tpu.memory_space<vmem>>) target(%dma_start3A_98 : memref<10240x128xf32, #tpu.memory_space<vmem_shared>>) offsets(%dma_start3A_95 : memref<40xi32, #tpu.memory_space<vmem>>) semaphore(%arg17 : memref<!tpu.dma_semaphore, #tpu.memory_space<semaphore_mem>>) {add = true}
    %dma_wait3A_99 = arith.constant 247 : i32
    %dma_wait3A_100 = arith.constant 0 : i32
    %dma_wait3A_101 = tpu.memref_slice %arg6[%dma_wait3A_99, %dma_wait3A_100] : memref<250x40xi32, #tpu.memory_space<vmem>> -> memref<1x40xi32, #tpu.memory_space<vmem>>
    %dma_wait3A_102 = tpu.memref_squeeze %dma_wait3A_101 : memref<1x40xi32, #tpu.memory_space<vmem>> -> memref<40xi32, #tpu.memory_space<vmem>>
    %dma_wait3A_103 = arith.constant 0 : i32
    %dma_wait3A_104 = arith.constant 0 : i32
    %dma_wait3A_105 = tpu.memref_slice %arg2[%dma_wait3A_103, %dma_wait3A_104] : memref<10000x128xf32, #tpu.memory_space<hbm>> -> memref<10000x128xf32, #tpu.memory_space<hbm>>
    tpu.wait_indirect_dma semaphore(%arg15 : memref<!tpu.dma_semaphore, #tpu.memory_space<semaphore_mem>>) src(%dma_wait3A_105 : memref<10000x128xf32, #tpu.memory_space<hbm>>) dst(%arg11 : memref<40x128xf32, #tpu.memory_space<vmem>>)
    %dma_wait3A_106 = arith.constant 247 : i32
    %dma_wait3A_107 = arith.constant 0 : i32
    %dma_wait3A_108 = arith.constant 0 : i32
    %dma_wait3A_109 = tpu.memref_slice %arg4[%add3A, %dma_wait3A_106, %dma_wait3A_107, %dma_wait3A_108] : memref<32x250x1x40xi32, #tpu.memory_space<hbm>> -> memref<1x1x1x40xi32, #tpu.memory_space<hbm>>
    %dma_wait3A_110 = tpu.memref_squeeze %dma_wait3A_109 : memref<1x1x1x40xi32, #tpu.memory_space<hbm>> -> memref<1x40xi32, #tpu.memory_space<hbm>>
    %dma_wait3A_111 = arith.constant 0 : i32
    %dma_wait3A_112 = arith.constant 0 : i32
    %dma_wait3A_113 = tpu.memref_slice %arg4[%add3A, %dma_wait3A_106, %dma_wait3A_111, %dma_wait3A_112] : memref<32x250x1x40xi32, #tpu.memory_space<hbm>> -> memref<1x1x1x40xi32, #tpu.memory_space<hbm>>
    %dma_wait3A_114 = tpu.memref_squeeze %dma_wait3A_113 : memref<1x1x1x40xi32, #tpu.memory_space<hbm>> -> memref<1x40xi32, #tpu.memory_space<hbm>>
    tpu.wait_dma2 semaphore(%arg21 : memref<!tpu.dma_semaphore, #tpu.memory_space<semaphore_mem>>) src(%dma_wait3A_114 : memref<1x40xi32, #tpu.memory_space<hbm>>) dst(%arg8 : memref<1x40xi32, #tpu.memory_space<vmem>>)
    %dma_start3A_115 = arith.constant 0 : i32
    %dma_start3A_116 = arith.constant 0 : i32
    %dma_start3A_117 = tpu.memref_slice %arg8[%dma_start3A_115, %dma_start3A_116] : memref<1x40xi32, #tpu.memory_space<vmem>> -> memref<1x40xi32, #tpu.memory_space<vmem>>
    %dma_start3A_118 = tpu.memref_squeeze %dma_start3A_117 : memref<1x40xi32, #tpu.memory_space<vmem>> -> memref<40xi32, #tpu.memory_space<vmem>>
    %dma_start3A_119 = arith.constant 0 : i32
    %dma_start3A_120 = arith.constant 0 : i32
    %dma_start3A_121 = tpu.memref_slice %arg13[%dma_start3A_119, %dma_start3A_120] : memref<10240x128xf32, #tpu.memory_space<vmem_shared>> -> memref<10240x128xf32, #tpu.memory_space<vmem_shared>>
    tpu.enqueue_indirect_dma source(%arg11 : memref<40x128xf32, #tpu.memory_space<vmem>>) target(%dma_start3A_121 : memref<10240x128xf32, #tpu.memory_space<vmem_shared>>) offsets(%dma_start3A_118 : memref<40xi32, #tpu.memory_space<vmem>>) semaphore(%arg18 : memref<!tpu.dma_semaphore, #tpu.memory_space<semaphore_mem>>) {add = true}
    %dma_wait3A_122 = arith.constant 248 : i32
    %dma_wait3A_123 = arith.constant 0 : i32
    %dma_wait3A_124 = tpu.memref_slice %arg6[%dma_wait3A_122, %dma_wait3A_123] : memref<250x40xi32, #tpu.memory_space<vmem>> -> memref<1x40xi32, #tpu.memory_space<vmem>>
    %dma_wait3A_125 = tpu.memref_squeeze %dma_wait3A_124 : memref<1x40xi32, #tpu.memory_space<vmem>> -> memref<40xi32, #tpu.memory_space<vmem>>
    %dma_wait3A_126 = arith.constant 0 : i32
    %dma_wait3A_127 = arith.constant 0 : i32
    %dma_wait3A_128 = tpu.memref_slice %arg2[%dma_wait3A_126, %dma_wait3A_127] : memref<10000x128xf32, #tpu.memory_space<hbm>> -> memref<10000x128xf32, #tpu.memory_space<hbm>>
    tpu.wait_indirect_dma semaphore(%arg16 : memref<!tpu.dma_semaphore, #tpu.memory_space<semaphore_mem>>) src(%dma_wait3A_128 : memref<10000x128xf32, #tpu.memory_space<hbm>>) dst(%arg12 : memref<40x128xf32, #tpu.memory_space<vmem>>)
    %dma_wait3A_129 = arith.constant 248 : i32
    %dma_wait3A_130 = arith.constant 0 : i32
    %dma_wait3A_131 = arith.constant 0 : i32
    %dma_wait3A_132 = tpu.memref_slice %arg4[%add3A, %dma_wait3A_129, %dma_wait3A_130, %dma_wait3A_131] : memref<32x250x1x40xi32, #tpu.memory_space<hbm>> -> memref<1x1x1x40xi32, #tpu.memory_space<hbm>>
    %dma_wait3A_133 = tpu.memref_squeeze %dma_wait3A_132 : memref<1x1x1x40xi32, #tpu.memory_space<hbm>> -> memref<1x40xi32, #tpu.memory_space<hbm>>
    %dma_wait3A_134 = arith.constant 0 : i32
    %dma_wait3A_135 = arith.constant 0 : i32
    %dma_wait3A_136 = tpu.memref_slice %arg4[%add3A, %dma_wait3A_129, %dma_wait3A_134, %dma_wait3A_135] : memref<32x250x1x40xi32, #tpu.memory_space<hbm>> -> memref<1x1x1x40xi32, #tpu.memory_space<hbm>>
    %dma_wait3A_137 = tpu.memref_squeeze %dma_wait3A_136 : memref<1x1x1x40xi32, #tpu.memory_space<hbm>> -> memref<1x40xi32, #tpu.memory_space<hbm>>
    tpu.wait_dma2 semaphore(%arg22 : memref<!tpu.dma_semaphore, #tpu.memory_space<semaphore_mem>>) src(%dma_wait3A_137 : memref<1x40xi32, #tpu.memory_space<hbm>>) dst(%arg9 : memref<1x40xi32, #tpu.memory_space<vmem>>)
    %dma_start3A_138 = arith.constant 0 : i32
    %dma_start3A_139 = arith.constant 0 : i32
    %dma_start3A_140 = tpu.memref_slice %arg9[%dma_start3A_138, %dma_start3A_139] : memref<1x40xi32, #tpu.memory_space<vmem>> -> memref<1x40xi32, #tpu.memory_space<vmem>>
    %dma_start3A_141 = tpu.memref_squeeze %dma_start3A_140 : memref<1x40xi32, #tpu.memory_space<vmem>> -> memref<40xi32, #tpu.memory_space<vmem>>
    %dma_start3A_142 = arith.constant 0 : i32
    %dma_start3A_143 = arith.constant 0 : i32
    %dma_start3A_144 = tpu.memref_slice %arg13[%dma_start3A_142, %dma_start3A_143] : memref<10240x128xf32, #tpu.memory_space<vmem_shared>> -> memref<10240x128xf32, #tpu.memory_space<vmem_shared>>
    tpu.enqueue_indirect_dma source(%arg12 : memref<40x128xf32, #tpu.memory_space<vmem>>) target(%dma_start3A_144 : memref<10240x128xf32, #tpu.memory_space<vmem_shared>>) offsets(%dma_start3A_141 : memref<40xi32, #tpu.memory_space<vmem>>) semaphore(%arg19 : memref<!tpu.dma_semaphore, #tpu.memory_space<semaphore_mem>>) {add = true}
    %dma_wait3A_145 = arith.constant 246 : i32
    %dma_wait3A_146 = arith.constant 0 : i32
    %dma_wait3A_147 = tpu.memref_slice %arg6[%dma_wait3A_145, %dma_wait3A_146] : memref<250x40xi32, #tpu.memory_space<vmem>> -> memref<1x40xi32, #tpu.memory_space<vmem>>
    %dma_wait3A_148 = tpu.memref_squeeze %dma_wait3A_147 : memref<1x40xi32, #tpu.memory_space<vmem>> -> memref<40xi32, #tpu.memory_space<vmem>>
    %dma_wait3A_149 = arith.constant 0 : i32
    %dma_wait3A_150 = arith.constant 0 : i32
    %dma_wait3A_151 = tpu.memref_slice %arg2[%dma_wait3A_149, %dma_wait3A_150] : memref<10000x128xf32, #tpu.memory_space<hbm>> -> memref<10000x128xf32, #tpu.memory_space<hbm>>
    tpu.wait_indirect_dma semaphore(%arg17 : memref<!tpu.dma_semaphore, #tpu.memory_space<semaphore_mem>>) src(%dma_wait3A_151 : memref<10000x128xf32, #tpu.memory_space<hbm>>) dst(%arg10 : memref<40x128xf32, #tpu.memory_space<vmem>>)
    %dma_wait3A_152 = arith.constant 247 : i32
    %dma_wait3A_153 = arith.constant 0 : i32
    %dma_wait3A_154 = tpu.memref_slice %arg6[%dma_wait3A_152, %dma_wait3A_153] : memref<250x40xi32, #tpu.memory_space<vmem>> -> memref<1x40xi32, #tpu.memory_space<vmem>>
    %dma_wait3A_155 = tpu.memref_squeeze %dma_wait3A_154 : memref<1x40xi32, #tpu.memory_space<vmem>> -> memref<40xi32, #tpu.memory_space<vmem>>
    %dma_wait3A_156 = arith.constant 0 : i32
    %dma_wait3A_157 = arith.constant 0 : i32
    %dma_wait3A_158 = tpu.memref_slice %arg2[%dma_wait3A_156, %dma_wait3A_157] : memref<10000x128xf32, #tpu.memory_space<hbm>> -> memref<10000x128xf32, #tpu.memory_space<hbm>>
    tpu.wait_indirect_dma semaphore(%arg18 : memref<!tpu.dma_semaphore, #tpu.memory_space<semaphore_mem>>) src(%dma_wait3A_158 : memref<10000x128xf32, #tpu.memory_space<hbm>>) dst(%arg11 : memref<40x128xf32, #tpu.memory_space<vmem>>)
    %dma_wait3A_159 = arith.constant 248 : i32
    %dma_wait3A_160 = arith.constant 0 : i32
    %dma_wait3A_161 = tpu.memref_slice %arg6[%dma_wait3A_159, %dma_wait3A_160] : memref<250x40xi32, #tpu.memory_space<vmem>> -> memref<1x40xi32, #tpu.memory_space<vmem>>
    %dma_wait3A_162 = tpu.memref_squeeze %dma_wait3A_161 : memref<1x40xi32, #tpu.memory_space<vmem>> -> memref<40xi32, #tpu.memory_space<vmem>>
    %dma_wait3A_163 = arith.constant 0 : i32
    %dma_wait3A_164 = arith.constant 0 : i32
    %dma_wait3A_165 = tpu.memref_slice %arg2[%dma_wait3A_163, %dma_wait3A_164] : memref<10000x128xf32, #tpu.memory_space<hbm>> -> memref<10000x128xf32, #tpu.memory_space<hbm>>
    tpu.wait_indirect_dma semaphore(%arg19 : memref<!tpu.dma_semaphore, #tpu.memory_space<semaphore_mem>>) src(%dma_wait3A_165 : memref<10000x128xf32, #tpu.memory_space<hbm>>) dst(%arg12 : memref<40x128xf32, #tpu.memory_space<vmem>>)
    %barrier3A_166 = arith.constant 0 : index
    tpu.barrier barrier_id(%barrier3A_166)
    %mul3A_167 = arith.constant 640 : i32
    %mul3A_168 = arith.muli %arg1, %mul3A_167 : i32
    %mul3A_169 = arith.constant 640 : i32
    %mul3A_170 = arith.muli %arg1, %mul3A_169 : i32
    "tpu.region"() ({
      %run_scoped3A_171 = tpu.sem_alloc : memref<!tpu.dma_semaphore, #tpu.memory_space<semaphore_mem>>
      %dma_start3A_172 = arith.constant 0 : i32
      %dma_start3A_173 = tpu.memref_slice %arg5[%arg0, %mul3A_170, %dma_start3A_172] : memref<2x10240x128xf32, #tpu.memory_space<hbm>> -> memref<1x640x128xf32, #tpu.memory_space<hbm>>
      %dma_start3A_174 = tpu.memref_squeeze %dma_start3A_173 : memref<1x640x128xf32, #tpu.memory_space<hbm>> -> memref<640x128xf32, #tpu.memory_space<hbm>>
      %dma_start3A_175 = arith.constant 0 : i32
      %dma_start3A_176 = tpu.memref_slice %arg13[%mul3A_168, %dma_start3A_175] : memref<10240x128xf32, #tpu.memory_space<vmem_shared>> -> memref<640x128xf32, #tpu.memory_space<vmem_shared>>
      tpu.enqueue_dma source(%dma_start3A_176 : memref<640x128xf32, #tpu.memory_space<vmem_shared>>) target(%dma_start3A_174 : memref<640x128xf32, #tpu.memory_space<hbm>>) target_semaphore(%run_scoped3A_171 : memref<!tpu.dma_semaphore, #tpu.memory_space<semaphore_mem>>)
      %dma_wait3A_177 = arith.constant 0 : i32
      %dma_wait3A_178 = tpu.memref_slice %arg5[%arg0, %mul3A_170, %dma_wait3A_177] : memref<2x10240x128xf32, #tpu.memory_space<hbm>> -> memref<1x640x128xf32, #tpu.memory_space<hbm>>
      %dma_wait3A_179 = tpu.memref_squeeze %dma_wait3A_178 : memref<1x640x128xf32, #tpu.memory_space<hbm>> -> memref<640x128xf32, #tpu.memory_space<hbm>>
      %dma_wait3A_180 = arith.constant 0 : i32
      %dma_wait3A_181 = tpu.memref_slice %arg13[%mul3A_168, %dma_wait3A_180] : memref<10240x128xf32, #tpu.memory_space<vmem_shared>> -> memref<640x128xf32, #tpu.memory_space<vmem_shared>>
      tpu.wait_dma2 semaphore(%run_scoped3A_171 : memref<!tpu.dma_semaphore, #tpu.memory_space<semaphore_mem>>) src(%dma_wait3A_181 : memref<640x128xf32, #tpu.memory_space<vmem_shared>>) dst(%dma_wait3A_179 : memref<640x128xf32, #tpu.memory_space<hbm>>)
      tpu.yield
    }) : () -> ()
    return
  }
}

#map = affine_map<(d0, d1) -> (0, 0, 0)>
#map1 = affine_map<(d0, d1) -> (0, 0)>
module attributes {stable_mosaic.version = 14 : i64} {
  func.func @k(%arg0: i32, %arg1: i32, %arg2: memref<32x625x16xi32, #tpu.memory_space<hbm>>, %arg3: memref<2x10240xf32, #tpu.memory_space<hbm>>, %arg4: memref<625x16xi32, #tpu.memory_space<vmem>>, %arg5: memref<10240xf32, #tpu.memory_space<vmem>>, %arg6: memref<16x640xf32, #tpu.memory_space<vmem>>, %arg7: memref<16x10240xf32, #tpu.memory_space<vmem_shared>>) attributes {dimension_semantics = [#tpu.dimension_semantics<core_parallel>, #tpu.dimension_semantics<subcore_parallel>], iteration_bounds = array<i64: 2, 16>, scalar_prefetch = 0 : i64, scratch_operands = 4 : i64, tpu.core_type = #tpu.core_type<sc_vector_subcore>, window_params = [{transform_indices = #map}, {transform_indices = #map1}]} {
    %mul3A = arith.constant 16 : i32
    %mul3A_0 = arith.muli %arg0, %mul3A : i32
    %add3A = arith.addi %mul3A_0, %arg1 : i32
    %scan3A = arith.constant 0 : i32
    %scan3A_1 = arith.constant 640 : i32
    %scan3A_2 = arith.addi %scan3A, %scan3A_1 : i32
    %scan3A_3 = arith.constant 1 : i32
    scf.for %scan3A_22 = %scan3A to %scan3A_2 step %scan3A_3  : i32 {
      %mul3A_23 = arith.constant 1 : i32
      %mul3A_24 = arith.muli %scan3A_22, %mul3A_23 : i32
      %add3A_25 = arith.constant 0 : i32
      %add3A_26 = arith.addi %add3A_25, %mul3A_24 : i32
      %broadcast_in_dim3A = arith.constant 0.000000e+00 : f32
      %broadcast_in_dim3A_27 = vector.broadcast %broadcast_in_dim3A : f32 to vector<16xf32>
      %mul3A_28 = arith.constant 16 : i32
      %mul3A_29 = arith.muli %add3A_26, %mul3A_28 : i32
      %swap3A = arith.index_cast %mul3A_29 : i32 to index
      %swap3A_30 = tpu.vector_load %arg5[%swap3A] {strides = array<i32>} : memref<10240xf32, #tpu.memory_space<vmem>>, vector<16xf32>,
      tpu.vector_store %arg5[%swap3A], %broadcast_in_dim3A_27 {strides = array<i32>} : memref<10240xf32, #tpu.memory_space<vmem>>, vector<16xf32>,
    }
    %scan3A_4 = arith.constant 640 : i32
    "tpu.region"() ({
      %run_scoped3A = tpu.sem_alloc : memref<!tpu.dma_semaphore, #tpu.memory_space<semaphore_mem>>
      %dma_start3A = arith.constant 0 : i32
      %dma_start3A_22 = arith.constant 0 : i32
      %dma_start3A_23 = tpu.memref_slice %arg2[%add3A, %dma_start3A, %dma_start3A_22] : memref<32x625x16xi32, #tpu.memory_space<hbm>> -> memref<1x625x16xi32, #tpu.memory_space<hbm>>
      %dma_start3A_24 = tpu.memref_squeeze %dma_start3A_23 : memref<1x625x16xi32, #tpu.memory_space<hbm>> -> memref<625x16xi32, #tpu.memory_space<hbm>>
      %dma_start3A_25 = arith.constant 0 : i32
      %dma_start3A_26 = arith.constant 0 : i32
      %dma_start3A_27 = tpu.memref_slice %arg2[%add3A, %dma_start3A_25, %dma_start3A_26] : memref<32x625x16xi32, #tpu.memory_space<hbm>> -> memref<1x625x16xi32, #tpu.memory_space<hbm>>
      %dma_start3A_28 = tpu.memref_squeeze %dma_start3A_27 : memref<1x625x16xi32, #tpu.memory_space<hbm>> -> memref<625x16xi32, #tpu.memory_space<hbm>>
      tpu.enqueue_dma source(%dma_start3A_28 : memref<625x16xi32, #tpu.memory_space<hbm>>) target(%arg4 : memref<625x16xi32, #tpu.memory_space<vmem>>) target_semaphore(%run_scoped3A : memref<!tpu.dma_semaphore, #tpu.memory_space<semaphore_mem>>)
      %dma_wait3A = arith.constant 0 : i32
      %dma_wait3A_29 = arith.constant 0 : i32
      %dma_wait3A_30 = tpu.memref_slice %arg2[%add3A, %dma_wait3A, %dma_wait3A_29] : memref<32x625x16xi32, #tpu.memory_space<hbm>> -> memref<1x625x16xi32, #tpu.memory_space<hbm>>
      %dma_wait3A_31 = tpu.memref_squeeze %dma_wait3A_30 : memref<1x625x16xi32, #tpu.memory_space<hbm>> -> memref<625x16xi32, #tpu.memory_space<hbm>>
      %dma_wait3A_32 = arith.constant 0 : i32
      %dma_wait3A_33 = arith.constant 0 : i32
      %dma_wait3A_34 = tpu.memref_slice %arg2[%add3A, %dma_wait3A_32, %dma_wait3A_33] : memref<32x625x16xi32, #tpu.memory_space<hbm>> -> memref<1x625x16xi32, #tpu.memory_space<hbm>>
      %dma_wait3A_35 = tpu.memref_squeeze %dma_wait3A_34 : memref<1x625x16xi32, #tpu.memory_space<hbm>> -> memref<625x16xi32, #tpu.memory_space<hbm>>
      tpu.wait_dma2 semaphore(%run_scoped3A : memref<!tpu.dma_semaphore, #tpu.memory_space<semaphore_mem>>) src(%dma_wait3A_35 : memref<625x16xi32, #tpu.memory_space<hbm>>) dst(%arg4 : memref<625x16xi32, #tpu.memory_space<vmem>>)
      tpu.yield
    }) : () -> ()
    %scan3A_5 = arith.constant 0 : i32
    %scan3A_6 = arith.constant 625 : i32
    %scan3A_7 = arith.addi %scan3A_5, %scan3A_6 : i32
    %scan3A_8 = arith.constant 1 : i32
    scf.for %scan3A_22 = %scan3A_5 to %scan3A_7 step %scan3A_8  : i32 {
      %mul3A_23 = arith.constant 1 : i32
      %mul3A_24 = arith.muli %scan3A_22, %mul3A_23 : i32
      %add3A_25 = arith.constant 0 : i32
      %add3A_26 = arith.addi %add3A_25, %mul3A_24 : i32
      %get3A = arith.index_cast %add3A_26 : i32 to index
      %get3A_27 = arith.constant 0 : index
      %get3A_28 = tpu.vector_load %arg4[%get3A, %get3A_27] {strides = array<i32>} : memref<625x16xi32, #tpu.memory_space<vmem>>, vector<16xi32>,
      %broadcast_in_dim3A = arith.constant 1.000000e+00 : f32
      %broadcast_in_dim3A_29 = vector.broadcast %broadcast_in_dim3A : f32 to vector<16xf32>
      tpu.vector_store_idx %arg5[%get3A_28], %broadcast_in_dim3A_29 {add = true} : memref<10240xf32, #tpu.memory_space<vmem>>[vector<16xi32>], vector<16xf32>,
    }
    %scan3A_9 = arith.constant 625 : i32
    "tpu.region"() ({
      %run_scoped3A = tpu.sem_alloc : memref<!tpu.dma_semaphore, #tpu.memory_space<semaphore_mem>>
      %dma_start3A = arith.constant 0 : i32
      %dma_start3A_22 = tpu.memref_slice %arg7[%arg1, %dma_start3A] : memref<16x10240xf32, #tpu.memory_space<vmem_shared>> -> memref<1x10240xf32, #tpu.memory_space<vmem_shared>>
      %dma_start3A_23 = tpu.memref_squeeze %dma_start3A_22 : memref<1x10240xf32, #tpu.memory_space<vmem_shared>> -> memref<10240xf32, #tpu.memory_space<vmem_shared>>
      %dma_start3A_24 = arith.constant 0 : i32
      %dma_start3A_25 = tpu.memref_slice %arg7[%arg1, %dma_start3A_24] : memref<16x10240xf32, #tpu.memory_space<vmem_shared>> -> memref<1x10240xf32, #tpu.memory_space<vmem_shared>>
      %dma_start3A_26 = tpu.memref_squeeze %dma_start3A_25 : memref<1x10240xf32, #tpu.memory_space<vmem_shared>> -> memref<10240xf32, #tpu.memory_space<vmem_shared>>
      tpu.enqueue_dma source(%arg5 : memref<10240xf32, #tpu.memory_space<vmem>>) target(%dma_start3A_26 : memref<10240xf32, #tpu.memory_space<vmem_shared>>) target_semaphore(%run_scoped3A : memref<!tpu.dma_semaphore, #tpu.memory_space<semaphore_mem>>)
      %dma_wait3A = arith.constant 0 : i32
      %dma_wait3A_27 = tpu.memref_slice %arg7[%arg1, %dma_wait3A] : memref<16x10240xf32, #tpu.memory_space<vmem_shared>> -> memref<1x10240xf32, #tpu.memory_space<vmem_shared>>
      %dma_wait3A_28 = tpu.memref_squeeze %dma_wait3A_27 : memref<1x10240xf32, #tpu.memory_space<vmem_shared>> -> memref<10240xf32, #tpu.memory_space<vmem_shared>>
      %dma_wait3A_29 = arith.constant 0 : i32
      %dma_wait3A_30 = tpu.memref_slice %arg7[%arg1, %dma_wait3A_29] : memref<16x10240xf32, #tpu.memory_space<vmem_shared>> -> memref<1x10240xf32, #tpu.memory_space<vmem_shared>>
      %dma_wait3A_31 = tpu.memref_squeeze %dma_wait3A_30 : memref<1x10240xf32, #tpu.memory_space<vmem_shared>> -> memref<10240xf32, #tpu.memory_space<vmem_shared>>
      tpu.wait_dma2 semaphore(%run_scoped3A : memref<!tpu.dma_semaphore, #tpu.memory_space<semaphore_mem>>) src(%arg5 : memref<10240xf32, #tpu.memory_space<vmem>>) dst(%dma_wait3A_31 : memref<10240xf32, #tpu.memory_space<vmem_shared>>)
      tpu.yield
    }) : () -> ()
    %barrier3A = arith.constant 0 : index
    tpu.barrier barrier_id(%barrier3A)
    %scan3A_10 = arith.constant 0 : i32
    %scan3A_11 = arith.constant 16 : i32
    %scan3A_12 = arith.addi %scan3A_10, %scan3A_11 : i32
    %scan3A_13 = arith.constant 1 : i32
    scf.for %scan3A_22 = %scan3A_10 to %scan3A_12 step %scan3A_13  : i32 {
      %mul3A_23 = arith.constant 1 : i32
      %mul3A_24 = arith.muli %scan3A_22, %mul3A_23 : i32
      %add3A_25 = arith.constant 0 : i32
      %add3A_26 = arith.addi %add3A_25, %mul3A_24 : i32
      %mul3A_27 = arith.constant 640 : i32
      %mul3A_28 = arith.muli %arg1, %mul3A_27 : i32
      "tpu.region"() ({
        %run_scoped3A = tpu.sem_alloc : memref<!tpu.dma_semaphore, #tpu.memory_space<semaphore_mem>>
        %dma_start3A = arith.constant 0 : i32
        %dma_start3A_29 = tpu.memref_slice %arg6[%add3A_26, %dma_start3A] : memref<16x640xf32, #tpu.memory_space<vmem>> -> memref<1x640xf32, #tpu.memory_space<vmem>>
        %dma_start3A_30 = tpu.memref_squeeze %dma_start3A_29 : memref<1x640xf32, #tpu.memory_space<vmem>> -> memref<640xf32, #tpu.memory_space<vmem>>
        %dma_start3A_31 = tpu.memref_slice %arg7[%add3A_26, %mul3A_28] : memref<16x10240xf32, #tpu.memory_space<vmem_shared>> -> memref<1x640xf32, #tpu.memory_space<vmem_shared>>
        %dma_start3A_32 = tpu.memref_squeeze %dma_start3A_31 : memref<1x640xf32, #tpu.memory_space<vmem_shared>> -> memref<640xf32, #tpu.memory_space<vmem_shared>>
        %dma_start3A_33 = arith.constant 0 : i32
        %dma_start3A_34 = tpu.memref_slice %arg6[%add3A_26, %dma_start3A_33] : memref<16x640xf32, #tpu.memory_space<vmem>> -> memref<1x640xf32, #tpu.memory_space<vmem>>
        %dma_start3A_35 = tpu.memref_squeeze %dma_start3A_34 : memref<1x640xf32, #tpu.memory_space<vmem>> -> memref<640xf32, #tpu.memory_space<vmem>>
        %dma_start3A_36 = tpu.memref_slice %arg7[%add3A_26, %mul3A_28] : memref<16x10240xf32, #tpu.memory_space<vmem_shared>> -> memref<1x640xf32, #tpu.memory_space<vmem_shared>>
        %dma_start3A_37 = tpu.memref_squeeze %dma_start3A_36 : memref<1x640xf32, #tpu.memory_space<vmem_shared>> -> memref<640xf32, #tpu.memory_space<vmem_shared>>
        tpu.enqueue_dma source(%dma_start3A_37 : memref<640xf32, #tpu.memory_space<vmem_shared>>) target(%dma_start3A_35 : memref<640xf32, #tpu.memory_space<vmem>>) target_semaphore(%run_scoped3A : memref<!tpu.dma_semaphore, #tpu.memory_space<semaphore_mem>>)
        %dma_wait3A = arith.constant 0 : i32
        %dma_wait3A_38 = tpu.memref_slice %arg6[%add3A_26, %dma_wait3A] : memref<16x640xf32, #tpu.memory_space<vmem>> -> memref<1x640xf32, #tpu.memory_space<vmem>>
        %dma_wait3A_39 = tpu.memref_squeeze %dma_wait3A_38 : memref<1x640xf32, #tpu.memory_space<vmem>> -> memref<640xf32, #tpu.memory_space<vmem>>
        %dma_wait3A_40 = tpu.memref_slice %arg7[%add3A_26, %mul3A_28] : memref<16x10240xf32, #tpu.memory_space<vmem_shared>> -> memref<1x640xf32, #tpu.memory_space<vmem_shared>>
        %dma_wait3A_41 = tpu.memref_squeeze %dma_wait3A_40 : memref<1x640xf32, #tpu.memory_space<vmem_shared>> -> memref<640xf32, #tpu.memory_space<vmem_shared>>
        %dma_wait3A_42 = arith.constant 0 : i32
        %dma_wait3A_43 = tpu.memref_slice %arg6[%add3A_26, %dma_wait3A_42] : memref<16x640xf32, #tpu.memory_space<vmem>> -> memref<1x640xf32, #tpu.memory_space<vmem>>
        %dma_wait3A_44 = tpu.memref_squeeze %dma_wait3A_43 : memref<1x640xf32, #tpu.memory_space<vmem>> -> memref<640xf32, #tpu.memory_space<vmem>>
        %dma_wait3A_45 = tpu.memref_slice %arg7[%add3A_26, %mul3A_28] : memref<16x10240xf32, #tpu.memory_space<vmem_shared>> -> memref<1x640xf32, #tpu.memory_space<vmem_shared>>
        %dma_wait3A_46 = tpu.memref_squeeze %dma_wait3A_45 : memref<1x640xf32, #tpu.memory_space<vmem_shared>> -> memref<640xf32, #tpu.memory_space<vmem_shared>>
        tpu.wait_dma2 semaphore(%run_scoped3A : memref<!tpu.dma_semaphore, #tpu.memory_space<semaphore_mem>>) src(%dma_wait3A_46 : memref<640xf32, #tpu.memory_space<vmem_shared>>) dst(%dma_wait3A_44 : memref<640xf32, #tpu.memory_space<vmem>>)
        tpu.yield
      }) : () -> ()
    }
    %scan3A_14 = arith.constant 16 : i32
    %scan3A_15 = arith.constant 0 : i32
    %scan3A_16 = arith.constant 40 : i32
    %scan3A_17 = arith.addi %scan3A_15, %scan3A_16 : i32
    %scan3A_18 = arith.constant 1 : i32
    scf.for %scan3A_22 = %scan3A_15 to %scan3A_17 step %scan3A_18  : i32 {
      %mul3A_23 = arith.constant 1 : i32
      %mul3A_24 = arith.muli %scan3A_22, %mul3A_23 : i32
      %add3A_25 = arith.constant 0 : i32
      %add3A_26 = arith.addi %add3A_25, %mul3A_24 : i32
      %broadcast_in_dim3A = arith.constant 0.000000e+00 : f32
      %broadcast_in_dim3A_27 = vector.broadcast %broadcast_in_dim3A : f32 to vector<16xf32>
      %mul3A_28 = arith.constant 16 : i32
      %mul3A_29 = arith.muli %add3A_26, %mul3A_28 : i32
      %swap3A = arith.index_cast %mul3A_29 : i32 to index
      %swap3A_30 = tpu.vector_load %arg5[%swap3A] {strides = array<i32>} : memref<10240xf32, #tpu.memory_space<vmem>>, vector<16xf32>,
      tpu.vector_store %arg5[%swap3A], %broadcast_in_dim3A_27 {strides = array<i32>} : memref<10240xf32, #tpu.memory_space<vmem>>, vector<16xf32>,
      %scan3A_31 = arith.constant 0 : i32
      %scan3A_32 = arith.constant 16 : i32
      %scan3A_33 = arith.addi %scan3A_31, %scan3A_32 : i32
      %scan3A_34 = arith.constant 1 : i32
      scf.for %scan3A_36 = %scan3A_31 to %scan3A_33 step %scan3A_34  : i32 {
        %mul3A_37 = arith.constant 1 : i32
        %mul3A_38 = arith.muli %scan3A_36, %mul3A_37 : i32
        %add3A_39 = arith.constant 0 : i32
        %add3A_40 = arith.addi %add3A_39, %mul3A_38 : i32
        %mul3A_41 = arith.constant 16 : i32
        %mul3A_42 = arith.muli %add3A_26, %mul3A_41 : i32
        %get3A = arith.index_cast %mul3A_42 : i32 to index
        %get3A_43 = tpu.vector_load %arg5[%get3A] {strides = array<i32>} : memref<10240xf32, #tpu.memory_space<vmem>>, vector<16xf32>,
        %mul3A_44 = arith.constant 16 : i32
        %mul3A_45 = arith.muli %add3A_26, %mul3A_44 : i32
        %get3A_46 = arith.index_cast %add3A_40 : i32 to index
        %get3A_47 = arith.index_cast %mul3A_45 : i32 to index
        %get3A_48 = tpu.vector_load %arg6[%get3A_46, %get3A_47] {strides = array<i32>} : memref<16x640xf32, #tpu.memory_space<vmem>>, vector<16xf32>,
        %add3A_49 = arith.addf %get3A_43, %get3A_48 : vector<16xf32>
        %mul3A_50 = arith.constant 16 : i32
        %mul3A_51 = arith.muli %add3A_26, %mul3A_50 : i32
        %swap3A_52 = arith.index_cast %mul3A_51 : i32 to index
        %swap3A_53 = tpu.vector_load %arg5[%swap3A_52] {strides = array<i32>} : memref<10240xf32, #tpu.memory_space<vmem>>, vector<16xf32>,
        tpu.vector_store %arg5[%swap3A_52], %add3A_49 {strides = array<i32>} : memref<10240xf32, #tpu.memory_space<vmem>>, vector<16xf32>,
      }
      %scan3A_35 = arith.constant 16 : i32
    }
    %scan3A_19 = arith.constant 40 : i32
    %mul3A_20 = arith.constant 640 : i32
    %mul3A_21 = arith.muli %arg1, %mul3A_20 : i32
    "tpu.region"() ({
      %run_scoped3A = tpu.sem_alloc : memref<!tpu.dma_semaphore, #tpu.memory_space<semaphore_mem>>
      %dma_start3A = arith.constant 0 : i32
      %dma_start3A_22 = tpu.memref_slice %arg5[%dma_start3A] : memref<10240xf32, #tpu.memory_space<vmem>> -> memref<640xf32, #tpu.memory_space<vmem>>
      %dma_start3A_23 = tpu.memref_slice %arg3[%arg0, %mul3A_21] : memref<2x10240xf32, #tpu.memory_space<hbm>> -> memref<1x640xf32, #tpu.memory_space<hbm>>
      %dma_start3A_24 = tpu.memref_squeeze %dma_start3A_23 : memref<1x640xf32, #tpu.memory_space<hbm>> -> memref<640xf32, #tpu.memory_space<hbm>>
      %dma_start3A_25 = tpu.memref_slice %arg3[%arg0, %mul3A_21] : memref<2x10240xf32, #tpu.memory_space<hbm>> -> memref<1x640xf32, #tpu.memory_space<hbm>>
      %dma_start3A_26 = tpu.memref_squeeze %dma_start3A_25 : memref<1x640xf32, #tpu.memory_space<hbm>> -> memref<640xf32, #tpu.memory_space<hbm>>
      %dma_start3A_27 = arith.constant 0 : i32
      %dma_start3A_28 = tpu.memref_slice %arg5[%dma_start3A_27] : memref<10240xf32, #tpu.memory_space<vmem>> -> memref<640xf32, #tpu.memory_space<vmem>>
      tpu.enqueue_dma source(%dma_start3A_28 : memref<640xf32, #tpu.memory_space<vmem>>) target(%dma_start3A_26 : memref<640xf32, #tpu.memory_space<hbm>>) target_semaphore(%run_scoped3A : memref<!tpu.dma_semaphore, #tpu.memory_space<semaphore_mem>>)
      %dma_wait3A = arith.constant 0 : i32
      %dma_wait3A_29 = tpu.memref_slice %arg5[%dma_wait3A] : memref<10240xf32, #tpu.memory_space<vmem>> -> memref<640xf32, #tpu.memory_space<vmem>>
      %dma_wait3A_30 = tpu.memref_slice %arg3[%arg0, %mul3A_21] : memref<2x10240xf32, #tpu.memory_space<hbm>> -> memref<1x640xf32, #tpu.memory_space<hbm>>
      %dma_wait3A_31 = tpu.memref_squeeze %dma_wait3A_30 : memref<1x640xf32, #tpu.memory_space<hbm>> -> memref<640xf32, #tpu.memory_space<hbm>>
      %dma_wait3A_32 = tpu.memref_slice %arg3[%arg0, %mul3A_21] : memref<2x10240xf32, #tpu.memory_space<hbm>> -> memref<1x640xf32, #tpu.memory_space<hbm>>
      %dma_wait3A_33 = tpu.memref_squeeze %dma_wait3A_32 : memref<1x640xf32, #tpu.memory_space<hbm>> -> memref<640xf32, #tpu.memory_space<hbm>>
      %dma_wait3A_34 = arith.constant 0 : i32
      %dma_wait3A_35 = tpu.memref_slice %arg5[%dma_wait3A_34] : memref<10240xf32, #tpu.memory_space<vmem>> -> memref<640xf32, #tpu.memory_space<vmem>>
      tpu.wait_dma2 semaphore(%run_scoped3A : memref<!tpu.dma_semaphore, #tpu.memory_space<semaphore_mem>>) src(%dma_wait3A_35 : memref<640xf32, #tpu.memory_space<vmem>>) dst(%dma_wait3A_33 : memref<640xf32, #tpu.memory_space<hbm>>)
      tpu.yield
    }) : () -> ()
    return
  }
}

#map = affine_map<(d0, d1) -> (0, 0)>
#map1 = affine_map<(d0, d1) -> (0, 0, 0)>
#map2 = affine_map<(d0, d1) -> (0, 0, 0, 0)>
module attributes {stable_mosaic.version = 14 : i64} {
  func.func @k(%arg0: i32, %arg1: i32, %arg2: memref<10000x128xf32, #tpu.memory_space<hbm>>, %arg3: memref<32x250x40xi32, #tpu.memory_space<hbm>>, %arg4: memref<32x250x1x40xi32, #tpu.memory_space<hbm>>, %arg5: memref<2x10240x128xf32, #tpu.memory_space<hbm>>, %arg6: memref<250x40xi32, #tpu.memory_space<vmem>>, %arg7: memref<1x40xi32, #tpu.memory_space<vmem>>, %arg8: memref<1x40xi32, #tpu.memory_space<vmem>>, %arg9: memref<1x40xi32, #tpu.memory_space<vmem>>, %arg10: memref<40x128xf32, #tpu.memory_space<vmem>>, %arg11: memref<40x128xf32, #tpu.memory_space<vmem>>, %arg12: memref<40x128xf32, #tpu.memory_space<vmem>>, %arg13: memref<10240x128xf32, #tpu.memory_space<vmem_shared>>, %arg14: memref<!tpu.dma_semaphore, #tpu.memory_space<semaphore_mem>>, %arg15: memref<!tpu.dma_semaphore, #tpu.memory_space<semaphore_mem>>, %arg16: memref<!tpu.dma_semaphore, #tpu.memory_space<semaphore_mem>>, %arg17: memref<!tpu.dma_semaphore, #tpu.memory_space<semaphore_mem>>, %arg18: memref<!tpu.dma_semaphore, #tpu.memory_space<semaphore_mem>>, %arg19: memref<!tpu.dma_semaphore, #tpu.memory_space<semaphore_mem>>, %arg20: memref<!tpu.dma_semaphore, #tpu.memory_space<semaphore_mem>>, %arg21: memref<!tpu.dma_semaphore, #tpu.memory_space<semaphore_mem>>, %arg22: memref<!tpu.dma_semaphore, #tpu.memory_space<semaphore_mem>>) attributes {dimension_semantics = [#tpu.dimension_semantics<core_parallel>, #tpu.dimension_semantics<subcore_parallel>], iteration_bounds = array<i64: 2, 16>, scalar_prefetch = 0 : i64, scratch_operands = 17 : i64, tpu.core_type = #tpu.core_type<sc_vector_subcore>, window_params = [{transform_indices = #map}, {transform_indices = #map1}, {transform_indices = #map2}, {transform_indices = #map1}]} {
    %mul3A = arith.constant 16 : i32
    %mul3A_0 = arith.muli %arg0, %mul3A : i32
    %add3A = arith.addi %mul3A_0, %arg1 : i32
    %scan3A = arith.constant 0 : i32
    %scan3A_1 = arith.constant 40 : i32
    %scan3A_2 = arith.addi %scan3A, %scan3A_1 : i32
    %scan3A_3 = arith.constant 1 : i32
    scf.for %scan3A_171 = %scan3A to %scan3A_2 step %scan3A_3  : i32 {
      %mul3A_172 = arith.constant 1 : i32
      %mul3A_173 = arith.muli %scan3A_171, %mul3A_172 : i32
      %add3A_174 = arith.constant 0 : i32
      %add3A_175 = arith.addi %add3A_174, %mul3A_173 : i32
      %scan3A_176 = arith.constant 0 : i32
      %scan3A_177 = arith.constant 8 : i32
      %scan3A_178 = arith.addi %scan3A_176, %scan3A_177 : i32
      %scan3A_179 = arith.constant 1 : i32
      scf.for %scan3A_181 = %scan3A_176 to %scan3A_178 step %scan3A_179  : i32 {
        %mul3A_182 = arith.constant 1 : i32
        %mul3A_183 = arith.muli %scan3A_181, %mul3A_182 : i32
        %add3A_184 = arith.constant 0 : i32
        %add3A_185 = arith.addi %add3A_184, %mul3A_183 : i32
        %broadcast_in_dim3A = arith.constant 0.000000e+00 : f32
        %broadcast_in_dim3A_186 = vector.broadcast %broadcast_in_dim3A : f32 to vector<16xf32>
        %mul3A_187 = arith.constant 16 : i32
        %mul3A_188 = arith.muli %add3A_185, %mul3A_187 : i32
        %swap3A = arith.index_cast %add3A_175 : i32 to index
        %swap3A_189 = arith.index_cast %mul3A_188 : i32 to index
        %swap3A_190 = tpu.vector_load %arg10[%swap3A, %swap3A_189] {strides = array<i32>} : memref<40x128xf32, #tpu.memory_space<vmem>>, vector<1x16xf32>,
        %swap3A_191 = vector.shape_cast %swap3A_190 : vector<1x16xf32> to vector<16xf32>
        %swap3A_192 = vector.shape_cast %broadcast_in_dim3A_186 : vector<16xf32> to vector<1x16xf32>
        tpu.vector_store %arg10[%swap3A, %swap3A_189], %swap3A_192 {strides = array<i32>} : memref<40x128xf32, #tpu.memory_space<vmem>>, vector<1x16xf32>,
      }
      %scan3A_180 = arith.constant 8 : i32
    }
    %scan3A_4 = arith.constant 40 : i32
    %scan3A_5 = arith.constant 0 : i32
    %scan3A_6 = arith.constant 16 : i32
    %scan3A_7 = arith.addi %scan3A_5, %scan3A_6 : i32
    %scan3A_8 = arith.constant 1 : i32
    scf.for %scan3A_171 = %scan3A_5 to %scan3A_7 step %scan3A_8  : i32 {
      %mul3A_172 = arith.constant 1 : i32
      %mul3A_173 = arith.muli %scan3A_171, %mul3A_172 : i32
      %add3A_174 = arith.constant 0 : i32
      %add3A_175 = arith.addi %add3A_174, %mul3A_173 : i32
      %mul3A_176 = arith.constant 640 : i32
      %mul3A_177 = arith.muli %arg1, %mul3A_176 : i32
      %mul3A_178 = arith.constant 40 : i32
      %mul3A_179 = arith.muli %add3A_175, %mul3A_178 : i32
      %add3A_180 = arith.addi %mul3A_177, %mul3A_179 : i32
      "tpu.region"() ({
        %run_scoped3A_181 = tpu.sem_alloc : memref<!tpu.dma_semaphore, #tpu.memory_space<semaphore_mem>>
        %dma_start3A_182 = arith.constant 0 : i32
        %dma_start3A_183 = tpu.memref_slice %arg13[%add3A_180, %dma_start3A_182] : memref<10240x128xf32, #tpu.memory_space<vmem_shared>> -> memref<40x128xf32, #tpu.memory_space<vmem_shared>>
        %dma_start3A_184 = arith.constant 0 : i32
        %dma_start3A_185 = tpu.memref_slice %arg13[%add3A_180, %dma_start3A_184] : memref<10240x128xf32, #tpu.memory_space<vmem_shared>> -> memref<40x128xf32, #tpu.memory_space<vmem_shared>>
        tpu.enqueue_dma source(%arg10 : memref<40x128xf32, #tpu.memory_space<vmem>>) target(%dma_start3A_185 : memref<40x128xf32, #tpu.memory_space<vmem_shared>>) target_semaphore(%run_scoped3A_181 : memref<!tpu.dma_semaphore, #tpu.memory_space<semaphore_mem>>)
        %dma_wait3A_186 = arith.constant 0 : i32
        %dma_wait3A_187 = tpu.memref_slice %arg13[%add3A_180, %dma_wait3A_186] : memref<10240x128xf32, #tpu.memory_space<vmem_shared>> -> memref<40x128xf32, #tpu.memory_space<vmem_shared>>
        %dma_wait3A_188 = arith.constant 0 : i32
        %dma_wait3A_189 = tpu.memref_slice %arg13[%add3A_180, %dma_wait3A_188] : memref<10240x128xf32, #tpu.memory_space<vmem_shared>> -> memref<40x128xf32, #tpu.memory_space<vmem_shared>>
        tpu.wait_dma2 semaphore(%run_scoped3A_181 : memref<!tpu.dma_semaphore, #tpu.memory_space<semaphore_mem>>) src(%arg10 : memref<40x128xf32, #tpu.memory_space<vmem>>) dst(%dma_wait3A_189 : memref<40x128xf32, #tpu.memory_space<vmem_shared>>)
        tpu.yield
      }) : () -> ()
    }
    %scan3A_9 = arith.constant 16 : i32
    "tpu.region"() ({
      %run_scoped3A_171 = tpu.sem_alloc : memref<!tpu.dma_semaphore, #tpu.memory_space<semaphore_mem>>
      %dma_start3A_172 = arith.constant 0 : i32
      %dma_start3A_173 = arith.constant 0 : i32
      %dma_start3A_174 = tpu.memref_slice %arg3[%add3A, %dma_start3A_172, %dma_start3A_173] : memref<32x250x40xi32, #tpu.memory_space<hbm>> -> memref<1x250x40xi32, #tpu.memory_space<hbm>>
      %dma_start3A_175 = tpu.memref_squeeze %dma_start3A_174 : memref<1x250x40xi32, #tpu.memory_space<hbm>> -> memref<250x40xi32, #tpu.memory_space<hbm>>
      %dma_start3A_176 = arith.constant 0 : i32
      %dma_start3A_177 = arith.constant 0 : i32
      %dma_start3A_178 = tpu.memref_slice %arg3[%add3A, %dma_start3A_176, %dma_start3A_177] : memref<32x250x40xi32, #tpu.memory_space<hbm>> -> memref<1x250x40xi32, #tpu.memory_space<hbm>>
      %dma_start3A_179 = tpu.memref_squeeze %dma_start3A_178 : memref<1x250x40xi32, #tpu.memory_space<hbm>> -> memref<250x40xi32, #tpu.memory_space<hbm>>
      tpu.enqueue_dma source(%dma_start3A_179 : memref<250x40xi32, #tpu.memory_space<hbm>>) target(%arg6 : memref<250x40xi32, #tpu.memory_space<vmem>>) target_semaphore(%run_scoped3A_171 : memref<!tpu.dma_semaphore, #tpu.memory_space<semaphore_mem>>)
      %dma_wait3A_180 = arith.constant 0 : i32
      %dma_wait3A_181 = arith.constant 0 : i32
      %dma_wait3A_182 = tpu.memref_slice %arg3[%add3A, %dma_wait3A_180, %dma_wait3A_181] : memref<32x250x40xi32, #tpu.memory_space<hbm>> -> memref<1x250x40xi32, #tpu.memory_space<hbm>>
      %dma_wait3A_183 = tpu.memref_squeeze %dma_wait3A_182 : memref<1x250x40xi32, #tpu.memory_space<hbm>> -> memref<250x40xi32, #tpu.memory_space<hbm>>
      %dma_wait3A_184 = arith.constant 0 : i32
      %dma_wait3A_185 = arith.constant 0 : i32
      %dma_wait3A_186 = tpu.memref_slice %arg3[%add3A, %dma_wait3A_184, %dma_wait3A_185] : memref<32x250x40xi32, #tpu.memory_space<hbm>> -> memref<1x250x40xi32, #tpu.memory_space<hbm>>
      %dma_wait3A_187 = tpu.memref_squeeze %dma_wait3A_186 : memref<1x250x40xi32, #tpu.memory_space<hbm>> -> memref<250x40xi32, #tpu.memory_space<hbm>>
      tpu.wait_dma2 semaphore(%run_scoped3A_171 : memref<!tpu.dma_semaphore, #tpu.memory_space<semaphore_mem>>) src(%dma_wait3A_187 : memref<250x40xi32, #tpu.memory_space<hbm>>) dst(%arg6 : memref<250x40xi32, #tpu.memory_space<vmem>>)
      tpu.yield
    }) : () -> ()
    %barrier3A = arith.constant 0 : index
    tpu.barrier barrier_id(%barrier3A)
    %dma_start3A = arith.constant 249 : i32
    %dma_start3A_10 = arith.constant 0 : i32
    %dma_start3A_11 = tpu.memref_slice %arg6[%dma_start3A, %dma_start3A_10] : memref<250x40xi32, #tpu.memory_space<vmem>> -> memref<1x40xi32, #tpu.memory_space<vmem>>
    %dma_start3A_12 = tpu.memref_squeeze %dma_start3A_11 : memref<1x40xi32, #tpu.memory_space<vmem>> -> memref<40xi32, #tpu.memory_space<vmem>>
    %dma_start3A_13 = arith.constant 0 : i32
    %dma_start3A_14 = arith.constant 0 : i32
    %dma_start3A_15 = tpu.memref_slice %arg2[%dma_start3A_13, %dma_start3A_14] : memref<10000x128xf32, #tpu.memory_space<hbm>> -> memref<10000x128xf32, #tpu.memory_space<hbm>>
    tpu.enqueue_indirect_dma source(%dma_start3A_15 : memref<10000x128xf32, #tpu.memory_space<hbm>>) target(%arg10 : memref<40x128xf32, #tpu.memory_space<vmem>>) offsets(%dma_start3A_12 : memref<40xi32, #tpu.memory_space<vmem>>) semaphore(%arg14 : memref<!tpu.dma_semaphore, #tpu.memory_space<semaphore_mem>>)
    %dma_wait3A = arith.constant 249 : i32
    %dma_wait3A_16 = arith.constant 0 : i32
    %dma_wait3A_17 = tpu.memref_slice %arg6[%dma_wait3A, %dma_wait3A_16] : memref<250x40xi32, #tpu.memory_space<vmem>> -> memref<1x40xi32, #tpu.memory_space<vmem>>
    %dma_wait3A_18 = tpu.memref_squeeze %dma_wait3A_17 : memref<1x40xi32, #tpu.memory_space<vmem>> -> memref<40xi32, #tpu.memory_space<vmem>>
    %dma_wait3A_19 = arith.constant 0 : i32
    %dma_wait3A_20 = arith.constant 0 : i32
    %dma_wait3A_21 = tpu.memref_slice %arg2[%dma_wait3A_19, %dma_wait3A_20] : memref<10000x128xf32, #tpu.memory_space<hbm>> -> memref<10000x128xf32, #tpu.memory_space<hbm>>
    tpu.wait_indirect_dma semaphore(%arg14 : memref<!tpu.dma_semaphore, #tpu.memory_space<semaphore_mem>>) src(%dma_wait3A_21 : memref<10000x128xf32, #tpu.memory_space<hbm>>) dst(%arg10 : memref<40x128xf32, #tpu.memory_space<vmem>>)
    %run_scoped3A = arith.constant 249 : i32
    "tpu.region"() ({
      %run_scoped3A_171 = tpu.sem_alloc : memref<!tpu.dma_semaphore, #tpu.memory_space<semaphore_mem>>
      %dma_start3A_172 = arith.constant 0 : i32
      %dma_start3A_173 = arith.constant 0 : i32
      %dma_start3A_174 = tpu.memref_slice %arg4[%add3A, %run_scoped3A, %dma_start3A_172, %dma_start3A_173] : memref<32x250x1x40xi32, #tpu.memory_space<hbm>> -> memref<1x1x1x40xi32, #tpu.memory_space<hbm>>
      %dma_start3A_175 = tpu.memref_squeeze %dma_start3A_174 : memref<1x1x1x40xi32, #tpu.memory_space<hbm>> -> memref<1x40xi32, #tpu.memory_space<hbm>>
      %dma_start3A_176 = arith.constant 0 : i32
      %dma_start3A_177 = arith.constant 0 : i32
      %dma_start3A_178 = tpu.memref_slice %arg4[%add3A, %run_scoped3A, %dma_start3A_176, %dma_start3A_177] : memref<32x250x1x40xi32, #tpu.memory_space<hbm>> -> memref<1x1x1x40xi32, #tpu.memory_space<hbm>>
      %dma_start3A_179 = tpu.memref_squeeze %dma_start3A_178 : memref<1x1x1x40xi32, #tpu.memory_space<hbm>> -> memref<1x40xi32, #tpu.memory_space<hbm>>
      tpu.enqueue_dma source(%dma_start3A_179 : memref<1x40xi32, #tpu.memory_space<hbm>>) target(%arg7 : memref<1x40xi32, #tpu.memory_space<vmem>>) target_semaphore(%run_scoped3A_171 : memref<!tpu.dma_semaphore, #tpu.memory_space<semaphore_mem>>)
      %dma_wait3A_180 = arith.constant 0 : i32
      %dma_wait3A_181 = arith.constant 0 : i32
      %dma_wait3A_182 = tpu.memref_slice %arg4[%add3A, %run_scoped3A, %dma_wait3A_180, %dma_wait3A_181] : memref<32x250x1x40xi32, #tpu.memory_space<hbm>> -> memref<1x1x1x40xi32, #tpu.memory_space<hbm>>
      %dma_wait3A_183 = tpu.memref_squeeze %dma_wait3A_182 : memref<1x1x1x40xi32, #tpu.memory_space<hbm>> -> memref<1x40xi32, #tpu.memory_space<hbm>>
      %dma_wait3A_184 = arith.constant 0 : i32
      %dma_wait3A_185 = arith.constant 0 : i32
      %dma_wait3A_186 = tpu.memref_slice %arg4[%add3A, %run_scoped3A, %dma_wait3A_184, %dma_wait3A_185] : memref<32x250x1x40xi32, #tpu.memory_space<hbm>> -> memref<1x1x1x40xi32, #tpu.memory_space<hbm>>
      %dma_wait3A_187 = tpu.memref_squeeze %dma_wait3A_186 : memref<1x1x1x40xi32, #tpu.memory_space<hbm>> -> memref<1x40xi32, #tpu.memory_space<hbm>>
      tpu.wait_dma2 semaphore(%run_scoped3A_171 : memref<!tpu.dma_semaphore, #tpu.memory_space<semaphore_mem>>) src(%dma_wait3A_187 : memref<1x40xi32, #tpu.memory_space<hbm>>) dst(%arg7 : memref<1x40xi32, #tpu.memory_space<vmem>>)
      tpu.yield
    }) : () -> ()
    %run_scoped3A_22 = arith.constant 0 : i32
    "tpu.region"() ({
      %run_scoped3A_171 = tpu.sem_alloc : memref<!tpu.dma_semaphore, #tpu.memory_space<semaphore_mem>>
      %dma_start3A_172 = arith.constant 0 : i32
      %dma_start3A_173 = tpu.memref_slice %arg7[%run_scoped3A_22, %dma_start3A_172] : memref<1x40xi32, #tpu.memory_space<vmem>> -> memref<1x40xi32, #tpu.memory_space<vmem>>
      %dma_start3A_174 = tpu.memref_squeeze %dma_start3A_173 : memref<1x40xi32, #tpu.memory_space<vmem>> -> memref<40xi32, #tpu.memory_space<vmem>>
      %dma_start3A_175 = arith.constant 0 : i32
      %dma_start3A_176 = arith.constant 0 : i32
      %dma_start3A_177 = tpu.memref_slice %arg13[%dma_start3A_175, %dma_start3A_176] : memref<10240x128xf32, #tpu.memory_space<vmem_shared>> -> memref<10240x128xf32, #tpu.memory_space<vmem_shared>>
      tpu.enqueue_indirect_dma source(%arg10 : memref<40x128xf32, #tpu.memory_space<vmem>>) target(%dma_start3A_177 : memref<10240x128xf32, #tpu.memory_space<vmem_shared>>) offsets(%dma_start3A_174 : memref<40xi32, #tpu.memory_space<vmem>>) semaphore(%run_scoped3A_171 : memref<!tpu.dma_semaphore, #tpu.memory_space<semaphore_mem>>) {add = true}
      %dma_wait3A_178 = arith.constant 0 : i32
      %dma_wait3A_179 = tpu.memref_slice %arg7[%run_scoped3A_22, %dma_wait3A_178] : memref<1x40xi32, #tpu.memory_space<vmem>> -> memref<1x40xi32, #tpu.memory_space<vmem>>
      %dma_wait3A_180 = tpu.memref_squeeze %dma_wait3A_179 : memref<1x40xi32, #tpu.memory_space<vmem>> -> memref<40xi32, #tpu.memory_space<vmem>>
      %dma_wait3A_181 = arith.constant 0 : i32
      %dma_wait3A_182 = arith.constant 0 : i32
      %dma_wait3A_183 = tpu.memref_slice %arg13[%dma_wait3A_181, %dma_wait3A_182] : memref<10240x128xf32, #tpu.memory_space<vmem_shared>> -> memref<10240x128xf32, #tpu.memory_space<vmem_shared>>
      tpu.wait_indirect_dma semaphore(%run_scoped3A_171 : memref<!tpu.dma_semaphore, #tpu.memory_space<semaphore_mem>>) src(%arg10 : memref<40x128xf32, #tpu.memory_space<vmem>>) dst(%dma_wait3A_183 : memref<10240x128xf32, #tpu.memory_space<vmem_shared>>)
      tpu.yield
    }) : () -> ()
    %dma_start3A_23 = arith.constant 0 : i32
    %dma_start3A_24 = arith.constant 0 : i32
    %dma_start3A_25 = tpu.memref_slice %arg6[%dma_start3A_23, %dma_start3A_24] : memref<250x40xi32, #tpu.memory_space<vmem>> -> memref<1x40xi32, #tpu.memory_space<vmem>>
    %dma_start3A_26 = tpu.memref_squeeze %dma_start3A_25 : memref<1x40xi32, #tpu.memory_space<vmem>> -> memref<40xi32, #tpu.memory_space<vmem>>
    %dma_start3A_27 = arith.constant 0 : i32
    %dma_start3A_28 = arith.constant 0 : i32
    %dma_start3A_29 = tpu.memref_slice %arg2[%dma_start3A_27, %dma_start3A_28] : memref<10000x128xf32, #tpu.memory_space<hbm>> -> memref<10000x128xf32, #tpu.memory_space<hbm>>
    tpu.enqueue_indirect_dma source(%dma_start3A_29 : memref<10000x128xf32, #tpu.memory_space<hbm>>) target(%arg10 : memref<40x128xf32, #tpu.memory_space<vmem>>) offsets(%dma_start3A_26 : memref<40xi32, #tpu.memory_space<vmem>>) semaphore(%arg14 : memref<!tpu.dma_semaphore, #tpu.memory_space<semaphore_mem>>)
    %dma_start3A_30 = arith.constant 0 : i32
    %dma_start3A_31 = arith.constant 0 : i32
    %dma_start3A_32 = arith.constant 0 : i32
    %dma_start3A_33 = tpu.memref_slice %arg4[%add3A, %dma_start3A_30, %dma_start3A_31, %dma_start3A_32] : memref<32x250x1x40xi32, #tpu.memory_space<hbm>> -> memref<1x1x1x40xi32, #tpu.memory_space<hbm>>
    %dma_start3A_34 = tpu.memref_squeeze %dma_start3A_33 : memref<1x1x1x40xi32, #tpu.memory_space<hbm>> -> memref<1x40xi32, #tpu.memory_space<hbm>>
    %dma_start3A_35 = arith.constant 0 : i32
    %dma_start3A_36 = arith.constant 0 : i32
    %dma_start3A_37 = tpu.memref_slice %arg4[%add3A, %dma_start3A_30, %dma_start3A_35, %dma_start3A_36] : memref<32x250x1x40xi32, #tpu.memory_space<hbm>> -> memref<1x1x1x40xi32, #tpu.memory_space<hbm>>
    %dma_start3A_38 = tpu.memref_squeeze %dma_start3A_37 : memref<1x1x1x40xi32, #tpu.memory_space<hbm>> -> memref<1x40xi32, #tpu.memory_space<hbm>>
    tpu.enqueue_dma source(%dma_start3A_38 : memref<1x40xi32, #tpu.memory_space<hbm>>) target(%arg7 : memref<1x40xi32, #tpu.memory_space<vmem>>) target_semaphore(%arg20 : memref<!tpu.dma_semaphore, #tpu.memory_space<semaphore_mem>>)
    %dma_start3A_39 = arith.constant 1 : i32
    %dma_start3A_40 = arith.constant 0 : i32
    %dma_start3A_41 = tpu.memref_slice %arg6[%dma_start3A_39, %dma_start3A_40] : memref<250x40xi32, #tpu.memory_space<vmem>> -> memref<1x40xi32, #tpu.memory_space<vmem>>
    %dma_start3A_42 = tpu.memref_squeeze %dma_start3A_41 : memref<1x40xi32, #tpu.memory_space<vmem>> -> memref<40xi32, #tpu.memory_space<vmem>>
    %dma_start3A_43 = arith.constant 0 : i32
    %dma_start3A_44 = arith.constant 0 : i32
    %dma_start3A_45 = tpu.memref_slice %arg2[%dma_start3A_43, %dma_start3A_44] : memref<10000x128xf32, #tpu.memory_space<hbm>> -> memref<10000x128xf32, #tpu.memory_space<hbm>>
    tpu.enqueue_indirect_dma source(%dma_start3A_45 : memref<10000x128xf32, #tpu.memory_space<hbm>>) target(%arg11 : memref<40x128xf32, #tpu.memory_space<vmem>>) offsets(%dma_start3A_42 : memref<40xi32, #tpu.memory_space<vmem>>) semaphore(%arg15 : memref<!tpu.dma_semaphore, #tpu.memory_space<semaphore_mem>>)
    %dma_start3A_46 = arith.constant 1 : i32
    %dma_start3A_47 = arith.constant 0 : i32
    %dma_start3A_48 = arith.constant 0 : i32
    %dma_start3A_49 = tpu.memref_slice %arg4[%add3A, %dma_start3A_46, %dma_start3A_47, %dma_start3A_48] : memref<32x250x1x40xi32, #tpu.memory_space<hbm>> -> memref<1x1x1x40xi32, #tpu.memory_space<hbm>>
    %dma_start3A_50 = tpu.memref_squeeze %dma_start3A_49 : memref<1x1x1x40xi32, #tpu.memory_space<hbm>> -> memref<1x40xi32, #tpu.memory_space<hbm>>
    %dma_start3A_51 = arith.constant 0 : i32
    %dma_start3A_52 = arith.constant 0 : i32
    %dma_start3A_53 = tpu.memref_slice %arg4[%add3A, %dma_start3A_46, %dma_start3A_51, %dma_start3A_52] : memref<32x250x1x40xi32, #tpu.memory_space<hbm>> -> memref<1x1x1x40xi32, #tpu.memory_space<hbm>>
    %dma_start3A_54 = tpu.memref_squeeze %dma_start3A_53 : memref<1x1x1x40xi32, #tpu.memory_space<hbm>> -> memref<1x40xi32, #tpu.memory_space<hbm>>
    tpu.enqueue_dma source(%dma_start3A_54 : memref<1x40xi32, #tpu.memory_space<hbm>>) target(%arg8 : memref<1x40xi32, #tpu.memory_space<vmem>>) target_semaphore(%arg21 : memref<!tpu.dma_semaphore, #tpu.memory_space<semaphore_mem>>)
    %dma_start3A_55 = arith.constant 2 : i32
    %dma_start3A_56 = arith.constant 0 : i32
    %dma_start3A_57 = tpu.memref_slice %arg6[%dma_start3A_55, %dma_start3A_56] : memref<250x40xi32, #tpu.memory_space<vmem>> -> memref<1x40xi32, #tpu.memory_space<vmem>>
    %dma_start3A_58 = tpu.memref_squeeze %dma_start3A_57 : memref<1x40xi32, #tpu.memory_space<vmem>> -> memref<40xi32, #tpu.memory_space<vmem>>
    %dma_start3A_59 = arith.constant 0 : i32
    %dma_start3A_60 = arith.constant 0 : i32
    %dma_start3A_61 = tpu.memref_slice %arg2[%dma_start3A_59, %dma_start3A_60] : memref<10000x128xf32, #tpu.memory_space<hbm>> -> memref<10000x128xf32, #tpu.memory_space<hbm>>
    tpu.enqueue_indirect_dma source(%dma_start3A_61 : memref<10000x128xf32, #tpu.memory_space<hbm>>) target(%arg12 : memref<40x128xf32, #tpu.memory_space<vmem>>) offsets(%dma_start3A_58 : memref<40xi32, #tpu.memory_space<vmem>>) semaphore(%arg16 : memref<!tpu.dma_semaphore, #tpu.memory_space<semaphore_mem>>)
    %dma_start3A_62 = arith.constant 2 : i32
    %dma_start3A_63 = arith.constant 0 : i32
    %dma_start3A_64 = arith.constant 0 : i32
    %dma_start3A_65 = tpu.memref_slice %arg4[%add3A, %dma_start3A_62, %dma_start3A_63, %dma_start3A_64] : memref<32x250x1x40xi32, #tpu.memory_space<hbm>> -> memref<1x1x1x40xi32, #tpu.memory_space<hbm>>
    %dma_start3A_66 = tpu.memref_squeeze %dma_start3A_65 : memref<1x1x1x40xi32, #tpu.memory_space<hbm>> -> memref<1x40xi32, #tpu.memory_space<hbm>>
    %dma_start3A_67 = arith.constant 0 : i32
    %dma_start3A_68 = arith.constant 0 : i32
    %dma_start3A_69 = tpu.memref_slice %arg4[%add3A, %dma_start3A_62, %dma_start3A_67, %dma_start3A_68] : memref<32x250x1x40xi32, #tpu.memory_space<hbm>> -> memref<1x1x1x40xi32, #tpu.memory_space<hbm>>
    %dma_start3A_70 = tpu.memref_squeeze %dma_start3A_69 : memref<1x1x1x40xi32, #tpu.memory_space<hbm>> -> memref<1x40xi32, #tpu.memory_space<hbm>>
    tpu.enqueue_dma source(%dma_start3A_70 : memref<1x40xi32, #tpu.memory_space<hbm>>) target(%arg9 : memref<1x40xi32, #tpu.memory_space<vmem>>) target_semaphore(%arg22 : memref<!tpu.dma_semaphore, #tpu.memory_space<semaphore_mem>>)
    %scan3A_71 = arith.constant 0 : i32
    %scan3A_72 = arith.constant 82 : i32
    %scan3A_73 = arith.addi %scan3A_71, %scan3A_72 : i32
    %scan3A_74 = arith.constant 1 : i32
    scf.for %scan3A_171 = %scan3A_71 to %scan3A_73 step %scan3A_74  : i32 {
      %mul3A_172 = arith.constant 1 : i32
      %mul3A_173 = arith.muli %scan3A_171, %mul3A_172 : i32
      %add3A_174 = arith.constant 0 : i32
      %add3A_175 = arith.addi %add3A_174, %mul3A_173 : i32
      %mul3A_176 = arith.constant 3 : i32
      %mul3A_177 = arith.muli %mul3A_176, %add3A_175 : i32
      %add3A_178 = arith.constant 0 : i32
      %add3A_179 = arith.addi %mul3A_177, %add3A_178 : i32
      %dma_wait3A_180 = arith.constant 0 : i32
      %dma_wait3A_181 = tpu.memref_slice %arg6[%add3A_179, %dma_wait3A_180] : memref<250x40xi32, #tpu.memory_space<vmem>> -> memref<1x40xi32, #tpu.memory_space<vmem>>
      %dma_wait3A_182 = tpu.memref_squeeze %dma_wait3A_181 : memref<1x40xi32, #tpu.memory_space<vmem>> -> memref<40xi32, #tpu.memory_space<vmem>>
      %dma_wait3A_183 = arith.constant 0 : i32
      %dma_wait3A_184 = arith.constant 0 : i32
      %dma_wait3A_185 = tpu.memref_slice %arg2[%dma_wait3A_183, %dma_wait3A_184] : memref<10000x128xf32, #tpu.memory_space<hbm>> -> memref<10000x128xf32, #tpu.memory_space<hbm>>
      tpu.wait_indirect_dma semaphore(%arg14 : memref<!tpu.dma_semaphore, #tpu.memory_space<semaphore_mem>>) src(%dma_wait3A_185 : memref<10000x128xf32, #tpu.memory_space<hbm>>) dst(%arg10 : memref<40x128xf32, #tpu.memory_space<vmem>>)
      %add3A_186 = arith.constant 0 : i32
      %add3A_187 = arith.addi %mul3A_177, %add3A_186 : i32
      %dma_wait3A_188 = arith.constant 0 : i32
      %dma_wait3A_189 = arith.constant 0 : i32
      %dma_wait3A_190 = tpu.memref_slice %arg4[%add3A, %add3A_187, %dma_wait3A_188, %dma_wait3A_189] : memref<32x250x1x40xi32, #tpu.memory_space<hbm>> -> memref<1x1x1x40xi32, #tpu.memory_space<hbm>>
      %dma_wait3A_191 = tpu.memref_squeeze %dma_wait3A_190 : memref<1x1x1x40xi32, #tpu.memory_space<hbm>> -> memref<1x40xi32, #tpu.memory_space<hbm>>
      %dma_wait3A_192 = arith.constant 0 : i32
      %dma_wait3A_193 = arith.constant 0 : i32
      %dma_wait3A_194 = tpu.memref_slice %arg4[%add3A, %add3A_187, %dma_wait3A_192, %dma_wait3A_193] : memref<32x250x1x40xi32, #tpu.memory_space<hbm>> -> memref<1x1x1x40xi32, #tpu.memory_space<hbm>>
      %dma_wait3A_195 = tpu.memref_squeeze %dma_wait3A_194 : memref<1x1x1x40xi32, #tpu.memory_space<hbm>> -> memref<1x40xi32, #tpu.memory_space<hbm>>
      tpu.wait_dma2 semaphore(%arg20 : memref<!tpu.dma_semaphore, #tpu.memory_space<semaphore_mem>>) src(%dma_wait3A_195 : memref<1x40xi32, #tpu.memory_space<hbm>>) dst(%arg7 : memref<1x40xi32, #tpu.memory_space<vmem>>)
      %dma_start3A_196 = arith.constant 0 : i32
      %dma_start3A_197 = arith.constant 0 : i32
      %dma_start3A_198 = tpu.memref_slice %arg7[%dma_start3A_196, %dma_start3A_197] : memref<1x40xi32, #tpu.memory_space<vmem>> -> memref<1x40xi32, #tpu.memory_space<vmem>>
      %dma_start3A_199 = tpu.memref_squeeze %dma_start3A_198 : memref<1x40xi32, #tpu.memory_space<vmem>> -> memref<40xi32, #tpu.memory_space<vmem>>
      %dma_start3A_200 = arith.constant 0 : i32
      %dma_start3A_201 = arith.constant 0 : i32
      %dma_start3A_202 = tpu.memref_slice %arg13[%dma_start3A_200, %dma_start3A_201] : memref<10240x128xf32, #tpu.memory_space<vmem_shared>> -> memref<10240x128xf32, #tpu.memory_space<vmem_shared>>
      tpu.enqueue_indirect_dma source(%arg10 : memref<40x128xf32, #tpu.memory_space<vmem>>) target(%dma_start3A_202 : memref<10240x128xf32, #tpu.memory_space<vmem_shared>>) offsets(%dma_start3A_199 : memref<40xi32, #tpu.memory_space<vmem>>) semaphore(%arg17 : memref<!tpu.dma_semaphore, #tpu.memory_space<semaphore_mem>>) {add = true}
      %add3A_203 = arith.constant 1 : i32
      %add3A_204 = arith.addi %mul3A_177, %add3A_203 : i32
      %dma_wait3A_205 = arith.constant 0 : i32
      %dma_wait3A_206 = tpu.memref_slice %arg6[%add3A_204, %dma_wait3A_205] : memref<250x40xi32, #tpu.memory_space<vmem>> -> memref<1x40xi32, #tpu.memory_space<vmem>>
      %dma_wait3A_207 = tpu.memref_squeeze %dma_wait3A_206 : memref<1x40xi32, #tpu.memory_space<vmem>> -> memref<40xi32, #tpu.memory_space<vmem>>
      %dma_wait3A_208 = arith.constant 0 : i32
      %dma_wait3A_209 = arith.constant 0 : i32
      %dma_wait3A_210 = tpu.memref_slice %arg2[%dma_wait3A_208, %dma_wait3A_209] : memref<10000x128xf32, #tpu.memory_space<hbm>> -> memref<10000x128xf32, #tpu.memory_space<hbm>>
      tpu.wait_indirect_dma semaphore(%arg15 : memref<!tpu.dma_semaphore, #tpu.memory_space<semaphore_mem>>) src(%dma_wait3A_210 : memref<10000x128xf32, #tpu.memory_space<hbm>>) dst(%arg11 : memref<40x128xf32, #tpu.memory_space<vmem>>)
      %add3A_211 = arith.constant 1 : i32
      %add3A_212 = arith.addi %mul3A_177, %add3A_211 : i32
      %dma_wait3A_213 = arith.constant 0 : i32
      %dma_wait3A_214 = arith.constant 0 : i32
      %dma_wait3A_215 = tpu.memref_slice %arg4[%add3A, %add3A_212, %dma_wait3A_213, %dma_wait3A_214] : memref<32x250x1x40xi32, #tpu.memory_space<hbm>> -> memref<1x1x1x40xi32, #tpu.memory_space<hbm>>
      %dma_wait3A_216 = tpu.memref_squeeze %dma_wait3A_215 : memref<1x1x1x40xi32, #tpu.memory_space<hbm>> -> memref<1x40xi32, #tpu.memory_space<hbm>>
      %dma_wait3A_217 = arith.constant 0 : i32
      %dma_wait3A_218 = arith.constant 0 : i32
      %dma_wait3A_219 = tpu.memref_slice %arg4[%add3A, %add3A_212, %dma_wait3A_217, %dma_wait3A_218] : memref<32x250x1x40xi32, #tpu.memory_space<hbm>> -> memref<1x1x1x40xi32, #tpu.memory_space<hbm>>
      %dma_wait3A_220 = tpu.memref_squeeze %dma_wait3A_219 : memref<1x1x1x40xi32, #tpu.memory_space<hbm>> -> memref<1x40xi32, #tpu.memory_space<hbm>>
      tpu.wait_dma2 semaphore(%arg21 : memref<!tpu.dma_semaphore, #tpu.memory_space<semaphore_mem>>) src(%dma_wait3A_220 : memref<1x40xi32, #tpu.memory_space<hbm>>) dst(%arg8 : memref<1x40xi32, #tpu.memory_space<vmem>>)
      %dma_start3A_221 = arith.constant 0 : i32
      %dma_start3A_222 = arith.constant 0 : i32
      %dma_start3A_223 = tpu.memref_slice %arg8[%dma_start3A_221, %dma_start3A_222] : memref<1x40xi32, #tpu.memory_space<vmem>> -> memref<1x40xi32, #tpu.memory_space<vmem>>
      %dma_start3A_224 = tpu.memref_squeeze %dma_start3A_223 : memref<1x40xi32, #tpu.memory_space<vmem>> -> memref<40xi32, #tpu.memory_space<vmem>>
      %dma_start3A_225 = arith.constant 0 : i32
      %dma_start3A_226 = arith.constant 0 : i32
      %dma_start3A_227 = tpu.memref_slice %arg13[%dma_start3A_225, %dma_start3A_226] : memref<10240x128xf32, #tpu.memory_space<vmem_shared>> -> memref<10240x128xf32, #tpu.memory_space<vmem_shared>>
      tpu.enqueue_indirect_dma source(%arg11 : memref<40x128xf32, #tpu.memory_space<vmem>>) target(%dma_start3A_227 : memref<10240x128xf32, #tpu.memory_space<vmem_shared>>) offsets(%dma_start3A_224 : memref<40xi32, #tpu.memory_space<vmem>>) semaphore(%arg18 : memref<!tpu.dma_semaphore, #tpu.memory_space<semaphore_mem>>) {add = true}
      %add3A_228 = arith.constant 2 : i32
      %add3A_229 = arith.addi %mul3A_177, %add3A_228 : i32
      %dma_wait3A_230 = arith.constant 0 : i32
      %dma_wait3A_231 = tpu.memref_slice %arg6[%add3A_229, %dma_wait3A_230] : memref<250x40xi32, #tpu.memory_space<vmem>> -> memref<1x40xi32, #tpu.memory_space<vmem>>
      %dma_wait3A_232 = tpu.memref_squeeze %dma_wait3A_231 : memref<1x40xi32, #tpu.memory_space<vmem>> -> memref<40xi32, #tpu.memory_space<vmem>>
      %dma_wait3A_233 = arith.constant 0 : i32
      %dma_wait3A_234 = arith.constant 0 : i32
      %dma_wait3A_235 = tpu.memref_slice %arg2[%dma_wait3A_233, %dma_wait3A_234] : memref<10000x128xf32, #tpu.memory_space<hbm>> -> memref<10000x128xf32, #tpu.memory_space<hbm>>
      tpu.wait_indirect_dma semaphore(%arg16 : memref<!tpu.dma_semaphore, #tpu.memory_space<semaphore_mem>>) src(%dma_wait3A_235 : memref<10000x128xf32, #tpu.memory_space<hbm>>) dst(%arg12 : memref<40x128xf32, #tpu.memory_space<vmem>>)
      %add3A_236 = arith.constant 2 : i32
      %add3A_237 = arith.addi %mul3A_177, %add3A_236 : i32
      %dma_wait3A_238 = arith.constant 0 : i32
      %dma_wait3A_239 = arith.constant 0 : i32
      %dma_wait3A_240 = tpu.memref_slice %arg4[%add3A, %add3A_237, %dma_wait3A_238, %dma_wait3A_239] : memref<32x250x1x40xi32, #tpu.memory_space<hbm>> -> memref<1x1x1x40xi32, #tpu.memory_space<hbm>>
      %dma_wait3A_241 = tpu.memref_squeeze %dma_wait3A_240 : memref<1x1x1x40xi32, #tpu.memory_space<hbm>> -> memref<1x40xi32, #tpu.memory_space<hbm>>
      %dma_wait3A_242 = arith.constant 0 : i32
      %dma_wait3A_243 = arith.constant 0 : i32
      %dma_wait3A_244 = tpu.memref_slice %arg4[%add3A, %add3A_237, %dma_wait3A_242, %dma_wait3A_243] : memref<32x250x1x40xi32, #tpu.memory_space<hbm>> -> memref<1x1x1x40xi32, #tpu.memory_space<hbm>>
      %dma_wait3A_245 = tpu.memref_squeeze %dma_wait3A_244 : memref<1x1x1x40xi32, #tpu.memory_space<hbm>> -> memref<1x40xi32, #tpu.memory_space<hbm>>
      tpu.wait_dma2 semaphore(%arg22 : memref<!tpu.dma_semaphore, #tpu.memory_space<semaphore_mem>>) src(%dma_wait3A_245 : memref<1x40xi32, #tpu.memory_space<hbm>>) dst(%arg9 : memref<1x40xi32, #tpu.memory_space<vmem>>)
      %dma_start3A_246 = arith.constant 0 : i32
      %dma_start3A_247 = arith.constant 0 : i32
      %dma_start3A_248 = tpu.memref_slice %arg9[%dma_start3A_246, %dma_start3A_247] : memref<1x40xi32, #tpu.memory_space<vmem>> -> memref<1x40xi32, #tpu.memory_space<vmem>>
      %dma_start3A_249 = tpu.memref_squeeze %dma_start3A_248 : memref<1x40xi32, #tpu.memory_space<vmem>> -> memref<40xi32, #tpu.memory_space<vmem>>
      %dma_start3A_250 = arith.constant 0 : i32
      %dma_start3A_251 = arith.constant 0 : i32
      %dma_start3A_252 = tpu.memref_slice %arg13[%dma_start3A_250, %dma_start3A_251] : memref<10240x128xf32, #tpu.memory_space<vmem_shared>> -> memref<10240x128xf32, #tpu.memory_space<vmem_shared>>
      tpu.enqueue_indirect_dma source(%arg12 : memref<40x128xf32, #tpu.memory_space<vmem>>) target(%dma_start3A_252 : memref<10240x128xf32, #tpu.memory_space<vmem_shared>>) offsets(%dma_start3A_249 : memref<40xi32, #tpu.memory_space<vmem>>) semaphore(%arg19 : memref<!tpu.dma_semaphore, #tpu.memory_space<semaphore_mem>>) {add = true}
      %add3A_253 = arith.constant 0 : i32
      %add3A_254 = arith.addi %mul3A_177, %add3A_253 : i32
      %dma_wait3A_255 = arith.constant 0 : i32
      %dma_wait3A_256 = tpu.memref_slice %arg6[%add3A_254, %dma_wait3A_255] : memref<250x40xi32, #tpu.memory_space<vmem>> -> memref<1x40xi32, #tpu.memory_space<vmem>>
      %dma_wait3A_257 = tpu.memref_squeeze %dma_wait3A_256 : memref<1x40xi32, #tpu.memory_space<vmem>> -> memref<40xi32, #tpu.memory_space<vmem>>
      %dma_wait3A_258 = arith.constant 0 : i32
      %dma_wait3A_259 = arith.constant 0 : i32
      %dma_wait3A_260 = tpu.memref_slice %arg2[%dma_wait3A_258, %dma_wait3A_259] : memref<10000x128xf32, #tpu.memory_space<hbm>> -> memref<10000x128xf32, #tpu.memory_space<hbm>>
      tpu.wait_indirect_dma semaphore(%arg17 : memref<!tpu.dma_semaphore, #tpu.memory_space<semaphore_mem>>) src(%dma_wait3A_260 : memref<10000x128xf32, #tpu.memory_space<hbm>>) dst(%arg10 : memref<40x128xf32, #tpu.memory_space<vmem>>)
      %add3A_261 = arith.constant 3 : i32
      %add3A_262 = arith.addi %mul3A_177, %add3A_261 : i32
      %add3A_263 = arith.constant 0 : i32
      %add3A_264 = arith.addi %add3A_262, %add3A_263 : i32
      %dma_start3A_265 = arith.constant 0 : i32
      %dma_start3A_266 = tpu.memref_slice %arg6[%add3A_264, %dma_start3A_265] : memref<250x40xi32, #tpu.memory_space<vmem>> -> memref<1x40xi32, #tpu.memory_space<vmem>>
      %dma_start3A_267 = tpu.memref_squeeze %dma_start3A_266 : memref<1x40xi32, #tpu.memory_space<vmem>> -> memref<40xi32, #tpu.memory_space<vmem>>
      %dma_start3A_268 = arith.constant 0 : i32
      %dma_start3A_269 = arith.constant 0 : i32
      %dma_start3A_270 = tpu.memref_slice %arg2[%dma_start3A_268, %dma_start3A_269] : memref<10000x128xf32, #tpu.memory_space<hbm>> -> memref<10000x128xf32, #tpu.memory_space<hbm>>
      tpu.enqueue_indirect_dma source(%dma_start3A_270 : memref<10000x128xf32, #tpu.memory_space<hbm>>) target(%arg10 : memref<40x128xf32, #tpu.memory_space<vmem>>) offsets(%dma_start3A_267 : memref<40xi32, #tpu.memory_space<vmem>>) semaphore(%arg14 : memref<!tpu.dma_semaphore, #tpu.memory_space<semaphore_mem>>)
      %add3A_271 = arith.constant 3 : i32
      %add3A_272 = arith.addi %mul3A_177, %add3A_271 : i32
      %add3A_273 = arith.constant 0 : i32
      %add3A_274 = arith.addi %add3A_272, %add3A_273 : i32
      %dma_start3A_275 = arith.constant 0 : i32
      %dma_start3A_276 = arith.constant 0 : i32
      %dma_start3A_277 = tpu.memref_slice %arg4[%add3A, %add3A_274, %dma_start3A_275, %dma_start3A_276] : memref<32x250x1x40xi32, #tpu.memory_space<hbm>> -> memref<1x1x1x40xi32, #tpu.memory_space<hbm>>
      %dma_start3A_278 = tpu.memref_squeeze %dma_start3A_277 : memref<1x1x1x40xi32, #tpu.memory_space<hbm>> -> memref<1x40xi32, #tpu.memory_space<hbm>>
      %dma_start3A_279 = arith.constant 0 : i32
      %dma_start3A_280 = arith.constant 0 : i32
      %dma_start3A_281 = tpu.memref_slice %arg4[%add3A, %add3A_274, %dma_start3A_279, %dma_start3A_280] : memref<32x250x1x40xi32, #tpu.memory_space<hbm>> -> memref<1x1x1x40xi32, #tpu.memory_space<hbm>>
      %dma_start3A_282 = tpu.memref_squeeze %dma_start3A_281 : memref<1x1x1x40xi32, #tpu.memory_space<hbm>> -> memref<1x40xi32, #tpu.memory_space<hbm>>
      tpu.enqueue_dma source(%dma_start3A_282 : memref<1x40xi32, #tpu.memory_space<hbm>>) target(%arg7 : memref<1x40xi32, #tpu.memory_space<vmem>>) target_semaphore(%arg20 : memref<!tpu.dma_semaphore, #tpu.memory_space<semaphore_mem>>)
      %add3A_283 = arith.constant 1 : i32
      %add3A_284 = arith.addi %mul3A_177, %add3A_283 : i32
      %dma_wait3A_285 = arith.constant 0 : i32
      %dma_wait3A_286 = tpu.memref_slice %arg6[%add3A_284, %dma_wait3A_285] : memref<250x40xi32, #tpu.memory_space<vmem>> -> memref<1x40xi32, #tpu.memory_space<vmem>>
      %dma_wait3A_287 = tpu.memref_squeeze %dma_wait3A_286 : memref<1x40xi32, #tpu.memory_space<vmem>> -> memref<40xi32, #tpu.memory_space<vmem>>
      %dma_wait3A_288 = arith.constant 0 : i32
      %dma_wait3A_289 = arith.constant 0 : i32
      %dma_wait3A_290 = tpu.memref_slice %arg2[%dma_wait3A_288, %dma_wait3A_289] : memref<10000x128xf32, #tpu.memory_space<hbm>> -> memref<10000x128xf32, #tpu.memory_space<hbm>>
      tpu.wait_indirect_dma semaphore(%arg18 : memref<!tpu.dma_semaphore, #tpu.memory_space<semaphore_mem>>) src(%dma_wait3A_290 : memref<10000x128xf32, #tpu.memory_space<hbm>>) dst(%arg11 : memref<40x128xf32, #tpu.memory_space<vmem>>)
      %add3A_291 = arith.constant 3 : i32
      %add3A_292 = arith.addi %mul3A_177, %add3A_291 : i32
      %add3A_293 = arith.constant 1 : i32
      %add3A_294 = arith.addi %add3A_292, %add3A_293 : i32
      %dma_start3A_295 = arith.constant 0 : i32
      %dma_start3A_296 = tpu.memref_slice %arg6[%add3A_294, %dma_start3A_295] : memref<250x40xi32, #tpu.memory_space<vmem>> -> memref<1x40xi32, #tpu.memory_space<vmem>>
      %dma_start3A_297 = tpu.memref_squeeze %dma_start3A_296 : memref<1x40xi32, #tpu.memory_space<vmem>> -> memref<40xi32, #tpu.memory_space<vmem>>
      %dma_start3A_298 = arith.constant 0 : i32
      %dma_start3A_299 = arith.constant 0 : i32
      %dma_start3A_300 = tpu.memref_slice %arg2[%dma_start3A_298, %dma_start3A_299] : memref<10000x128xf32, #tpu.memory_space<hbm>> -> memref<10000x128xf32, #tpu.memory_space<hbm>>
      tpu.enqueue_indirect_dma source(%dma_start3A_300 : memref<10000x128xf32, #tpu.memory_space<hbm>>) target(%arg11 : memref<40x128xf32, #tpu.memory_space<vmem>>) offsets(%dma_start3A_297 : memref<40xi32, #tpu.memory_space<vmem>>) semaphore(%arg15 : memref<!tpu.dma_semaphore, #tpu.memory_space<semaphore_mem>>)
      %add3A_301 = arith.constant 3 : i32
      %add3A_302 = arith.addi %mul3A_177, %add3A_301 : i32
      %add3A_303 = arith.constant 1 : i32
      %add3A_304 = arith.addi %add3A_302, %add3A_303 : i32
      %dma_start3A_305 = arith.constant 0 : i32
      %dma_start3A_306 = arith.constant 0 : i32
      %dma_start3A_307 = tpu.memref_slice %arg4[%add3A, %add3A_304, %dma_start3A_305, %dma_start3A_306] : memref<32x250x1x40xi32, #tpu.memory_space<hbm>> -> memref<1x1x1x40xi32, #tpu.memory_space<hbm>>
      %dma_start3A_308 = tpu.memref_squeeze %dma_start3A_307 : memref<1x1x1x40xi32, #tpu.memory_space<hbm>> -> memref<1x40xi32, #tpu.memory_space<hbm>>
      %dma_start3A_309 = arith.constant 0 : i32
      %dma_start3A_310 = arith.constant 0 : i32
      %dma_start3A_311 = tpu.memref_slice %arg4[%add3A, %add3A_304, %dma_start3A_309, %dma_start3A_310] : memref<32x250x1x40xi32, #tpu.memory_space<hbm>> -> memref<1x1x1x40xi32, #tpu.memory_space<hbm>>
      %dma_start3A_312 = tpu.memref_squeeze %dma_start3A_311 : memref<1x1x1x40xi32, #tpu.memory_space<hbm>> -> memref<1x40xi32, #tpu.memory_space<hbm>>
      tpu.enqueue_dma source(%dma_start3A_312 : memref<1x40xi32, #tpu.memory_space<hbm>>) target(%arg8 : memref<1x40xi32, #tpu.memory_space<vmem>>) target_semaphore(%arg21 : memref<!tpu.dma_semaphore, #tpu.memory_space<semaphore_mem>>)
      %add3A_313 = arith.constant 2 : i32
      %add3A_314 = arith.addi %mul3A_177, %add3A_313 : i32
      %dma_wait3A_315 = arith.constant 0 : i32
      %dma_wait3A_316 = tpu.memref_slice %arg6[%add3A_314, %dma_wait3A_315] : memref<250x40xi32, #tpu.memory_space<vmem>> -> memref<1x40xi32, #tpu.memory_space<vmem>>
      %dma_wait3A_317 = tpu.memref_squeeze %dma_wait3A_316 : memref<1x40xi32, #tpu.memory_space<vmem>> -> memref<40xi32, #tpu.memory_space<vmem>>
      %dma_wait3A_318 = arith.constant 0 : i32
      %dma_wait3A_319 = arith.constant 0 : i32
      %dma_wait3A_320 = tpu.memref_slice %arg2[%dma_wait3A_318, %dma_wait3A_319] : memref<10000x128xf32, #tpu.memory_space<hbm>> -> memref<10000x128xf32, #tpu.memory_space<hbm>>
      tpu.wait_indirect_dma semaphore(%arg19 : memref<!tpu.dma_semaphore, #tpu.memory_space<semaphore_mem>>) src(%dma_wait3A_320 : memref<10000x128xf32, #tpu.memory_space<hbm>>) dst(%arg12 : memref<40x128xf32, #tpu.memory_space<vmem>>)
      %add3A_321 = arith.constant 3 : i32
      %add3A_322 = arith.addi %mul3A_177, %add3A_321 : i32
      %add3A_323 = arith.constant 2 : i32
      %add3A_324 = arith.addi %add3A_322, %add3A_323 : i32
      %dma_start3A_325 = arith.constant 0 : i32
      %dma_start3A_326 = tpu.memref_slice %arg6[%add3A_324, %dma_start3A_325] : memref<250x40xi32, #tpu.memory_space<vmem>> -> memref<1x40xi32, #tpu.memory_space<vmem>>
      %dma_start3A_327 = tpu.memref_squeeze %dma_start3A_326 : memref<1x40xi32, #tpu.memory_space<vmem>> -> memref<40xi32, #tpu.memory_space<vmem>>
      %dma_start3A_328 = arith.constant 0 : i32
      %dma_start3A_329 = arith.constant 0 : i32
      %dma_start3A_330 = tpu.memref_slice %arg2[%dma_start3A_328, %dma_start3A_329] : memref<10000x128xf32, #tpu.memory_space<hbm>> -> memref<10000x128xf32, #tpu.memory_space<hbm>>
      tpu.enqueue_indirect_dma source(%dma_start3A_330 : memref<10000x128xf32, #tpu.memory_space<hbm>>) target(%arg12 : memref<40x128xf32, #tpu.memory_space<vmem>>) offsets(%dma_start3A_327 : memref<40xi32, #tpu.memory_space<vmem>>) semaphore(%arg16 : memref<!tpu.dma_semaphore, #tpu.memory_space<semaphore_mem>>)
      %add3A_331 = arith.constant 3 : i32
      %add3A_332 = arith.addi %mul3A_177, %add3A_331 : i32
      %add3A_333 = arith.constant 2 : i32
      %add3A_334 = arith.addi %add3A_332, %add3A_333 : i32
      %dma_start3A_335 = arith.constant 0 : i32
      %dma_start3A_336 = arith.constant 0 : i32
      %dma_start3A_337 = tpu.memref_slice %arg4[%add3A, %add3A_334, %dma_start3A_335, %dma_start3A_336] : memref<32x250x1x40xi32, #tpu.memory_space<hbm>> -> memref<1x1x1x40xi32, #tpu.memory_space<hbm>>
      %dma_start3A_338 = tpu.memref_squeeze %dma_start3A_337 : memref<1x1x1x40xi32, #tpu.memory_space<hbm>> -> memref<1x40xi32, #tpu.memory_space<hbm>>
      %dma_start3A_339 = arith.constant 0 : i32
      %dma_start3A_340 = arith.constant 0 : i32
      %dma_start3A_341 = tpu.memref_slice %arg4[%add3A, %add3A_334, %dma_start3A_339, %dma_start3A_340] : memref<32x250x1x40xi32, #tpu.memory_space<hbm>> -> memref<1x1x1x40xi32, #tpu.memory_space<hbm>>
      %dma_start3A_342 = tpu.memref_squeeze %dma_start3A_341 : memref<1x1x1x40xi32, #tpu.memory_space<hbm>> -> memref<1x40xi32, #tpu.memory_space<hbm>>
      tpu.enqueue_dma source(%dma_start3A_342 : memref<1x40xi32, #tpu.memory_space<hbm>>) target(%arg9 : memref<1x40xi32, #tpu.memory_space<vmem>>) target_semaphore(%arg22 : memref<!tpu.dma_semaphore, #tpu.memory_space<semaphore_mem>>)
    }
    %scan3A_75 = arith.constant 82 : i32
    %dma_wait3A_76 = arith.constant 246 : i32
    %dma_wait3A_77 = arith.constant 0 : i32
    %dma_wait3A_78 = tpu.memref_slice %arg6[%dma_wait3A_76, %dma_wait3A_77] : memref<250x40xi32, #tpu.memory_space<vmem>> -> memref<1x40xi32, #tpu.memory_space<vmem>>
    %dma_wait3A_79 = tpu.memref_squeeze %dma_wait3A_78 : memref<1x40xi32, #tpu.memory_space<vmem>> -> memref<40xi32, #tpu.memory_space<vmem>>
    %dma_wait3A_80 = arith.constant 0 : i32
    %dma_wait3A_81 = arith.constant 0 : i32
    %dma_wait3A_82 = tpu.memref_slice %arg2[%dma_wait3A_80, %dma_wait3A_81] : memref<10000x128xf32, #tpu.memory_space<hbm>> -> memref<10000x128xf32, #tpu.memory_space<hbm>>
    tpu.wait_indirect_dma semaphore(%arg14 : memref<!tpu.dma_semaphore, #tpu.memory_space<semaphore_mem>>) src(%dma_wait3A_82 : memref<10000x128xf32, #tpu.memory_space<hbm>>) dst(%arg10 : memref<40x128xf32, #tpu.memory_space<vmem>>)
    %dma_wait3A_83 = arith.constant 246 : i32
    %dma_wait3A_84 = arith.constant 0 : i32
    %dma_wait3A_85 = arith.constant 0 : i32
    %dma_wait3A_86 = tpu.memref_slice %arg4[%add3A, %dma_wait3A_83, %dma_wait3A_84, %dma_wait3A_85] : memref<32x250x1x40xi32, #tpu.memory_space<hbm>> -> memref<1x1x1x40xi32, #tpu.memory_space<hbm>>
    %dma_wait3A_87 = tpu.memref_squeeze %dma_wait3A_86 : memref<1x1x1x40xi32, #tpu.memory_space<hbm>> -> memref<1x40xi32, #tpu.memory_space<hbm>>
    %dma_wait3A_88 = arith.constant 0 : i32
    %dma_wait3A_89 = arith.constant 0 : i32
    %dma_wait3A_90 = tpu.memref_slice %arg4[%add3A, %dma_wait3A_83, %dma_wait3A_88, %dma_wait3A_89] : memref<32x250x1x40xi32, #tpu.memory_space<hbm>> -> memref<1x1x1x40xi32, #tpu.memory_space<hbm>>
    %dma_wait3A_91 = tpu.memref_squeeze %dma_wait3A_90 : memref<1x1x1x40xi32, #tpu.memory_space<hbm>> -> memref<1x40xi32, #tpu.memory_space<hbm>>
    tpu.wait_dma2 semaphore(%arg20 : memref<!tpu.dma_semaphore, #tpu.memory_space<semaphore_mem>>) src(%dma_wait3A_91 : memref<1x40xi32, #tpu.memory_space<hbm>>) dst(%arg7 : memref<1x40xi32, #tpu.memory_space<vmem>>)
    %dma_start3A_92 = arith.constant 0 : i32
    %dma_start3A_93 = arith.constant 0 : i32
    %dma_start3A_94 = tpu.memref_slice %arg7[%dma_start3A_92, %dma_start3A_93] : memref<1x40xi32, #tpu.memory_space<vmem>> -> memref<1x40xi32, #tpu.memory_space<vmem>>
    %dma_start3A_95 = tpu.memref_squeeze %dma_start3A_94 : memref<1x40xi32, #tpu.memory_space<vmem>> -> memref<40xi32, #tpu.memory_space<vmem>>
    %dma_start3A_96 = arith.constant 0 : i32
    %dma_start3A_97 = arith.constant 0 : i32
    %dma_start3A_98 = tpu.memref_slice %arg13[%dma_start3A_96, %dma_start3A_97] : memref<10240x128xf32, #tpu.memory_space<vmem_shared>> -> memref<10240x128xf32, #tpu.memory_space<vmem_shared>>
    tpu.enqueue_indirect_dma source(%arg10 : memref<40x128xf32, #tpu.memory_space<vmem>>) target(%dma_start3A_98 : memref<10240x128xf32, #tpu.memory_space<vmem_shared>>) offsets(%dma_start3A_95 : memref<40xi32, #tpu.memory_space<vmem>>) semaphore(%arg17 : memref<!tpu.dma_semaphore, #tpu.memory_space<semaphore_mem>>) {add = true}
    %dma_wait3A_99 = arith.constant 247 : i32
    %dma_wait3A_100 = arith.constant 0 : i32
    %dma_wait3A_101 = tpu.memref_slice %arg6[%dma_wait3A_99, %dma_wait3A_100] : memref<250x40xi32, #tpu.memory_space<vmem>> -> memref<1x40xi32, #tpu.memory_space<vmem>>
    %dma_wait3A_102 = tpu.memref_squeeze %dma_wait3A_101 : memref<1x40xi32, #tpu.memory_space<vmem>> -> memref<40xi32, #tpu.memory_space<vmem>>
    %dma_wait3A_103 = arith.constant 0 : i32
    %dma_wait3A_104 = arith.constant 0 : i32
    %dma_wait3A_105 = tpu.memref_slice %arg2[%dma_wait3A_103, %dma_wait3A_104] : memref<10000x128xf32, #tpu.memory_space<hbm>> -> memref<10000x128xf32, #tpu.memory_space<hbm>>
    tpu.wait_indirect_dma semaphore(%arg15 : memref<!tpu.dma_semaphore, #tpu.memory_space<semaphore_mem>>) src(%dma_wait3A_105 : memref<10000x128xf32, #tpu.memory_space<hbm>>) dst(%arg11 : memref<40x128xf32, #tpu.memory_space<vmem>>)
    %dma_wait3A_106 = arith.constant 247 : i32
    %dma_wait3A_107 = arith.constant 0 : i32
    %dma_wait3A_108 = arith.constant 0 : i32
    %dma_wait3A_109 = tpu.memref_slice %arg4[%add3A, %dma_wait3A_106, %dma_wait3A_107, %dma_wait3A_108] : memref<32x250x1x40xi32, #tpu.memory_space<hbm>> -> memref<1x1x1x40xi32, #tpu.memory_space<hbm>>
    %dma_wait3A_110 = tpu.memref_squeeze %dma_wait3A_109 : memref<1x1x1x40xi32, #tpu.memory_space<hbm>> -> memref<1x40xi32, #tpu.memory_space<hbm>>
    %dma_wait3A_111 = arith.constant 0 : i32
    %dma_wait3A_112 = arith.constant 0 : i32
    %dma_wait3A_113 = tpu.memref_slice %arg4[%add3A, %dma_wait3A_106, %dma_wait3A_111, %dma_wait3A_112] : memref<32x250x1x40xi32, #tpu.memory_space<hbm>> -> memref<1x1x1x40xi32, #tpu.memory_space<hbm>>
    %dma_wait3A_114 = tpu.memref_squeeze %dma_wait3A_113 : memref<1x1x1x40xi32, #tpu.memory_space<hbm>> -> memref<1x40xi32, #tpu.memory_space<hbm>>
    tpu.wait_dma2 semaphore(%arg21 : memref<!tpu.dma_semaphore, #tpu.memory_space<semaphore_mem>>) src(%dma_wait3A_114 : memref<1x40xi32, #tpu.memory_space<hbm>>) dst(%arg8 : memref<1x40xi32, #tpu.memory_space<vmem>>)
    %dma_start3A_115 = arith.constant 0 : i32
    %dma_start3A_116 = arith.constant 0 : i32
    %dma_start3A_117 = tpu.memref_slice %arg8[%dma_start3A_115, %dma_start3A_116] : memref<1x40xi32, #tpu.memory_space<vmem>> -> memref<1x40xi32, #tpu.memory_space<vmem>>
    %dma_start3A_118 = tpu.memref_squeeze %dma_start3A_117 : memref<1x40xi32, #tpu.memory_space<vmem>> -> memref<40xi32, #tpu.memory_space<vmem>>
    %dma_start3A_119 = arith.constant 0 : i32
    %dma_start3A_120 = arith.constant 0 : i32
    %dma_start3A_121 = tpu.memref_slice %arg13[%dma_start3A_119, %dma_start3A_120] : memref<10240x128xf32, #tpu.memory_space<vmem_shared>> -> memref<10240x128xf32, #tpu.memory_space<vmem_shared>>
    tpu.enqueue_indirect_dma source(%arg11 : memref<40x128xf32, #tpu.memory_space<vmem>>) target(%dma_start3A_121 : memref<10240x128xf32, #tpu.memory_space<vmem_shared>>) offsets(%dma_start3A_118 : memref<40xi32, #tpu.memory_space<vmem>>) semaphore(%arg18 : memref<!tpu.dma_semaphore, #tpu.memory_space<semaphore_mem>>) {add = true}
    %dma_wait3A_122 = arith.constant 248 : i32
    %dma_wait3A_123 = arith.constant 0 : i32
    %dma_wait3A_124 = tpu.memref_slice %arg6[%dma_wait3A_122, %dma_wait3A_123] : memref<250x40xi32, #tpu.memory_space<vmem>> -> memref<1x40xi32, #tpu.memory_space<vmem>>
    %dma_wait3A_125 = tpu.memref_squeeze %dma_wait3A_124 : memref<1x40xi32, #tpu.memory_space<vmem>> -> memref<40xi32, #tpu.memory_space<vmem>>
    %dma_wait3A_126 = arith.constant 0 : i32
    %dma_wait3A_127 = arith.constant 0 : i32
    %dma_wait3A_128 = tpu.memref_slice %arg2[%dma_wait3A_126, %dma_wait3A_127] : memref<10000x128xf32, #tpu.memory_space<hbm>> -> memref<10000x128xf32, #tpu.memory_space<hbm>>
    tpu.wait_indirect_dma semaphore(%arg16 : memref<!tpu.dma_semaphore, #tpu.memory_space<semaphore_mem>>) src(%dma_wait3A_128 : memref<10000x128xf32, #tpu.memory_space<hbm>>) dst(%arg12 : memref<40x128xf32, #tpu.memory_space<vmem>>)
    %dma_wait3A_129 = arith.constant 248 : i32
    %dma_wait3A_130 = arith.constant 0 : i32
    %dma_wait3A_131 = arith.constant 0 : i32
    %dma_wait3A_132 = tpu.memref_slice %arg4[%add3A, %dma_wait3A_129, %dma_wait3A_130, %dma_wait3A_131] : memref<32x250x1x40xi32, #tpu.memory_space<hbm>> -> memref<1x1x1x40xi32, #tpu.memory_space<hbm>>
    %dma_wait3A_133 = tpu.memref_squeeze %dma_wait3A_132 : memref<1x1x1x40xi32, #tpu.memory_space<hbm>> -> memref<1x40xi32, #tpu.memory_space<hbm>>
    %dma_wait3A_134 = arith.constant 0 : i32
    %dma_wait3A_135 = arith.constant 0 : i32
    %dma_wait3A_136 = tpu.memref_slice %arg4[%add3A, %dma_wait3A_129, %dma_wait3A_134, %dma_wait3A_135] : memref<32x250x1x40xi32, #tpu.memory_space<hbm>> -> memref<1x1x1x40xi32, #tpu.memory_space<hbm>>
    %dma_wait3A_137 = tpu.memref_squeeze %dma_wait3A_136 : memref<1x1x1x40xi32, #tpu.memory_space<hbm>> -> memref<1x40xi32, #tpu.memory_space<hbm>>
    tpu.wait_dma2 semaphore(%arg22 : memref<!tpu.dma_semaphore, #tpu.memory_space<semaphore_mem>>) src(%dma_wait3A_137 : memref<1x40xi32, #tpu.memory_space<hbm>>) dst(%arg9 : memref<1x40xi32, #tpu.memory_space<vmem>>)
    %dma_start3A_138 = arith.constant 0 : i32
    %dma_start3A_139 = arith.constant 0 : i32
    %dma_start3A_140 = tpu.memref_slice %arg9[%dma_start3A_138, %dma_start3A_139] : memref<1x40xi32, #tpu.memory_space<vmem>> -> memref<1x40xi32, #tpu.memory_space<vmem>>
    %dma_start3A_141 = tpu.memref_squeeze %dma_start3A_140 : memref<1x40xi32, #tpu.memory_space<vmem>> -> memref<40xi32, #tpu.memory_space<vmem>>
    %dma_start3A_142 = arith.constant 0 : i32
    %dma_start3A_143 = arith.constant 0 : i32
    %dma_start3A_144 = tpu.memref_slice %arg13[%dma_start3A_142, %dma_start3A_143] : memref<10240x128xf32, #tpu.memory_space<vmem_shared>> -> memref<10240x128xf32, #tpu.memory_space<vmem_shared>>
    tpu.enqueue_indirect_dma source(%arg12 : memref<40x128xf32, #tpu.memory_space<vmem>>) target(%dma_start3A_144 : memref<10240x128xf32, #tpu.memory_space<vmem_shared>>) offsets(%dma_start3A_141 : memref<40xi32, #tpu.memory_space<vmem>>) semaphore(%arg19 : memref<!tpu.dma_semaphore, #tpu.memory_space<semaphore_mem>>) {add = true}
    %dma_wait3A_145 = arith.constant 246 : i32
    %dma_wait3A_146 = arith.constant 0 : i32
    %dma_wait3A_147 = tpu.memref_slice %arg6[%dma_wait3A_145, %dma_wait3A_146] : memref<250x40xi32, #tpu.memory_space<vmem>> -> memref<1x40xi32, #tpu.memory_space<vmem>>
    %dma_wait3A_148 = tpu.memref_squeeze %dma_wait3A_147 : memref<1x40xi32, #tpu.memory_space<vmem>> -> memref<40xi32, #tpu.memory_space<vmem>>
    %dma_wait3A_149 = arith.constant 0 : i32
    %dma_wait3A_150 = arith.constant 0 : i32
    %dma_wait3A_151 = tpu.memref_slice %arg2[%dma_wait3A_149, %dma_wait3A_150] : memref<10000x128xf32, #tpu.memory_space<hbm>> -> memref<10000x128xf32, #tpu.memory_space<hbm>>
    tpu.wait_indirect_dma semaphore(%arg17 : memref<!tpu.dma_semaphore, #tpu.memory_space<semaphore_mem>>) src(%dma_wait3A_151 : memref<10000x128xf32, #tpu.memory_space<hbm>>) dst(%arg10 : memref<40x128xf32, #tpu.memory_space<vmem>>)
    %dma_wait3A_152 = arith.constant 247 : i32
    %dma_wait3A_153 = arith.constant 0 : i32
    %dma_wait3A_154 = tpu.memref_slice %arg6[%dma_wait3A_152, %dma_wait3A_153] : memref<250x40xi32, #tpu.memory_space<vmem>> -> memref<1x40xi32, #tpu.memory_space<vmem>>
    %dma_wait3A_155 = tpu.memref_squeeze %dma_wait3A_154 : memref<1x40xi32, #tpu.memory_space<vmem>> -> memref<40xi32, #tpu.memory_space<vmem>>
    %dma_wait3A_156 = arith.constant 0 : i32
    %dma_wait3A_157 = arith.constant 0 : i32
    %dma_wait3A_158 = tpu.memref_slice %arg2[%dma_wait3A_156, %dma_wait3A_157] : memref<10000x128xf32, #tpu.memory_space<hbm>> -> memref<10000x128xf32, #tpu.memory_space<hbm>>
    tpu.wait_indirect_dma semaphore(%arg18 : memref<!tpu.dma_semaphore, #tpu.memory_space<semaphore_mem>>) src(%dma_wait3A_158 : memref<10000x128xf32, #tpu.memory_space<hbm>>) dst(%arg11 : memref<40x128xf32, #tpu.memory_space<vmem>>)
    %dma_wait3A_159 = arith.constant 248 : i32
    %dma_wait3A_160 = arith.constant 0 : i32
    %dma_wait3A_161 = tpu.memref_slice %arg6[%dma_wait3A_159, %dma_wait3A_160] : memref<250x40xi32, #tpu.memory_space<vmem>> -> memref<1x40xi32, #tpu.memory_space<vmem>>
    %dma_wait3A_162 = tpu.memref_squeeze %dma_wait3A_161 : memref<1x40xi32, #tpu.memory_space<vmem>> -> memref<40xi32, #tpu.memory_space<vmem>>
    %dma_wait3A_163 = arith.constant 0 : i32
    %dma_wait3A_164 = arith.constant 0 : i32
    %dma_wait3A_165 = tpu.memref_slice %arg2[%dma_wait3A_163, %dma_wait3A_164] : memref<10000x128xf32, #tpu.memory_space<hbm>> -> memref<10000x128xf32, #tpu.memory_space<hbm>>
    tpu.wait_indirect_dma semaphore(%arg19 : memref<!tpu.dma_semaphore, #tpu.memory_space<semaphore_mem>>) src(%dma_wait3A_165 : memref<10000x128xf32, #tpu.memory_space<hbm>>) dst(%arg12 : memref<40x128xf32, #tpu.memory_space<vmem>>)
    %barrier3A_166 = arith.constant 0 : index
    tpu.barrier barrier_id(%barrier3A_166)
    %mul3A_167 = arith.constant 640 : i32
    %mul3A_168 = arith.muli %arg1, %mul3A_167 : i32
    %mul3A_169 = arith.constant 640 : i32
    %mul3A_170 = arith.muli %arg1, %mul3A_169 : i32
    "tpu.region"() ({
      %run_scoped3A_171 = tpu.sem_alloc : memref<!tpu.dma_semaphore, #tpu.memory_space<semaphore_mem>>
      %dma_start3A_172 = arith.constant 0 : i32
      %dma_start3A_173 = tpu.memref_slice %arg5[%arg0, %mul3A_170, %dma_start3A_172] : memref<2x10240x128xf32, #tpu.memory_space<hbm>> -> memref<1x640x128xf32, #tpu.memory_space<hbm>>
      %dma_start3A_174 = tpu.memref_squeeze %dma_start3A_173 : memref<1x640x128xf32, #tpu.memory_space<hbm>> -> memref<640x128xf32, #tpu.memory_space<hbm>>
      %dma_start3A_175 = arith.constant 0 : i32
      %dma_start3A_176 = tpu.memref_slice %arg13[%mul3A_168, %dma_start3A_175] : memref<10240x128xf32, #tpu.memory_space<vmem_shared>> -> memref<640x128xf32, #tpu.memory_space<vmem_shared>>
      tpu.enqueue_dma source(%dma_start3A_176 : memref<640x128xf32, #tpu.memory_space<vmem_shared>>) target(%dma_start3A_174 : memref<640x128xf32, #tpu.memory_space<hbm>>) target_semaphore(%run_scoped3A_171 : memref<!tpu.dma_semaphore, #tpu.memory_space<semaphore_mem>>)
      %dma_wait3A_177 = arith.constant 0 : i32
      %dma_wait3A_178 = tpu.memref_slice %arg5[%arg0, %mul3A_170, %dma_wait3A_177] : memref<2x10240x128xf32, #tpu.memory_space<hbm>> -> memref<1x640x128xf32, #tpu.memory_space<hbm>>
      %dma_wait3A_179 = tpu.memref_squeeze %dma_wait3A_178 : memref<1x640x128xf32, #tpu.memory_space<hbm>> -> memref<640x128xf32, #tpu.memory_space<hbm>>
      %dma_wait3A_180 = arith.constant 0 : i32
      %dma_wait3A_181 = tpu.memref_slice %arg13[%mul3A_168, %dma_wait3A_180] : memref<10240x128xf32, #tpu.memory_space<vmem_shared>> -> memref<640x128xf32, #tpu.memory_space<vmem_shared>>
      tpu.wait_dma2 semaphore(%run_scoped3A_171 : memref<!tpu.dma_semaphore, #tpu.memory_space<semaphore_mem>>) src(%dma_wait3A_181 : memref<640x128xf32, #tpu.memory_space<vmem_shared>>) dst(%dma_wait3A_179 : memref<640x128xf32, #tpu.memory_space<hbm>>)
      tpu.yield
    }) : () -> ()
    return
  }
}

#map = affine_map<(d0, d1) -> (0, 0)>
#map1 = affine_map<(d0, d1) -> (0, 0, 0)>
#map2 = affine_map<(d0, d1) -> (0, 0, 0, 0)>
module attributes {stable_mosaic.version = 14 : i64} {
  func.func @k(%arg0: i32, %arg1: i32, %arg2: memref<10000x128xf32, #tpu.memory_space<hbm>>, %arg3: memref<32x250x40xi32, #tpu.memory_space<hbm>>, %arg4: memref<32x250x1x40xi32, #tpu.memory_space<hbm>>, %arg5: memref<2x10240x128xf32, #tpu.memory_space<hbm>>, %arg6: memref<250x40xi32, #tpu.memory_space<vmem>>, %arg7: memref<1x40xi32, #tpu.memory_space<vmem>>, %arg8: memref<1x40xi32, #tpu.memory_space<vmem>>, %arg9: memref<1x40xi32, #tpu.memory_space<vmem>>, %arg10: memref<40x128xf32, #tpu.memory_space<vmem>>, %arg11: memref<40x128xf32, #tpu.memory_space<vmem>>, %arg12: memref<40x128xf32, #tpu.memory_space<vmem>>, %arg13: memref<10240x128xf32, #tpu.memory_space<vmem_shared>>, %arg14: memref<!tpu.dma_semaphore, #tpu.memory_space<semaphore_mem>>, %arg15: memref<!tpu.dma_semaphore, #tpu.memory_space<semaphore_mem>>, %arg16: memref<!tpu.dma_semaphore, #tpu.memory_space<semaphore_mem>>, %arg17: memref<!tpu.dma_semaphore, #tpu.memory_space<semaphore_mem>>, %arg18: memref<!tpu.dma_semaphore, #tpu.memory_space<semaphore_mem>>, %arg19: memref<!tpu.dma_semaphore, #tpu.memory_space<semaphore_mem>>, %arg20: memref<!tpu.dma_semaphore, #tpu.memory_space<semaphore_mem>>, %arg21: memref<!tpu.dma_semaphore, #tpu.memory_space<semaphore_mem>>, %arg22: memref<!tpu.dma_semaphore, #tpu.memory_space<semaphore_mem>>) attributes {dimension_semantics = [#tpu.dimension_semantics<core_parallel>, #tpu.dimension_semantics<subcore_parallel>], iteration_bounds = array<i64: 2, 16>, scalar_prefetch = 0 : i64, scratch_operands = 17 : i64, tpu.core_type = #tpu.core_type<sc_vector_subcore>, window_params = [{transform_indices = #map}, {transform_indices = #map1}, {transform_indices = #map2}, {transform_indices = #map1}]} {
    %mul3A = arith.constant 16 : i32
    %mul3A_0 = arith.muli %arg0, %mul3A : i32
    %add3A = arith.addi %mul3A_0, %arg1 : i32
    %scan3A = arith.constant 0 : i32
    %scan3A_1 = arith.constant 40 : i32
    %scan3A_2 = arith.addi %scan3A, %scan3A_1 : i32
    %scan3A_3 = arith.constant 1 : i32
    scf.for %scan3A_171 = %scan3A to %scan3A_2 step %scan3A_3  : i32 {
      %mul3A_172 = arith.constant 1 : i32
      %mul3A_173 = arith.muli %scan3A_171, %mul3A_172 : i32
      %add3A_174 = arith.constant 0 : i32
      %add3A_175 = arith.addi %add3A_174, %mul3A_173 : i32
      %scan3A_176 = arith.constant 0 : i32
      %scan3A_177 = arith.constant 8 : i32
      %scan3A_178 = arith.addi %scan3A_176, %scan3A_177 : i32
      %scan3A_179 = arith.constant 1 : i32
      scf.for %scan3A_181 = %scan3A_176 to %scan3A_178 step %scan3A_179  : i32 {
        %mul3A_182 = arith.constant 1 : i32
        %mul3A_183 = arith.muli %scan3A_181, %mul3A_182 : i32
        %add3A_184 = arith.constant 0 : i32
        %add3A_185 = arith.addi %add3A_184, %mul3A_183 : i32
        %broadcast_in_dim3A = arith.constant 0.000000e+00 : f32
        %broadcast_in_dim3A_186 = vector.broadcast %broadcast_in_dim3A : f32 to vector<16xf32>
        %mul3A_187 = arith.constant 16 : i32
        %mul3A_188 = arith.muli %add3A_185, %mul3A_187 : i32
        %swap3A = arith.index_cast %add3A_175 : i32 to index
        %swap3A_189 = arith.index_cast %mul3A_188 : i32 to index
        %swap3A_190 = tpu.vector_load %arg10[%swap3A, %swap3A_189] {strides = array<i32>} : memref<40x128xf32, #tpu.memory_space<vmem>>, vector<1x16xf32>,
        %swap3A_191 = vector.shape_cast %swap3A_190 : vector<1x16xf32> to vector<16xf32>
        %swap3A_192 = vector.shape_cast %broadcast_in_dim3A_186 : vector<16xf32> to vector<1x16xf32>
        tpu.vector_store %arg10[%swap3A, %swap3A_189], %swap3A_192 {strides = array<i32>} : memref<40x128xf32, #tpu.memory_space<vmem>>, vector<1x16xf32>,
      }
      %scan3A_180 = arith.constant 8 : i32
    }
    %scan3A_4 = arith.constant 40 : i32
    %scan3A_5 = arith.constant 0 : i32
    %scan3A_6 = arith.constant 16 : i32
    %scan3A_7 = arith.addi %scan3A_5, %scan3A_6 : i32
    %scan3A_8 = arith.constant 1 : i32
    scf.for %scan3A_171 = %scan3A_5 to %scan3A_7 step %scan3A_8  : i32 {
      %mul3A_172 = arith.constant 1 : i32
      %mul3A_173 = arith.muli %scan3A_171, %mul3A_172 : i32
      %add3A_174 = arith.constant 0 : i32
      %add3A_175 = arith.addi %add3A_174, %mul3A_173 : i32
      %mul3A_176 = arith.constant 640 : i32
      %mul3A_177 = arith.muli %arg1, %mul3A_176 : i32
      %mul3A_178 = arith.constant 40 : i32
      %mul3A_179 = arith.muli %add3A_175, %mul3A_178 : i32
      %add3A_180 = arith.addi %mul3A_177, %mul3A_179 : i32
      "tpu.region"() ({
        %run_scoped3A_181 = tpu.sem_alloc : memref<!tpu.dma_semaphore, #tpu.memory_space<semaphore_mem>>
        %dma_start3A_182 = arith.constant 0 : i32
        %dma_start3A_183 = tpu.memref_slice %arg13[%add3A_180, %dma_start3A_182] : memref<10240x128xf32, #tpu.memory_space<vmem_shared>> -> memref<40x128xf32, #tpu.memory_space<vmem_shared>>
        %dma_start3A_184 = arith.constant 0 : i32
        %dma_start3A_185 = tpu.memref_slice %arg13[%add3A_180, %dma_start3A_184] : memref<10240x128xf32, #tpu.memory_space<vmem_shared>> -> memref<40x128xf32, #tpu.memory_space<vmem_shared>>
        tpu.enqueue_dma source(%arg10 : memref<40x128xf32, #tpu.memory_space<vmem>>) target(%dma_start3A_185 : memref<40x128xf32, #tpu.memory_space<vmem_shared>>) target_semaphore(%run_scoped3A_181 : memref<!tpu.dma_semaphore, #tpu.memory_space<semaphore_mem>>)
        %dma_wait3A_186 = arith.constant 0 : i32
        %dma_wait3A_187 = tpu.memref_slice %arg13[%add3A_180, %dma_wait3A_186] : memref<10240x128xf32, #tpu.memory_space<vmem_shared>> -> memref<40x128xf32, #tpu.memory_space<vmem_shared>>
        %dma_wait3A_188 = arith.constant 0 : i32
        %dma_wait3A_189 = tpu.memref_slice %arg13[%add3A_180, %dma_wait3A_188] : memref<10240x128xf32, #tpu.memory_space<vmem_shared>> -> memref<40x128xf32, #tpu.memory_space<vmem_shared>>
        tpu.wait_dma2 semaphore(%run_scoped3A_181 : memref<!tpu.dma_semaphore, #tpu.memory_space<semaphore_mem>>) src(%arg10 : memref<40x128xf32, #tpu.memory_space<vmem>>) dst(%dma_wait3A_189 : memref<40x128xf32, #tpu.memory_space<vmem_shared>>)
        tpu.yield
      }) : () -> ()
    }
    %scan3A_9 = arith.constant 16 : i32
    "tpu.region"() ({
      %run_scoped3A_171 = tpu.sem_alloc : memref<!tpu.dma_semaphore, #tpu.memory_space<semaphore_mem>>
      %dma_start3A_172 = arith.constant 0 : i32
      %dma_start3A_173 = arith.constant 0 : i32
      %dma_start3A_174 = tpu.memref_slice %arg3[%add3A, %dma_start3A_172, %dma_start3A_173] : memref<32x250x40xi32, #tpu.memory_space<hbm>> -> memref<1x250x40xi32, #tpu.memory_space<hbm>>
      %dma_start3A_175 = tpu.memref_squeeze %dma_start3A_174 : memref<1x250x40xi32, #tpu.memory_space<hbm>> -> memref<250x40xi32, #tpu.memory_space<hbm>>
      %dma_start3A_176 = arith.constant 0 : i32
      %dma_start3A_177 = arith.constant 0 : i32
      %dma_start3A_178 = tpu.memref_slice %arg3[%add3A, %dma_start3A_176, %dma_start3A_177] : memref<32x250x40xi32, #tpu.memory_space<hbm>> -> memref<1x250x40xi32, #tpu.memory_space<hbm>>
      %dma_start3A_179 = tpu.memref_squeeze %dma_start3A_178 : memref<1x250x40xi32, #tpu.memory_space<hbm>> -> memref<250x40xi32, #tpu.memory_space<hbm>>
      tpu.enqueue_dma source(%dma_start3A_179 : memref<250x40xi32, #tpu.memory_space<hbm>>) target(%arg6 : memref<250x40xi32, #tpu.memory_space<vmem>>) target_semaphore(%run_scoped3A_171 : memref<!tpu.dma_semaphore, #tpu.memory_space<semaphore_mem>>)
      %dma_wait3A_180 = arith.constant 0 : i32
      %dma_wait3A_181 = arith.constant 0 : i32
      %dma_wait3A_182 = tpu.memref_slice %arg3[%add3A, %dma_wait3A_180, %dma_wait3A_181] : memref<32x250x40xi32, #tpu.memory_space<hbm>> -> memref<1x250x40xi32, #tpu.memory_space<hbm>>
      %dma_wait3A_183 = tpu.memref_squeeze %dma_wait3A_182 : memref<1x250x40xi32, #tpu.memory_space<hbm>> -> memref<250x40xi32, #tpu.memory_space<hbm>>
      %dma_wait3A_184 = arith.constant 0 : i32
      %dma_wait3A_185 = arith.constant 0 : i32
      %dma_wait3A_186 = tpu.memref_slice %arg3[%add3A, %dma_wait3A_184, %dma_wait3A_185] : memref<32x250x40xi32, #tpu.memory_space<hbm>> -> memref<1x250x40xi32, #tpu.memory_space<hbm>>
      %dma_wait3A_187 = tpu.memref_squeeze %dma_wait3A_186 : memref<1x250x40xi32, #tpu.memory_space<hbm>> -> memref<250x40xi32, #tpu.memory_space<hbm>>
      tpu.wait_dma2 semaphore(%run_scoped3A_171 : memref<!tpu.dma_semaphore, #tpu.memory_space<semaphore_mem>>) src(%dma_wait3A_187 : memref<250x40xi32, #tpu.memory_space<hbm>>) dst(%arg6 : memref<250x40xi32, #tpu.memory_space<vmem>>)
      tpu.yield
    }) : () -> ()
    %barrier3A = arith.constant 0 : index
    tpu.barrier barrier_id(%barrier3A)
    %dma_start3A = arith.constant 249 : i32
    %dma_start3A_10 = arith.constant 0 : i32
    %dma_start3A_11 = tpu.memref_slice %arg6[%dma_start3A, %dma_start3A_10] : memref<250x40xi32, #tpu.memory_space<vmem>> -> memref<1x40xi32, #tpu.memory_space<vmem>>
    %dma_start3A_12 = tpu.memref_squeeze %dma_start3A_11 : memref<1x40xi32, #tpu.memory_space<vmem>> -> memref<40xi32, #tpu.memory_space<vmem>>
    %dma_start3A_13 = arith.constant 0 : i32
    %dma_start3A_14 = arith.constant 0 : i32
    %dma_start3A_15 = tpu.memref_slice %arg2[%dma_start3A_13, %dma_start3A_14] : memref<10000x128xf32, #tpu.memory_space<hbm>> -> memref<10000x128xf32, #tpu.memory_space<hbm>>
    tpu.enqueue_indirect_dma source(%dma_start3A_15 : memref<10000x128xf32, #tpu.memory_space<hbm>>) target(%arg10 : memref<40x128xf32, #tpu.memory_space<vmem>>) offsets(%dma_start3A_12 : memref<40xi32, #tpu.memory_space<vmem>>) semaphore(%arg14 : memref<!tpu.dma_semaphore, #tpu.memory_space<semaphore_mem>>)
    %dma_wait3A = arith.constant 249 : i32
    %dma_wait3A_16 = arith.constant 0 : i32
    %dma_wait3A_17 = tpu.memref_slice %arg6[%dma_wait3A, %dma_wait3A_16] : memref<250x40xi32, #tpu.memory_space<vmem>> -> memref<1x40xi32, #tpu.memory_space<vmem>>
    %dma_wait3A_18 = tpu.memref_squeeze %dma_wait3A_17 : memref<1x40xi32, #tpu.memory_space<vmem>> -> memref<40xi32, #tpu.memory_space<vmem>>
    %dma_wait3A_19 = arith.constant 0 : i32
    %dma_wait3A_20 = arith.constant 0 : i32
    %dma_wait3A_21 = tpu.memref_slice %arg2[%dma_wait3A_19, %dma_wait3A_20] : memref<10000x128xf32, #tpu.memory_space<hbm>> -> memref<10000x128xf32, #tpu.memory_space<hbm>>
    tpu.wait_indirect_dma semaphore(%arg14 : memref<!tpu.dma_semaphore, #tpu.memory_space<semaphore_mem>>) src(%dma_wait3A_21 : memref<10000x128xf32, #tpu.memory_space<hbm>>) dst(%arg10 : memref<40x128xf32, #tpu.memory_space<vmem>>)
    %run_scoped3A = arith.constant 249 : i32
    "tpu.region"() ({
      %run_scoped3A_171 = tpu.sem_alloc : memref<!tpu.dma_semaphore, #tpu.memory_space<semaphore_mem>>
      %dma_start3A_172 = arith.constant 0 : i32
      %dma_start3A_173 = arith.constant 0 : i32
      %dma_start3A_174 = tpu.memref_slice %arg4[%add3A, %run_scoped3A, %dma_start3A_172, %dma_start3A_173] : memref<32x250x1x40xi32, #tpu.memory_space<hbm>> -> memref<1x1x1x40xi32, #tpu.memory_space<hbm>>
      %dma_start3A_175 = tpu.memref_squeeze %dma_start3A_174 : memref<1x1x1x40xi32, #tpu.memory_space<hbm>> -> memref<1x40xi32, #tpu.memory_space<hbm>>
      %dma_start3A_176 = arith.constant 0 : i32
      %dma_start3A_177 = arith.constant 0 : i32
      %dma_start3A_178 = tpu.memref_slice %arg4[%add3A, %run_scoped3A, %dma_start3A_176, %dma_start3A_177] : memref<32x250x1x40xi32, #tpu.memory_space<hbm>> -> memref<1x1x1x40xi32, #tpu.memory_space<hbm>>
      %dma_start3A_179 = tpu.memref_squeeze %dma_start3A_178 : memref<1x1x1x40xi32, #tpu.memory_space<hbm>> -> memref<1x40xi32, #tpu.memory_space<hbm>>
      tpu.enqueue_dma source(%dma_start3A_179 : memref<1x40xi32, #tpu.memory_space<hbm>>) target(%arg7 : memref<1x40xi32, #tpu.memory_space<vmem>>) target_semaphore(%run_scoped3A_171 : memref<!tpu.dma_semaphore, #tpu.memory_space<semaphore_mem>>)
      %dma_wait3A_180 = arith.constant 0 : i32
      %dma_wait3A_181 = arith.constant 0 : i32
      %dma_wait3A_182 = tpu.memref_slice %arg4[%add3A, %run_scoped3A, %dma_wait3A_180, %dma_wait3A_181] : memref<32x250x1x40xi32, #tpu.memory_space<hbm>> -> memref<1x1x1x40xi32, #tpu.memory_space<hbm>>
      %dma_wait3A_183 = tpu.memref_squeeze %dma_wait3A_182 : memref<1x1x1x40xi32, #tpu.memory_space<hbm>> -> memref<1x40xi32, #tpu.memory_space<hbm>>
      %dma_wait3A_184 = arith.constant 0 : i32
      %dma_wait3A_185 = arith.constant 0 : i32
      %dma_wait3A_186 = tpu.memref_slice %arg4[%add3A, %run_scoped3A, %dma_wait3A_184, %dma_wait3A_185] : memref<32x250x1x40xi32, #tpu.memory_space<hbm>> -> memref<1x1x1x40xi32, #tpu.memory_space<hbm>>
      %dma_wait3A_187 = tpu.memref_squeeze %dma_wait3A_186 : memref<1x1x1x40xi32, #tpu.memory_space<hbm>> -> memref<1x40xi32, #tpu.memory_space<hbm>>
      tpu.wait_dma2 semaphore(%run_scoped3A_171 : memref<!tpu.dma_semaphore, #tpu.memory_space<semaphore_mem>>) src(%dma_wait3A_187 : memref<1x40xi32, #tpu.memory_space<hbm>>) dst(%arg7 : memref<1x40xi32, #tpu.memory_space<vmem>>)
      tpu.yield
    }) : () -> ()
    %run_scoped3A_22 = arith.constant 0 : i32
    "tpu.region"() ({
      %run_scoped3A_171 = tpu.sem_alloc : memref<!tpu.dma_semaphore, #tpu.memory_space<semaphore_mem>>
      %dma_start3A_172 = arith.constant 0 : i32
      %dma_start3A_173 = tpu.memref_slice %arg7[%run_scoped3A_22, %dma_start3A_172] : memref<1x40xi32, #tpu.memory_space<vmem>> -> memref<1x40xi32, #tpu.memory_space<vmem>>
      %dma_start3A_174 = tpu.memref_squeeze %dma_start3A_173 : memref<1x40xi32, #tpu.memory_space<vmem>> -> memref<40xi32, #tpu.memory_space<vmem>>
      %dma_start3A_175 = arith.constant 0 : i32
      %dma_start3A_176 = arith.constant 0 : i32
      %dma_start3A_177 = tpu.memref_slice %arg13[%dma_start3A_175, %dma_start3A_176] : memref<10240x128xf32, #tpu.memory_space<vmem_shared>> -> memref<10240x128xf32, #tpu.memory_space<vmem_shared>>
      tpu.enqueue_indirect_dma source(%arg10 : memref<40x128xf32, #tpu.memory_space<vmem>>) target(%dma_start3A_177 : memref<10240x128xf32, #tpu.memory_space<vmem_shared>>) offsets(%dma_start3A_174 : memref<40xi32, #tpu.memory_space<vmem>>) semaphore(%run_scoped3A_171 : memref<!tpu.dma_semaphore, #tpu.memory_space<semaphore_mem>>) {add = true}
      %dma_wait3A_178 = arith.constant 0 : i32
      %dma_wait3A_179 = tpu.memref_slice %arg7[%run_scoped3A_22, %dma_wait3A_178] : memref<1x40xi32, #tpu.memory_space<vmem>> -> memref<1x40xi32, #tpu.memory_space<vmem>>
      %dma_wait3A_180 = tpu.memref_squeeze %dma_wait3A_179 : memref<1x40xi32, #tpu.memory_space<vmem>> -> memref<40xi32, #tpu.memory_space<vmem>>
      %dma_wait3A_181 = arith.constant 0 : i32
      %dma_wait3A_182 = arith.constant 0 : i32
      %dma_wait3A_183 = tpu.memref_slice %arg13[%dma_wait3A_181, %dma_wait3A_182] : memref<10240x128xf32, #tpu.memory_space<vmem_shared>> -> memref<10240x128xf32, #tpu.memory_space<vmem_shared>>
      tpu.wait_indirect_dma semaphore(%run_scoped3A_171 : memref<!tpu.dma_semaphore, #tpu.memory_space<semaphore_mem>>) src(%arg10 : memref<40x128xf32, #tpu.memory_space<vmem>>) dst(%dma_wait3A_183 : memref<10240x128xf32, #tpu.memory_space<vmem_shared>>)
      tpu.yield
    }) : () -> ()
    %dma_start3A_23 = arith.constant 0 : i32
    %dma_start3A_24 = arith.constant 0 : i32
    %dma_start3A_25 = tpu.memref_slice %arg6[%dma_start3A_23, %dma_start3A_24] : memref<250x40xi32, #tpu.memory_space<vmem>> -> memref<1x40xi32, #tpu.memory_space<vmem>>
    %dma_start3A_26 = tpu.memref_squeeze %dma_start3A_25 : memref<1x40xi32, #tpu.memory_space<vmem>> -> memref<40xi32, #tpu.memory_space<vmem>>
    %dma_start3A_27 = arith.constant 0 : i32
    %dma_start3A_28 = arith.constant 0 : i32
    %dma_start3A_29 = tpu.memref_slice %arg2[%dma_start3A_27, %dma_start3A_28] : memref<10000x128xf32, #tpu.memory_space<hbm>> -> memref<10000x128xf32, #tpu.memory_space<hbm>>
    tpu.enqueue_indirect_dma source(%dma_start3A_29 : memref<10000x128xf32, #tpu.memory_space<hbm>>) target(%arg10 : memref<40x128xf32, #tpu.memory_space<vmem>>) offsets(%dma_start3A_26 : memref<40xi32, #tpu.memory_space<vmem>>) semaphore(%arg14 : memref<!tpu.dma_semaphore, #tpu.memory_space<semaphore_mem>>)
    %dma_start3A_30 = arith.constant 0 : i32
    %dma_start3A_31 = arith.constant 0 : i32
    %dma_start3A_32 = arith.constant 0 : i32
    %dma_start3A_33 = tpu.memref_slice %arg4[%add3A, %dma_start3A_30, %dma_start3A_31, %dma_start3A_32] : memref<32x250x1x40xi32, #tpu.memory_space<hbm>> -> memref<1x1x1x40xi32, #tpu.memory_space<hbm>>
    %dma_start3A_34 = tpu.memref_squeeze %dma_start3A_33 : memref<1x1x1x40xi32, #tpu.memory_space<hbm>> -> memref<1x40xi32, #tpu.memory_space<hbm>>
    %dma_start3A_35 = arith.constant 0 : i32
    %dma_start3A_36 = arith.constant 0 : i32
    %dma_start3A_37 = tpu.memref_slice %arg4[%add3A, %dma_start3A_30, %dma_start3A_35, %dma_start3A_36] : memref<32x250x1x40xi32, #tpu.memory_space<hbm>> -> memref<1x1x1x40xi32, #tpu.memory_space<hbm>>
    %dma_start3A_38 = tpu.memref_squeeze %dma_start3A_37 : memref<1x1x1x40xi32, #tpu.memory_space<hbm>> -> memref<1x40xi32, #tpu.memory_space<hbm>>
    tpu.enqueue_dma source(%dma_start3A_38 : memref<1x40xi32, #tpu.memory_space<hbm>>) target(%arg7 : memref<1x40xi32, #tpu.memory_space<vmem>>) target_semaphore(%arg20 : memref<!tpu.dma_semaphore, #tpu.memory_space<semaphore_mem>>)
    %dma_start3A_39 = arith.constant 1 : i32
    %dma_start3A_40 = arith.constant 0 : i32
    %dma_start3A_41 = tpu.memref_slice %arg6[%dma_start3A_39, %dma_start3A_40] : memref<250x40xi32, #tpu.memory_space<vmem>> -> memref<1x40xi32, #tpu.memory_space<vmem>>
    %dma_start3A_42 = tpu.memref_squeeze %dma_start3A_41 : memref<1x40xi32, #tpu.memory_space<vmem>> -> memref<40xi32, #tpu.memory_space<vmem>>
    %dma_start3A_43 = arith.constant 0 : i32
    %dma_start3A_44 = arith.constant 0 : i32
    %dma_start3A_45 = tpu.memref_slice %arg2[%dma_start3A_43, %dma_start3A_44] : memref<10000x128xf32, #tpu.memory_space<hbm>> -> memref<10000x128xf32, #tpu.memory_space<hbm>>
    tpu.enqueue_indirect_dma source(%dma_start3A_45 : memref<10000x128xf32, #tpu.memory_space<hbm>>) target(%arg11 : memref<40x128xf32, #tpu.memory_space<vmem>>) offsets(%dma_start3A_42 : memref<40xi32, #tpu.memory_space<vmem>>) semaphore(%arg15 : memref<!tpu.dma_semaphore, #tpu.memory_space<semaphore_mem>>)
    %dma_start3A_46 = arith.constant 1 : i32
    %dma_start3A_47 = arith.constant 0 : i32
    %dma_start3A_48 = arith.constant 0 : i32
    %dma_start3A_49 = tpu.memref_slice %arg4[%add3A, %dma_start3A_46, %dma_start3A_47, %dma_start3A_48] : memref<32x250x1x40xi32, #tpu.memory_space<hbm>> -> memref<1x1x1x40xi32, #tpu.memory_space<hbm>>
    %dma_start3A_50 = tpu.memref_squeeze %dma_start3A_49 : memref<1x1x1x40xi32, #tpu.memory_space<hbm>> -> memref<1x40xi32, #tpu.memory_space<hbm>>
    %dma_start3A_51 = arith.constant 0 : i32
    %dma_start3A_52 = arith.constant 0 : i32
    %dma_start3A_53 = tpu.memref_slice %arg4[%add3A, %dma_start3A_46, %dma_start3A_51, %dma_start3A_52] : memref<32x250x1x40xi32, #tpu.memory_space<hbm>> -> memref<1x1x1x40xi32, #tpu.memory_space<hbm>>
    %dma_start3A_54 = tpu.memref_squeeze %dma_start3A_53 : memref<1x1x1x40xi32, #tpu.memory_space<hbm>> -> memref<1x40xi32, #tpu.memory_space<hbm>>
    tpu.enqueue_dma source(%dma_start3A_54 : memref<1x40xi32, #tpu.memory_space<hbm>>) target(%arg8 : memref<1x40xi32, #tpu.memory_space<vmem>>) target_semaphore(%arg21 : memref<!tpu.dma_semaphore, #tpu.memory_space<semaphore_mem>>)
    %dma_start3A_55 = arith.constant 2 : i32
    %dma_start3A_56 = arith.constant 0 : i32
    %dma_start3A_57 = tpu.memref_slice %arg6[%dma_start3A_55, %dma_start3A_56] : memref<250x40xi32, #tpu.memory_space<vmem>> -> memref<1x40xi32, #tpu.memory_space<vmem>>
    %dma_start3A_58 = tpu.memref_squeeze %dma_start3A_57 : memref<1x40xi32, #tpu.memory_space<vmem>> -> memref<40xi32, #tpu.memory_space<vmem>>
    %dma_start3A_59 = arith.constant 0 : i32
    %dma_start3A_60 = arith.constant 0 : i32
    %dma_start3A_61 = tpu.memref_slice %arg2[%dma_start3A_59, %dma_start3A_60] : memref<10000x128xf32, #tpu.memory_space<hbm>> -> memref<10000x128xf32, #tpu.memory_space<hbm>>
    tpu.enqueue_indirect_dma source(%dma_start3A_61 : memref<10000x128xf32, #tpu.memory_space<hbm>>) target(%arg12 : memref<40x128xf32, #tpu.memory_space<vmem>>) offsets(%dma_start3A_58 : memref<40xi32, #tpu.memory_space<vmem>>) semaphore(%arg16 : memref<!tpu.dma_semaphore, #tpu.memory_space<semaphore_mem>>)
    %dma_start3A_62 = arith.constant 2 : i32
    %dma_start3A_63 = arith.constant 0 : i32
    %dma_start3A_64 = arith.constant 0 : i32
    %dma_start3A_65 = tpu.memref_slice %arg4[%add3A, %dma_start3A_62, %dma_start3A_63, %dma_start3A_64] : memref<32x250x1x40xi32, #tpu.memory_space<hbm>> -> memref<1x1x1x40xi32, #tpu.memory_space<hbm>>
    %dma_start3A_66 = tpu.memref_squeeze %dma_start3A_65 : memref<1x1x1x40xi32, #tpu.memory_space<hbm>> -> memref<1x40xi32, #tpu.memory_space<hbm>>
    %dma_start3A_67 = arith.constant 0 : i32
    %dma_start3A_68 = arith.constant 0 : i32
    %dma_start3A_69 = tpu.memref_slice %arg4[%add3A, %dma_start3A_62, %dma_start3A_67, %dma_start3A_68] : memref<32x250x1x40xi32, #tpu.memory_space<hbm>> -> memref<1x1x1x40xi32, #tpu.memory_space<hbm>>
    %dma_start3A_70 = tpu.memref_squeeze %dma_start3A_69 : memref<1x1x1x40xi32, #tpu.memory_space<hbm>> -> memref<1x40xi32, #tpu.memory_space<hbm>>
    tpu.enqueue_dma source(%dma_start3A_70 : memref<1x40xi32, #tpu.memory_space<hbm>>) target(%arg9 : memref<1x40xi32, #tpu.memory_space<vmem>>) target_semaphore(%arg22 : memref<!tpu.dma_semaphore, #tpu.memory_space<semaphore_mem>>)
    %scan3A_71 = arith.constant 0 : i32
    %scan3A_72 = arith.constant 82 : i32
    %scan3A_73 = arith.addi %scan3A_71, %scan3A_72 : i32
    %scan3A_74 = arith.constant 1 : i32
    scf.for %scan3A_171 = %scan3A_71 to %scan3A_73 step %scan3A_74  : i32 {
      %mul3A_172 = arith.constant 1 : i32
      %mul3A_173 = arith.muli %scan3A_171, %mul3A_172 : i32
      %add3A_174 = arith.constant 0 : i32
      %add3A_175 = arith.addi %add3A_174, %mul3A_173 : i32
      %mul3A_176 = arith.constant 3 : i32
      %mul3A_177 = arith.muli %mul3A_176, %add3A_175 : i32
      %add3A_178 = arith.constant 0 : i32
      %add3A_179 = arith.addi %mul3A_177, %add3A_178 : i32
      %dma_wait3A_180 = arith.constant 0 : i32
      %dma_wait3A_181 = tpu.memref_slice %arg6[%add3A_179, %dma_wait3A_180] : memref<250x40xi32, #tpu.memory_space<vmem>> -> memref<1x40xi32, #tpu.memory_space<vmem>>
      %dma_wait3A_182 = tpu.memref_squeeze %dma_wait3A_181 : memref<1x40xi32, #tpu.memory_space<vmem>> -> memref<40xi32, #tpu.memory_space<vmem>>
      %dma_wait3A_183 = arith.constant 0 : i32
      %dma_wait3A_184 = arith.constant 0 : i32
      %dma_wait3A_185 = tpu.memref_slice %arg2[%dma_wait3A_183, %dma_wait3A_184] : memref<10000x128xf32, #tpu.memory_space<hbm>> -> memref<10000x128xf32, #tpu.memory_space<hbm>>
      tpu.wait_indirect_dma semaphore(%arg14 : memref<!tpu.dma_semaphore, #tpu.memory_space<semaphore_mem>>) src(%dma_wait3A_185 : memref<10000x128xf32, #tpu.memory_space<hbm>>) dst(%arg10 : memref<40x128xf32, #tpu.memory_space<vmem>>)
      %add3A_186 = arith.constant 0 : i32
      %add3A_187 = arith.addi %mul3A_177, %add3A_186 : i32
      %dma_wait3A_188 = arith.constant 0 : i32
      %dma_wait3A_189 = arith.constant 0 : i32
      %dma_wait3A_190 = tpu.memref_slice %arg4[%add3A, %add3A_187, %dma_wait3A_188, %dma_wait3A_189] : memref<32x250x1x40xi32, #tpu.memory_space<hbm>> -> memref<1x1x1x40xi32, #tpu.memory_space<hbm>>
      %dma_wait3A_191 = tpu.memref_squeeze %dma_wait3A_190 : memref<1x1x1x40xi32, #tpu.memory_space<hbm>> -> memref<1x40xi32, #tpu.memory_space<hbm>>
      %dma_wait3A_192 = arith.constant 0 : i32
      %dma_wait3A_193 = arith.constant 0 : i32
      %dma_wait3A_194 = tpu.memref_slice %arg4[%add3A, %add3A_187, %dma_wait3A_192, %dma_wait3A_193] : memref<32x250x1x40xi32, #tpu.memory_space<hbm>> -> memref<1x1x1x40xi32, #tpu.memory_space<hbm>>
      %dma_wait3A_195 = tpu.memref_squeeze %dma_wait3A_194 : memref<1x1x1x40xi32, #tpu.memory_space<hbm>> -> memref<1x40xi32, #tpu.memory_space<hbm>>
      tpu.wait_dma2 semaphore(%arg20 : memref<!tpu.dma_semaphore, #tpu.memory_space<semaphore_mem>>) src(%dma_wait3A_195 : memref<1x40xi32, #tpu.memory_space<hbm>>) dst(%arg7 : memref<1x40xi32, #tpu.memory_space<vmem>>)
      %dma_start3A_196 = arith.constant 0 : i32
      %dma_start3A_197 = arith.constant 0 : i32
      %dma_start3A_198 = tpu.memref_slice %arg7[%dma_start3A_196, %dma_start3A_197] : memref<1x40xi32, #tpu.memory_space<vmem>> -> memref<1x40xi32, #tpu.memory_space<vmem>>
      %dma_start3A_199 = tpu.memref_squeeze %dma_start3A_198 : memref<1x40xi32, #tpu.memory_space<vmem>> -> memref<40xi32, #tpu.memory_space<vmem>>
      %dma_start3A_200 = arith.constant 0 : i32
      %dma_start3A_201 = arith.constant 0 : i32
      %dma_start3A_202 = tpu.memref_slice %arg13[%dma_start3A_200, %dma_start3A_201] : memref<10240x128xf32, #tpu.memory_space<vmem_shared>> -> memref<10240x128xf32, #tpu.memory_space<vmem_shared>>
      tpu.enqueue_indirect_dma source(%arg10 : memref<40x128xf32, #tpu.memory_space<vmem>>) target(%dma_start3A_202 : memref<10240x128xf32, #tpu.memory_space<vmem_shared>>) offsets(%dma_start3A_199 : memref<40xi32, #tpu.memory_space<vmem>>) semaphore(%arg17 : memref<!tpu.dma_semaphore, #tpu.memory_space<semaphore_mem>>) {add = true}
      %add3A_203 = arith.constant 1 : i32
      %add3A_204 = arith.addi %mul3A_177, %add3A_203 : i32
      %dma_wait3A_205 = arith.constant 0 : i32
      %dma_wait3A_206 = tpu.memref_slice %arg6[%add3A_204, %dma_wait3A_205] : memref<250x40xi32, #tpu.memory_space<vmem>> -> memref<1x40xi32, #tpu.memory_space<vmem>>
      %dma_wait3A_207 = tpu.memref_squeeze %dma_wait3A_206 : memref<1x40xi32, #tpu.memory_space<vmem>> -> memref<40xi32, #tpu.memory_space<vmem>>
      %dma_wait3A_208 = arith.constant 0 : i32
      %dma_wait3A_209 = arith.constant 0 : i32
      %dma_wait3A_210 = tpu.memref_slice %arg2[%dma_wait3A_208, %dma_wait3A_209] : memref<10000x128xf32, #tpu.memory_space<hbm>> -> memref<10000x128xf32, #tpu.memory_space<hbm>>
      tpu.wait_indirect_dma semaphore(%arg15 : memref<!tpu.dma_semaphore, #tpu.memory_space<semaphore_mem>>) src(%dma_wait3A_210 : memref<10000x128xf32, #tpu.memory_space<hbm>>) dst(%arg11 : memref<40x128xf32, #tpu.memory_space<vmem>>)
      %add3A_211 = arith.constant 1 : i32
      %add3A_212 = arith.addi %mul3A_177, %add3A_211 : i32
      %dma_wait3A_213 = arith.constant 0 : i32
      %dma_wait3A_214 = arith.constant 0 : i32
      %dma_wait3A_215 = tpu.memref_slice %arg4[%add3A, %add3A_212, %dma_wait3A_213, %dma_wait3A_214] : memref<32x250x1x40xi32, #tpu.memory_space<hbm>> -> memref<1x1x1x40xi32, #tpu.memory_space<hbm>>
      %dma_wait3A_216 = tpu.memref_squeeze %dma_wait3A_215 : memref<1x1x1x40xi32, #tpu.memory_space<hbm>> -> memref<1x40xi32, #tpu.memory_space<hbm>>
      %dma_wait3A_217 = arith.constant 0 : i32
      %dma_wait3A_218 = arith.constant 0 : i32
      %dma_wait3A_219 = tpu.memref_slice %arg4[%add3A, %add3A_212, %dma_wait3A_217, %dma_wait3A_218] : memref<32x250x1x40xi32, #tpu.memory_space<hbm>> -> memref<1x1x1x40xi32, #tpu.memory_space<hbm>>
      %dma_wait3A_220 = tpu.memref_squeeze %dma_wait3A_219 : memref<1x1x1x40xi32, #tpu.memory_space<hbm>> -> memref<1x40xi32, #tpu.memory_space<hbm>>
      tpu.wait_dma2 semaphore(%arg21 : memref<!tpu.dma_semaphore, #tpu.memory_space<semaphore_mem>>) src(%dma_wait3A_220 : memref<1x40xi32, #tpu.memory_space<hbm>>) dst(%arg8 : memref<1x40xi32, #tpu.memory_space<vmem>>)
      %dma_start3A_221 = arith.constant 0 : i32
      %dma_start3A_222 = arith.constant 0 : i32
      %dma_start3A_223 = tpu.memref_slice %arg8[%dma_start3A_221, %dma_start3A_222] : memref<1x40xi32, #tpu.memory_space<vmem>> -> memref<1x40xi32, #tpu.memory_space<vmem>>
      %dma_start3A_224 = tpu.memref_squeeze %dma_start3A_223 : memref<1x40xi32, #tpu.memory_space<vmem>> -> memref<40xi32, #tpu.memory_space<vmem>>
      %dma_start3A_225 = arith.constant 0 : i32
      %dma_start3A_226 = arith.constant 0 : i32
      %dma_start3A_227 = tpu.memref_slice %arg13[%dma_start3A_225, %dma_start3A_226] : memref<10240x128xf32, #tpu.memory_space<vmem_shared>> -> memref<10240x128xf32, #tpu.memory_space<vmem_shared>>
      tpu.enqueue_indirect_dma source(%arg11 : memref<40x128xf32, #tpu.memory_space<vmem>>) target(%dma_start3A_227 : memref<10240x128xf32, #tpu.memory_space<vmem_shared>>) offsets(%dma_start3A_224 : memref<40xi32, #tpu.memory_space<vmem>>) semaphore(%arg18 : memref<!tpu.dma_semaphore, #tpu.memory_space<semaphore_mem>>) {add = true}
      %add3A_228 = arith.constant 2 : i32
      %add3A_229 = arith.addi %mul3A_177, %add3A_228 : i32
      %dma_wait3A_230 = arith.constant 0 : i32
      %dma_wait3A_231 = tpu.memref_slice %arg6[%add3A_229, %dma_wait3A_230] : memref<250x40xi32, #tpu.memory_space<vmem>> -> memref<1x40xi32, #tpu.memory_space<vmem>>
      %dma_wait3A_232 = tpu.memref_squeeze %dma_wait3A_231 : memref<1x40xi32, #tpu.memory_space<vmem>> -> memref<40xi32, #tpu.memory_space<vmem>>
      %dma_wait3A_233 = arith.constant 0 : i32
      %dma_wait3A_234 = arith.constant 0 : i32
      %dma_wait3A_235 = tpu.memref_slice %arg2[%dma_wait3A_233, %dma_wait3A_234] : memref<10000x128xf32, #tpu.memory_space<hbm>> -> memref<10000x128xf32, #tpu.memory_space<hbm>>
      tpu.wait_indirect_dma semaphore(%arg16 : memref<!tpu.dma_semaphore, #tpu.memory_space<semaphore_mem>>) src(%dma_wait3A_235 : memref<10000x128xf32, #tpu.memory_space<hbm>>) dst(%arg12 : memref<40x128xf32, #tpu.memory_space<vmem>>)
      %add3A_236 = arith.constant 2 : i32
      %add3A_237 = arith.addi %mul3A_177, %add3A_236 : i32
      %dma_wait3A_238 = arith.constant 0 : i32
      %dma_wait3A_239 = arith.constant 0 : i32
      %dma_wait3A_240 = tpu.memref_slice %arg4[%add3A, %add3A_237, %dma_wait3A_238, %dma_wait3A_239] : memref<32x250x1x40xi32, #tpu.memory_space<hbm>> -> memref<1x1x1x40xi32, #tpu.memory_space<hbm>>
      %dma_wait3A_241 = tpu.memref_squeeze %dma_wait3A_240 : memref<1x1x1x40xi32, #tpu.memory_space<hbm>> -> memref<1x40xi32, #tpu.memory_space<hbm>>
      %dma_wait3A_242 = arith.constant 0 : i32
      %dma_wait3A_243 = arith.constant 0 : i32
      %dma_wait3A_244 = tpu.memref_slice %arg4[%add3A, %add3A_237, %dma_wait3A_242, %dma_wait3A_243] : memref<32x250x1x40xi32, #tpu.memory_space<hbm>> -> memref<1x1x1x40xi32, #tpu.memory_space<hbm>>
      %dma_wait3A_245 = tpu.memref_squeeze %dma_wait3A_244 : memref<1x1x1x40xi32, #tpu.memory_space<hbm>> -> memref<1x40xi32, #tpu.memory_space<hbm>>
      tpu.wait_dma2 semaphore(%arg22 : memref<!tpu.dma_semaphore, #tpu.memory_space<semaphore_mem>>) src(%dma_wait3A_245 : memref<1x40xi32, #tpu.memory_space<hbm>>) dst(%arg9 : memref<1x40xi32, #tpu.memory_space<vmem>>)
      %dma_start3A_246 = arith.constant 0 : i32
      %dma_start3A_247 = arith.constant 0 : i32
      %dma_start3A_248 = tpu.memref_slice %arg9[%dma_start3A_246, %dma_start3A_247] : memref<1x40xi32, #tpu.memory_space<vmem>> -> memref<1x40xi32, #tpu.memory_space<vmem>>
      %dma_start3A_249 = tpu.memref_squeeze %dma_start3A_248 : memref<1x40xi32, #tpu.memory_space<vmem>> -> memref<40xi32, #tpu.memory_space<vmem>>
      %dma_start3A_250 = arith.constant 0 : i32
      %dma_start3A_251 = arith.constant 0 : i32
      %dma_start3A_252 = tpu.memref_slice %arg13[%dma_start3A_250, %dma_start3A_251] : memref<10240x128xf32, #tpu.memory_space<vmem_shared>> -> memref<10240x128xf32, #tpu.memory_space<vmem_shared>>
      tpu.enqueue_indirect_dma source(%arg12 : memref<40x128xf32, #tpu.memory_space<vmem>>) target(%dma_start3A_252 : memref<10240x128xf32, #tpu.memory_space<vmem_shared>>) offsets(%dma_start3A_249 : memref<40xi32, #tpu.memory_space<vmem>>) semaphore(%arg19 : memref<!tpu.dma_semaphore, #tpu.memory_space<semaphore_mem>>) {add = true}
      %add3A_253 = arith.constant 0 : i32
      %add3A_254 = arith.addi %mul3A_177, %add3A_253 : i32
      %dma_wait3A_255 = arith.constant 0 : i32
      %dma_wait3A_256 = tpu.memref_slice %arg6[%add3A_254, %dma_wait3A_255] : memref<250x40xi32, #tpu.memory_space<vmem>> -> memref<1x40xi32, #tpu.memory_space<vmem>>
      %dma_wait3A_257 = tpu.memref_squeeze %dma_wait3A_256 : memref<1x40xi32, #tpu.memory_space<vmem>> -> memref<40xi32, #tpu.memory_space<vmem>>
      %dma_wait3A_258 = arith.constant 0 : i32
      %dma_wait3A_259 = arith.constant 0 : i32
      %dma_wait3A_260 = tpu.memref_slice %arg2[%dma_wait3A_258, %dma_wait3A_259] : memref<10000x128xf32, #tpu.memory_space<hbm>> -> memref<10000x128xf32, #tpu.memory_space<hbm>>
      tpu.wait_indirect_dma semaphore(%arg17 : memref<!tpu.dma_semaphore, #tpu.memory_space<semaphore_mem>>) src(%dma_wait3A_260 : memref<10000x128xf32, #tpu.memory_space<hbm>>) dst(%arg10 : memref<40x128xf32, #tpu.memory_space<vmem>>)
      %add3A_261 = arith.constant 3 : i32
      %add3A_262 = arith.addi %mul3A_177, %add3A_261 : i32
      %add3A_263 = arith.constant 0 : i32
      %add3A_264 = arith.addi %add3A_262, %add3A_263 : i32
      %dma_start3A_265 = arith.constant 0 : i32
      %dma_start3A_266 = tpu.memref_slice %arg6[%add3A_264, %dma_start3A_265] : memref<250x40xi32, #tpu.memory_space<vmem>> -> memref<1x40xi32, #tpu.memory_space<vmem>>
      %dma_start3A_267 = tpu.memref_squeeze %dma_start3A_266 : memref<1x40xi32, #tpu.memory_space<vmem>> -> memref<40xi32, #tpu.memory_space<vmem>>
      %dma_start3A_268 = arith.constant 0 : i32
      %dma_start3A_269 = arith.constant 0 : i32
      %dma_start3A_270 = tpu.memref_slice %arg2[%dma_start3A_268, %dma_start3A_269] : memref<10000x128xf32, #tpu.memory_space<hbm>> -> memref<10000x128xf32, #tpu.memory_space<hbm>>
      tpu.enqueue_indirect_dma source(%dma_start3A_270 : memref<10000x128xf32, #tpu.memory_space<hbm>>) target(%arg10 : memref<40x128xf32, #tpu.memory_space<vmem>>) offsets(%dma_start3A_267 : memref<40xi32, #tpu.memory_space<vmem>>) semaphore(%arg14 : memref<!tpu.dma_semaphore, #tpu.memory_space<semaphore_mem>>)
      %add3A_271 = arith.constant 3 : i32
      %add3A_272 = arith.addi %mul3A_177, %add3A_271 : i32
      %add3A_273 = arith.constant 0 : i32
      %add3A_274 = arith.addi %add3A_272, %add3A_273 : i32
      %dma_start3A_275 = arith.constant 0 : i32
      %dma_start3A_276 = arith.constant 0 : i32
      %dma_start3A_277 = tpu.memref_slice %arg4[%add3A, %add3A_274, %dma_start3A_275, %dma_start3A_276] : memref<32x250x1x40xi32, #tpu.memory_space<hbm>> -> memref<1x1x1x40xi32, #tpu.memory_space<hbm>>
      %dma_start3A_278 = tpu.memref_squeeze %dma_start3A_277 : memref<1x1x1x40xi32, #tpu.memory_space<hbm>> -> memref<1x40xi32, #tpu.memory_space<hbm>>
      %dma_start3A_279 = arith.constant 0 : i32
      %dma_start3A_280 = arith.constant 0 : i32
      %dma_start3A_281 = tpu.memref_slice %arg4[%add3A, %add3A_274, %dma_start3A_279, %dma_start3A_280] : memref<32x250x1x40xi32, #tpu.memory_space<hbm>> -> memref<1x1x1x40xi32, #tpu.memory_space<hbm>>
      %dma_start3A_282 = tpu.memref_squeeze %dma_start3A_281 : memref<1x1x1x40xi32, #tpu.memory_space<hbm>> -> memref<1x40xi32, #tpu.memory_space<hbm>>
      tpu.enqueue_dma source(%dma_start3A_282 : memref<1x40xi32, #tpu.memory_space<hbm>>) target(%arg7 : memref<1x40xi32, #tpu.memory_space<vmem>>) target_semaphore(%arg20 : memref<!tpu.dma_semaphore, #tpu.memory_space<semaphore_mem>>)
      %add3A_283 = arith.constant 1 : i32
      %add3A_284 = arith.addi %mul3A_177, %add3A_283 : i32
      %dma_wait3A_285 = arith.constant 0 : i32
      %dma_wait3A_286 = tpu.memref_slice %arg6[%add3A_284, %dma_wait3A_285] : memref<250x40xi32, #tpu.memory_space<vmem>> -> memref<1x40xi32, #tpu.memory_space<vmem>>
      %dma_wait3A_287 = tpu.memref_squeeze %dma_wait3A_286 : memref<1x40xi32, #tpu.memory_space<vmem>> -> memref<40xi32, #tpu.memory_space<vmem>>
      %dma_wait3A_288 = arith.constant 0 : i32
      %dma_wait3A_289 = arith.constant 0 : i32
      %dma_wait3A_290 = tpu.memref_slice %arg2[%dma_wait3A_288, %dma_wait3A_289] : memref<10000x128xf32, #tpu.memory_space<hbm>> -> memref<10000x128xf32, #tpu.memory_space<hbm>>
      tpu.wait_indirect_dma semaphore(%arg18 : memref<!tpu.dma_semaphore, #tpu.memory_space<semaphore_mem>>) src(%dma_wait3A_290 : memref<10000x128xf32, #tpu.memory_space<hbm>>) dst(%arg11 : memref<40x128xf32, #tpu.memory_space<vmem>>)
      %add3A_291 = arith.constant 3 : i32
      %add3A_292 = arith.addi %mul3A_177, %add3A_291 : i32
      %add3A_293 = arith.constant 1 : i32
      %add3A_294 = arith.addi %add3A_292, %add3A_293 : i32
      %dma_start3A_295 = arith.constant 0 : i32
      %dma_start3A_296 = tpu.memref_slice %arg6[%add3A_294, %dma_start3A_295] : memref<250x40xi32, #tpu.memory_space<vmem>> -> memref<1x40xi32, #tpu.memory_space<vmem>>
      %dma_start3A_297 = tpu.memref_squeeze %dma_start3A_296 : memref<1x40xi32, #tpu.memory_space<vmem>> -> memref<40xi32, #tpu.memory_space<vmem>>
      %dma_start3A_298 = arith.constant 0 : i32
      %dma_start3A_299 = arith.constant 0 : i32
      %dma_start3A_300 = tpu.memref_slice %arg2[%dma_start3A_298, %dma_start3A_299] : memref<10000x128xf32, #tpu.memory_space<hbm>> -> memref<10000x128xf32, #tpu.memory_space<hbm>>
      tpu.enqueue_indirect_dma source(%dma_start3A_300 : memref<10000x128xf32, #tpu.memory_space<hbm>>) target(%arg11 : memref<40x128xf32, #tpu.memory_space<vmem>>) offsets(%dma_start3A_297 : memref<40xi32, #tpu.memory_space<vmem>>) semaphore(%arg15 : memref<!tpu.dma_semaphore, #tpu.memory_space<semaphore_mem>>)
      %add3A_301 = arith.constant 3 : i32
      %add3A_302 = arith.addi %mul3A_177, %add3A_301 : i32
      %add3A_303 = arith.constant 1 : i32
      %add3A_304 = arith.addi %add3A_302, %add3A_303 : i32
      %dma_start3A_305 = arith.constant 0 : i32
      %dma_start3A_306 = arith.constant 0 : i32
      %dma_start3A_307 = tpu.memref_slice %arg4[%add3A, %add3A_304, %dma_start3A_305, %dma_start3A_306] : memref<32x250x1x40xi32, #tpu.memory_space<hbm>> -> memref<1x1x1x40xi32, #tpu.memory_space<hbm>>
      %dma_start3A_308 = tpu.memref_squeeze %dma_start3A_307 : memref<1x1x1x40xi32, #tpu.memory_space<hbm>> -> memref<1x40xi32, #tpu.memory_space<hbm>>
      %dma_start3A_309 = arith.constant 0 : i32
      %dma_start3A_310 = arith.constant 0 : i32
      %dma_start3A_311 = tpu.memref_slice %arg4[%add3A, %add3A_304, %dma_start3A_309, %dma_start3A_310] : memref<32x250x1x40xi32, #tpu.memory_space<hbm>> -> memref<1x1x1x40xi32, #tpu.memory_space<hbm>>
      %dma_start3A_312 = tpu.memref_squeeze %dma_start3A_311 : memref<1x1x1x40xi32, #tpu.memory_space<hbm>> -> memref<1x40xi32, #tpu.memory_space<hbm>>
      tpu.enqueue_dma source(%dma_start3A_312 : memref<1x40xi32, #tpu.memory_space<hbm>>) target(%arg8 : memref<1x40xi32, #tpu.memory_space<vmem>>) target_semaphore(%arg21 : memref<!tpu.dma_semaphore, #tpu.memory_space<semaphore_mem>>)
      %add3A_313 = arith.constant 2 : i32
      %add3A_314 = arith.addi %mul3A_177, %add3A_313 : i32
      %dma_wait3A_315 = arith.constant 0 : i32
      %dma_wait3A_316 = tpu.memref_slice %arg6[%add3A_314, %dma_wait3A_315] : memref<250x40xi32, #tpu.memory_space<vmem>> -> memref<1x40xi32, #tpu.memory_space<vmem>>
      %dma_wait3A_317 = tpu.memref_squeeze %dma_wait3A_316 : memref<1x40xi32, #tpu.memory_space<vmem>> -> memref<40xi32, #tpu.memory_space<vmem>>
      %dma_wait3A_318 = arith.constant 0 : i32
      %dma_wait3A_319 = arith.constant 0 : i32
      %dma_wait3A_320 = tpu.memref_slice %arg2[%dma_wait3A_318, %dma_wait3A_319] : memref<10000x128xf32, #tpu.memory_space<hbm>> -> memref<10000x128xf32, #tpu.memory_space<hbm>>
      tpu.wait_indirect_dma semaphore(%arg19 : memref<!tpu.dma_semaphore, #tpu.memory_space<semaphore_mem>>) src(%dma_wait3A_320 : memref<10000x128xf32, #tpu.memory_space<hbm>>) dst(%arg12 : memref<40x128xf32, #tpu.memory_space<vmem>>)
      %add3A_321 = arith.constant 3 : i32
      %add3A_322 = arith.addi %mul3A_177, %add3A_321 : i32
      %add3A_323 = arith.constant 2 : i32
      %add3A_324 = arith.addi %add3A_322, %add3A_323 : i32
      %dma_start3A_325 = arith.constant 0 : i32
      %dma_start3A_326 = tpu.memref_slice %arg6[%add3A_324, %dma_start3A_325] : memref<250x40xi32, #tpu.memory_space<vmem>> -> memref<1x40xi32, #tpu.memory_space<vmem>>
      %dma_start3A_327 = tpu.memref_squeeze %dma_start3A_326 : memref<1x40xi32, #tpu.memory_space<vmem>> -> memref<40xi32, #tpu.memory_space<vmem>>
      %dma_start3A_328 = arith.constant 0 : i32
      %dma_start3A_329 = arith.constant 0 : i32
      %dma_start3A_330 = tpu.memref_slice %arg2[%dma_start3A_328, %dma_start3A_329] : memref<10000x128xf32, #tpu.memory_space<hbm>> -> memref<10000x128xf32, #tpu.memory_space<hbm>>
      tpu.enqueue_indirect_dma source(%dma_start3A_330 : memref<10000x128xf32, #tpu.memory_space<hbm>>) target(%arg12 : memref<40x128xf32, #tpu.memory_space<vmem>>) offsets(%dma_start3A_327 : memref<40xi32, #tpu.memory_space<vmem>>) semaphore(%arg16 : memref<!tpu.dma_semaphore, #tpu.memory_space<semaphore_mem>>)
      %add3A_331 = arith.constant 3 : i32
      %add3A_332 = arith.addi %mul3A_177, %add3A_331 : i32
      %add3A_333 = arith.constant 2 : i32
      %add3A_334 = arith.addi %add3A_332, %add3A_333 : i32
      %dma_start3A_335 = arith.constant 0 : i32
      %dma_start3A_336 = arith.constant 0 : i32
      %dma_start3A_337 = tpu.memref_slice %arg4[%add3A, %add3A_334, %dma_start3A_335, %dma_start3A_336] : memref<32x250x1x40xi32, #tpu.memory_space<hbm>> -> memref<1x1x1x40xi32, #tpu.memory_space<hbm>>
      %dma_start3A_338 = tpu.memref_squeeze %dma_start3A_337 : memref<1x1x1x40xi32, #tpu.memory_space<hbm>> -> memref<1x40xi32, #tpu.memory_space<hbm>>
      %dma_start3A_339 = arith.constant 0 : i32
      %dma_start3A_340 = arith.constant 0 : i32
      %dma_start3A_341 = tpu.memref_slice %arg4[%add3A, %add3A_334, %dma_start3A_339, %dma_start3A_340] : memref<32x250x1x40xi32, #tpu.memory_space<hbm>> -> memref<1x1x1x40xi32, #tpu.memory_space<hbm>>
      %dma_start3A_342 = tpu.memref_squeeze %dma_start3A_341 : memref<1x1x1x40xi32, #tpu.memory_space<hbm>> -> memref<1x40xi32, #tpu.memory_space<hbm>>
      tpu.enqueue_dma source(%dma_start3A_342 : memref<1x40xi32, #tpu.memory_space<hbm>>) target(%arg9 : memref<1x40xi32, #tpu.memory_space<vmem>>) target_semaphore(%arg22 : memref<!tpu.dma_semaphore, #tpu.memory_space<semaphore_mem>>)
    }
    %scan3A_75 = arith.constant 82 : i32
    %dma_wait3A_76 = arith.constant 246 : i32
    %dma_wait3A_77 = arith.constant 0 : i32
    %dma_wait3A_78 = tpu.memref_slice %arg6[%dma_wait3A_76, %dma_wait3A_77] : memref<250x40xi32, #tpu.memory_space<vmem>> -> memref<1x40xi32, #tpu.memory_space<vmem>>
    %dma_wait3A_79 = tpu.memref_squeeze %dma_wait3A_78 : memref<1x40xi32, #tpu.memory_space<vmem>> -> memref<40xi32, #tpu.memory_space<vmem>>
    %dma_wait3A_80 = arith.constant 0 : i32
    %dma_wait3A_81 = arith.constant 0 : i32
    %dma_wait3A_82 = tpu.memref_slice %arg2[%dma_wait3A_80, %dma_wait3A_81] : memref<10000x128xf32, #tpu.memory_space<hbm>> -> memref<10000x128xf32, #tpu.memory_space<hbm>>
    tpu.wait_indirect_dma semaphore(%arg14 : memref<!tpu.dma_semaphore, #tpu.memory_space<semaphore_mem>>) src(%dma_wait3A_82 : memref<10000x128xf32, #tpu.memory_space<hbm>>) dst(%arg10 : memref<40x128xf32, #tpu.memory_space<vmem>>)
    %dma_wait3A_83 = arith.constant 246 : i32
    %dma_wait3A_84 = arith.constant 0 : i32
    %dma_wait3A_85 = arith.constant 0 : i32
    %dma_wait3A_86 = tpu.memref_slice %arg4[%add3A, %dma_wait3A_83, %dma_wait3A_84, %dma_wait3A_85] : memref<32x250x1x40xi32, #tpu.memory_space<hbm>> -> memref<1x1x1x40xi32, #tpu.memory_space<hbm>>
    %dma_wait3A_87 = tpu.memref_squeeze %dma_wait3A_86 : memref<1x1x1x40xi32, #tpu.memory_space<hbm>> -> memref<1x40xi32, #tpu.memory_space<hbm>>
    %dma_wait3A_88 = arith.constant 0 : i32
    %dma_wait3A_89 = arith.constant 0 : i32
    %dma_wait3A_90 = tpu.memref_slice %arg4[%add3A, %dma_wait3A_83, %dma_wait3A_88, %dma_wait3A_89] : memref<32x250x1x40xi32, #tpu.memory_space<hbm>> -> memref<1x1x1x40xi32, #tpu.memory_space<hbm>>
    %dma_wait3A_91 = tpu.memref_squeeze %dma_wait3A_90 : memref<1x1x1x40xi32, #tpu.memory_space<hbm>> -> memref<1x40xi32, #tpu.memory_space<hbm>>
    tpu.wait_dma2 semaphore(%arg20 : memref<!tpu.dma_semaphore, #tpu.memory_space<semaphore_mem>>) src(%dma_wait3A_91 : memref<1x40xi32, #tpu.memory_space<hbm>>) dst(%arg7 : memref<1x40xi32, #tpu.memory_space<vmem>>)
    %dma_start3A_92 = arith.constant 0 : i32
    %dma_start3A_93 = arith.constant 0 : i32
    %dma_start3A_94 = tpu.memref_slice %arg7[%dma_start3A_92, %dma_start3A_93] : memref<1x40xi32, #tpu.memory_space<vmem>> -> memref<1x40xi32, #tpu.memory_space<vmem>>
    %dma_start3A_95 = tpu.memref_squeeze %dma_start3A_94 : memref<1x40xi32, #tpu.memory_space<vmem>> -> memref<40xi32, #tpu.memory_space<vmem>>
    %dma_start3A_96 = arith.constant 0 : i32
    %dma_start3A_97 = arith.constant 0 : i32
    %dma_start3A_98 = tpu.memref_slice %arg13[%dma_start3A_96, %dma_start3A_97] : memref<10240x128xf32, #tpu.memory_space<vmem_shared>> -> memref<10240x128xf32, #tpu.memory_space<vmem_shared>>
    tpu.enqueue_indirect_dma source(%arg10 : memref<40x128xf32, #tpu.memory_space<vmem>>) target(%dma_start3A_98 : memref<10240x128xf32, #tpu.memory_space<vmem_shared>>) offsets(%dma_start3A_95 : memref<40xi32, #tpu.memory_space<vmem>>) semaphore(%arg17 : memref<!tpu.dma_semaphore, #tpu.memory_space<semaphore_mem>>) {add = true}
    %dma_wait3A_99 = arith.constant 247 : i32
    %dma_wait3A_100 = arith.constant 0 : i32
    %dma_wait3A_101 = tpu.memref_slice %arg6[%dma_wait3A_99, %dma_wait3A_100] : memref<250x40xi32, #tpu.memory_space<vmem>> -> memref<1x40xi32, #tpu.memory_space<vmem>>
    %dma_wait3A_102 = tpu.memref_squeeze %dma_wait3A_101 : memref<1x40xi32, #tpu.memory_space<vmem>> -> memref<40xi32, #tpu.memory_space<vmem>>
    %dma_wait3A_103 = arith.constant 0 : i32
    %dma_wait3A_104 = arith.constant 0 : i32
    %dma_wait3A_105 = tpu.memref_slice %arg2[%dma_wait3A_103, %dma_wait3A_104] : memref<10000x128xf32, #tpu.memory_space<hbm>> -> memref<10000x128xf32, #tpu.memory_space<hbm>>
    tpu.wait_indirect_dma semaphore(%arg15 : memref<!tpu.dma_semaphore, #tpu.memory_space<semaphore_mem>>) src(%dma_wait3A_105 : memref<10000x128xf32, #tpu.memory_space<hbm>>) dst(%arg11 : memref<40x128xf32, #tpu.memory_space<vmem>>)
    %dma_wait3A_106 = arith.constant 247 : i32
    %dma_wait3A_107 = arith.constant 0 : i32
    %dma_wait3A_108 = arith.constant 0 : i32
    %dma_wait3A_109 = tpu.memref_slice %arg4[%add3A, %dma_wait3A_106, %dma_wait3A_107, %dma_wait3A_108] : memref<32x250x1x40xi32, #tpu.memory_space<hbm>> -> memref<1x1x1x40xi32, #tpu.memory_space<hbm>>
    %dma_wait3A_110 = tpu.memref_squeeze %dma_wait3A_109 : memref<1x1x1x40xi32, #tpu.memory_space<hbm>> -> memref<1x40xi32, #tpu.memory_space<hbm>>
    %dma_wait3A_111 = arith.constant 0 : i32
    %dma_wait3A_112 = arith.constant 0 : i32
    %dma_wait3A_113 = tpu.memref_slice %arg4[%add3A, %dma_wait3A_106, %dma_wait3A_111, %dma_wait3A_112] : memref<32x250x1x40xi32, #tpu.memory_space<hbm>> -> memref<1x1x1x40xi32, #tpu.memory_space<hbm>>
    %dma_wait3A_114 = tpu.memref_squeeze %dma_wait3A_113 : memref<1x1x1x40xi32, #tpu.memory_space<hbm>> -> memref<1x40xi32, #tpu.memory_space<hbm>>
    tpu.wait_dma2 semaphore(%arg21 : memref<!tpu.dma_semaphore, #tpu.memory_space<semaphore_mem>>) src(%dma_wait3A_114 : memref<1x40xi32, #tpu.memory_space<hbm>>) dst(%arg8 : memref<1x40xi32, #tpu.memory_space<vmem>>)
    %dma_start3A_115 = arith.constant 0 : i32
    %dma_start3A_116 = arith.constant 0 : i32
    %dma_start3A_117 = tpu.memref_slice %arg8[%dma_start3A_115, %dma_start3A_116] : memref<1x40xi32, #tpu.memory_space<vmem>> -> memref<1x40xi32, #tpu.memory_space<vmem>>
    %dma_start3A_118 = tpu.memref_squeeze %dma_start3A_117 : memref<1x40xi32, #tpu.memory_space<vmem>> -> memref<40xi32, #tpu.memory_space<vmem>>
    %dma_start3A_119 = arith.constant 0 : i32
    %dma_start3A_120 = arith.constant 0 : i32
    %dma_start3A_121 = tpu.memref_slice %arg13[%dma_start3A_119, %dma_start3A_120] : memref<10240x128xf32, #tpu.memory_space<vmem_shared>> -> memref<10240x128xf32, #tpu.memory_space<vmem_shared>>
    tpu.enqueue_indirect_dma source(%arg11 : memref<40x128xf32, #tpu.memory_space<vmem>>) target(%dma_start3A_121 : memref<10240x128xf32, #tpu.memory_space<vmem_shared>>) offsets(%dma_start3A_118 : memref<40xi32, #tpu.memory_space<vmem>>) semaphore(%arg18 : memref<!tpu.dma_semaphore, #tpu.memory_space<semaphore_mem>>) {add = true}
    %dma_wait3A_122 = arith.constant 248 : i32
    %dma_wait3A_123 = arith.constant 0 : i32
    %dma_wait3A_124 = tpu.memref_slice %arg6[%dma_wait3A_122, %dma_wait3A_123] : memref<250x40xi32, #tpu.memory_space<vmem>> -> memref<1x40xi32, #tpu.memory_space<vmem>>
    %dma_wait3A_125 = tpu.memref_squeeze %dma_wait3A_124 : memref<1x40xi32, #tpu.memory_space<vmem>> -> memref<40xi32, #tpu.memory_space<vmem>>
    %dma_wait3A_126 = arith.constant 0 : i32
    %dma_wait3A_127 = arith.constant 0 : i32
    %dma_wait3A_128 = tpu.memref_slice %arg2[%dma_wait3A_126, %dma_wait3A_127] : memref<10000x128xf32, #tpu.memory_space<hbm>> -> memref<10000x128xf32, #tpu.memory_space<hbm>>
    tpu.wait_indirect_dma semaphore(%arg16 : memref<!tpu.dma_semaphore, #tpu.memory_space<semaphore_mem>>) src(%dma_wait3A_128 : memref<10000x128xf32, #tpu.memory_space<hbm>>) dst(%arg12 : memref<40x128xf32, #tpu.memory_space<vmem>>)
    %dma_wait3A_129 = arith.constant 248 : i32
    %dma_wait3A_130 = arith.constant 0 : i32
    %dma_wait3A_131 = arith.constant 0 : i32
    %dma_wait3A_132 = tpu.memref_slice %arg4[%add3A, %dma_wait3A_129, %dma_wait3A_130, %dma_wait3A_131] : memref<32x250x1x40xi32, #tpu.memory_space<hbm>> -> memref<1x1x1x40xi32, #tpu.memory_space<hbm>>
    %dma_wait3A_133 = tpu.memref_squeeze %dma_wait3A_132 : memref<1x1x1x40xi32, #tpu.memory_space<hbm>> -> memref<1x40xi32, #tpu.memory_space<hbm>>
    %dma_wait3A_134 = arith.constant 0 : i32
    %dma_wait3A_135 = arith.constant 0 : i32
    %dma_wait3A_136 = tpu.memref_slice %arg4[%add3A, %dma_wait3A_129, %dma_wait3A_134, %dma_wait3A_135] : memref<32x250x1x40xi32, #tpu.memory_space<hbm>> -> memref<1x1x1x40xi32, #tpu.memory_space<hbm>>
    %dma_wait3A_137 = tpu.memref_squeeze %dma_wait3A_136 : memref<1x1x1x40xi32, #tpu.memory_space<hbm>> -> memref<1x40xi32, #tpu.memory_space<hbm>>
    tpu.wait_dma2 semaphore(%arg22 : memref<!tpu.dma_semaphore, #tpu.memory_space<semaphore_mem>>) src(%dma_wait3A_137 : memref<1x40xi32, #tpu.memory_space<hbm>>) dst(%arg9 : memref<1x40xi32, #tpu.memory_space<vmem>>)
    %dma_start3A_138 = arith.constant 0 : i32
    %dma_start3A_139 = arith.constant 0 : i32
    %dma_start3A_140 = tpu.memref_slice %arg9[%dma_start3A_138, %dma_start3A_139] : memref<1x40xi32, #tpu.memory_space<vmem>> -> memref<1x40xi32, #tpu.memory_space<vmem>>
    %dma_start3A_141 = tpu.memref_squeeze %dma_start3A_140 : memref<1x40xi32, #tpu.memory_space<vmem>> -> memref<40xi32, #tpu.memory_space<vmem>>
    %dma_start3A_142 = arith.constant 0 : i32
    %dma_start3A_143 = arith.constant 0 : i32
    %dma_start3A_144 = tpu.memref_slice %arg13[%dma_start3A_142, %dma_start3A_143] : memref<10240x128xf32, #tpu.memory_space<vmem_shared>> -> memref<10240x128xf32, #tpu.memory_space<vmem_shared>>
    tpu.enqueue_indirect_dma source(%arg12 : memref<40x128xf32, #tpu.memory_space<vmem>>) target(%dma_start3A_144 : memref<10240x128xf32, #tpu.memory_space<vmem_shared>>) offsets(%dma_start3A_141 : memref<40xi32, #tpu.memory_space<vmem>>) semaphore(%arg19 : memref<!tpu.dma_semaphore, #tpu.memory_space<semaphore_mem>>) {add = true}
    %dma_wait3A_145 = arith.constant 246 : i32
    %dma_wait3A_146 = arith.constant 0 : i32
    %dma_wait3A_147 = tpu.memref_slice %arg6[%dma_wait3A_145, %dma_wait3A_146] : memref<250x40xi32, #tpu.memory_space<vmem>> -> memref<1x40xi32, #tpu.memory_space<vmem>>
    %dma_wait3A_148 = tpu.memref_squeeze %dma_wait3A_147 : memref<1x40xi32, #tpu.memory_space<vmem>> -> memref<40xi32, #tpu.memory_space<vmem>>
    %dma_wait3A_149 = arith.constant 0 : i32
    %dma_wait3A_150 = arith.constant 0 : i32
    %dma_wait3A_151 = tpu.memref_slice %arg2[%dma_wait3A_149, %dma_wait3A_150] : memref<10000x128xf32, #tpu.memory_space<hbm>> -> memref<10000x128xf32, #tpu.memory_space<hbm>>
    tpu.wait_indirect_dma semaphore(%arg17 : memref<!tpu.dma_semaphore, #tpu.memory_space<semaphore_mem>>) src(%dma_wait3A_151 : memref<10000x128xf32, #tpu.memory_space<hbm>>) dst(%arg10 : memref<40x128xf32, #tpu.memory_space<vmem>>)
    %dma_wait3A_152 = arith.constant 247 : i32
    %dma_wait3A_153 = arith.constant 0 : i32
    %dma_wait3A_154 = tpu.memref_slice %arg6[%dma_wait3A_152, %dma_wait3A_153] : memref<250x40xi32, #tpu.memory_space<vmem>> -> memref<1x40xi32, #tpu.memory_space<vmem>>
    %dma_wait3A_155 = tpu.memref_squeeze %dma_wait3A_154 : memref<1x40xi32, #tpu.memory_space<vmem>> -> memref<40xi32, #tpu.memory_space<vmem>>
    %dma_wait3A_156 = arith.constant 0 : i32
    %dma_wait3A_157 = arith.constant 0 : i32
    %dma_wait3A_158 = tpu.memref_slice %arg2[%dma_wait3A_156, %dma_wait3A_157] : memref<10000x128xf32, #tpu.memory_space<hbm>> -> memref<10000x128xf32, #tpu.memory_space<hbm>>
    tpu.wait_indirect_dma semaphore(%arg18 : memref<!tpu.dma_semaphore, #tpu.memory_space<semaphore_mem>>) src(%dma_wait3A_158 : memref<10000x128xf32, #tpu.memory_space<hbm>>) dst(%arg11 : memref<40x128xf32, #tpu.memory_space<vmem>>)
    %dma_wait3A_159 = arith.constant 248 : i32
    %dma_wait3A_160 = arith.constant 0 : i32
    %dma_wait3A_161 = tpu.memref_slice %arg6[%dma_wait3A_159, %dma_wait3A_160] : memref<250x40xi32, #tpu.memory_space<vmem>> -> memref<1x40xi32, #tpu.memory_space<vmem>>
    %dma_wait3A_162 = tpu.memref_squeeze %dma_wait3A_161 : memref<1x40xi32, #tpu.memory_space<vmem>> -> memref<40xi32, #tpu.memory_space<vmem>>
    %dma_wait3A_163 = arith.constant 0 : i32
    %dma_wait3A_164 = arith.constant 0 : i32
    %dma_wait3A_165 = tpu.memref_slice %arg2[%dma_wait3A_163, %dma_wait3A_164] : memref<10000x128xf32, #tpu.memory_space<hbm>> -> memref<10000x128xf32, #tpu.memory_space<hbm>>
    tpu.wait_indirect_dma semaphore(%arg19 : memref<!tpu.dma_semaphore, #tpu.memory_space<semaphore_mem>>) src(%dma_wait3A_165 : memref<10000x128xf32, #tpu.memory_space<hbm>>) dst(%arg12 : memref<40x128xf32, #tpu.memory_space<vmem>>)
    %barrier3A_166 = arith.constant 0 : index
    tpu.barrier barrier_id(%barrier3A_166)
    %mul3A_167 = arith.constant 640 : i32
    %mul3A_168 = arith.muli %arg1, %mul3A_167 : i32
    %mul3A_169 = arith.constant 640 : i32
    %mul3A_170 = arith.muli %arg1, %mul3A_169 : i32
    "tpu.region"() ({
      %run_scoped3A_171 = tpu.sem_alloc : memref<!tpu.dma_semaphore, #tpu.memory_space<semaphore_mem>>
      %dma_start3A_172 = arith.constant 0 : i32
      %dma_start3A_173 = tpu.memref_slice %arg5[%arg0, %mul3A_170, %dma_start3A_172] : memref<2x10240x128xf32, #tpu.memory_space<hbm>> -> memref<1x640x128xf32, #tpu.memory_space<hbm>>
      %dma_start3A_174 = tpu.memref_squeeze %dma_start3A_173 : memref<1x640x128xf32, #tpu.memory_space<hbm>> -> memref<640x128xf32, #tpu.memory_space<hbm>>
      %dma_start3A_175 = arith.constant 0 : i32
      %dma_start3A_176 = tpu.memref_slice %arg13[%mul3A_168, %dma_start3A_175] : memref<10240x128xf32, #tpu.memory_space<vmem_shared>> -> memref<640x128xf32, #tpu.memory_space<vmem_shared>>
      tpu.enqueue_dma source(%dma_start3A_176 : memref<640x128xf32, #tpu.memory_space<vmem_shared>>) target(%dma_start3A_174 : memref<640x128xf32, #tpu.memory_space<hbm>>) target_semaphore(%run_scoped3A_171 : memref<!tpu.dma_semaphore, #tpu.memory_space<semaphore_mem>>)
      %dma_wait3A_177 = arith.constant 0 : i32
      %dma_wait3A_178 = tpu.memref_slice %arg5[%arg0, %mul3A_170, %dma_wait3A_177] : memref<2x10240x128xf32, #tpu.memory_space<hbm>> -> memref<1x640x128xf32, #tpu.memory_space<hbm>>
      %dma_wait3A_179 = tpu.memref_squeeze %dma_wait3A_178 : memref<1x640x128xf32, #tpu.memory_space<hbm>> -> memref<640x128xf32, #tpu.memory_space<hbm>>
      %dma_wait3A_180 = arith.constant 0 : i32
      %dma_wait3A_181 = tpu.memref_slice %arg13[%mul3A_168, %dma_wait3A_180] : memref<10240x128xf32, #tpu.memory_space<vmem_shared>> -> memref<640x128xf32, #tpu.memory_space<vmem_shared>>
      tpu.wait_dma2 semaphore(%run_scoped3A_171 : memref<!tpu.dma_semaphore, #tpu.memory_space<semaphore_mem>>) src(%dma_wait3A_181 : memref<640x128xf32, #tpu.memory_space<vmem_shared>>) dst(%dma_wait3A_179 : memref<640x128xf32, #tpu.memory_space<hbm>>)
      tpu.yield
    }) : () -> ()
    return
  }
}

module attributes {stable_mosaic.version = 14 : i64} {
  func.func @body(%arg0: memref<10000x128xf32, #tpu.memory_space<vmem>>, %arg1: memref<128x128xf32, #tpu.memory_space<vmem>>, %arg2: memref<1x128xf32, #tpu.memory_space<vmem>>, %arg3: memref<128x128xf32, #tpu.memory_space<vmem>>, %arg4: memref<2x10000x1xf32, #tpu.memory_space<vmem>>, %arg5: memref<10000x128xf32, #tpu.memory_space<vmem>>, %arg6: memref<10000x128xf32, #tpu.memory_space<vmem>>, %arg7: memref<10000x128xf32, #tpu.memory_space<vmem>>) attributes {dimension_semantics = [], scalar_prefetch = 0 : i64, scratch_operands = 0 : i64, tpu.core_type = #tpu.core_type<tc>} {
    %get3A = arith.constant 0 : index
    %get3A_0 = arith.constant 0 : index
    %get3A_1 = vector.load %arg0[%get3A, %get3A_0] : memref<10000x128xf32, #tpu.memory_space<vmem>>, vector<10000x128xf32>
    %get3A_2 = arith.constant 0 : index
    %get3A_3 = arith.constant 0 : index
    %get3A_4 = vector.load %arg1[%get3A_2, %get3A_3] : memref<128x128xf32, #tpu.memory_space<vmem>>, vector<128x128xf32>
    %dot_general3A = arith.constant dense<0.000000e+00> : vector<10000x128xf32>
    %dot_general3A_5 = tpu.matmul %get3A_1, %get3A_4, %dot_general3A {dimension_numbers = #tpu.dot_dimension_numbers<[1], [0], [0], [1], [0, 0, 1, 1], [], []>, transpose_lhs_hint = false} : vector<10000x128xf32>, vector<128x128xf32>, vector<10000x128xf32> -> vector<10000x128xf32>
    %get3A_6 = arith.constant 0 : index
    %get3A_7 = arith.constant 0 : index
    %get3A_8 = vector.load %arg2[%get3A_6, %get3A_7] : memref<1x128xf32, #tpu.memory_space<vmem>>, vector<1x128xf32>
    %add3A = vector.broadcast %get3A_8 : vector<1x128xf32> to vector<10000x128xf32>
    %add3A_9 = arith.addf %dot_general3A_5, %add3A : vector<10000x128xf32>
    %integer_pow3A = arith.mulf %add3A_9, %add3A_9 : vector<10000x128xf32>
    %integer_pow3A_10 = arith.mulf %add3A_9, %integer_pow3A : vector<10000x128xf32>
    %mul3A = arith.constant 4.471500e-02 : f32
    %mul3A_11 = vector.broadcast %mul3A : f32 to vector<10000x128xf32>
    %mul3A_12 = arith.mulf %mul3A_11, %integer_pow3A_10 : vector<10000x128xf32>
    %add3A_13 = arith.addf %add3A_9, %mul3A_12 : vector<10000x128xf32>
    %mul3A_14 = arith.constant 0.797884583 : f32
    %mul3A_15 = vector.broadcast %mul3A_14 : f32 to vector<10000x128xf32>
    %mul3A_16 = arith.mulf %mul3A_15, %add3A_13 : vector<10000x128xf32>
    %tanh3A = math.tanh %mul3A_16 : vector<10000x128xf32>
    %add3A_17 = arith.constant 1.000000e+00 : f32
    %add3A_18 = vector.broadcast %add3A_17 : f32 to vector<10000x128xf32>
    %add3A_19 = arith.addf %add3A_18, %tanh3A : vector<10000x128xf32>
    %mul3A_20 = arith.constant 5.000000e-01 : f32
    %mul3A_21 = vector.broadcast %mul3A_20 : f32 to vector<10000x128xf32>
    %mul3A_22 = arith.mulf %mul3A_21, %add3A_19 : vector<10000x128xf32>
    %mul3A_23 = arith.mulf %add3A_9, %mul3A_22 : vector<10000x128xf32>
    %swap3A = arith.constant 0 : index
    %swap3A_24 = arith.constant 0 : index
    %swap3A_25 = vector.load %arg5[%swap3A, %swap3A_24] : memref<10000x128xf32, #tpu.memory_space<vmem>>, vector<10000x128xf32>
    tpu.vector_store %arg5[%swap3A, %swap3A_24], %mul3A_23 {strides = array<i32>} : memref<10000x128xf32, #tpu.memory_space<vmem>>, vector<10000x128xf32>,
    %get3A_26 = arith.constant 0 : index
    %get3A_27 = arith.constant 0 : index
    %get3A_28 = vector.load %arg3[%get3A_26, %get3A_27] : memref<128x128xf32, #tpu.memory_space<vmem>>, vector<128x128xf32>
    %dot_general3A_29 = arith.constant dense<0.000000e+00> : vector<10000x128xf32>
    %dot_general3A_30 = tpu.matmul %mul3A_23, %get3A_28, %dot_general3A_29 {dimension_numbers = #tpu.dot_dimension_numbers<[1], [0], [0], [1], [0, 0, 1, 1], [], []>, transpose_lhs_hint = false} : vector<10000x128xf32>, vector<128x128xf32>, vector<10000x128xf32> -> vector<10000x128xf32>
    %swap3A_31 = arith.constant 0 : index
    %swap3A_32 = arith.constant 0 : index
    %swap3A_33 = vector.load %arg6[%swap3A_31, %swap3A_32] : memref<10000x128xf32, #tpu.memory_space<vmem>>, vector<10000x128xf32>
    tpu.vector_store %arg6[%swap3A_31, %swap3A_32], %dot_general3A_30 {strides = array<i32>} : memref<10000x128xf32, #tpu.memory_space<vmem>>, vector<10000x128xf32>,
    %get3A_34 = arith.constant 0 : index
    %get3A_35 = arith.constant 0 : index
    %get3A_36 = arith.constant 0 : index
    %get3A_37 = vector.load %arg4[%get3A_34, %get3A_35, %get3A_36] : memref<2x10000x1xf32, #tpu.memory_space<vmem>>, vector<1x10000x1xf32>
    %get3A_38 = vector.shape_cast %get3A_37 : vector<1x10000x1xf32> to vector<10000x1xf32>
    %get3A_39 = arith.constant 1 : index
    %get3A_40 = arith.constant 0 : index
    %get3A_41 = arith.constant 0 : index
    %get3A_42 = vector.load %arg4[%get3A_39, %get3A_40, %get3A_41] : memref<2x10000x1xf32, #tpu.memory_space<vmem>>, vector<1x10000x1xf32>
    %get3A_43 = vector.shape_cast %get3A_42 : vector<1x10000x1xf32> to vector<10000x1xf32>
    %add3A_44 = arith.addf %get3A_38, %get3A_43 : vector<10000x1xf32>
    %max3A = arith.constant 1.000000e+00 : f32
    %max3A_45 = vector.broadcast %max3A : f32 to vector<10000x1xf32>
    %max3A_46 = arith.maximumf %add3A_44, %max3A_45 : vector<10000x1xf32>
    %div3A = arith.constant 1.000000e+00 : f32
    %div3A_47 = vector.broadcast %div3A : f32 to vector<10000x1xf32>
    %div3A_48 = arith.divf %div3A_47, %max3A_46 : vector<10000x1xf32>
    %broadcast_in_dim3A = vector.shape_cast %div3A_48 : vector<10000x1xf32> to vector<10000x1xf32>
    %broadcast_in_dim3A_49 = vector.broadcast %broadcast_in_dim3A : vector<10000x1xf32> to vector<10000x128xf32>
    %swap3A_50 = arith.constant 0 : index
    %swap3A_51 = arith.constant 0 : index
    %swap3A_52 = vector.load %arg7[%swap3A_50, %swap3A_51] : memref<10000x128xf32, #tpu.memory_space<vmem>>, vector<10000x128xf32>
    tpu.vector_store %arg7[%swap3A_50, %swap3A_51], %broadcast_in_dim3A_49 {strides = array<i32>} : memref<10000x128xf32, #tpu.memory_space<vmem>>, vector<10000x128xf32>,
    return
  }
}

module attributes {stable_mosaic.version = 14 : i64} {
  func.func @body(%arg0: memref<2x10000x128xf32, #tpu.memory_space<vmem>>, %arg1: memref<10000x128xf32, #tpu.memory_space<vmem>>, %arg2: memref<1x128xf32, #tpu.memory_space<vmem>>, %arg3: memref<10000x128xf32, #tpu.memory_space<vmem>>, %arg4: memref<128x128xf32, #tpu.memory_space<vmem>>, %arg5: memref<10000x128xf32, #tpu.memory_space<vmem>>, %arg6: memref<10000x128xf32, #tpu.memory_space<vmem>>) attributes {dimension_semantics = [], scalar_prefetch = 0 : i64, scratch_operands = 0 : i64, tpu.core_type = #tpu.core_type<tc>} {
    %get3A = arith.constant 0 : index
    %get3A_0 = arith.constant 0 : index
    %get3A_1 = arith.constant 0 : index
    %get3A_2 = vector.load %arg0[%get3A, %get3A_0, %get3A_1] : memref<2x10000x128xf32, #tpu.memory_space<vmem>>, vector<1x10000x128xf32>
    %get3A_3 = vector.shape_cast %get3A_2 : vector<1x10000x128xf32> to vector<10000x128xf32>
    %get3A_4 = arith.constant 1 : index
    %get3A_5 = arith.constant 0 : index
    %get3A_6 = arith.constant 0 : index
    %get3A_7 = vector.load %arg0[%get3A_4, %get3A_5, %get3A_6] : memref<2x10000x128xf32, #tpu.memory_space<vmem>>, vector<1x10000x128xf32>
    %get3A_8 = vector.shape_cast %get3A_7 : vector<1x10000x128xf32> to vector<10000x128xf32>
    %add3A = arith.addf %get3A_3, %get3A_8 : vector<10000x128xf32>
    %get3A_9 = arith.constant 0 : index
    %get3A_10 = arith.constant 0 : index
    %get3A_11 = vector.load %arg1[%get3A_9, %get3A_10] : memref<10000x128xf32, #tpu.memory_space<vmem>>, vector<10000x128xf32>
    %mul3A = arith.mulf %add3A, %get3A_11 : vector<10000x128xf32>
    %get3A_12 = arith.constant 0 : index
    %get3A_13 = arith.constant 0 : index
    %get3A_14 = vector.load %arg2[%get3A_12, %get3A_13] : memref<1x128xf32, #tpu.memory_space<vmem>>, vector<1x128xf32>
    %add3A_15 = vector.broadcast %get3A_14 : vector<1x128xf32> to vector<10000x128xf32>
    %add3A_16 = arith.addf %mul3A, %add3A_15 : vector<10000x128xf32>
    %get3A_17 = arith.constant 0 : index
    %get3A_18 = arith.constant 0 : index
    %get3A_19 = vector.load %arg3[%get3A_17, %get3A_18] : memref<10000x128xf32, #tpu.memory_space<vmem>>, vector<10000x128xf32>
    %add3A_20 = arith.addf %add3A_16, %get3A_19 : vector<10000x128xf32>
    %swap3A = arith.constant 0 : index
    %swap3A_21 = arith.constant 0 : index
    %swap3A_22 = vector.load %arg5[%swap3A, %swap3A_21] : memref<10000x128xf32, #tpu.memory_space<vmem>>, vector<10000x128xf32>
    tpu.vector_store %arg5[%swap3A, %swap3A_21], %add3A_20 {strides = array<i32>} : memref<10000x128xf32, #tpu.memory_space<vmem>>, vector<10000x128xf32>,
    %get3A_23 = arith.constant 0 : index
    %get3A_24 = arith.constant 0 : index
    %get3A_25 = vector.load %arg4[%get3A_23, %get3A_24] : memref<128x128xf32, #tpu.memory_space<vmem>>, vector<128x128xf32>
    %dot_general3A = arith.constant dense<0.000000e+00> : vector<10000x128xf32>
    %dot_general3A_26 = tpu.matmul %add3A_20, %get3A_25, %dot_general3A {dimension_numbers = #tpu.dot_dimension_numbers<[1], [0], [0], [1], [0, 0, 1, 1], [], []>, transpose_lhs_hint = false} : vector<10000x128xf32>, vector<128x128xf32>, vector<10000x128xf32> -> vector<10000x128xf32>
    %swap3A_27 = arith.constant 0 : index
    %swap3A_28 = arith.constant 0 : index
    %swap3A_29 = vector.load %arg6[%swap3A_27, %swap3A_28] : memref<10000x128xf32, #tpu.memory_space<vmem>>, vector<10000x128xf32>
    tpu.vector_store %arg6[%swap3A_27, %swap3A_28], %dot_general3A_26 {strides = array<i32>} : memref<10000x128xf32, #tpu.memory_space<vmem>>, vector<10000x128xf32>,
    return
  }
}

module attributes {stable_mosaic.version = 14 : i64} {
  func.func @body(%arg0: memref<2x10000x128xf32, #tpu.memory_space<vmem>>, %arg1: memref<10000x128xf32, #tpu.memory_space<vmem>>, %arg2: memref<1x128xf32, #tpu.memory_space<vmem>>, %arg3: memref<10000x128xf32, #tpu.memory_space<vmem>>, %arg4: memref<10000x128xf32, #tpu.memory_space<vmem>>) attributes {dimension_semantics = [], scalar_prefetch = 0 : i64, scratch_operands = 0 : i64, tpu.core_type = #tpu.core_type<tc>} {
    %get3A = arith.constant 0 : index
    %get3A_0 = arith.constant 0 : index
    %get3A_1 = arith.constant 0 : index
    %get3A_2 = vector.load %arg0[%get3A, %get3A_0, %get3A_1] : memref<2x10000x128xf32, #tpu.memory_space<vmem>>, vector<1x10000x128xf32>
    %get3A_3 = vector.shape_cast %get3A_2 : vector<1x10000x128xf32> to vector<10000x128xf32>
    %get3A_4 = arith.constant 1 : index
    %get3A_5 = arith.constant 0 : index
    %get3A_6 = arith.constant 0 : index
    %get3A_7 = vector.load %arg0[%get3A_4, %get3A_5, %get3A_6] : memref<2x10000x128xf32, #tpu.memory_space<vmem>>, vector<1x10000x128xf32>
    %get3A_8 = vector.shape_cast %get3A_7 : vector<1x10000x128xf32> to vector<10000x128xf32>
    %add3A = arith.addf %get3A_3, %get3A_8 : vector<10000x128xf32>
    %get3A_9 = arith.constant 0 : index
    %get3A_10 = arith.constant 0 : index
    %get3A_11 = vector.load %arg1[%get3A_9, %get3A_10] : memref<10000x128xf32, #tpu.memory_space<vmem>>, vector<10000x128xf32>
    %mul3A = arith.mulf %add3A, %get3A_11 : vector<10000x128xf32>
    %get3A_12 = arith.constant 0 : index
    %get3A_13 = arith.constant 0 : index
    %get3A_14 = vector.load %arg2[%get3A_12, %get3A_13] : memref<1x128xf32, #tpu.memory_space<vmem>>, vector<1x128xf32>
    %add3A_15 = vector.broadcast %get3A_14 : vector<1x128xf32> to vector<10000x128xf32>
    %add3A_16 = arith.addf %mul3A, %add3A_15 : vector<10000x128xf32>
    %get3A_17 = arith.constant 0 : index
    %get3A_18 = arith.constant 0 : index
    %get3A_19 = vector.load %arg3[%get3A_17, %get3A_18] : memref<10000x128xf32, #tpu.memory_space<vmem>>, vector<10000x128xf32>
    %add3A_20 = arith.addf %add3A_16, %get3A_19 : vector<10000x128xf32>
    %swap3A = arith.constant 0 : index
    %swap3A_21 = arith.constant 0 : index
    %swap3A_22 = vector.load %arg4[%swap3A, %swap3A_21] : memref<10000x128xf32, #tpu.memory_space<vmem>>, vector<10000x128xf32>
    tpu.vector_store %arg4[%swap3A, %swap3A_21], %add3A_20 {strides = array<i32>} : memref<10000x128xf32, #tpu.memory_space<vmem>>, vector<10000x128xf32>,
    return
  }
}

</mosaic_0001>

<sc_bundles>
// kernel: kernel.10.cloned.1.call-start
scs
__scs_entry_jumppad:
0x0: {  	(pc) =	sbr.rel $0x88, $3  }
0x1: {  	(tag) =	ssettag $0x0;
	lr =	simm.s32 $0x1  }
0x2: {  	[smem:$0x3F97] =	sst lr;
	_ =	strace $0xD0000000  }
0x3: {  	_ = 	snop  }
0x4: {  	_ = 	snop  }
0x5: {  	_ = 	snop  }
0x6: {  	_ = 	snop  }
0x7: {  	_ = 	snop  }
__scs_overlays_trampoline_lowered:
0x8: {  	[smem:$0x3FA6] =	sst s0  }
0x9: {  	[smem:$0x3FA7] =	sst s1  }
0xa: {  	[smem:$0x3FA8] =	sst s2  }
0xb: {  	[smem:$0x3FA9] =	sst s3  }
0xc: {  	[smem:$0x3FAA] =	sst s4  }
0xd: {  	[smem:$0x3FAB] =	sst s5  }
0xe: {  	[smem:$0x3FAC] =	sst s6  }
0xf: {  	[smem:$0x3FAD] =	sst s7  }
0x10: {  	[smem:$0x3FAE] =	sst s8  }
0x11: {  	[smem:$0x3FAF] =	sst s9;
	s0 =	simm.s32 @!p0 $0x0  }
0x12: {  	s1 =	sld [smem:$0x3F95];
	s0 =	simm.s32 @p0 $0x1  }
0x13: {  	[smem:$0x3FB0] =	sst s0;
	s0 =	simm.s32 @!p1 $0x0  }
0x14: {  	s2 =	sld [smem:$0x3F94];
	s0 =	simm.s32 @p1 $0x1  }
0x15: {  	[smem:$0x3FB1] =	sst s0;
	s0 =	simm.s32 @!p2 $0x0  }
0x16: {  	s3 =	sld [smem:$0x3FDB];
	s0 =	simm.s32 @p2 $0x1  }
0x17: {  	s4 =	simm.s32 $0x1BF5;
	[smem:$0x3FB3] =	sst s0  }
0x18: {  	s0 =	sld [smem:$0x3F96];
	_ =	swait.ge [sflag:s4], $0x0  }
0x19: {  	s7 =	sld [smem:$0x3F97]  }
0x1a: {  	s8 =	sadd.s32 $0xFFFFE003, lr  }
0x1b: {  	s9 =	sadd.s32 $0xFFFFFEF7, lr;
	s5 =	simm.s32 $0xFFFFFFFF;
	p2 =	slt.u32 s8, $0xFFFFF086  }
0x1c: {  	p1 =	slt.u32 s9, $0xF7A;
	s5 =	simm.s32 @!p2 $0x0  }
0x1d: {  	s5 =	simm.s32 @p1 $0x1;
	p0 =	seq.s32 s7, s2  }
0x1e: {  	s7 =	smul.u32 @!p0 $0xF7A, s2;
	p2 =	seq.s32 @!p0 s5, $0x0  }
0x1f: {  	s9 =	smul.u32 $0xF7A, s1;
	s8 =	simm.s32 @!p0 $0x1BF5;
	p2 =	por !p2, p0  }
0x20: {  	[sflag:s8] =	ssyncset.s32 @!p0 $0xFFFFF086;
	s6 =	sadd.s32 @!p0 s3, s7;
	s7 =	simm.s32 @!p0 $0x108  }
0x21: {  	s3 =	sadd.s32 s3, s9;
	s6 =	sadd.s32 @!p0 $0x88, s6;
	s7 =	simm.s32 @p2 $0x1082  }
0x22: {  	[simem:s7], [sflag:s8] =	dma.local @!p0 [hbm:s6], $0xF7A  }
0x23: {  	s9 =	sor.u32 $0xD0000000, s2;
	s6 =	simm.s32 $0x108;
	_ =	swait.ge @!p0 [sflag:s8], $0x0  }
0x24: {  	s3 =	sadd.s32 $0x88, s3;
	s6 =	simm.s32 @!p1 $0x1082;
	[sflag:s4] =	ssyncset.s32 $0xFFFFF086  }
0x25: {  	[simem:s6], [sflag:s4] =	dma.local [hbm:s3], $0xF7A  }
0x26: {  	[smem:$0x3F97] =	sst s1;
	(tag) =	ssettag s2;
	_ =	strace s9  }
0x27: {  	s1 =	sld [smem:$0x3FA7]  }
0x28: {  	s2 =	sld [smem:$0x3FA8]  }
0x29: {  	s4 =	sld [smem:$0x3FAA]  }
0x2a: {  	p0 =	seq.s32 s5, $0x0;
	s5 =	sld [smem:$0x3FAB]  }
0x2b: {  	s6 =	sld [smem:$0x3FAC]  }
0x2c: {  	s7 =	sld [smem:$0x3FAD]  }
0x2d: {  	s3 =	simm.s32 $0x108;
	s8 =	sld [smem:$0x3FAE]  }
0x2e: {  	s3 =	simm.s32 @!p0 $0x1082;
	s9 =	sld [smem:$0x3FAF]  }
0x2f: {  	lr =	sadd.s32 s0, s3;
	s0 =	sld [smem:$0x3FA6]  }
0x30: {  	s3 =	sld [smem:$0x3FA9]  }
0x31: {  	[smem:$0x3FB2] =	sst s10  }
0x32: {  	s10 =	sld [smem:$0x3FB0];
	_ =	sdelay $0x3  }
0x33: {  	p0 =	seq.s32 s10, $0x1;
	s10 =	sld [smem:$0x3FB2];
	_ =	sdelay $0x3  }
0x34: {  	[smem:$0x3FB2] =	sst s10  }
0x35: {  	s10 =	sld [smem:$0x3FB1];
	_ =	sdelay $0x3  }
0x36: {  	p1 =	seq.s32 s10, $0x1;
	s10 =	sld [smem:$0x3FB2];
	_ =	sdelay $0x3  }
0x37: {  	[smem:$0x3FB2] =	sst s10  }
0x38: {  	s10 =	sld [smem:$0x3FB3]  }
0x39: {  	_ = 	snop;
	(pc) =	sbr.ind lr, $3  }
0x3a: {  	_ = 	snop  }
0x3b: {  	_ = 	snop  }
0x3c: {  	p2 =	seq.s32 s10, $0x1;
	s10 =	sld [smem:$0x3FB2]  }
0x3d: {  	_ =	shalt  }
0x3e: {  	_ =	shalt  }
0x3f: {  	_ =	shalt  }
0x40: {  	_ =	shalt  }
0x41: {  	_ =	shalt  }
0x42: {  	_ =	shalt  }
0x43: {  	_ =	shalt  }
0x44: {  	_ =	shalt  }
0x45: {  	_ =	shalt  }
0x46: {  	_ =	shalt  }
0x47: {  	_ =	shalt  }
0x48: {  	_ =	shalt  }
0x49: {  	_ =	shalt  }
0x4a: {  	_ =	shalt  }
0x4b: {  	_ =	shalt  }
0x4c: {  	_ =	shalt  }
0x4d: {  	_ =	shalt  }
0x4e: {  	_ =	shalt  }
0x4f: {  	_ =	shalt  }
0x50: {  	_ =	shalt  }
0x51: {  	_ =	shalt  }
0x52: {  	_ =	shalt  }
0x53: {  	_ =	shalt  }
0x54: {  	_ =	shalt  }
0x55: {  	_ =	shalt  }
0x56: {  	_ =	shalt  }
0x57: {  	_ =	shalt  }
0x58: {  	_ =	shalt  }
0x59: {  	_ =	shalt  }
0x5a: {  	_ =	shalt  }
0x5b: {  	_ =	shalt  }
0x5c: {  	_ =	shalt  }
0x5d: {  	_ =	shalt  }
0x5e: {  	_ =	shalt  }
0x5f: {  	_ =	shalt  }
0x60: {  	_ =	shalt  }
0x61: {  	_ =	shalt  }
0x62: {  	_ =	shalt  }
0x63: {  	_ =	shalt  }
0x64: {  	_ =	shalt  }
0x65: {  	_ =	shalt  }
0x66: {  	_ =	shalt  }
0x67: {  	_ =	shalt  }
0x68: {  	_ =	shalt  }
0x69: {  	_ =	shalt  }
0x6a: {  	_ =	shalt  }
0x6b: {  	_ =	shalt  }
0x6c: {  	_ =	shalt  }
0x6d: {  	_ =	shalt  }
0x6e: {  	_ =	shalt  }
0x6f: {  	_ =	shalt  }
0x70: {  	_ =	shalt  }
0x71: {  	_ =	shalt  }
0x72: {  	_ =	shalt  }
0x73: {  	_ =	shalt  }
0x74: {  	_ =	shalt  }
0x75: {  	_ =	shalt  }
0x76: {  	_ =	shalt  }
0x77: {  	_ =	shalt  }
0x78: {  	_ =	shalt  }
0x79: {  	_ =	shalt  }
0x7a: {  	_ =	shalt  }
0x7b: {  	_ =	shalt  }
0x7c: {  	_ =	shalt  }
0x7d: {  	_ =	shalt  }
0x7e: {  	_ =	shalt  }
0x7f: {  	_ =	shalt  }
0x80: {  	_ =	shalt  }
0x81: {  	_ =	shalt  }
0x82: {  	_ =	shalt  }
0x83: {  	_ =	shalt  }
0x84: {  	_ =	shalt  }
0x85: {  	_ =	shalt  }
0x86: {  	_ =	shalt  }
0x87: {  	_ =	shalt  }
.Lfunc_end0:
.L_simem_size_0:
called_computation_lowered:
.L_overlay_start_0:
0x88: {  	s2 =	sld [smem:$0x3FD9]  }
0x89: {  	s3 =	sld [smem:$0x3FFE];
	_ =	sdelay $0x1  }
0x8a: {  	s1 =	srdreg.scid  }
0x8b: {  	s0 =	sand.u32 $0x1, s1  }
0x8c: {  	s17 =	sshll.u32 s0, $0xA;
	s2 =	sadd.s32 s3, s2  }
0x8d: {  	s2 =	sadd.s32 s2, s17  }
0x8e: {  	[smem:$0x3FBE] =	sst s2  }
0x8f: {  	_ = 	snop  }
0x90: {  	s2 =	sld [smem:$0x3FD0];
	(tm) =	ssettm $0x1  }
0x91: {  	s18 =	sld [smem:$0x3FFB];
	_ =	sdelay $0x3  }
0x92: {  	_ =	strace s18  }
0x93: {  	s3 =	sld [smem:$0x3FFC];
	_ =	sdelay $0x3  }
0x94: {  	_ =	strace s3  }
0x95: {  	s3 =	sld [smem:$0x3FFD];
	_ =	sdelay $0x3  }
0x96: {  	_ =	strace s3  }
0x97: {  	_ =	strace $0x8FFFFFFF  }
0x98: {  	s19 =	sld [smem:$0x3FDB];
	_ =	sdelay $0x1  }
0x99: {  	s4 =	simm.s32 $_scs_section_size  }
0x9a: {  	s5 =	simm.s32 $_size__tile_overlayer_lowered;
	s6 =	simm.s32 $_tile_overlayer_lowered  }
0x9b: {  	s22 =	simm.s32 $0x1BFF;
	s21 =	sshll.u32 s6, $0x1;
	s3 =	sadd.s32 s4, s19  }
0x9c: {  	s7 =	simm.s32 $0x0;
	s20 =	sshll.u32 s5, $0x1;
	s5 =	sadd.s32 s21, s3  }
0x9d: {  	[timem:s7], [sflag:s22] =	dma.local [hbm:s5], s20  }
0x9e: {  	_ =	swait.ge [sflag:s22], s20  }
0x9f: {  	s4 =	ssub.s32 $0x0, s20;
	[sflag:s22] =	ssyncset.done $0x0  }
0xa0: {  	[sflag:s22] =	ssyncadd.s32 s4;
	_ =	sdelay $0x1  }
0xa1: {  	s23 =	simm.s32 $0x1B8B  }
0xa2: {  	_ =	swait.ge [sflag:s23], $0x1  }
0xa3: {  	[sflag:s23] =	ssyncset.done $0x0  }
0xa4: {  	s25 =	simm.s32 $0x1B8E;
	s24 =	sld [smem:$0x3FFE];
	[sflag:s23] =	ssyncadd.s32 $0xFFFFFFFF  }
0xa5: {  	s26 =	simm.s32 $execute0_lowered;
	[smem:$0x3FD2] =	sst s25  }
0xa6: {  	s5 =	sshll.u32 s26, $0x1;
	_ =	strace $0x80000046;
	[dreg:$0x1] =	wrdreg $0xFFFFFFFF  }
0xa7: {  	s28 =	simm.s32 $_size_execute0_lowered;
	s3 =	sadd.s32 s3, s5;
	[dreg:$0x0] =	wrdreg $0x0  }
0xa8: {  	s5 =	sshll.u32 s28, $0x1;
	[dreg:$0x2] =	wrdreg s3  }
0xa9: {  	[dreg:$0x3] =	wrdreg s5  }
0xaa: {  	[dreg:$0x4] =	wrdreg $0xC0  }
0xab: {  	_ =	task [dreg:s7], $0x5FFFF  }
0xac: {  	[dreg:$0x1] =	wrdreg $0xFFFFFFFF  }
0xad: {  	[dreg:$0x0] =	wrdreg $0x60  }
0xae: {  	[dreg:$0x2] =	wrdreg s24  }
0xaf: {  	[dreg:$0x3] =	wrdreg s2  }
0xb0: {  	[dreg:$0x4] =	wrdreg $0x18C000  }
0xb1: {  	[dreg:$0x5] =	wrdreg $0x9  }
0xb2: {  	_ =	task.clear_ibuf [dreg:s7], $0x6FFFF;
	_ =	strace $0x90000046  }
0xb3: {  	s29 =	simm.s32 $0x9;
	_ =	strace $0x80000048  }
0xb4: {  	_ =	swait.ge [sflag:s29], $0x1  }
0xb5: {  	[sflag:s29] =	ssyncadd.s32 $0xFFFFFFFF  }
0xb6: {  	_ =	strace $0x90000048  }
0xb7: {  	_ =	sfence  }
0xb8: {  	s30 =	sld [smem:$0x0];
	_ =	sdelay $0x2  }
0xb9: {  	s31 =	sshll.u32 s1, $0xD;
	s1 =	sshrl.u32 s1, $0x2  }
0xba: {  	s3 =	sand.u32 $0x4000, s31;
	s1 =	sadd.s32 s1, s30  }
0xbb: {  	s0 =	sor.u32 s3, s0;
	s1 =	sshll.u32 s1, $0x11  }
0xbc: {  	s0 =	sor.u32 s1, s0  }
0xbd: {  	s0 =	sadd.s32 $0x8F2B, s0  }
0xbe: {  	[sflag:s0] =	ssyncadd.remote.s32 $0x1  }
0xbf: {  	_ =	sfence.sel $0xFFFF  }
0xc0: {  	[dreg:$0x0] =	wrdreg $0xFFFFFFFF;
	(pc) =	sbr.abs _section_cstart, $3  }
0xc1: {  	[dreg:$0x1] =	wrdreg $0xFFFFFFFF  }
0xc2: {  	_ =	task.clear_ibuf [dreg:s7], $0x2FFFF;
	_ =	strace $0x9FFFFFFF  }
0xc3: {  	(tm) =	ssettm $0x7FFFFFFF  }
tec
execute0_lowered:
.L_overlay_start_1:
0x0: {  	(tag) =	ssettag $0x1  }
0x1: {  	s3 =	rddreg [dreg:$0x0]  }
0x2: {  	s0 =	srdreg.scid;
	s6 =	rddreg [dreg:$0x1]  }
0x3: {  	s5 =	rddreg [dreg:$0x2];
	s1 =	stileid.u32;
	s2 =	simm.s32 $0x0  }
0x4: {  	s12 =	simm.s32 $0x100;
	s4 =	sand.u32 $0x1, s0;
	s0 =	rddreg [dreg:$0x3]  }
0x5: {  	[smem:$0x7FF] =	sst s2;
	s9 =	sshrl.u32 s1, $0x3;
	s28 =	smul.u32 $0x500, s1  }
0x6: {  	s10 =	sshll.u32 s1, $0x7;
	s11 =	smul.u32 $0x5000, s1;
	s7 =	sshll.u32 s4, $0x4  }
0x7: {  	_ =	strace $0x80000047;
	s8 =	ssub.s32 $0x2, s4;
	s9 =	smul.u32 $0x50000, s9  }
0x8: {  	s4 =	sshll.u32 s4, $0x7;
	s10 =	sand.u32 $0x380, s10;
	s7 =	sor.u32 s1, s7  }
0x9: {  	s26 =	sshrl.u32 s8, $0x1;
	s4 =	sor.u32 s4, s28;
	s30 =	sshrl.u32 s11, $0x2  }
0xa: {  	s11 =	simm.s32 $0x400;
	s7 =	smul.u32 $0x2780, s7;
	s9 =	sshrl.u32 s9, $0x2  }
0xb: {  	s31 =	sshrl.u32 s4, $0x3;
	s29 =	sadd.s32 s9, s5;
	s5 =	sadd.s32 s30, s5  }
0xc: {  	s6 =	sadd.s32 s6, s31;
	s9 =	simm.s32 $0x13C00;
	s3 =	sadd.s32 s7, s3  }
0xd: {  	s7 =	ssub.s32 s8, s26;
	s4 =	sadd.s32 s10, s29;
	s8 =	simm.s32 $0x1  }
0xe: {  	v0 =	vimm.f32 $0.0e+00;
	v1 =	vimm.f32 $1.000000000e+00;
	s10 =	simm.s32 $0x80;
	s3 =	sadd.s32 $0x2C00, s3;
	s7 =	smax.u32 s7, $0x1  }
.LBB2_1:
0xf: {  	s13 =	simm.s32 $0x40;
	s14 =	simm.s32 $0x0  }
.LBB2_2:
0x10: {  	p0 =	sne.s32 s13, $0x9FC0;
	[tilespmem:s14+$0x13C00] =	vst v0;
	s14 =	smov.u32 s13;
	s13 =	sadd.s32 $0x40, s13  }
.Ltmp0:
0x11: {  	(pc) =	sbr.rel @p0 .LBB2_2-.Ltmp0, $2  }
0x12: {  	_ =	sdelay $0x2  }
0x13: {  	s14 =	sshra.s32 s14, $0x2  }
0x14: {  	[tilespmem:s14+$0x13C00] =	vst v0;
	s13 =	simm.s32 $0x0  }
0x15: {  	[tilespmem:s13], [sflag:$0x1] =	stream.linear.gather [hbm4b:s3+s13], $0x13880, $0x38;
	[tilespmem:$0x1B400] =	vst v63  }
0x16: {  	_ =	swait.ge [sflag:s8], $0x13880  }
0x17: {  	[sflag:s8] =	ssyncset.done $0x0  }
0x18: {  	s14 =	simm.s32 $0x0;
	s13 =	simm.s32 $0x200;
	[sflag:s8] =	ssyncadd.s32 $0xFFFEC780  }
.LBB2_4:
0x19: {  	p0 =	sne.s32 s13, $0x4E000;
	v2 =	vld [tilespmem:s14+$0x0];
	_ =	sdelay $0x3  }
.Ltmp1:
0x1a: {  	(pc) =	sbr.rel @p0 .LBB2_4-.Ltmp1, $2  }
0x1b: {  	_ =	sdelay $0x2  }
0x1c: {  	s14 =	sshra.s32 s13, $0x2;
	s13 =	sadd.s32 $0x200, s13;
	[tilespmem:v2+s9+$0x0] =	vst.idx.add.f32.msk $0xffff, v1  }
0x1d: {  	v2 =	vld [tilespmem:s14+$0x0];
	_ =	sdelay $0x5  }
0x1e: {  	s13 =	simm.s32 $0x0  }
0x1f: {  	s25 =	smul.u32 $0x5000, s13  }
0x20: {  	s15 =	smul.u32 $0x50000, s13;
	s13 =	simm.s32 $0x0;
	[tilespmem:v2+s9+$0x0] =	vst.idx.add.f32.msk $0xffff, v1  }
0x21: {  	[spmem:s4] =	stream.strided.scatter [tilespmem:s9], [sflag:$0x1], $0x2800, s11, s10, $0x38;
	[tilespmem:$0x1B400] =	vst v63  }
0x22: {  	s16 =	sand.u32 $0x380, s13;
	_ =	swait.ge [sflag:s8], $0x2800  }
0x23: {  	s14 =	sshra.s32 s25, $0x2;
	s15 =	sshra.s32 s15, $0x2;
	[sflag:s8] =	ssyncset.done $0x0  }
0x24: {  	s14 =	sor.u32 s16, s14;
	s15 =	sadd.s32 s15, s5;
	[sflag:s8] =	ssyncadd.s32 $0xFFFFD800  }
0x25: {  	s14 =	sadd.s32 $0x16400, s14;
	s15 =	sadd.s32 s16, s15;
	[bflag:$0x0] =	sbarrier.arrive $0xFFFF  }
0x26: {  	[tilespmem:s14], [sflag:$0x1] =	stream.linear.gather [spmem:s15], $0x80, $0x38;
	[tilespmem:$0x1B400] =	vst v63  }
0x27: {  	s26 =	sadd.s32 $0x400, s14;
	s17 =	sadd.s32 $0x400, s15  }
0x28: {  	[tilespmem:s26], [sflag:$0x1] =	stream.linear.gather [spmem:s17], $0x80, $0x38;
	[tilespmem:$0x1B400] =	vst v63  }
0x29: {  	s28 =	sadd.s32 $0x800, s15;
	s29 =	sadd.s32 $0x800, s14  }
0x2a: {  	[tilespmem:s29], [sflag:$0x1] =	stream.linear.gather [spmem:s28], $0x80, $0x38;
	[tilespmem:$0x1B400] =	vst v63  }
0x2b: {  	s16 =	simm.s32 $0x2;
	s30 =	sadd.s32 $0xC00, s15;
	s31 =	sadd.s32 $0xC00, s14  }
0x2c: {  	[tilespmem:s31], [sflag:$0x1] =	stream.linear.gather [spmem:s30], $0x80, $0x38;
	[tilespmem:$0x1B400] =	vst v63  }
0x2d: {  	s15 =	sadd.s32 $0x1000, s15;
	s14 =	sadd.s32 $0x1000, s14;
	s17 =	simm.s32 $0x0  }
0x2e: {  	[tilespmem:s14], [sflag:$0x1] =	stream.linear.gather [spmem:s15], $0x80, $0x38;
	[tilespmem:$0x1B400] =	vst v63  }
0x2f: {  	s15 =	smul.u32 $0x5000, s17;
	s14 =	simm.s32 $0x80;
	_ =	swait.ge [sflag:s8], $0x280  }
.LBB2_6:
0x30: {  	s17 =	smul.u32 $0x50000, s17  }
0x31: {  	[sflag:s8] =	ssyncset.done $0x0;
	s18 =	smov.u32 s16;
	s19 =	sadd.s32 $0x1, s16  }
0x32: {  	s20 =	sand.u32 $0x380, s14;
	s15 =	sshra.s32 s15, $0x2;
	[sflag:s8] =	ssyncadd.s32 $0xFFFFFD80  }
0x33: {  	p0 =	sne.s32 s16, $0xF;
	s15 =	sor.u32 s20, s15;
	s16 =	sshra.s32 s17, $0x2  }
0x34: {  	s15 =	sadd.s32 $0x16400, s15;
	s16 =	sadd.s32 s16, s5  }
0x35: {  	s16 =	sadd.s32 s20, s16;
	s17 =	sadd.s32 $0x400, s15  }
0x36: {  	[tilespmem:s15], [sflag:$0x1] =	stream.linear.gather [spmem:s16], $0x80, $0x38;
	[tilespmem:$0x1B400] =	vst v63  }
0x37: {  	s22 =	sadd.s32 $0x800, s15;
	s20 =	sadd.s32 $0x400, s16;
	s21 =	sadd.s32 $0x800, s16  }
0x38: {  	[tilespmem:s17], [sflag:$0x1] =	stream.linear.gather [spmem:s20], $0x80, $0x38;
	[tilespmem:$0x1B400] =	vst v63  }
0x39: {  	s17 =	sadd.s32 $0xC00, s16;
	s20 =	sadd.s32 $0xC00, s15  }
0x3a: {  	[tilespmem:s22], [sflag:$0x1] =	stream.linear.gather [spmem:s21], $0x80, $0x38;
	[tilespmem:$0x1B400] =	vst v63  }
.Ltmp2:
0x3b: {  	s16 =	sadd.s32 $0x1000, s16;
	s15 =	sadd.s32 $0x1000, s15;
	(pc) =	sbr.rel @p0 .LBB2_6-.Ltmp2, $4  }
0x3c: {  	[tilespmem:s20], [sflag:$0x1] =	stream.linear.gather [spmem:s17], $0x80, $0x38;
	[tilespmem:$0x1B400] =	vst v63  }
0x3d: {  	s14 =	sadd.s32 $0x80, s14;
	s17 =	sshrl.u32 s18, $0x3  }
0x3e: {  	[tilespmem:s15], [sflag:$0x1] =	stream.linear.gather [spmem:s16], $0x80, $0x38;
	[tilespmem:$0x1B400] =	vst v63  }
0x3f: {  	s15 =	smul.u32 $0x5000, s17;
	s16 =	smov.u32 s19;
	_ =	swait.ge [sflag:s8], $0x280  }
0x40: {  	s16 =	smul.u32 $0x50000, s17;
	_ =	sdelay $0x1  }
0x41: {  	s14 =	sand.u32 $0x380, s14;
	s15 =	sshra.s32 s15, $0x2;
	s16 =	sshra.s32 s16, $0x2  }
0x42: {  	[sflag:s8] =	ssyncset.done $0x0;
	s15 =	sor.u32 s14, s15;
	s16 =	sadd.s32 s16, s5  }
0x43: {  	[sflag:s8] =	ssyncadd.s32 $0xFFFFFD80;
	s15 =	sadd.s32 $0x16400, s15;
	s14 =	sadd.s32 s14, s16  }
0x44: {  	[tilespmem:s15], [sflag:$0x1] =	stream.linear.gather [spmem:s14], $0x80, $0x38;
	[tilespmem:$0x1B400] =	vst v63  }
0x45: {  	s25 =	sadd.s32 $0x400, s15;
	s26 =	sadd.s32 $0x400, s14  }
0x46: {  	[tilespmem:s25], [sflag:$0x1] =	stream.linear.gather [spmem:s26], $0x80, $0x38;
	[tilespmem:$0x1B400] =	vst v63  }
0x47: {  	s29 =	sadd.s32 $0x800, s15;
	s28 =	sadd.s32 $0x800, s14  }
0x48: {  	[tilespmem:s29], [sflag:$0x1] =	stream.linear.gather [spmem:s28], $0x80, $0x38;
	[tilespmem:$0x1B400] =	vst v63  }
0x49: {  	s31 =	sadd.s32 $0xC00, s15;
	s30 =	sadd.s32 $0xC00, s14  }
0x4a: {  	[tilespmem:s31], [sflag:$0x1] =	stream.linear.gather [spmem:s30], $0x80, $0x38;
	[tilespmem:$0x1B400] =	vst v63  }
0x4b: {  	s14 =	sadd.s32 $0x1000, s14;
	s15 =	sadd.s32 $0x1000, s15  }
0x4c: {  	[tilespmem:s15], [sflag:$0x1] =	stream.linear.gather [spmem:s14], $0x80, $0x38;
	[tilespmem:$0x1B400] =	vst v63  }
0x4d: {  	_ =	swait.ge [sflag:s8], $0x280  }
0x4e: {  	[sflag:s8] =	ssyncset.done $0x0  }
0x4f: {  	[sflag:s8] =	ssyncadd.s32 $0xFFFFFD80  }
.LBB2_8:
0x50: {  	s14 =	sshll.u32 s13, $0x4  }
0x51: {  	s16 =	simm.s32 $0x0;
	s15 =	sand.u32 $0x70, s14  }
0x52: {  	s17 =	sshll.u32 s13, $0x7;
	s18 =	smul.u32 $0x5000, s16;
	v2 =	vmov s15  }
0x53: {  	s29 =	sand.u32 $0x1C00, s17  }
0x54: {  	s16 =	simm.s32 $0x0;
	s15 =	sadd.s32 $0x16400, s29;
	s30 =	sshra.s32 s18, $0x2  }
0x55: {  	v3 =	vimm.f32 $0.0e+00;
	s31 =	sand.u32 $0x380, s16;
	s17 =	sadd.s32 s30, s15  }
0x56: {  	[tilespmem:s14+$0x13C00] =	vst v3;
	s17 =	sadd.s32 s31, s17  }
0x57: {  	v4 =	vld.idx.msk [tilespmem:v2+s17+$0x0 ss:$0x1], $0xffff;
	_ =	sdelay $0x1  }
0x58: {  	s18 =	simm.s32 $0x0;
	s17 =	simm.s32 $0x2  }
.LBB2_9:
0x59: {  	p0 =	sne.s32 s17, $0xF;
	s18 =	smul.u32 $0x5000, s18;
	_ =	sdelay $0x1  }
0x5a: {  	s16 =	sadd.s32 $0x80, s16;
	v3 =	vadd.f32 v4, v3;
	s18 =	sshra.s32 s18, $0x2  }
0x5b: {  	s19 =	sand.u32 $0x380, s16;
	s18 =	sadd.s32 s18, s15  }
.Ltmp3:
0x5c: {  	s18 =	sadd.s32 s19, s18;
	[tilespmem:s14+$0x13C00] =	vst v3;
	(pc) =	sbr.rel @p0 .LBB2_9-.Ltmp3, $2  }
0x5d: {  	v4 =	vld.idx.msk [tilespmem:v2+s18+$0x0 ss:$0x1], $0xffff;
	_ =	sdelay $0x2  }
0x5e: {  	s18 =	sshrl.u32 s17, $0x3;
	s17 =	sadd.s32 $0x1, s17  }
0x5f: {  	s17 =	smul.u32 $0x5000, s18;
	_ =	sdelay $0x1  }
0x60: {  	s16 =	sadd.s32 $0x80, s16;
	v3 =	vadd.f32 v4, v3;
	s17 =	sshra.s32 s17, $0x2  }
0x61: {  	s16 =	sand.u32 $0x380, s16;
	s15 =	sadd.s32 s17, s15  }
0x62: {  	[tilespmem:s14+$0x13C00] =	vst v3;
	s15 =	sadd.s32 s16, s15  }
0x63: {  	v2 =	vld.idx.msk [tilespmem:v2+s15+$0x0 ss:$0x1], $0xffff  }
0x64: {  	s13 =	sadd.s32 $0x1, s13  }
0x65: {  	p0 =	sne.s32 s13, $0x28  }
.Ltmp4:
0x66: {  	_ = 	snop;
	(pc) =	sbr.rel @p0 .LBB2_8-.Ltmp4, $3  }
0x67: {  	_ = 	snop  }
0x68: {  	v2 =	vadd.f32 v2, v3;
	_ =	sdelay $0x1  }
0x69: {  	[tilespmem:s14+$0x13C00] =	vst v2  }
0x6a: {  	s2 =	sadd.s32 $0x1, s2  }
0x6b: {  	p0 =	sne.s32 s2, s7  }
.Ltmp5:
0x6c: {  	_ = 	snop;
	(pc) =	sbr.rel @p0 .LBB2_1-.Ltmp5, $4  }
0x6d: {  	[hbm4b:s6+s10] =	stream.strided.scatter [tilespmem:s9], [sflag:$0x1], $0x280, s12, s10, $0x38;
	[tilespmem:$0x1B400] =	vst v63  }
0x6e: {  	_ =	swait.ge [sflag:s8], $0x280  }
0x6f: {  	[sflag:s8] =	ssyncset.done $0x0  }
0x70: {  	[sflag:s8] =	ssyncadd.s32 $0xFFFFFD80  }
0x71: {  	_ =	sfence.sel $0x180000  }
0x72: {  	[bflag:$0x0] =	sbarrier.arrive $0xFFFF  }
0x73: {  	p0 =	sne.s32 s1, $0x0;
	_ =	strace $0x90000047  }
0x74: {  	s0 =	sadd.s32 @!p0 $0x100000, s0;
	[bflag:$0x2] =	sbarrier.arrive $0xFFFF  }
0x75: {  	[sflag:s0] =	ssyncadd.tile.s32 @!p0 $0x1;
	_ =	shalt  }
.Lfunc_end2:
_tile_overlayer_lowered:
.L_overlay_start_2:
0x76: {  	(tag) =	ssettag $0x2  }
0x77: {  	s0 =	rddreg [dreg:$0x0];
	s2 =	stileid.u32  }
0x78: {  	s1 =	rddreg [dreg:$0x1];
	p0 =	sne.s32 s2, $0x0  }
0x79: {  	s3 =	rddreg [dreg:$0x2];
	[bflag:$0x3] =	sbarrier.arrive $0xFFFF;
	s2 =	simm.s32 @!p0 $0x1C01  }
0x7a: {  	[timem:s3], [sflag:s2] =	dma.local @!p0 [hbm:s0], s1  }
0x7b: {  	s0 =	simm.s32 @!p0 $0x1  }
0x7c: {  	_ =	swait.ge @!p0 [sflag:s0], s1  }
0x7d: {  	s1 =	ssub.s32 @!p0 $0x0, s1;
	[sflag:s0] =	ssyncset.done @!p0 $0x0  }
0x7e: {  	[sflag:s0] =	ssyncadd.s32 @!p0 s1  }
0x7f: {  	[bflag:$0x3] =	sbarrier.arrive $0xFFFF  }
0x80: {  	_ =	shalt  }

// kernel: kernel.13.cloned.1.call-start
scs
__scs_entry_jumppad:
0x0: {  	(pc) =	sbr.rel $0x88, $3  }
0x1: {  	(tag) =	ssettag $0x0;
	lr =	simm.s32 $0x1  }
0x2: {  	[smem:$0x3F97] =	sst lr;
	_ =	strace $0xD0000000  }
0x3: {  	_ = 	snop  }
0x4: {  	_ = 	snop  }
0x5: {  	_ = 	snop  }
0x6: {  	_ = 	snop  }
0x7: {  	_ = 	snop  }
__scs_overlays_trampoline_lowered:
0x8: {  	[smem:$0x3FA6] =	sst s0  }
0x9: {  	[smem:$0x3FA7] =	sst s1  }
0xa: {  	[smem:$0x3FA8] =	sst s2  }
0xb: {  	[smem:$0x3FA9] =	sst s3  }
0xc: {  	[smem:$0x3FAA] =	sst s4  }
0xd: {  	[smem:$0x3FAB] =	sst s5  }
0xe: {  	[smem:$0x3FAC] =	sst s6  }
0xf: {  	[smem:$0x3FAD] =	sst s7  }
0x10: {  	[smem:$0x3FAE] =	sst s8  }
0x11: {  	[smem:$0x3FAF] =	sst s9;
	s0 =	simm.s32 @!p0 $0x0  }
0x12: {  	s1 =	sld [smem:$0x3F95];
	s0 =	simm.s32 @p0 $0x1  }
0x13: {  	[smem:$0x3FB0] =	sst s0;
	s0 =	simm.s32 @!p1 $0x0  }
0x14: {  	s2 =	sld [smem:$0x3F94];
	s0 =	simm.s32 @p1 $0x1  }
0x15: {  	[smem:$0x3FB1] =	sst s0;
	s0 =	simm.s32 @!p2 $0x0  }
0x16: {  	s3 =	sld [smem:$0x3FDB];
	s0 =	simm.s32 @p2 $0x1  }
0x17: {  	s4 =	simm.s32 $0x1BF5;
	[smem:$0x3FB3] =	sst s0  }
0x18: {  	s0 =	sld [smem:$0x3F96];
	_ =	swait.ge [sflag:s4], $0x0  }
0x19: {  	s7 =	sld [smem:$0x3F97]  }
0x1a: {  	s8 =	sadd.s32 $0xFFFFE003, lr  }
0x1b: {  	s9 =	sadd.s32 $0xFFFFFEF7, lr;
	s5 =	simm.s32 $0xFFFFFFFF;
	p2 =	slt.u32 s8, $0xFFFFF086  }
0x1c: {  	p1 =	slt.u32 s9, $0xF7A;
	s5 =	simm.s32 @!p2 $0x0  }
0x1d: {  	s5 =	simm.s32 @p1 $0x1;
	p0 =	seq.s32 s7, s2  }
0x1e: {  	s7 =	smul.u32 @!p0 $0xF7A, s2;
	p2 =	seq.s32 @!p0 s5, $0x0  }
0x1f: {  	s9 =	smul.u32 $0xF7A, s1;
	s8 =	simm.s32 @!p0 $0x1BF5;
	p2 =	por !p2, p0  }
0x20: {  	[sflag:s8] =	ssyncset.s32 @!p0 $0xFFFFF086;
	s6 =	sadd.s32 @!p0 s3, s7;
	s7 =	simm.s32 @!p0 $0x108  }
0x21: {  	s3 =	sadd.s32 s3, s9;
	s6 =	sadd.s32 @!p0 $0x88, s6;
	s7 =	simm.s32 @p2 $0x1082  }
0x22: {  	[simem:s7], [sflag:s8] =	dma.local @!p0 [hbm:s6], $0xF7A  }
0x23: {  	s9 =	sor.u32 $0xD0000000, s2;
	s6 =	simm.s32 $0x108;
	_ =	swait.ge @!p0 [sflag:s8], $0x0  }
0x24: {  	s3 =	sadd.s32 $0x88, s3;
	s6 =	simm.s32 @!p1 $0x1082;
	[sflag:s4] =	ssyncset.s32 $0xFFFFF086  }
0x25: {  	[simem:s6], [sflag:s4] =	dma.local [hbm:s3], $0xF7A  }
0x26: {  	[smem:$0x3F97] =	sst s1;
	(tag) =	ssettag s2;
	_ =	strace s9  }
0x27: {  	s1 =	sld [smem:$0x3FA7]  }
0x28: {  	s2 =	sld [smem:$0x3FA8]  }
0x29: {  	s4 =	sld [smem:$0x3FAA]  }
0x2a: {  	p0 =	seq.s32 s5, $0x0;
	s5 =	sld [smem:$0x3FAB]  }
0x2b: {  	s6 =	sld [smem:$0x3FAC]  }
0x2c: {  	s7 =	sld [smem:$0x3FAD]  }
0x2d: {  	s3 =	simm.s32 $0x108;
	s8 =	sld [smem:$0x3FAE]  }
0x2e: {  	s3 =	simm.s32 @!p0 $0x1082;
	s9 =	sld [smem:$0x3FAF]  }
0x2f: {  	lr =	sadd.s32 s0, s3;
	s0 =	sld [smem:$0x3FA6]  }
0x30: {  	s3 =	sld [smem:$0x3FA9]  }
0x31: {  	[smem:$0x3FB2] =	sst s10  }
0x32: {  	s10 =	sld [smem:$0x3FB0];
	_ =	sdelay $0x3  }
0x33: {  	p0 =	seq.s32 s10, $0x1;
	s10 =	sld [smem:$0x3FB2];
	_ =	sdelay $0x3  }
0x34: {  	[smem:$0x3FB2] =	sst s10  }
0x35: {  	s10 =	sld [smem:$0x3FB1];
	_ =	sdelay $0x3  }
0x36: {  	p1 =	seq.s32 s10, $0x1;
	s10 =	sld [smem:$0x3FB2];
	_ =	sdelay $0x3  }
0x37: {  	[smem:$0x3FB2] =	sst s10  }
0x38: {  	s10 =	sld [smem:$0x3FB3]  }
0x39: {  	_ = 	snop;
	(pc) =	sbr.ind lr, $3  }
0x3a: {  	_ = 	snop  }
0x3b: {  	_ = 	snop  }
0x3c: {  	p2 =	seq.s32 s10, $0x1;
	s10 =	sld [smem:$0x3FB2]  }
0x3d: {  	_ =	shalt  }
0x3e: {  	_ =	shalt  }
0x3f: {  	_ =	shalt  }
0x40: {  	_ =	shalt  }
0x41: {  	_ =	shalt  }
0x42: {  	_ =	shalt  }
0x43: {  	_ =	shalt  }
0x44: {  	_ =	shalt  }
0x45: {  	_ =	shalt  }
0x46: {  	_ =	shalt  }
0x47: {  	_ =	shalt  }
0x48: {  	_ =	shalt  }
0x49: {  	_ =	shalt  }
0x4a: {  	_ =	shalt  }
0x4b: {  	_ =	shalt  }
0x4c: {  	_ =	shalt  }
0x4d: {  	_ =	shalt  }
0x4e: {  	_ =	shalt  }
0x4f: {  	_ =	shalt  }
0x50: {  	_ =	shalt  }
0x51: {  	_ =	shalt  }
0x52: {  	_ =	shalt  }
0x53: {  	_ =	shalt  }
0x54: {  	_ =	shalt  }
0x55: {  	_ =	shalt  }
0x56: {  	_ =	shalt  }
0x57: {  	_ =	shalt  }
0x58: {  	_ =	shalt  }
0x59: {  	_ =	shalt  }
0x5a: {  	_ =	shalt  }
0x5b: {  	_ =	shalt  }
0x5c: {  	_ =	shalt  }
0x5d: {  	_ =	shalt  }
0x5e: {  	_ =	shalt  }
0x5f: {  	_ =	shalt  }
0x60: {  	_ =	shalt  }
0x61: {  	_ =	shalt  }
0x62: {  	_ =	shalt  }
0x63: {  	_ =	shalt  }
0x64: {  	_ =	shalt  }
0x65: {  	_ =	shalt  }
0x66: {  	_ =	shalt  }
0x67: {  	_ =	shalt  }
0x68: {  	_ =	shalt  }
0x69: {  	_ =	shalt  }
0x6a: {  	_ =	shalt  }
0x6b: {  	_ =	shalt  }
0x6c: {  	_ =	shalt  }
0x6d: {  	_ =	shalt  }
0x6e: {  	_ =	shalt  }
0x6f: {  	_ =	shalt  }
0x70: {  	_ =	shalt  }
0x71: {  	_ =	shalt  }
0x72: {  	_ =	shalt  }
0x73: {  	_ =	shalt  }
0x74: {  	_ =	shalt  }
0x75: {  	_ =	shalt  }
0x76: {  	_ =	shalt  }
0x77: {  	_ =	shalt  }
0x78: {  	_ =	shalt  }
0x79: {  	_ =	shalt  }
0x7a: {  	_ =	shalt  }
0x7b: {  	_ =	shalt  }
0x7c: {  	_ =	shalt  }
0x7d: {  	_ =	shalt  }
0x7e: {  	_ =	shalt  }
0x7f: {  	_ =	shalt  }
0x80: {  	_ =	shalt  }
0x81: {  	_ =	shalt  }
0x82: {  	_ =	shalt  }
0x83: {  	_ =	shalt  }
0x84: {  	_ =	shalt  }
0x85: {  	_ =	shalt  }
0x86: {  	_ =	shalt  }
0x87: {  	_ =	shalt  }
.Lfunc_end0:
.L_simem_size_0:
called_computation.1_lowered:
.L_overlay_start_0:
0x88: {  	s2 =	sld [smem:$0x3FD9]  }
0x89: {  	s3 =	sld [smem:$0x3FFE];
	_ =	sdelay $0x1  }
0x8a: {  	s1 =	srdreg.scid  }
0x8b: {  	s0 =	sand.u32 $0x1, s1  }
0x8c: {  	s17 =	sshll.u32 s0, $0xA;
	s2 =	sadd.s32 s3, s2  }
0x8d: {  	s2 =	sadd.s32 s2, s17  }
0x8e: {  	[smem:$0x3FBE] =	sst s2  }
0x8f: {  	_ = 	snop  }
0x90: {  	s2 =	sld [smem:$0x3FD0];
	(tm) =	ssettm $0x1  }
0x91: {  	s18 =	sld [smem:$0x3FFB];
	_ =	sdelay $0x3  }
0x92: {  	_ =	strace s18  }
0x93: {  	s3 =	sld [smem:$0x3FFC];
	_ =	sdelay $0x3  }
0x94: {  	_ =	strace s3  }
0x95: {  	s3 =	sld [smem:$0x3FFD];
	_ =	sdelay $0x3  }
0x96: {  	_ =	strace s3  }
0x97: {  	_ =	strace $0x8FFFFFFF  }
0x98: {  	s19 =	sld [smem:$0x3FDB];
	_ =	sdelay $0x1  }
0x99: {  	s4 =	simm.s32 $_scs_section_size  }
0x9a: {  	s5 =	simm.s32 $_size__tile_overlayer_lowered;
	s6 =	simm.s32 $_tile_overlayer_lowered  }
0x9b: {  	s22 =	simm.s32 $0x1BFF;
	s21 =	sshll.u32 s6, $0x1;
	s3 =	sadd.s32 s4, s19  }
0x9c: {  	s7 =	simm.s32 $0x0;
	s20 =	sshll.u32 s5, $0x1;
	s5 =	sadd.s32 s21, s3  }
0x9d: {  	[timem:s7], [sflag:s22] =	dma.local [hbm:s5], s20  }
0x9e: {  	_ =	swait.ge [sflag:s22], s20  }
0x9f: {  	s4 =	ssub.s32 $0x0, s20;
	[sflag:s22] =	ssyncset.done $0x0  }
0xa0: {  	[sflag:s22] =	ssyncadd.s32 s4;
	_ =	sdelay $0x1  }
0xa1: {  	s23 =	simm.s32 $0x1B8B  }
0xa2: {  	_ =	swait.ge [sflag:s23], $0x1  }
0xa3: {  	[sflag:s23] =	ssyncset.done $0x0  }
0xa4: {  	s25 =	simm.s32 $0x1B8E;
	s24 =	sld [smem:$0x3FFE];
	[sflag:s23] =	ssyncadd.s32 $0xFFFFFFFF  }
0xa5: {  	s26 =	simm.s32 $execute0_lowered;
	[smem:$0x3FD2] =	sst s25  }
0xa6: {  	s5 =	sshll.u32 s26, $0x1;
	_ =	strace $0x80000049;
	[dreg:$0x1] =	wrdreg $0xFFFFFFFF  }
0xa7: {  	s28 =	simm.s32 $_size_execute0_lowered;
	s3 =	sadd.s32 s3, s5;
	[dreg:$0x0] =	wrdreg $0x0  }
0xa8: {  	s5 =	sshll.u32 s28, $0x1;
	[dreg:$0x2] =	wrdreg s3  }
0xa9: {  	[dreg:$0x3] =	wrdreg s5  }
0xaa: {  	[dreg:$0x4] =	wrdreg $0xC0  }
0xab: {  	_ =	task [dreg:s7], $0x5FFFF  }
0xac: {  	[dreg:$0x1] =	wrdreg $0xFFFFFFFF  }
0xad: {  	[dreg:$0x0] =	wrdreg $0x60  }
0xae: {  	[dreg:$0x2] =	wrdreg s2  }
0xaf: {  	[dreg:$0x3] =	wrdreg s24  }
0xb0: {  	[dreg:$0x4] =	wrdreg $0xBD800  }
0xb1: {  	[dreg:$0x5] =	wrdreg $0x9  }
0xb2: {  	_ =	task.clear_ibuf [dreg:s7], $0x6FFFF;
	_ =	strace $0x90000049  }
0xb3: {  	s29 =	simm.s32 $0x9;
	_ =	strace $0x8000004B  }
0xb4: {  	_ =	swait.ge [sflag:s29], $0x1  }
0xb5: {  	[sflag:s29] =	ssyncadd.s32 $0xFFFFFFFF  }
0xb6: {  	_ =	strace $0x9000004B  }
0xb7: {  	_ =	sfence  }
0xb8: {  	s30 =	sld [smem:$0x0];
	_ =	sdelay $0x2  }
0xb9: {  	s31 =	sshll.u32 s1, $0xD;
	s1 =	sshrl.u32 s1, $0x2  }
0xba: {  	s3 =	sand.u32 $0x4000, s31;
	s1 =	sadd.s32 s1, s30  }
0xbb: {  	s0 =	sor.u32 s3, s0;
	s1 =	sshll.u32 s1, $0x11  }
0xbc: {  	s0 =	sor.u32 s1, s0  }
0xbd: {  	s0 =	sadd.s32 $0x8F2B, s0  }
0xbe: {  	[sflag:s0] =	ssyncadd.remote.s32 $0x1  }
0xbf: {  	_ =	sfence.sel $0xFFFF  }
0xc0: {  	[dreg:$0x0] =	wrdreg $0xFFFFFFFF;
	(pc) =	sbr.abs _section_cstart, $3  }
0xc1: {  	[dreg:$0x1] =	wrdreg $0xFFFFFFFF  }
0xc2: {  	_ =	task.clear_ibuf [dreg:s7], $0x2FFFF;
	_ =	strace $0x9FFFFFFF  }
0xc3: {  	(tm) =	ssettm $0x7FFFFFFF  }
tec
execute0_lowered:
.L_overlay_start_1:
0x0: {  	(tag) =	ssettag $0x1  }
0x1: {  	s1 =	rddreg [dreg:$0x0]  }
0x2: {  	s0 =	rddreg [dreg:$0x1]  }
0x3: {  	s2 =	rddreg [dreg:$0x2];
	s10 =	stileid.u32  }
0x4: {  	s3 =	srdreg.scid;
	s7 =	smul.u32 $0x14000, s10  }
0x5: {  	s4 =	simm.s32 $0x0;
	s28 =	simm.s32 $0x0;
	s25 =	smul.u32 $0x50000, s10  }
0x6: {  	s3 =	sand.u32 $0x1, s3;
	[smem:$0x7FF] =	sst s4;
	s11 =	smul.u32 $0x7D00, s10  }
0x7: {  	s5 =	sshll.u32 s3, $0x4;
	s6 =	smul.u32 $0x140000, s3;
	_ =	strace $0x8000004A  }
0x8: {  	s9 =	ssub.s32 $0x2, s3;
	s5 =	sor.u32 s10, s5;
	s31 =	sshrl.u32 s25, $0x2  }
0x9: {  	s23 =	sshrl.u32 s9, $0x1;
	s10 =	simm.s32 $0x8000;
	s12 =	sadd.s32 s31, s2  }
0xa: {  	s8 =	sshll.u32 s5, $0xC;
	s6 =	sadd.s32 s7, s6;
	s13 =	sadd.s32 $0x3C00, s12  }
0xb: {  	s22 =	smul.u32 $0x7D00, s5;
	s14 =	sadd.s32 $0x5000, s12;
	[dreg:$0xd] =	wrdreg s13  }
0xc: {  	s5 =	sadd.s32 $0x51C00, s0;
	s15 =	sadd.s32 $0x6400, s12;
	[dreg:$0xe] =	wrdreg s14  }
0xd: {  	s8 =	sadd.s32 s8, s0;
	s16 =	sadd.s32 $0x7800, s12;
	[dreg:$0xf] =	wrdreg s15  }
0xe: {  	s6 =	sshrl.u32 s6, $0x3;
	s17 =	sadd.s32 $0x8C00, s12;
	[dreg:$0x10] =	wrdreg s16  }
0xf: {  	s18 =	sadd.s32 $0xA000, s12;
	s21 =	sadd.s32 $0xB400, s12;
	[dreg:$0x11] =	wrdreg s17  }
0x10: {  	s25 =	sadd.s32 $0xDC00, s12;
	s31 =	sadd.s32 $0x12C00, s12;
	[dreg:$0x12] =	wrdreg s18  }
0x11: {  	s0 =	sadd.s32 s6, s0;
	s7 =	sshrl.u32 s22, $0x3;
	[dreg:$0x13] =	wrdreg s21  }
0x12: {  	s6 =	ssub.s32 s9, s23;
	s8 =	sadd.s32 $0x71000, s8;
	[dreg:$0x18] =	wrdreg s25  }
0x13: {  	s9 =	sadd.s32 $0x2800, s12;
	[dreg:$0x1c] =	wrdreg s31;
	s13 =	simm.s32 $0x8080  }
0x14: {  	s14 =	simm.s32 $0xA980;
	s15 =	simm.s32 $0x8100;
	[dreg:$0x5] =	wrdreg s8  }
0x15: {  	s16 =	simm.s32 $0x7;
	s24 =	sadd.s32 s5, s7;
	[dreg:$0xc] =	wrdreg s9  }
0x16: {  	s17 =	simm.s32 $0x2;
	s0 =	sadd.s32 $0x91000, s0;
	[dreg:$0x4] =	wrdreg s24  }
0x17: {  	s18 =	simm.s32 $0x8;
	s6 =	smax.u32 s6, $0x1;
	[dreg:$0x9] =	wrdreg s0  }
0x18: {  	s21 =	simm.s32 $0x4;
	s8 =	sadd.s32 $0x1400, s12;
	[dreg:$0xa] =	wrdreg s6  }
0x19: {  	s7 =	smul.u32 $0x7D000, s3;
	s26 =	sadd.s32 $0xF90, s24;
	[dreg:$0xb] =	wrdreg s8  }
0x1a: {  	s9 =	simm.s32 $0x1;
	s29 =	sadd.s32 $0x10, s24;
	[dreg:$0x6] =	wrdreg s26  }
0x1b: {  	s30 =	sadd.s32 $0x20, s24;
	s24 =	sadd.s32 $0xC800, s12;
	[dreg:$0x7] =	wrdreg s29  }
0x1c: {  	s8 =	simm.s32 $0x28;
	[dreg:$0x8] =	wrdreg s30;
	s3 =	sadd.s32 s11, s7  }
0x1d: {  	[dreg:$0x17] =	wrdreg s24;
	s26 =	sadd.s32 $0xF000, s12;
	s29 =	sadd.s32 $0x10400, s12  }
0x1e: {  	s30 =	sadd.s32 $0x11800, s12;
	s7 =	simm.s32 $0xA;
	[dreg:$0x19] =	wrdreg s26  }
0x1f: {  	s11 =	simm.s32 $0x9580;
	s19 =	sadd.s32 $0x280, s3;
	[dreg:$0x1a] =	wrdreg s29  }
0x20: {  	s20 =	sadd.s32 $0x200, s3;
	s23 =	sadd.s32 $0x180, s3;
	[dreg:$0x1b] =	wrdreg s30  }
0x21: {  	s3 =	simm.s32 $0x8180;
	s26 =	simm.s32 $0x6;
	s0 =	sshrl.u32 s19, $0x3  }
0x22: {  	s6 =	sshrl.u32 s20, $0x3;
	[dreg:$0x16] =	wrdreg s23;
	s0 =	sadd.s32 s0, s5  }
0x23: {  	s19 =	simm.s32 $0x3;
	s22 =	sadd.s32 s6, s5;
	[dreg:$0x14] =	wrdreg s0  }
0x24: {  	v0 =	vimm.f32 $0.0e+00;
	s20 =	simm.s32 $0x9;
	[dreg:$0x15] =	wrdreg s22;
	s22 =	simm.s32 $0x5  }
.LBB2_1:
0x25: {  	s6 =	simm.s32 $0x70;
	s23 =	simm.s32 $0x3C0  }
.LBB2_2:
0x26: {  	p0 =	sne.s32 s23, $0x4FC0;
	[tilespmem:s6+$0x8180] =	vst v0  }
0x27: {  	[tilespmem:s6+$0x8110] =	vst v0  }
0x28: {  	[tilespmem:s6+$0x8120] =	vst v0  }
.Ltmp0:
0x29: {  	[tilespmem:s6+$0x8130] =	vst v0;
	(pc) =	sbr.rel @p0 .LBB2_2-.Ltmp0, $4  }
0x2a: {  	[tilespmem:s6+$0x8140] =	vst v0  }
0x2b: {  	[tilespmem:s6+$0x8150] =	vst v0  }
0x2c: {  	[tilespmem:s6+$0x8160] =	vst v0  }
0x2d: {  	[tilespmem:s6+$0x8170] =	vst v0;
	s6 =	sshra.s32 s23, $0x2;
	s23 =	sadd.s32 $0x200, s23  }
0x2e: {  	[tilespmem:s6+$0x8180] =	vst v0  }
0x2f: {  	[tilespmem:s6+$0x8110] =	vst v0  }
0x30: {  	[tilespmem:s6+$0x8120] =	vst v0  }
0x31: {  	[tilespmem:s6+$0x8130] =	vst v0  }
0x32: {  	[tilespmem:s6+$0x8140] =	vst v0  }
0x33: {  	[tilespmem:s6+$0x8150] =	vst v0  }
0x34: {  	[tilespmem:s6+$0x8160] =	vst v0  }
0x35: {  	[tilespmem:s6+$0x8170] =	vst v0  }
0x36: {  	[spmem:s12] =	stream.linear.scatter [tilespmem:s3], [sflag:$0xA], $0x1400, $0x38;
	[tilespmem:$0x1FD80] =	vst v63  }
0x37: {  	_ =	swait.ge [sflag:s7], $0x1400  }
0x38: {  	[sflag:s7] =	ssyncset.done $0x0  }
0x39: {  	s0 =	rddreg [dreg:$0xb];
	[sflag:s7] =	ssyncadd.s32 $0xFFFFEC00  }
0x3a: {  	[spmem:s0] =	stream.linear.scatter [tilespmem:s3], [sflag:$0xA], $0x1400, $0x38;
	[tilespmem:$0x1FD80] =	vst v63  }
0x3b: {  	_ =	swait.ge [sflag:s7], $0x1400  }
0x3c: {  	[sflag:s7] =	ssyncset.done $0x0  }
0x3d: {  	s25 =	rddreg [dreg:$0xc];
	[sflag:s7] =	ssyncadd.s32 $0xFFFFEC00  }
0x3e: {  	[spmem:s25] =	stream.linear.scatter [tilespmem:s3], [sflag:$0xA], $0x1400, $0x38;
	[tilespmem:$0x1FD80] =	vst v63  }
0x3f: {  	_ =	swait.ge [sflag:s7], $0x1400  }
0x40: {  	[sflag:s7] =	ssyncset.done $0x0  }
0x41: {  	s6 =	rddreg [dreg:$0xd];
	[sflag:s7] =	ssyncadd.s32 $0xFFFFEC00  }
0x42: {  	[spmem:s6] =	stream.linear.scatter [tilespmem:s3], [sflag:$0xA], $0x1400, $0x38;
	[tilespmem:$0x1FD80] =	vst v63  }
0x43: {  	_ =	swait.ge [sflag:s7], $0x1400  }
0x44: {  	[sflag:s7] =	ssyncset.done $0x0  }
0x45: {  	s23 =	rddreg [dreg:$0xe];
	[sflag:s7] =	ssyncadd.s32 $0xFFFFEC00  }
0x46: {  	[spmem:s23] =	stream.linear.scatter [tilespmem:s3], [sflag:$0xA], $0x1400, $0x38;
	[tilespmem:$0x1FD80] =	vst v63  }
0x47: {  	_ =	swait.ge [sflag:s7], $0x1400  }
0x48: {  	[sflag:s7] =	ssyncset.done $0x0  }
0x49: {  	s24 =	rddreg [dreg:$0xf];
	[sflag:s7] =	ssyncadd.s32 $0xFFFFEC00  }
0x4a: {  	[spmem:s24] =	stream.linear.scatter [tilespmem:s3], [sflag:$0xA], $0x1400, $0x38;
	[tilespmem:$0x1FD80] =	vst v63  }
0x4b: {  	_ =	swait.ge [sflag:s7], $0x1400  }
0x4c: {  	[sflag:s7] =	ssyncset.done $0x0  }
0x4d: {  	s25 =	rddreg [dreg:$0x10];
	[sflag:s7] =	ssyncadd.s32 $0xFFFFEC00  }
0x4e: {  	[spmem:s25] =	stream.linear.scatter [tilespmem:s3], [sflag:$0xA], $0x1400, $0x38;
	[tilespmem:$0x1FD80] =	vst v63  }
0x4f: {  	_ =	swait.ge [sflag:s7], $0x1400  }
0x50: {  	[sflag:s7] =	ssyncset.done $0x0  }
0x51: {  	s6 =	rddreg [dreg:$0x11];
	[sflag:s7] =	ssyncadd.s32 $0xFFFFEC00  }
0x52: {  	[spmem:s6] =	stream.linear.scatter [tilespmem:s3], [sflag:$0xA], $0x1400, $0x38;
	[tilespmem:$0x1FD80] =	vst v63  }
0x53: {  	_ =	swait.ge [sflag:s7], $0x1400  }
0x54: {  	[sflag:s7] =	ssyncset.done $0x0  }
0x55: {  	s23 =	rddreg [dreg:$0x12];
	[sflag:s7] =	ssyncadd.s32 $0xFFFFEC00  }
0x56: {  	[spmem:s23] =	stream.linear.scatter [tilespmem:s3], [sflag:$0xA], $0x1400, $0x38;
	[tilespmem:$0x1FD80] =	vst v63  }
0x57: {  	_ =	swait.ge [sflag:s7], $0x1400  }
0x58: {  	[sflag:s7] =	ssyncset.done $0x0  }
0x59: {  	s24 =	rddreg [dreg:$0x13];
	[sflag:s7] =	ssyncadd.s32 $0xFFFFEC00  }
0x5a: {  	[spmem:s24] =	stream.linear.scatter [tilespmem:s3], [sflag:$0xA], $0x1400, $0x38;
	[tilespmem:$0x1FD80] =	vst v63  }
0x5b: {  	_ =	swait.ge [sflag:s7], $0x1400  }
0x5c: {  	[sflag:s7] =	ssyncset.done $0x0  }
0x5d: {  	s25 =	rddreg [dreg:$0x17];
	[sflag:s7] =	ssyncadd.s32 $0xFFFFEC00  }
0x5e: {  	[spmem:s25] =	stream.linear.scatter [tilespmem:s3], [sflag:$0xA], $0x1400, $0x38;
	[tilespmem:$0x1FD80] =	vst v63  }
0x5f: {  	_ =	swait.ge [sflag:s7], $0x1400  }
0x60: {  	[sflag:s7] =	ssyncset.done $0x0  }
0x61: {  	s6 =	rddreg [dreg:$0x18];
	[sflag:s7] =	ssyncadd.s32 $0xFFFFEC00  }
0x62: {  	[spmem:s6] =	stream.linear.scatter [tilespmem:s3], [sflag:$0xA], $0x1400, $0x38;
	[tilespmem:$0x1FD80] =	vst v63  }
0x63: {  	_ =	swait.ge [sflag:s7], $0x1400  }
0x64: {  	[sflag:s7] =	ssyncset.done $0x0  }
0x65: {  	s23 =	rddreg [dreg:$0x19];
	[sflag:s7] =	ssyncadd.s32 $0xFFFFEC00  }
0x66: {  	[spmem:s23] =	stream.linear.scatter [tilespmem:s3], [sflag:$0xA], $0x1400, $0x38;
	[tilespmem:$0x1FD80] =	vst v63  }
0x67: {  	_ =	swait.ge [sflag:s7], $0x1400  }
0x68: {  	[sflag:s7] =	ssyncset.done $0x0  }
0x69: {  	s24 =	rddreg [dreg:$0x1a];
	[sflag:s7] =	ssyncadd.s32 $0xFFFFEC00  }
0x6a: {  	[spmem:s24] =	stream.linear.scatter [tilespmem:s3], [sflag:$0xA], $0x1400, $0x38;
	[tilespmem:$0x1FD80] =	vst v63  }
0x6b: {  	_ =	swait.ge [sflag:s7], $0x1400  }
0x6c: {  	[sflag:s7] =	ssyncset.done $0x0  }
0x6d: {  	s25 =	rddreg [dreg:$0x1b];
	[sflag:s7] =	ssyncadd.s32 $0xFFFFEC00  }
0x6e: {  	[spmem:s25] =	stream.linear.scatter [tilespmem:s3], [sflag:$0xA], $0x1400, $0x38;
	[tilespmem:$0x1FD80] =	vst v63  }
0x6f: {  	_ =	swait.ge [sflag:s7], $0x1400  }
0x70: {  	[sflag:s7] =	ssyncset.done $0x0  }
0x71: {  	s6 =	rddreg [dreg:$0x1c];
	[sflag:s7] =	ssyncadd.s32 $0xFFFFEC00  }
0x72: {  	[spmem:s6] =	stream.linear.scatter [tilespmem:s3], [sflag:$0xA], $0x1400, $0x38;
	[tilespmem:$0x1FD80] =	vst v63  }
0x73: {  	_ =	swait.ge [sflag:s7], $0x1400  }
0x74: {  	[sflag:s7] =	ssyncset.done $0x0  }
0x75: {  	s6 =	simm.s32 $0x0;
	s23 =	rddreg [dreg:$0x5];
	[sflag:s7] =	ssyncadd.s32 $0xFFFFEC00  }
0x76: {  	[tilespmem:s6], [sflag:$0xA] =	stream.linear.gather [hbm4b:s23+s6], $0x7D00, $0x38;
	[tilespmem:$0x1FD80] =	vst v63  }
0x77: {  	_ =	swait.ge [sflag:s7], $0x7D00  }
0x78: {  	[sflag:s7] =	ssyncset.done $0x0  }
0x79: {  	[sflag:s7] =	ssyncadd.s32 $0xFFFF8300  }
0x7a: {  	s24 =	simm.s32 $0x7C80;
	[bflag:$0x0] =	sbarrier.arrive $0xFFFF  }
0x7b: {  	[tilespmem:s3], [sflag:$0x1] =	stream.indirect.gather [hbm4b:s1+s8], $0x80, s24, s8, $0xb8;
	[tilespmem:$0x1FD80] =	vst v63  }
0x7c: {  	_ =	swait.ge [sflag:s9], $0x1400  }
0x7d: {  	[sflag:s9] =	ssyncset.done $0x0  }
0x7e: {  	s25 =	rddreg [dreg:$0x6];
	[sflag:s9] =	ssyncadd.s32 $0xFFFFEC00  }
0x7f: {  	[tilespmem:s10], [sflag:$0xA] =	stream.linear.gather [hbm4b:s25+s6], $0x80, $0x38;
	[tilespmem:$0x1FD80] =	vst v63  }
0x80: {  	_ =	swait.ge [sflag:s7], $0x80  }
0x81: {  	[sflag:s7] =	ssyncset.done $0x0  }
0x82: {  	[sflag:s7] =	ssyncadd.s32 $0xFFFFFF80  }
0x83: {  	[spmem:s2] =	stream.indirect.scatter.add.f32 [tilespmem:s3], [sflag:$0xA], $0x80, s10, s8, $0xb8;
	[tilespmem:$0x1FD80] =	vst v63  }
0x84: {  	_ =	swait.ge [sflag:s7], $0x1400  }
0x85: {  	[sflag:s7] =	ssyncset.done $0x0  }
0x86: {  	[sflag:s7] =	ssyncadd.s32 $0xFFFFEC00  }
0x87: {  	[tilespmem:s3], [sflag:$0x1] =	stream.indirect.gather [hbm4b:s1+s8], $0x80, s6, s8, $0xb8;
	[tilespmem:$0x1FD80] =	vst v63  }
0x88: {  	s23 =	rddreg [dreg:$0x4]  }
0x89: {  	[tilespmem:s10], [sflag:$0x7] =	stream.linear.gather [hbm4b:s23+s6], $0x80, $0x38;
	[tilespmem:$0x1FD80] =	vst v63  }
0x8a: {  	s24 =	simm.s32 $0x80  }
0x8b: {  	[tilespmem:s11], [sflag:$0x2] =	stream.indirect.gather [hbm4b:s1+s8], $0x80, s24, s8, $0xb8;
	[tilespmem:$0x1FD80] =	vst v63  }
0x8c: {  	s25 =	rddreg [dreg:$0x7]  }
0x8d: {  	[tilespmem:s13], [sflag:$0x8] =	stream.linear.gather [hbm4b:s25+s6], $0x80, $0x38;
	[tilespmem:$0x1FD80] =	vst v63  }
0x8e: {  	s23 =	simm.s32 $0x100  }
0x8f: {  	[tilespmem:s14], [sflag:$0x3] =	stream.indirect.gather [hbm4b:s1+s8], $0x80, s23, s8, $0xb8;
	[tilespmem:$0x1FD80] =	vst v63  }
0x90: {  	s24 =	rddreg [dreg:$0x8]  }
0x91: {  	[tilespmem:s15], [sflag:$0x9] =	stream.linear.gather [hbm4b:s24+s6], $0x80, $0x38;
	[tilespmem:$0x1FD80] =	vst v63  }
0x92: {  	_ =	swait.ge [sflag:s9], $0x1400  }
0x93: {  	[sflag:s9] =	ssyncset.done $0x0  }
0x94: {  	[sflag:s9] =	ssyncadd.s32 $0xFFFFEC00  }
0x95: {  	_ =	swait.ge [sflag:s16], $0x80  }
0x96: {  	[sflag:s16] =	ssyncset.done $0x0  }
0x97: {  	[sflag:s16] =	ssyncadd.s32 $0xFFFFFF80  }
0x98: {  	[spmem:s2] =	stream.indirect.scatter.add.f32 [tilespmem:s3], [sflag:$0x4], $0x80, s10, s8, $0xb8;
	[tilespmem:$0x1FD80] =	vst v63  }
0x99: {  	_ =	swait.ge [sflag:s17], $0x1400  }
0x9a: {  	[sflag:s17] =	ssyncset.done $0x0  }
0x9b: {  	[sflag:s17] =	ssyncadd.s32 $0xFFFFEC00  }
0x9c: {  	_ =	swait.ge [sflag:s18], $0x80  }
0x9d: {  	[sflag:s18] =	ssyncset.done $0x0  }
0x9e: {  	[sflag:s18] =	ssyncadd.s32 $0xFFFFFF80  }
0x9f: {  	[spmem:s2] =	stream.indirect.scatter.add.f32 [tilespmem:s11], [sflag:$0x5], $0x80, s13, s8, $0xb8;
	[tilespmem:$0x1FD80] =	vst v63  }
0xa0: {  	_ =	swait.ge [sflag:s19], $0x1400  }
0xa1: {  	[sflag:s19] =	ssyncset.done $0x0  }
0xa2: {  	[sflag:s19] =	ssyncadd.s32 $0xFFFFEC00  }
0xa3: {  	_ =	swait.ge [sflag:s20], $0x80  }
0xa4: {  	[sflag:s20] =	ssyncset.done $0x0  }
0xa5: {  	[sflag:s20] =	ssyncadd.s32 $0xFFFFFF80  }
0xa6: {  	[spmem:s2] =	stream.indirect.scatter.add.f32 [tilespmem:s14], [sflag:$0x6], $0x80, s15, s8, $0xb8;
	[tilespmem:$0x1FD80] =	vst v63  }
0xa7: {  	_ =	swait.ge [sflag:s21], $0x1400  }
0xa8: {  	[sflag:s21] =	ssyncset.done $0x0;
	s24 =	rddreg [dreg:$0x16]  }
0xa9: {  	s25 =	simm.s32 $0x180;
	[sflag:s21] =	ssyncadd.s32 $0xFFFFEC00;
	s23 =	sshrl.u32 s24, $0x3  }
0xaa: {  	[tilespmem:s3], [sflag:$0x1] =	stream.indirect.gather [hbm4b:s1+s8], $0x80, s25, s8, $0xb8;
	[tilespmem:$0x1FD80] =	vst v63  }
0xab: {  	s0 =	sadd.s32 s5, s23  }
0xac: {  	[tilespmem:s10], [sflag:$0x7] =	stream.linear.gather [hbm4b:s0+s4], $0x80, $0x38;
	[tilespmem:$0x1FD80] =	vst v63  }
0xad: {  	_ =	swait.ge [sflag:s22], $0x1400  }
0xae: {  	[sflag:s22] =	ssyncset.done $0x0  }
0xaf: {  	s23 =	simm.s32 $0x200;
	[sflag:s22] =	ssyncadd.s32 $0xFFFFEC00  }
0xb0: {  	[tilespmem:s11], [sflag:$0x2] =	stream.indirect.gather [hbm4b:s1+s8], $0x80, s23, s8, $0xb8;
	[tilespmem:$0x1FD80] =	vst v63  }
0xb1: {  	s0 =	rddreg [dreg:$0x15]  }
0xb2: {  	[tilespmem:s13], [sflag:$0x8] =	stream.linear.gather [hbm4b:s0+s4], $0x80, $0x38;
	[tilespmem:$0x1FD80] =	vst v63  }
0xb3: {  	s29 =	simm.s32 $0x600;
	s31 =	sadd.s32 $0x180, s24;
	_ =	swait.ge [sflag:s26], $0x1400  }
0xb4: {  	s25 =	simm.s32 $0x280;
	[sflag:s26] =	ssyncset.done $0x0;
	s23 =	rddreg [dreg:$0x14]  }
0xb5: {  	s30 =	sadd.s32 $0x30, s0;
	[sflag:s26] =	ssyncadd.s32 $0xFFFFEC00;
	s6 =	sadd.s32 $0x30, s23  }
0xb6: {  	[tilespmem:s14], [sflag:$0x3] =	stream.indirect.gather [hbm4b:s1+s8], $0x80, s25, s8, $0xb8;
	[tilespmem:$0x1FD80] =	vst v63  }
.LBB2_4:
0xb7: {  	[tilespmem:s15], [sflag:$0x9] =	stream.linear.gather [hbm4b:s23+s4], $0x80, $0x38;
	[tilespmem:$0x1FD80] =	vst v63  }
0xb8: {  	s24 =	smov.u32 s29;
	s23 =	smov.u32 s6  }
0xb9: {  	p0 =	sne.s32 s29, $0x1E600;
	s29 =	sadd.s32 $0x600, s29;
	_ =	swait.ge [sflag:s9], $0x1400  }
0xba: {  	[sflag:s9] =	ssyncset.done $0x0  }
0xbb: {  	[sflag:s9] =	ssyncadd.s32 $0xFFFFEC00  }
0xbc: {  	_ =	swait.ge [sflag:s16], $0x80  }
0xbd: {  	[sflag:s16] =	ssyncset.done $0x0  }
0xbe: {  	[sflag:s16] =	ssyncadd.s32 $0xFFFFFF80  }
0xbf: {  	[spmem:s2] =	stream.indirect.scatter.add.f32 [tilespmem:s3], [sflag:$0x4], $0x80, s10, s8, $0xb8;
	[tilespmem:$0x1FD80] =	vst v63  }
0xc0: {  	_ =	swait.ge [sflag:s17], $0x1400  }
0xc1: {  	[sflag:s17] =	ssyncset.done $0x0  }
0xc2: {  	[sflag:s17] =	ssyncadd.s32 $0xFFFFEC00  }
0xc3: {  	_ =	swait.ge [sflag:s18], $0x80  }
0xc4: {  	[sflag:s18] =	ssyncset.done $0x0  }
0xc5: {  	[sflag:s18] =	ssyncadd.s32 $0xFFFFFF80  }
0xc6: {  	[spmem:s2] =	stream.indirect.scatter.add.f32 [tilespmem:s11], [sflag:$0x5], $0x80, s13, s8, $0xb8;
	[tilespmem:$0x1FD80] =	vst v63  }
0xc7: {  	_ =	swait.ge [sflag:s19], $0x1400  }
0xc8: {  	[sflag:s19] =	ssyncset.done $0x0  }
0xc9: {  	[sflag:s19] =	ssyncadd.s32 $0xFFFFEC00  }
0xca: {  	_ =	swait.ge [sflag:s20], $0x80  }
0xcb: {  	[sflag:s20] =	ssyncset.done $0x0  }
0xcc: {  	[sflag:s20] =	ssyncadd.s32 $0xFFFFFF80  }
0xcd: {  	[spmem:s2] =	stream.indirect.scatter.add.f32 [tilespmem:s14], [sflag:$0x6], $0x80, s15, s8, $0xb8;
	[tilespmem:$0x1FD80] =	vst v63  }
0xce: {  	_ =	swait.ge [sflag:s21], $0x1400  }
0xcf: {  	s24 =	sshra.s32 s24, $0x2;
	[sflag:s21] =	ssyncset.done $0x0  }
0xd0: {  	s0 =	sshrl.u32 s31, $0x3;
	s25 =	sadd.s32 $0x180, s24;
	[sflag:s21] =	ssyncadd.s32 $0xFFFFEC00  }
0xd1: {  	[tilespmem:s3], [sflag:$0x1] =	stream.indirect.gather [hbm4b:s1+s8], $0x80, s25, s8, $0xb8;
	[tilespmem:$0x1FD80] =	vst v63  }
0xd2: {  	s0 =	sadd.s32 s5, s0  }
0xd3: {  	[tilespmem:s10], [sflag:$0x7] =	stream.linear.gather [hbm4b:s0+s4], $0x80, $0x38;
	[tilespmem:$0x1FD80] =	vst v63  }
0xd4: {  	_ =	swait.ge [sflag:s22], $0x1400  }
0xd5: {  	[sflag:s22] =	ssyncset.done $0x0  }
0xd6: {  	s0 =	sadd.s32 $0x200, s24;
	[sflag:s22] =	ssyncadd.s32 $0xFFFFEC00  }
0xd7: {  	[tilespmem:s11], [sflag:$0x2] =	stream.indirect.gather [hbm4b:s1+s8], $0x80, s0, s8, $0xb8;
	[tilespmem:$0x1FD80] =	vst v63  }
0xd8: {  	_ = 	snop  }
0xd9: {  	[tilespmem:s13], [sflag:$0x8] =	stream.linear.gather [hbm4b:s30+s4], $0x80, $0x38;
	[tilespmem:$0x1FD80] =	vst v63  }
.Ltmp1:
0xda: {  	_ =	swait.ge [sflag:s26], $0x1400;
	(pc) =	sbr.rel @p0 .LBB2_4-.Ltmp1, $4  }
0xdb: {  	[sflag:s26] =	ssyncset.done $0x0  }
0xdc: {  	s0 =	sadd.s32 $0x280, s24;
	[sflag:s26] =	ssyncadd.s32 $0xFFFFEC00  }
0xdd: {  	[tilespmem:s14], [sflag:$0x3] =	stream.indirect.gather [hbm4b:s1+s8], $0x80, s0, s8, $0xb8;
	[tilespmem:$0x1FD80] =	vst v63  }
0xde: {  	s6 =	sadd.s32 $0x30, s6;
	s31 =	sadd.s32 $0x180, s31;
	s30 =	sadd.s32 $0x30, s30  }
0xdf: {  	[tilespmem:s15], [sflag:$0x9] =	stream.linear.gather [hbm4b:s23+s4], $0x80, $0x38;
	[tilespmem:$0x1FD80] =	vst v63  }
0xe0: {  	_ =	swait.ge [sflag:s9], $0x1400  }
0xe1: {  	[sflag:s9] =	ssyncset.done $0x0  }
0xe2: {  	[sflag:s9] =	ssyncadd.s32 $0xFFFFEC00  }
0xe3: {  	_ =	swait.ge [sflag:s16], $0x80  }
0xe4: {  	[sflag:s16] =	ssyncset.done $0x0  }
0xe5: {  	[sflag:s16] =	ssyncadd.s32 $0xFFFFFF80  }
0xe6: {  	[spmem:s2] =	stream.indirect.scatter.add.f32 [tilespmem:s3], [sflag:$0x4], $0x80, s10, s8, $0xb8;
	[tilespmem:$0x1FD80] =	vst v63  }
0xe7: {  	_ =	swait.ge [sflag:s17], $0x1400  }
0xe8: {  	[sflag:s17] =	ssyncset.done $0x0  }
0xe9: {  	[sflag:s17] =	ssyncadd.s32 $0xFFFFEC00  }
0xea: {  	_ =	swait.ge [sflag:s18], $0x80  }
0xeb: {  	[sflag:s18] =	ssyncset.done $0x0  }
0xec: {  	[sflag:s18] =	ssyncadd.s32 $0xFFFFFF80  }
0xed: {  	[spmem:s2] =	stream.indirect.scatter.add.f32 [tilespmem:s11], [sflag:$0x5], $0x80, s13, s8, $0xb8;
	[tilespmem:$0x1FD80] =	vst v63  }
0xee: {  	_ =	swait.ge [sflag:s19], $0x1400  }
0xef: {  	[sflag:s19] =	ssyncset.done $0x0  }
0xf0: {  	[sflag:s19] =	ssyncadd.s32 $0xFFFFEC00  }
0xf1: {  	_ =	swait.ge [sflag:s20], $0x80  }
0xf2: {  	[sflag:s20] =	ssyncset.done $0x0  }
0xf3: {  	[sflag:s20] =	ssyncadd.s32 $0xFFFFFF80  }
0xf4: {  	[spmem:s2] =	stream.indirect.scatter.add.f32 [tilespmem:s14], [sflag:$0x6], $0x80, s15, s8, $0xb8;
	[tilespmem:$0x1FD80] =	vst v63  }
0xf5: {  	_ =	swait.ge [sflag:s21], $0x1400  }
0xf6: {  	[sflag:s21] =	ssyncset.done $0x0  }
0xf7: {  	[sflag:s21] =	ssyncadd.s32 $0xFFFFEC00  }
0xf8: {  	_ =	swait.ge [sflag:s22], $0x1400  }
0xf9: {  	[sflag:s22] =	ssyncset.done $0x0  }
0xfa: {  	[sflag:s22] =	ssyncadd.s32 $0xFFFFEC00  }
0xfb: {  	_ =	swait.ge [sflag:s26], $0x1400  }
0xfc: {  	[sflag:s26] =	ssyncset.done $0x0  }
0xfd: {  	s0 =	stileid.u32;
	[sflag:s26] =	ssyncadd.s32 $0xFFFFEC00  }
0xfe: {  	s0 =	sshll.u32 s0, $0x6;
	[bflag:$0x0] =	sbarrier.arrive $0xFFFF  }
0xff: {  	s6 =	sshrl.u32 s12, $0x3;
	s0 =	sor.u32 $0x1C0A, s0;
	s30 =	rddreg [dreg:$0x9]  }
0x100: {  	[hbm:s30], [sflag:s0] =	dma.local [spmem:s6], $0x2800  }
0x101: {  	_ =	swait.ge [sflag:s7], $0x2800  }
0x102: {  	s28 =	sadd.s32 $0x1, s28;
	s31 =	rddreg [dreg:$0xa]  }
0x103: {  	p0 =	sne.s32 s28, s31  }
.Ltmp2:
0x104: {  	_ = 	snop;
	(pc) =	sbr.rel @p0 .LBB2_1-.Ltmp2, $3  }
0x105: {  	_ =	sdelay $0x1  }
0x106: {  	[sflag:s7] =	ssyncset.done $0x0  }
0x107: {  	[sflag:s7] =	ssyncadd.s32 $0xFFFFD800  }
0x108: {  	_ =	sfence.sel $0x180000  }
0x109: {  	[bflag:$0x0] =	sbarrier.arrive $0xFFFF  }
0x10a: {  	_ =	strace $0x9000004A  }
0x10b: {  	s0 =	stileid.u32;
	[bflag:$0x2] =	sbarrier.arrive $0xFFFF  }
0x10c: {  	p0 =	sne.s32 s0, $0x0;
	s0 =	rddreg [dreg:$0x3]  }
0x10d: {  	s0 =	sadd.s32 @!p0 $0x100000, s0  }
0x10e: {  	[sflag:s0] =	ssyncadd.tile.s32 @!p0 $0x1;
	_ =	shalt  }
.Lfunc_end2:
_tile_overlayer_lowered:
.L_overlay_start_2:
0x10f: {  	(tag) =	ssettag $0x2  }
0x110: {  	s0 =	rddreg [dreg:$0x0];
	s2 =	stileid.u32  }
0x111: {  	s1 =	rddreg [dreg:$0x1];
	p0 =	sne.s32 s2, $0x0  }
0x112: {  	s3 =	rddreg [dreg:$0x2];
	[bflag:$0x3] =	sbarrier.arrive $0xFFFF;
	s2 =	simm.s32 @!p0 $0x1C0A  }
0x113: {  	[timem:s3], [sflag:s2] =	dma.local @!p0 [hbm:s0], s1  }
0x114: {  	s0 =	simm.s32 @!p0 $0xA  }
0x115: {  	_ =	swait.ge @!p0 [sflag:s0], s1  }
0x116: {  	s1 =	ssub.s32 @!p0 $0x0, s1;
	[sflag:s0] =	ssyncset.done @!p0 $0x0  }
0x117: {  	[sflag:s0] =	ssyncadd.s32 @!p0 s1  }
0x118: {  	[bflag:$0x3] =	sbarrier.arrive $0xFFFF  }
0x119: {  	_ =	shalt  }

// kernel: kernel.16.cloned.1.call-start
scs
__scs_entry_jumppad:
0x0: {  	(pc) =	sbr.rel $0x88, $3  }
0x1: {  	(tag) =	ssettag $0x0;
	lr =	simm.s32 $0x1  }
0x2: {  	[smem:$0x3F97] =	sst lr;
	_ =	strace $0xD0000000  }
0x3: {  	_ = 	snop  }
0x4: {  	_ = 	snop  }
0x5: {  	_ = 	snop  }
0x6: {  	_ = 	snop  }
0x7: {  	_ = 	snop  }
__scs_overlays_trampoline_lowered:
0x8: {  	[smem:$0x3FA6] =	sst s0  }
0x9: {  	[smem:$0x3FA7] =	sst s1  }
0xa: {  	[smem:$0x3FA8] =	sst s2  }
0xb: {  	[smem:$0x3FA9] =	sst s3  }
0xc: {  	[smem:$0x3FAA] =	sst s4  }
0xd: {  	[smem:$0x3FAB] =	sst s5  }
0xe: {  	[smem:$0x3FAC] =	sst s6  }
0xf: {  	[smem:$0x3FAD] =	sst s7  }
0x10: {  	[smem:$0x3FAE] =	sst s8  }
0x11: {  	[smem:$0x3FAF] =	sst s9;
	s0 =	simm.s32 @!p0 $0x0  }
0x12: {  	s1 =	sld [smem:$0x3F95];
	s0 =	simm.s32 @p0 $0x1  }
0x13: {  	[smem:$0x3FB0] =	sst s0;
	s0 =	simm.s32 @!p1 $0x0  }
0x14: {  	s2 =	sld [smem:$0x3F94];
	s0 =	simm.s32 @p1 $0x1  }
0x15: {  	[smem:$0x3FB1] =	sst s0;
	s0 =	simm.s32 @!p2 $0x0  }
0x16: {  	s3 =	sld [smem:$0x3FDB];
	s0 =	simm.s32 @p2 $0x1  }
0x17: {  	s4 =	simm.s32 $0x1BF5;
	[smem:$0x3FB3] =	sst s0  }
0x18: {  	s0 =	sld [smem:$0x3F96];
	_ =	swait.ge [sflag:s4], $0x0  }
0x19: {  	s7 =	sld [smem:$0x3F97]  }
0x1a: {  	s8 =	sadd.s32 $0xFFFFE003, lr  }
0x1b: {  	s9 =	sadd.s32 $0xFFFFFEF7, lr;
	s5 =	simm.s32 $0xFFFFFFFF;
	p2 =	slt.u32 s8, $0xFFFFF086  }
0x1c: {  	p1 =	slt.u32 s9, $0xF7A;
	s5 =	simm.s32 @!p2 $0x0  }
0x1d: {  	s5 =	simm.s32 @p1 $0x1;
	p0 =	seq.s32 s7, s2  }
0x1e: {  	s7 =	smul.u32 @!p0 $0xF7A, s2;
	p2 =	seq.s32 @!p0 s5, $0x0  }
0x1f: {  	s9 =	smul.u32 $0xF7A, s1;
	s8 =	simm.s32 @!p0 $0x1BF5;
	p2 =	por !p2, p0  }
0x20: {  	[sflag:s8] =	ssyncset.s32 @!p0 $0xFFFFF086;
	s6 =	sadd.s32 @!p0 s3, s7;
	s7 =	simm.s32 @!p0 $0x108  }
0x21: {  	s3 =	sadd.s32 s3, s9;
	s6 =	sadd.s32 @!p0 $0x88, s6;
	s7 =	simm.s32 @p2 $0x1082  }
0x22: {  	[simem:s7], [sflag:s8] =	dma.local @!p0 [hbm:s6], $0xF7A  }
0x23: {  	s9 =	sor.u32 $0xD0000000, s2;
	s6 =	simm.s32 $0x108;
	_ =	swait.ge @!p0 [sflag:s8], $0x0  }
0x24: {  	s3 =	sadd.s32 $0x88, s3;
	s6 =	simm.s32 @!p1 $0x1082;
	[sflag:s4] =	ssyncset.s32 $0xFFFFF086  }
0x25: {  	[simem:s6], [sflag:s4] =	dma.local [hbm:s3], $0xF7A  }
0x26: {  	[smem:$0x3F97] =	sst s1;
	(tag) =	ssettag s2;
	_ =	strace s9  }
0x27: {  	s1 =	sld [smem:$0x3FA7]  }
0x28: {  	s2 =	sld [smem:$0x3FA8]  }
0x29: {  	s4 =	sld [smem:$0x3FAA]  }
0x2a: {  	p0 =	seq.s32 s5, $0x0;
	s5 =	sld [smem:$0x3FAB]  }
0x2b: {  	s6 =	sld [smem:$0x3FAC]  }
0x2c: {  	s7 =	sld [smem:$0x3FAD]  }
0x2d: {  	s3 =	simm.s32 $0x108;
	s8 =	sld [smem:$0x3FAE]  }
0x2e: {  	s3 =	simm.s32 @!p0 $0x1082;
	s9 =	sld [smem:$0x3FAF]  }
0x2f: {  	lr =	sadd.s32 s0, s3;
	s0 =	sld [smem:$0x3FA6]  }
0x30: {  	s3 =	sld [smem:$0x3FA9]  }
0x31: {  	[smem:$0x3FB2] =	sst s10  }
0x32: {  	s10 =	sld [smem:$0x3FB0];
	_ =	sdelay $0x3  }
0x33: {  	p0 =	seq.s32 s10, $0x1;
	s10 =	sld [smem:$0x3FB2];
	_ =	sdelay $0x3  }
0x34: {  	[smem:$0x3FB2] =	sst s10  }
0x35: {  	s10 =	sld [smem:$0x3FB1];
	_ =	sdelay $0x3  }
0x36: {  	p1 =	seq.s32 s10, $0x1;
	s10 =	sld [smem:$0x3FB2];
	_ =	sdelay $0x3  }
0x37: {  	[smem:$0x3FB2] =	sst s10  }
0x38: {  	s10 =	sld [smem:$0x3FB3]  }
0x39: {  	_ = 	snop;
	(pc) =	sbr.ind lr, $3  }
0x3a: {  	_ = 	snop  }
0x3b: {  	_ = 	snop  }
0x3c: {  	p2 =	seq.s32 s10, $0x1;
	s10 =	sld [smem:$0x3FB2]  }
0x3d: {  	_ =	shalt  }
0x3e: {  	_ =	shalt  }
0x3f: {  	_ =	shalt  }
0x40: {  	_ =	shalt  }
0x41: {  	_ =	shalt  }
0x42: {  	_ =	shalt  }
0x43: {  	_ =	shalt  }
0x44: {  	_ =	shalt  }
0x45: {  	_ =	shalt  }
0x46: {  	_ =	shalt  }
0x47: {  	_ =	shalt  }
0x48: {  	_ =	shalt  }
0x49: {  	_ =	shalt  }
0x4a: {  	_ =	shalt  }
0x4b: {  	_ =	shalt  }
0x4c: {  	_ =	shalt  }
0x4d: {  	_ =	shalt  }
0x4e: {  	_ =	shalt  }
0x4f: {  	_ =	shalt  }
0x50: {  	_ =	shalt  }
0x51: {  	_ =	shalt  }
0x52: {  	_ =	shalt  }
0x53: {  	_ =	shalt  }
0x54: {  	_ =	shalt  }
0x55: {  	_ =	shalt  }
0x56: {  	_ =	shalt  }
0x57: {  	_ =	shalt  }
0x58: {  	_ =	shalt  }
0x59: {  	_ =	shalt  }
0x5a: {  	_ =	shalt  }
0x5b: {  	_ =	shalt  }
0x5c: {  	_ =	shalt  }
0x5d: {  	_ =	shalt  }
0x5e: {  	_ =	shalt  }
0x5f: {  	_ =	shalt  }
0x60: {  	_ =	shalt  }
0x61: {  	_ =	shalt  }
0x62: {  	_ =	shalt  }
0x63: {  	_ =	shalt  }
0x64: {  	_ =	shalt  }
0x65: {  	_ =	shalt  }
0x66: {  	_ =	shalt  }
0x67: {  	_ =	shalt  }
0x68: {  	_ =	shalt  }
0x69: {  	_ =	shalt  }
0x6a: {  	_ =	shalt  }
0x6b: {  	_ =	shalt  }
0x6c: {  	_ =	shalt  }
0x6d: {  	_ =	shalt  }
0x6e: {  	_ =	shalt  }
0x6f: {  	_ =	shalt  }
0x70: {  	_ =	shalt  }
0x71: {  	_ =	shalt  }
0x72: {  	_ =	shalt  }
0x73: {  	_ =	shalt  }
0x74: {  	_ =	shalt  }
0x75: {  	_ =	shalt  }
0x76: {  	_ =	shalt  }
0x77: {  	_ =	shalt  }
0x78: {  	_ =	shalt  }
0x79: {  	_ =	shalt  }
0x7a: {  	_ =	shalt  }
0x7b: {  	_ =	shalt  }
0x7c: {  	_ =	shalt  }
0x7d: {  	_ =	shalt  }
0x7e: {  	_ =	shalt  }
0x7f: {  	_ =	shalt  }
0x80: {  	_ =	shalt  }
0x81: {  	_ =	shalt  }
0x82: {  	_ =	shalt  }
0x83: {  	_ =	shalt  }
0x84: {  	_ =	shalt  }
0x85: {  	_ =	shalt  }
0x86: {  	_ =	shalt  }
0x87: {  	_ =	shalt  }
.Lfunc_end0:
.L_simem_size_0:
called_computation.2_lowered:
.L_overlay_start_0:
0x88: {  	s2 =	sld [smem:$0x3FD9]  }
0x89: {  	s3 =	sld [smem:$0x3FFE];
	_ =	sdelay $0x1  }
0x8a: {  	s1 =	srdreg.scid  }
0x8b: {  	s0 =	sand.u32 $0x1, s1  }
0x8c: {  	s17 =	sshll.u32 s0, $0xA;
	s2 =	sadd.s32 s3, s2  }
0x8d: {  	s2 =	sadd.s32 s2, s17  }
0x8e: {  	[smem:$0x3FBE] =	sst s2  }
0x8f: {  	_ = 	snop  }
0x90: {  	s2 =	sld [smem:$0x3FD0];
	(tm) =	ssettm $0x1  }
0x91: {  	s18 =	sld [smem:$0x3FFB];
	_ =	sdelay $0x3  }
0x92: {  	_ =	strace s18  }
0x93: {  	s3 =	sld [smem:$0x3FFC];
	_ =	sdelay $0x3  }
0x94: {  	_ =	strace s3  }
0x95: {  	s3 =	sld [smem:$0x3FFD];
	_ =	sdelay $0x3  }
0x96: {  	_ =	strace s3  }
0x97: {  	_ =	strace $0x8FFFFFFF  }
0x98: {  	s19 =	sld [smem:$0x3FDB];
	_ =	sdelay $0x1  }
0x99: {  	s4 =	simm.s32 $_scs_section_size  }
0x9a: {  	s5 =	simm.s32 $_size__tile_overlayer_lowered;
	s6 =	simm.s32 $_tile_overlayer_lowered  }
0x9b: {  	s22 =	simm.s32 $0x1BFF;
	s21 =	sshll.u32 s6, $0x1;
	s3 =	sadd.s32 s4, s19  }
0x9c: {  	s7 =	simm.s32 $0x0;
	s20 =	sshll.u32 s5, $0x1;
	s5 =	sadd.s32 s21, s3  }
0x9d: {  	[timem:s7], [sflag:s22] =	dma.local [hbm:s5], s20  }
0x9e: {  	_ =	swait.ge [sflag:s22], s20  }
0x9f: {  	s4 =	ssub.s32 $0x0, s20;
	[sflag:s22] =	ssyncset.done $0x0  }
0xa0: {  	[sflag:s22] =	ssyncadd.s32 s4;
	_ =	sdelay $0x1  }
0xa1: {  	s23 =	simm.s32 $0x1B8B  }
0xa2: {  	_ =	swait.ge [sflag:s23], $0x1  }
0xa3: {  	[sflag:s23] =	ssyncset.done $0x0  }
0xa4: {  	s25 =	simm.s32 $0x1B8E;
	s24 =	sld [smem:$0x3FFE];
	[sflag:s23] =	ssyncadd.s32 $0xFFFFFFFF  }
0xa5: {  	s26 =	simm.s32 $execute0_lowered;
	[smem:$0x3FD2] =	sst s25  }
0xa6: {  	s5 =	sshll.u32 s26, $0x1;
	_ =	strace $0x8000004C;
	[dreg:$0x1] =	wrdreg $0xFFFFFFFF  }
0xa7: {  	s28 =	simm.s32 $_size_execute0_lowered;
	s3 =	sadd.s32 s3, s5;
	[dreg:$0x0] =	wrdreg $0x0  }
0xa8: {  	s5 =	sshll.u32 s28, $0x1;
	[dreg:$0x2] =	wrdreg s3  }
0xa9: {  	[dreg:$0x3] =	wrdreg s5  }
0xaa: {  	[dreg:$0x4] =	wrdreg $0xC0  }
0xab: {  	_ =	task [dreg:s7], $0x5FFFF  }
0xac: {  	[dreg:$0x1] =	wrdreg $0xFFFFFFFF  }
0xad: {  	[dreg:$0x0] =	wrdreg $0x60  }
0xae: {  	[dreg:$0x2] =	wrdreg s2  }
0xaf: {  	[dreg:$0x3] =	wrdreg s24  }
0xb0: {  	[dreg:$0x4] =	wrdreg $0xBD800  }
0xb1: {  	[dreg:$0x5] =	wrdreg $0x9  }
0xb2: {  	_ =	task.clear_ibuf [dreg:s7], $0x6FFFF;
	_ =	strace $0x9000004C  }
0xb3: {  	s29 =	simm.s32 $0x9;
	_ =	strace $0x8000004E  }
0xb4: {  	_ =	swait.ge [sflag:s29], $0x1  }
0xb5: {  	[sflag:s29] =	ssyncadd.s32 $0xFFFFFFFF  }
0xb6: {  	_ =	strace $0x9000004E  }
0xb7: {  	_ =	sfence  }
0xb8: {  	s30 =	sld [smem:$0x0];
	_ =	sdelay $0x2  }
0xb9: {  	s31 =	sshll.u32 s1, $0xD;
	s1 =	sshrl.u32 s1, $0x2  }
0xba: {  	s3 =	sand.u32 $0x4000, s31;
	s1 =	sadd.s32 s1, s30  }
0xbb: {  	s0 =	sor.u32 s3, s0;
	s1 =	sshll.u32 s1, $0x11  }
0xbc: {  	s0 =	sor.u32 s1, s0  }
0xbd: {  	s0 =	sadd.s32 $0x8F2B, s0  }
0xbe: {  	[sflag:s0] =	ssyncadd.remote.s32 $0x1  }
0xbf: {  	_ =	sfence.sel $0xFFFF  }
0xc0: {  	[dreg:$0x0] =	wrdreg $0xFFFFFFFF;
	(pc) =	sbr.abs _section_cstart, $3  }
0xc1: {  	[dreg:$0x1] =	wrdreg $0xFFFFFFFF  }
0xc2: {  	_ =	task.clear_ibuf [dreg:s7], $0x2FFFF;
	_ =	strace $0x9FFFFFFF  }
0xc3: {  	(tm) =	ssettm $0x7FFFFFFF  }
tec
execute0_lowered:
.L_overlay_start_1:
0x0: {  	(tag) =	ssettag $0x1  }
0x1: {  	s1 =	rddreg [dreg:$0x0]  }
0x2: {  	s0 =	rddreg [dreg:$0x1]  }
0x3: {  	s2 =	rddreg [dreg:$0x2];
	s10 =	stileid.u32  }
0x4: {  	s3 =	srdreg.scid;
	s7 =	smul.u32 $0x14000, s10  }
0x5: {  	s4 =	simm.s32 $0x0;
	s28 =	simm.s32 $0x0;
	s25 =	smul.u32 $0x50000, s10  }
0x6: {  	s3 =	sand.u32 $0x1, s3;
	[smem:$0x7FF] =	sst s4;
	s11 =	smul.u32 $0x7D00, s10  }
0x7: {  	s5 =	sshll.u32 s3, $0x4;
	s6 =	smul.u32 $0x140000, s3;
	_ =	strace $0x8000004D  }
0x8: {  	s9 =	ssub.s32 $0x2, s3;
	s5 =	sor.u32 s10, s5;
	s31 =	sshrl.u32 s25, $0x2  }
0x9: {  	s23 =	sshrl.u32 s9, $0x1;
	s10 =	simm.s32 $0x8000;
	s12 =	sadd.s32 s31, s2  }
0xa: {  	s8 =	sshll.u32 s5, $0xC;
	s6 =	sadd.s32 s7, s6;
	s13 =	sadd.s32 $0x3C00, s12  }
0xb: {  	s22 =	smul.u32 $0x7D00, s5;
	s14 =	sadd.s32 $0x5000, s12;
	[dreg:$0xd] =	wrdreg s13  }
0xc: {  	s5 =	sadd.s32 $0x51C00, s0;
	s15 =	sadd.s32 $0x6400, s12;
	[dreg:$0xe] =	wrdreg s14  }
0xd: {  	s8 =	sadd.s32 s8, s0;
	s16 =	sadd.s32 $0x7800, s12;
	[dreg:$0xf] =	wrdreg s15  }
0xe: {  	s6 =	sshrl.u32 s6, $0x3;
	s17 =	sadd.s32 $0x8C00, s12;
	[dreg:$0x10] =	wrdreg s16  }
0xf: {  	s18 =	sadd.s32 $0xA000, s12;
	s21 =	sadd.s32 $0xB400, s12;
	[dreg:$0x11] =	wrdreg s17  }
0x10: {  	s25 =	sadd.s32 $0xDC00, s12;
	s31 =	sadd.s32 $0x12C00, s12;
	[dreg:$0x12] =	wrdreg s18  }
0x11: {  	s0 =	sadd.s32 s6, s0;
	s7 =	sshrl.u32 s22, $0x3;
	[dreg:$0x13] =	wrdreg s21  }
0x12: {  	s6 =	ssub.s32 s9, s23;
	s8 =	sadd.s32 $0x71000, s8;
	[dreg:$0x18] =	wrdreg s25  }
0x13: {  	s9 =	sadd.s32 $0x2800, s12;
	[dreg:$0x1c] =	wrdreg s31;
	s13 =	simm.s32 $0x8080  }
0x14: {  	s14 =	simm.s32 $0xA980;
	s15 =	simm.s32 $0x8100;
	[dreg:$0x5] =	wrdreg s8  }
0x15: {  	s16 =	simm.s32 $0x7;
	s24 =	sadd.s32 s5, s7;
	[dreg:$0xc] =	wrdreg s9  }
0x16: {  	s17 =	simm.s32 $0x2;
	s0 =	sadd.s32 $0x91000, s0;
	[dreg:$0x4] =	wrdreg s24  }
0x17: {  	s18 =	simm.s32 $0x8;
	s6 =	smax.u32 s6, $0x1;
	[dreg:$0x9] =	wrdreg s0  }
0x18: {  	s21 =	simm.s32 $0x4;
	s8 =	sadd.s32 $0x1400, s12;
	[dreg:$0xa] =	wrdreg s6  }
0x19: {  	s7 =	smul.u32 $0x7D000, s3;
	s26 =	sadd.s32 $0xF90, s24;
	[dreg:$0xb] =	wrdreg s8  }
0x1a: {  	s9 =	simm.s32 $0x1;
	s29 =	sadd.s32 $0x10, s24;
	[dreg:$0x6] =	wrdreg s26  }
0x1b: {  	s30 =	sadd.s32 $0x20, s24;
	s24 =	sadd.s32 $0xC800, s12;
	[dreg:$0x7] =	wrdreg s29  }
0x1c: {  	s8 =	simm.s32 $0x28;
	[dreg:$0x8] =	wrdreg s30;
	s3 =	sadd.s32 s11, s7  }
0x1d: {  	[dreg:$0x17] =	wrdreg s24;
	s26 =	sadd.s32 $0xF000, s12;
	s29 =	sadd.s32 $0x10400, s12  }
0x1e: {  	s30 =	sadd.s32 $0x11800, s12;
	s7 =	simm.s32 $0xA;
	[dreg:$0x19] =	wrdreg s26  }
0x1f: {  	s11 =	simm.s32 $0x9580;
	s19 =	sadd.s32 $0x280, s3;
	[dreg:$0x1a] =	wrdreg s29  }
0x20: {  	s20 =	sadd.s32 $0x200, s3;
	s23 =	sadd.s32 $0x180, s3;
	[dreg:$0x1b] =	wrdreg s30  }
0x21: {  	s3 =	simm.s32 $0x8180;
	s26 =	simm.s32 $0x6;
	s0 =	sshrl.u32 s19, $0x3  }
0x22: {  	s6 =	sshrl.u32 s20, $0x3;
	[dreg:$0x16] =	wrdreg s23;
	s0 =	sadd.s32 s0, s5  }
0x23: {  	s19 =	simm.s32 $0x3;
	s22 =	sadd.s32 s6, s5;
	[dreg:$0x14] =	wrdreg s0  }
0x24: {  	v0 =	vimm.f32 $0.0e+00;
	s20 =	simm.s32 $0x9;
	[dreg:$0x15] =	wrdreg s22;
	s22 =	simm.s32 $0x5  }
.LBB2_1:
0x25: {  	s6 =	simm.s32 $0x70;
	s23 =	simm.s32 $0x3C0  }
.LBB2_2:
0x26: {  	p0 =	sne.s32 s23, $0x4FC0;
	[tilespmem:s6+$0x8180] =	vst v0  }
0x27: {  	[tilespmem:s6+$0x8110] =	vst v0  }
0x28: {  	[tilespmem:s6+$0x8120] =	vst v0  }
.Ltmp0:
0x29: {  	[tilespmem:s6+$0x8130] =	vst v0;
	(pc) =	sbr.rel @p0 .LBB2_2-.Ltmp0, $4  }
0x2a: {  	[tilespmem:s6+$0x8140] =	vst v0  }
0x2b: {  	[tilespmem:s6+$0x8150] =	vst v0  }
0x2c: {  	[tilespmem:s6+$0x8160] =	vst v0  }
0x2d: {  	[tilespmem:s6+$0x8170] =	vst v0;
	s6 =	sshra.s32 s23, $0x2;
	s23 =	sadd.s32 $0x200, s23  }
0x2e: {  	[tilespmem:s6+$0x8180] =	vst v0  }
0x2f: {  	[tilespmem:s6+$0x8110] =	vst v0  }
0x30: {  	[tilespmem:s6+$0x8120] =	vst v0  }
0x31: {  	[tilespmem:s6+$0x8130] =	vst v0  }
0x32: {  	[tilespmem:s6+$0x8140] =	vst v0  }
0x33: {  	[tilespmem:s6+$0x8150] =	vst v0  }
0x34: {  	[tilespmem:s6+$0x8160] =	vst v0  }
0x35: {  	[tilespmem:s6+$0x8170] =	vst v0  }
0x36: {  	[spmem:s12] =	stream.linear.scatter [tilespmem:s3], [sflag:$0xA], $0x1400, $0x38;
	[tilespmem:$0x1FD80] =	vst v63  }
0x37: {  	_ =	swait.ge [sflag:s7], $0x1400  }
0x38: {  	[sflag:s7] =	ssyncset.done $0x0  }
0x39: {  	s0 =	rddreg [dreg:$0xb];
	[sflag:s7] =	ssyncadd.s32 $0xFFFFEC00  }
0x3a: {  	[spmem:s0] =	stream.linear.scatter [tilespmem:s3], [sflag:$0xA], $0x1400, $0x38;
	[tilespmem:$0x1FD80] =	vst v63  }
0x3b: {  	_ =	swait.ge [sflag:s7], $0x1400  }
0x3c: {  	[sflag:s7] =	ssyncset.done $0x0  }
0x3d: {  	s25 =	rddreg [dreg:$0xc];
	[sflag:s7] =	ssyncadd.s32 $0xFFFFEC00  }
0x3e: {  	[spmem:s25] =	stream.linear.scatter [tilespmem:s3], [sflag:$0xA], $0x1400, $0x38;
	[tilespmem:$0x1FD80] =	vst v63  }
0x3f: {  	_ =	swait.ge [sflag:s7], $0x1400  }
0x40: {  	[sflag:s7] =	ssyncset.done $0x0  }
0x41: {  	s6 =	rddreg [dreg:$0xd];
	[sflag:s7] =	ssyncadd.s32 $0xFFFFEC00  }
0x42: {  	[spmem:s6] =	stream.linear.scatter [tilespmem:s3], [sflag:$0xA], $0x1400, $0x38;
	[tilespmem:$0x1FD80] =	vst v63  }
0x43: {  	_ =	swait.ge [sflag:s7], $0x1400  }
0x44: {  	[sflag:s7] =	ssyncset.done $0x0  }
0x45: {  	s23 =	rddreg [dreg:$0xe];
	[sflag:s7] =	ssyncadd.s32 $0xFFFFEC00  }
0x46: {  	[spmem:s23] =	stream.linear.scatter [tilespmem:s3], [sflag:$0xA], $0x1400, $0x38;
	[tilespmem:$0x1FD80] =	vst v63  }
0x47: {  	_ =	swait.ge [sflag:s7], $0x1400  }
0x48: {  	[sflag:s7] =	ssyncset.done $0x0  }
0x49: {  	s24 =	rddreg [dreg:$0xf];
	[sflag:s7] =	ssyncadd.s32 $0xFFFFEC00  }
0x4a: {  	[spmem:s24] =	stream.linear.scatter [tilespmem:s3], [sflag:$0xA], $0x1400, $0x38;
	[tilespmem:$0x1FD80] =	vst v63  }
0x4b: {  	_ =	swait.ge [sflag:s7], $0x1400  }
0x4c: {  	[sflag:s7] =	ssyncset.done $0x0  }
0x4d: {  	s25 =	rddreg [dreg:$0x10];
	[sflag:s7] =	ssyncadd.s32 $0xFFFFEC00  }
0x4e: {  	[spmem:s25] =	stream.linear.scatter [tilespmem:s3], [sflag:$0xA], $0x1400, $0x38;
	[tilespmem:$0x1FD80] =	vst v63  }
0x4f: {  	_ =	swait.ge [sflag:s7], $0x1400  }
0x50: {  	[sflag:s7] =	ssyncset.done $0x0  }
0x51: {  	s6 =	rddreg [dreg:$0x11];
	[sflag:s7] =	ssyncadd.s32 $0xFFFFEC00  }
0x52: {  	[spmem:s6] =	stream.linear.scatter [tilespmem:s3], [sflag:$0xA], $0x1400, $0x38;
	[tilespmem:$0x1FD80] =	vst v63  }
0x53: {  	_ =	swait.ge [sflag:s7], $0x1400  }
0x54: {  	[sflag:s7] =	ssyncset.done $0x0  }
0x55: {  	s23 =	rddreg [dreg:$0x12];
	[sflag:s7] =	ssyncadd.s32 $0xFFFFEC00  }
0x56: {  	[spmem:s23] =	stream.linear.scatter [tilespmem:s3], [sflag:$0xA], $0x1400, $0x38;
	[tilespmem:$0x1FD80] =	vst v63  }
0x57: {  	_ =	swait.ge [sflag:s7], $0x1400  }
0x58: {  	[sflag:s7] =	ssyncset.done $0x0  }
0x59: {  	s24 =	rddreg [dreg:$0x13];
	[sflag:s7] =	ssyncadd.s32 $0xFFFFEC00  }
0x5a: {  	[spmem:s24] =	stream.linear.scatter [tilespmem:s3], [sflag:$0xA], $0x1400, $0x38;
	[tilespmem:$0x1FD80] =	vst v63  }
0x5b: {  	_ =	swait.ge [sflag:s7], $0x1400  }
0x5c: {  	[sflag:s7] =	ssyncset.done $0x0  }
0x5d: {  	s25 =	rddreg [dreg:$0x17];
	[sflag:s7] =	ssyncadd.s32 $0xFFFFEC00  }
0x5e: {  	[spmem:s25] =	stream.linear.scatter [tilespmem:s3], [sflag:$0xA], $0x1400, $0x38;
	[tilespmem:$0x1FD80] =	vst v63  }
0x5f: {  	_ =	swait.ge [sflag:s7], $0x1400  }
0x60: {  	[sflag:s7] =	ssyncset.done $0x0  }
0x61: {  	s6 =	rddreg [dreg:$0x18];
	[sflag:s7] =	ssyncadd.s32 $0xFFFFEC00  }
0x62: {  	[spmem:s6] =	stream.linear.scatter [tilespmem:s3], [sflag:$0xA], $0x1400, $0x38;
	[tilespmem:$0x1FD80] =	vst v63  }
0x63: {  	_ =	swait.ge [sflag:s7], $0x1400  }
0x64: {  	[sflag:s7] =	ssyncset.done $0x0  }
0x65: {  	s23 =	rddreg [dreg:$0x19];
	[sflag:s7] =	ssyncadd.s32 $0xFFFFEC00  }
0x66: {  	[spmem:s23] =	stream.linear.scatter [tilespmem:s3], [sflag:$0xA], $0x1400, $0x38;
	[tilespmem:$0x1FD80] =	vst v63  }
0x67: {  	_ =	swait.ge [sflag:s7], $0x1400  }
0x68: {  	[sflag:s7] =	ssyncset.done $0x0  }
0x69: {  	s24 =	rddreg [dreg:$0x1a];
	[sflag:s7] =	ssyncadd.s32 $0xFFFFEC00  }
0x6a: {  	[spmem:s24] =	stream.linear.scatter [tilespmem:s3], [sflag:$0xA], $0x1400, $0x38;
	[tilespmem:$0x1FD80] =	vst v63  }
0x6b: {  	_ =	swait.ge [sflag:s7], $0x1400  }
0x6c: {  	[sflag:s7] =	ssyncset.done $0x0  }
0x6d: {  	s25 =	rddreg [dreg:$0x1b];
	[sflag:s7] =	ssyncadd.s32 $0xFFFFEC00  }
0x6e: {  	[spmem:s25] =	stream.linear.scatter [tilespmem:s3], [sflag:$0xA], $0x1400, $0x38;
	[tilespmem:$0x1FD80] =	vst v63  }
0x6f: {  	_ =	swait.ge [sflag:s7], $0x1400  }
0x70: {  	[sflag:s7] =	ssyncset.done $0x0  }
0x71: {  	s6 =	rddreg [dreg:$0x1c];
	[sflag:s7] =	ssyncadd.s32 $0xFFFFEC00  }
0x72: {  	[spmem:s6] =	stream.linear.scatter [tilespmem:s3], [sflag:$0xA], $0x1400, $0x38;
	[tilespmem:$0x1FD80] =	vst v63  }
0x73: {  	_ =	swait.ge [sflag:s7], $0x1400  }
0x74: {  	[sflag:s7] =	ssyncset.done $0x0  }
0x75: {  	s6 =	simm.s32 $0x0;
	s23 =	rddreg [dreg:$0x5];
	[sflag:s7] =	ssyncadd.s32 $0xFFFFEC00  }
0x76: {  	[tilespmem:s6], [sflag:$0xA] =	stream.linear.gather [hbm4b:s23+s6], $0x7D00, $0x38;
	[tilespmem:$0x1FD80] =	vst v63  }
0x77: {  	_ =	swait.ge [sflag:s7], $0x7D00  }
0x78: {  	[sflag:s7] =	ssyncset.done $0x0  }
0x79: {  	[sflag:s7] =	ssyncadd.s32 $0xFFFF8300  }
0x7a: {  	s24 =	simm.s32 $0x7C80;
	[bflag:$0x0] =	sbarrier.arrive $0xFFFF  }
0x7b: {  	[tilespmem:s3], [sflag:$0x1] =	stream.indirect.gather [hbm4b:s1+s8], $0x80, s24, s8, $0xb8;
	[tilespmem:$0x1FD80] =	vst v63  }
0x7c: {  	_ =	swait.ge [sflag:s9], $0x1400  }
0x7d: {  	[sflag:s9] =	ssyncset.done $0x0  }
0x7e: {  	s25 =	rddreg [dreg:$0x6];
	[sflag:s9] =	ssyncadd.s32 $0xFFFFEC00  }
0x7f: {  	[tilespmem:s10], [sflag:$0xA] =	stream.linear.gather [hbm4b:s25+s6], $0x80, $0x38;
	[tilespmem:$0x1FD80] =	vst v63  }
0x80: {  	_ =	swait.ge [sflag:s7], $0x80  }
0x81: {  	[sflag:s7] =	ssyncset.done $0x0  }
0x82: {  	[sflag:s7] =	ssyncadd.s32 $0xFFFFFF80  }
0x83: {  	[spmem:s2] =	stream.indirect.scatter.add.f32 [tilespmem:s3], [sflag:$0xA], $0x80, s10, s8, $0xb8;
	[tilespmem:$0x1FD80] =	vst v63  }
0x84: {  	_ =	swait.ge [sflag:s7], $0x1400  }
0x85: {  	[sflag:s7] =	ssyncset.done $0x0  }
0x86: {  	[sflag:s7] =	ssyncadd.s32 $0xFFFFEC00  }
0x87: {  	[tilespmem:s3], [sflag:$0x1] =	stream.indirect.gather [hbm4b:s1+s8], $0x80, s6, s8, $0xb8;
	[tilespmem:$0x1FD80] =	vst v63  }
0x88: {  	s23 =	rddreg [dreg:$0x4]  }
0x89: {  	[tilespmem:s10], [sflag:$0x7] =	stream.linear.gather [hbm4b:s23+s6], $0x80, $0x38;
	[tilespmem:$0x1FD80] =	vst v63  }
0x8a: {  	s24 =	simm.s32 $0x80  }
0x8b: {  	[tilespmem:s11], [sflag:$0x2] =	stream.indirect.gather [hbm4b:s1+s8], $0x80, s24, s8, $0xb8;
	[tilespmem:$0x1FD80] =	vst v63  }
0x8c: {  	s25 =	rddreg [dreg:$0x7]  }
0x8d: {  	[tilespmem:s13], [sflag:$0x8] =	stream.linear.gather [hbm4b:s25+s6], $0x80, $0x38;
	[tilespmem:$0x1FD80] =	vst v63  }
0x8e: {  	s23 =	simm.s32 $0x100  }
0x8f: {  	[tilespmem:s14], [sflag:$0x3] =	stream.indirect.gather [hbm4b:s1+s8], $0x80, s23, s8, $0xb8;
	[tilespmem:$0x1FD80] =	vst v63  }
0x90: {  	s24 =	rddreg [dreg:$0x8]  }
0x91: {  	[tilespmem:s15], [sflag:$0x9] =	stream.linear.gather [hbm4b:s24+s6], $0x80, $0x38;
	[tilespmem:$0x1FD80] =	vst v63  }
0x92: {  	_ =	swait.ge [sflag:s9], $0x1400  }
0x93: {  	[sflag:s9] =	ssyncset.done $0x0  }
0x94: {  	[sflag:s9] =	ssyncadd.s32 $0xFFFFEC00  }
0x95: {  	_ =	swait.ge [sflag:s16], $0x80  }
0x96: {  	[sflag:s16] =	ssyncset.done $0x0  }
0x97: {  	[sflag:s16] =	ssyncadd.s32 $0xFFFFFF80  }
0x98: {  	[spmem:s2] =	stream.indirect.scatter.add.f32 [tilespmem:s3], [sflag:$0x4], $0x80, s10, s8, $0xb8;
	[tilespmem:$0x1FD80] =	vst v63  }
0x99: {  	_ =	swait.ge [sflag:s17], $0x1400  }
0x9a: {  	[sflag:s17] =	ssyncset.done $0x0  }
0x9b: {  	[sflag:s17] =	ssyncadd.s32 $0xFFFFEC00  }
0x9c: {  	_ =	swait.ge [sflag:s18], $0x80  }
0x9d: {  	[sflag:s18] =	ssyncset.done $0x0  }
0x9e: {  	[sflag:s18] =	ssyncadd.s32 $0xFFFFFF80  }
0x9f: {  	[spmem:s2] =	stream.indirect.scatter.add.f32 [tilespmem:s11], [sflag:$0x5], $0x80, s13, s8, $0xb8;
	[tilespmem:$0x1FD80] =	vst v63  }
0xa0: {  	_ =	swait.ge [sflag:s19], $0x1400  }
0xa1: {  	[sflag:s19] =	ssyncset.done $0x0  }
0xa2: {  	[sflag:s19] =	ssyncadd.s32 $0xFFFFEC00  }
0xa3: {  	_ =	swait.ge [sflag:s20], $0x80  }
0xa4: {  	[sflag:s20] =	ssyncset.done $0x0  }
0xa5: {  	[sflag:s20] =	ssyncadd.s32 $0xFFFFFF80  }
0xa6: {  	[spmem:s2] =	stream.indirect.scatter.add.f32 [tilespmem:s14], [sflag:$0x6], $0x80, s15, s8, $0xb8;
	[tilespmem:$0x1FD80] =	vst v63  }
0xa7: {  	_ =	swait.ge [sflag:s21], $0x1400  }
0xa8: {  	[sflag:s21] =	ssyncset.done $0x0;
	s24 =	rddreg [dreg:$0x16]  }
0xa9: {  	s25 =	simm.s32 $0x180;
	[sflag:s21] =	ssyncadd.s32 $0xFFFFEC00;
	s23 =	sshrl.u32 s24, $0x3  }
0xaa: {  	[tilespmem:s3], [sflag:$0x1] =	stream.indirect.gather [hbm4b:s1+s8], $0x80, s25, s8, $0xb8;
	[tilespmem:$0x1FD80] =	vst v63  }
0xab: {  	s0 =	sadd.s32 s5, s23  }
0xac: {  	[tilespmem:s10], [sflag:$0x7] =	stream.linear.gather [hbm4b:s0+s4], $0x80, $0x38;
	[tilespmem:$0x1FD80] =	vst v63  }
0xad: {  	_ =	swait.ge [sflag:s22], $0x1400  }
0xae: {  	[sflag:s22] =	ssyncset.done $0x0  }
0xaf: {  	s23 =	simm.s32 $0x200;
	[sflag:s22] =	ssyncadd.s32 $0xFFFFEC00  }
0xb0: {  	[tilespmem:s11], [sflag:$0x2] =	stream.indirect.gather [hbm4b:s1+s8], $0x80, s23, s8, $0xb8;
	[tilespmem:$0x1FD80] =	vst v63  }
0xb1: {  	s0 =	rddreg [dreg:$0x15]  }
0xb2: {  	[tilespmem:s13], [sflag:$0x8] =	stream.linear.gather [hbm4b:s0+s4], $0x80, $0x38;
	[tilespmem:$0x1FD80] =	vst v63  }
0xb3: {  	s29 =	simm.s32 $0x600;
	s31 =	sadd.s32 $0x180, s24;
	_ =	swait.ge [sflag:s26], $0x1400  }
0xb4: {  	s25 =	simm.s32 $0x280;
	[sflag:s26] =	ssyncset.done $0x0;
	s23 =	rddreg [dreg:$0x14]  }
0xb5: {  	s30 =	sadd.s32 $0x30, s0;
	[sflag:s26] =	ssyncadd.s32 $0xFFFFEC00;
	s6 =	sadd.s32 $0x30, s23  }
0xb6: {  	[tilespmem:s14], [sflag:$0x3] =	stream.indirect.gather [hbm4b:s1+s8], $0x80, s25, s8, $0xb8;
	[tilespmem:$0x1FD80] =	vst v63  }
.LBB2_4:
0xb7: {  	[tilespmem:s15], [sflag:$0x9] =	stream.linear.gather [hbm4b:s23+s4], $0x80, $0x38;
	[tilespmem:$0x1FD80] =	vst v63  }
0xb8: {  	s24 =	smov.u32 s29;
	s23 =	smov.u32 s6  }
0xb9: {  	p0 =	sne.s32 s29, $0x1E600;
	s29 =	sadd.s32 $0x600, s29;
	_ =	swait.ge [sflag:s9], $0x1400  }
0xba: {  	[sflag:s9] =	ssyncset.done $0x0  }
0xbb: {  	[sflag:s9] =	ssyncadd.s32 $0xFFFFEC00  }
0xbc: {  	_ =	swait.ge [sflag:s16], $0x80  }
0xbd: {  	[sflag:s16] =	ssyncset.done $0x0  }
0xbe: {  	[sflag:s16] =	ssyncadd.s32 $0xFFFFFF80  }
0xbf: {  	[spmem:s2] =	stream.indirect.scatter.add.f32 [tilespmem:s3], [sflag:$0x4], $0x80, s10, s8, $0xb8;
	[tilespmem:$0x1FD80] =	vst v63  }
0xc0: {  	_ =	swait.ge [sflag:s17], $0x1400  }
0xc1: {  	[sflag:s17] =	ssyncset.done $0x0  }
0xc2: {  	[sflag:s17] =	ssyncadd.s32 $0xFFFFEC00  }
0xc3: {  	_ =	swait.ge [sflag:s18], $0x80  }
0xc4: {  	[sflag:s18] =	ssyncset.done $0x0  }
0xc5: {  	[sflag:s18] =	ssyncadd.s32 $0xFFFFFF80  }
0xc6: {  	[spmem:s2] =	stream.indirect.scatter.add.f32 [tilespmem:s11], [sflag:$0x5], $0x80, s13, s8, $0xb8;
	[tilespmem:$0x1FD80] =	vst v63  }
0xc7: {  	_ =	swait.ge [sflag:s19], $0x1400  }
0xc8: {  	[sflag:s19] =	ssyncset.done $0x0  }
0xc9: {  	[sflag:s19] =	ssyncadd.s32 $0xFFFFEC00  }
0xca: {  	_ =	swait.ge [sflag:s20], $0x80  }
0xcb: {  	[sflag:s20] =	ssyncset.done $0x0  }
0xcc: {  	[sflag:s20] =	ssyncadd.s32 $0xFFFFFF80  }
0xcd: {  	[spmem:s2] =	stream.indirect.scatter.add.f32 [tilespmem:s14], [sflag:$0x6], $0x80, s15, s8, $0xb8;
	[tilespmem:$0x1FD80] =	vst v63  }
0xce: {  	_ =	swait.ge [sflag:s21], $0x1400  }
0xcf: {  	s24 =	sshra.s32 s24, $0x2;
	[sflag:s21] =	ssyncset.done $0x0  }
0xd0: {  	s0 =	sshrl.u32 s31, $0x3;
	s25 =	sadd.s32 $0x180, s24;
	[sflag:s21] =	ssyncadd.s32 $0xFFFFEC00  }
0xd1: {  	[tilespmem:s3], [sflag:$0x1] =	stream.indirect.gather [hbm4b:s1+s8], $0x80, s25, s8, $0xb8;
	[tilespmem:$0x1FD80] =	vst v63  }
0xd2: {  	s0 =	sadd.s32 s5, s0  }
0xd3: {  	[tilespmem:s10], [sflag:$0x7] =	stream.linear.gather [hbm4b:s0+s4], $0x80, $0x38;
	[tilespmem:$0x1FD80] =	vst v63  }
0xd4: {  	_ =	swait.ge [sflag:s22], $0x1400  }
0xd5: {  	[sflag:s22] =	ssyncset.done $0x0  }
0xd6: {  	s0 =	sadd.s32 $0x200, s24;
	[sflag:s22] =	ssyncadd.s32 $0xFFFFEC00  }
0xd7: {  	[tilespmem:s11], [sflag:$0x2] =	stream.indirect.gather [hbm4b:s1+s8], $0x80, s0, s8, $0xb8;
	[tilespmem:$0x1FD80] =	vst v63  }
0xd8: {  	_ = 	snop  }
0xd9: {  	[tilespmem:s13], [sflag:$0x8] =	stream.linear.gather [hbm4b:s30+s4], $0x80, $0x38;
	[tilespmem:$0x1FD80] =	vst v63  }
.Ltmp1:
0xda: {  	_ =	swait.ge [sflag:s26], $0x1400;
	(pc) =	sbr.rel @p0 .LBB2_4-.Ltmp1, $4  }
0xdb: {  	[sflag:s26] =	ssyncset.done $0x0  }
0xdc: {  	s0 =	sadd.s32 $0x280, s24;
	[sflag:s26] =	ssyncadd.s32 $0xFFFFEC00  }
0xdd: {  	[tilespmem:s14], [sflag:$0x3] =	stream.indirect.gather [hbm4b:s1+s8], $0x80, s0, s8, $0xb8;
	[tilespmem:$0x1FD80] =	vst v63  }
0xde: {  	s6 =	sadd.s32 $0x30, s6;
	s31 =	sadd.s32 $0x180, s31;
	s30 =	sadd.s32 $0x30, s30  }
0xdf: {  	[tilespmem:s15], [sflag:$0x9] =	stream.linear.gather [hbm4b:s23+s4], $0x80, $0x38;
	[tilespmem:$0x1FD80] =	vst v63  }
0xe0: {  	_ =	swait.ge [sflag:s9], $0x1400  }
0xe1: {  	[sflag:s9] =	ssyncset.done $0x0  }
0xe2: {  	[sflag:s9] =	ssyncadd.s32 $0xFFFFEC00  }
0xe3: {  	_ =	swait.ge [sflag:s16], $0x80  }
0xe4: {  	[sflag:s16] =	ssyncset.done $0x0  }
0xe5: {  	[sflag:s16] =	ssyncadd.s32 $0xFFFFFF80  }
0xe6: {  	[spmem:s2] =	stream.indirect.scatter.add.f32 [tilespmem:s3], [sflag:$0x4], $0x80, s10, s8, $0xb8;
	[tilespmem:$0x1FD80] =	vst v63  }
0xe7: {  	_ =	swait.ge [sflag:s17], $0x1400  }
0xe8: {  	[sflag:s17] =	ssyncset.done $0x0  }
0xe9: {  	[sflag:s17] =	ssyncadd.s32 $0xFFFFEC00  }
0xea: {  	_ =	swait.ge [sflag:s18], $0x80  }
0xeb: {  	[sflag:s18] =	ssyncset.done $0x0  }
0xec: {  	[sflag:s18] =	ssyncadd.s32 $0xFFFFFF80  }
0xed: {  	[spmem:s2] =	stream.indirect.scatter.add.f32 [tilespmem:s11], [sflag:$0x5], $0x80, s13, s8, $0xb8;
	[tilespmem:$0x1FD80] =	vst v63  }
0xee: {  	_ =	swait.ge [sflag:s19], $0x1400  }
0xef: {  	[sflag:s19] =	ssyncset.done $0x0  }
0xf0: {  	[sflag:s19] =	ssyncadd.s32 $0xFFFFEC00  }
0xf1: {  	_ =	swait.ge [sflag:s20], $0x80  }
0xf2: {  	[sflag:s20] =	ssyncset.done $0x0  }
0xf3: {  	[sflag:s20] =	ssyncadd.s32 $0xFFFFFF80  }
0xf4: {  	[spmem:s2] =	stream.indirect.scatter.add.f32 [tilespmem:s14], [sflag:$0x6], $0x80, s15, s8, $0xb8;
	[tilespmem:$0x1FD80] =	vst v63  }
0xf5: {  	_ =	swait.ge [sflag:s21], $0x1400  }
0xf6: {  	[sflag:s21] =	ssyncset.done $0x0  }
0xf7: {  	[sflag:s21] =	ssyncadd.s32 $0xFFFFEC00  }
0xf8: {  	_ =	swait.ge [sflag:s22], $0x1400  }
0xf9: {  	[sflag:s22] =	ssyncset.done $0x0  }
0xfa: {  	[sflag:s22] =	ssyncadd.s32 $0xFFFFEC00  }
0xfb: {  	_ =	swait.ge [sflag:s26], $0x1400  }
0xfc: {  	[sflag:s26] =	ssyncset.done $0x0  }
0xfd: {  	s0 =	stileid.u32;
	[sflag:s26] =	ssyncadd.s32 $0xFFFFEC00  }
0xfe: {  	s0 =	sshll.u32 s0, $0x6;
	[bflag:$0x0] =	sbarrier.arrive $0xFFFF  }
0xff: {  	s6 =	sshrl.u32 s12, $0x3;
	s0 =	sor.u32 $0x1C0A, s0;
	s30 =	rddreg [dreg:$0x9]  }
0x100: {  	[hbm:s30], [sflag:s0] =	dma.local [spmem:s6], $0x2800  }
0x101: {  	_ =	swait.ge [sflag:s7], $0x2800  }
0x102: {  	s28 =	sadd.s32 $0x1, s28;
	s31 =	rddreg [dreg:$0xa]  }
0x103: {  	p0 =	sne.s32 s28, s31  }
.Ltmp2:
0x104: {  	_ = 	snop;
	(pc) =	sbr.rel @p0 .LBB2_1-.Ltmp2, $3  }
0x105: {  	_ =	sdelay $0x1  }
0x106: {  	[sflag:s7] =	ssyncset.done $0x0  }
0x107: {  	[sflag:s7] =	ssyncadd.s32 $0xFFFFD800  }
0x108: {  	_ =	sfence.sel $0x180000  }
0x109: {  	[bflag:$0x0] =	sbarrier.arrive $0xFFFF  }
0x10a: {  	_ =	strace $0x9000004D  }
0x10b: {  	s0 =	stileid.u32;
	[bflag:$0x2] =	sbarrier.arrive $0xFFFF  }
0x10c: {  	p0 =	sne.s32 s0, $0x0;
	s0 =	rddreg [dreg:$0x3]  }
0x10d: {  	s0 =	sadd.s32 @!p0 $0x100000, s0  }
0x10e: {  	[sflag:s0] =	ssyncadd.tile.s32 @!p0 $0x1;
	_ =	shalt  }
.Lfunc_end2:
_tile_overlayer_lowered:
.L_overlay_start_2:
0x10f: {  	(tag) =	ssettag $0x2  }
0x110: {  	s0 =	rddreg [dreg:$0x0];
	s2 =	stileid.u32  }
0x111: {  	s1 =	rddreg [dreg:$0x1];
	p0 =	sne.s32 s2, $0x0  }
0x112: {  	s3 =	rddreg [dreg:$0x2];
	[bflag:$0x3] =	sbarrier.arrive $0xFFFF;
	s2 =	simm.s32 @!p0 $0x1C0A  }
0x113: {  	[timem:s3], [sflag:s2] =	dma.local @!p0 [hbm:s0], s1  }
0x114: {  	s0 =	simm.s32 @!p0 $0xA  }
0x115: {  	_ =	swait.ge @!p0 [sflag:s0], s1  }
0x116: {  	s1 =	ssub.s32 @!p0 $0x0, s1;
	[sflag:s0] =	ssyncset.done @!p0 $0x0  }
0x117: {  	[sflag:s0] =	ssyncadd.s32 @!p0 s1  }
0x118: {  	[bflag:$0x3] =	sbarrier.arrive $0xFFFF  }
0x119: {  	_ =	shalt  }

// kernel: kernel.19.cloned.1.call-start
scs
__scs_entry_jumppad:
0x0: {  	(pc) =	sbr.rel $0x88, $3  }
0x1: {  	(tag) =	ssettag $0x0;
	lr =	simm.s32 $0x1  }
0x2: {  	[smem:$0x3F97] =	sst lr;
	_ =	strace $0xD0000000  }
0x3: {  	_ = 	snop  }
0x4: {  	_ = 	snop  }
0x5: {  	_ = 	snop  }
0x6: {  	_ = 	snop  }
0x7: {  	_ = 	snop  }
__scs_overlays_trampoline_lowered:
0x8: {  	[smem:$0x3FA6] =	sst s0  }
0x9: {  	[smem:$0x3FA7] =	sst s1  }
0xa: {  	[smem:$0x3FA8] =	sst s2  }
0xb: {  	[smem:$0x3FA9] =	sst s3  }
0xc: {  	[smem:$0x3FAA] =	sst s4  }
0xd: {  	[smem:$0x3FAB] =	sst s5  }
0xe: {  	[smem:$0x3FAC] =	sst s6  }
0xf: {  	[smem:$0x3FAD] =	sst s7  }
0x10: {  	[smem:$0x3FAE] =	sst s8  }
0x11: {  	[smem:$0x3FAF] =	sst s9;
	s0 =	simm.s32 @!p0 $0x0  }
0x12: {  	s1 =	sld [smem:$0x3F95];
	s0 =	simm.s32 @p0 $0x1  }
0x13: {  	[smem:$0x3FB0] =	sst s0;
	s0 =	simm.s32 @!p1 $0x0  }
0x14: {  	s2 =	sld [smem:$0x3F94];
	s0 =	simm.s32 @p1 $0x1  }
0x15: {  	[smem:$0x3FB1] =	sst s0;
	s0 =	simm.s32 @!p2 $0x0  }
0x16: {  	s3 =	sld [smem:$0x3FDB];
	s0 =	simm.s32 @p2 $0x1  }
0x17: {  	s4 =	simm.s32 $0x1BF5;
	[smem:$0x3FB3] =	sst s0  }
0x18: {  	s0 =	sld [smem:$0x3F96];
	_ =	swait.ge [sflag:s4], $0x0  }
0x19: {  	s7 =	sld [smem:$0x3F97]  }
0x1a: {  	s8 =	sadd.s32 $0xFFFFE003, lr  }
0x1b: {  	s9 =	sadd.s32 $0xFFFFFEF7, lr;
	s5 =	simm.s32 $0xFFFFFFFF;
	p2 =	slt.u32 s8, $0xFFFFF086  }
0x1c: {  	p1 =	slt.u32 s9, $0xF7A;
	s5 =	simm.s32 @!p2 $0x0  }
0x1d: {  	s5 =	simm.s32 @p1 $0x1;
	p0 =	seq.s32 s7, s2  }
0x1e: {  	s7 =	smul.u32 @!p0 $0xF7A, s2;
	p2 =	seq.s32 @!p0 s5, $0x0  }
0x1f: {  	s9 =	smul.u32 $0xF7A, s1;
	s8 =	simm.s32 @!p0 $0x1BF5;
	p2 =	por !p2, p0  }
0x20: {  	[sflag:s8] =	ssyncset.s32 @!p0 $0xFFFFF086;
	s6 =	sadd.s32 @!p0 s3, s7;
	s7 =	simm.s32 @!p0 $0x108  }
0x21: {  	s3 =	sadd.s32 s3, s9;
	s6 =	sadd.s32 @!p0 $0x88, s6;
	s7 =	simm.s32 @p2 $0x1082  }
0x22: {  	[simem:s7], [sflag:s8] =	dma.local @!p0 [hbm:s6], $0xF7A  }
0x23: {  	s9 =	sor.u32 $0xD0000000, s2;
	s6 =	simm.s32 $0x108;
	_ =	swait.ge @!p0 [sflag:s8], $0x0  }
0x24: {  	s3 =	sadd.s32 $0x88, s3;
	s6 =	simm.s32 @!p1 $0x1082;
	[sflag:s4] =	ssyncset.s32 $0xFFFFF086  }
0x25: {  	[simem:s6], [sflag:s4] =	dma.local [hbm:s3], $0xF7A  }
0x26: {  	[smem:$0x3F97] =	sst s1;
	(tag) =	ssettag s2;
	_ =	strace s9  }
0x27: {  	s1 =	sld [smem:$0x3FA7]  }
0x28: {  	s2 =	sld [smem:$0x3FA8]  }
0x29: {  	s4 =	sld [smem:$0x3FAA]  }
0x2a: {  	p0 =	seq.s32 s5, $0x0;
	s5 =	sld [smem:$0x3FAB]  }
0x2b: {  	s6 =	sld [smem:$0x3FAC]  }
0x2c: {  	s7 =	sld [smem:$0x3FAD]  }
0x2d: {  	s3 =	simm.s32 $0x108;
	s8 =	sld [smem:$0x3FAE]  }
0x2e: {  	s3 =	simm.s32 @!p0 $0x1082;
	s9 =	sld [smem:$0x3FAF]  }
0x2f: {  	lr =	sadd.s32 s0, s3;
	s0 =	sld [smem:$0x3FA6]  }
0x30: {  	s3 =	sld [smem:$0x3FA9]  }
0x31: {  	[smem:$0x3FB2] =	sst s10  }
0x32: {  	s10 =	sld [smem:$0x3FB0];
	_ =	sdelay $0x3  }
0x33: {  	p0 =	seq.s32 s10, $0x1;
	s10 =	sld [smem:$0x3FB2];
	_ =	sdelay $0x3  }
0x34: {  	[smem:$0x3FB2] =	sst s10  }
0x35: {  	s10 =	sld [smem:$0x3FB1];
	_ =	sdelay $0x3  }
0x36: {  	p1 =	seq.s32 s10, $0x1;
	s10 =	sld [smem:$0x3FB2];
	_ =	sdelay $0x3  }
0x37: {  	[smem:$0x3FB2] =	sst s10  }
0x38: {  	s10 =	sld [smem:$0x3FB3]  }
0x39: {  	_ = 	snop;
	(pc) =	sbr.ind lr, $3  }
0x3a: {  	_ = 	snop  }
0x3b: {  	_ = 	snop  }
0x3c: {  	p2 =	seq.s32 s10, $0x1;
	s10 =	sld [smem:$0x3FB2]  }
0x3d: {  	_ =	shalt  }
0x3e: {  	_ =	shalt  }
0x3f: {  	_ =	shalt  }
0x40: {  	_ =	shalt  }
0x41: {  	_ =	shalt  }
0x42: {  	_ =	shalt  }
0x43: {  	_ =	shalt  }
0x44: {  	_ =	shalt  }
0x45: {  	_ =	shalt  }
0x46: {  	_ =	shalt  }
0x47: {  	_ =	shalt  }
0x48: {  	_ =	shalt  }
0x49: {  	_ =	shalt  }
0x4a: {  	_ =	shalt  }
0x4b: {  	_ =	shalt  }
0x4c: {  	_ =	shalt  }
0x4d: {  	_ =	shalt  }
0x4e: {  	_ =	shalt  }
0x4f: {  	_ =	shalt  }
0x50: {  	_ =	shalt  }
0x51: {  	_ =	shalt  }
0x52: {  	_ =	shalt  }
0x53: {  	_ =	shalt  }
0x54: {  	_ =	shalt  }
0x55: {  	_ =	shalt  }
0x56: {  	_ =	shalt  }
0x57: {  	_ =	shalt  }
0x58: {  	_ =	shalt  }
0x59: {  	_ =	shalt  }
0x5a: {  	_ =	shalt  }
0x5b: {  	_ =	shalt  }
0x5c: {  	_ =	shalt  }
0x5d: {  	_ =	shalt  }
0x5e: {  	_ =	shalt  }
0x5f: {  	_ =	shalt  }
0x60: {  	_ =	shalt  }
0x61: {  	_ =	shalt  }
0x62: {  	_ =	shalt  }
0x63: {  	_ =	shalt  }
0x64: {  	_ =	shalt  }
0x65: {  	_ =	shalt  }
0x66: {  	_ =	shalt  }
0x67: {  	_ =	shalt  }
0x68: {  	_ =	shalt  }
0x69: {  	_ =	shalt  }
0x6a: {  	_ =	shalt  }
0x6b: {  	_ =	shalt  }
0x6c: {  	_ =	shalt  }
0x6d: {  	_ =	shalt  }
0x6e: {  	_ =	shalt  }
0x6f: {  	_ =	shalt  }
0x70: {  	_ =	shalt  }
0x71: {  	_ =	shalt  }
0x72: {  	_ =	shalt  }
0x73: {  	_ =	shalt  }
0x74: {  	_ =	shalt  }
0x75: {  	_ =	shalt  }
0x76: {  	_ =	shalt  }
0x77: {  	_ =	shalt  }
0x78: {  	_ =	shalt  }
0x79: {  	_ =	shalt  }
0x7a: {  	_ =	shalt  }
0x7b: {  	_ =	shalt  }
0x7c: {  	_ =	shalt  }
0x7d: {  	_ =	shalt  }
0x7e: {  	_ =	shalt  }
0x7f: {  	_ =	shalt  }
0x80: {  	_ =	shalt  }
0x81: {  	_ =	shalt  }
0x82: {  	_ =	shalt  }
0x83: {  	_ =	shalt  }
0x84: {  	_ =	shalt  }
0x85: {  	_ =	shalt  }
0x86: {  	_ =	shalt  }
0x87: {  	_ =	shalt  }
.Lfunc_end0:
.L_simem_size_0:
called_computation.3_lowered:
.L_overlay_start_0:
0x88: {  	s2 =	sld [smem:$0x3FD9]  }
0x89: {  	s3 =	sld [smem:$0x3FFE];
	_ =	sdelay $0x1  }
0x8a: {  	s1 =	srdreg.scid  }
0x8b: {  	s0 =	sand.u32 $0x1, s1  }
0x8c: {  	s17 =	sshll.u32 s0, $0xA;
	s2 =	sadd.s32 s3, s2  }
0x8d: {  	s2 =	sadd.s32 s2, s17  }
0x8e: {  	[smem:$0x3FBE] =	sst s2  }
0x8f: {  	_ = 	snop  }
0x90: {  	s2 =	sld [smem:$0x3FD0];
	(tm) =	ssettm $0x1  }
0x91: {  	s18 =	sld [smem:$0x3FFB];
	_ =	sdelay $0x3  }
0x92: {  	_ =	strace s18  }
0x93: {  	s3 =	sld [smem:$0x3FFC];
	_ =	sdelay $0x3  }
0x94: {  	_ =	strace s3  }
0x95: {  	s3 =	sld [smem:$0x3FFD];
	_ =	sdelay $0x3  }
0x96: {  	_ =	strace s3  }
0x97: {  	_ =	strace $0x8FFFFFFF  }
0x98: {  	s19 =	sld [smem:$0x3FDB];
	_ =	sdelay $0x1  }
0x99: {  	s4 =	simm.s32 $_scs_section_size  }
0x9a: {  	s5 =	simm.s32 $_size__tile_overlayer_lowered;
	s6 =	simm.s32 $_tile_overlayer_lowered  }
0x9b: {  	s22 =	simm.s32 $0x1BFF;
	s21 =	sshll.u32 s6, $0x1;
	s3 =	sadd.s32 s4, s19  }
0x9c: {  	s7 =	simm.s32 $0x0;
	s20 =	sshll.u32 s5, $0x1;
	s5 =	sadd.s32 s21, s3  }
0x9d: {  	[timem:s7], [sflag:s22] =	dma.local [hbm:s5], s20  }
0x9e: {  	_ =	swait.ge [sflag:s22], s20  }
0x9f: {  	s4 =	ssub.s32 $0x0, s20;
	[sflag:s22] =	ssyncset.done $0x0  }
0xa0: {  	[sflag:s22] =	ssyncadd.s32 s4;
	_ =	sdelay $0x1  }
0xa1: {  	s23 =	simm.s32 $0x1B8B  }
0xa2: {  	_ =	swait.ge [sflag:s23], $0x1  }
0xa3: {  	[sflag:s23] =	ssyncset.done $0x0  }
0xa4: {  	s25 =	simm.s32 $0x1B8E;
	s24 =	sld [smem:$0x3FFE];
	[sflag:s23] =	ssyncadd.s32 $0xFFFFFFFF  }
0xa5: {  	s26 =	simm.s32 $execute0_lowered;
	[smem:$0x3FD2] =	sst s25  }
0xa6: {  	s5 =	sshll.u32 s26, $0x1;
	_ =	strace $0x8000004F;
	[dreg:$0x1] =	wrdreg $0xFFFFFFFF  }
0xa7: {  	s28 =	simm.s32 $_size_execute0_lowered;
	s3 =	sadd.s32 s3, s5;
	[dreg:$0x0] =	wrdreg $0x0  }
0xa8: {  	s5 =	sshll.u32 s28, $0x1;
	[dreg:$0x2] =	wrdreg s3  }
0xa9: {  	[dreg:$0x3] =	wrdreg s5  }
0xaa: {  	[dreg:$0x4] =	wrdreg $0xC0  }
0xab: {  	_ =	task [dreg:s7], $0x5FFFF  }
0xac: {  	[dreg:$0x1] =	wrdreg $0xFFFFFFFF  }
0xad: {  	[dreg:$0x0] =	wrdreg $0x60  }
0xae: {  	[dreg:$0x2] =	wrdreg s2  }
0xaf: {  	[dreg:$0x3] =	wrdreg s24  }
0xb0: {  	[dreg:$0x4] =	wrdreg $0xBD800  }
0xb1: {  	[dreg:$0x5] =	wrdreg $0x9  }
0xb2: {  	_ =	task.clear_ibuf [dreg:s7], $0x6FFFF;
	_ =	strace $0x9000004F  }
0xb3: {  	s29 =	simm.s32 $0x9;
	_ =	strace $0x80000051  }
0xb4: {  	_ =	swait.ge [sflag:s29], $0x1  }
0xb5: {  	[sflag:s29] =	ssyncadd.s32 $0xFFFFFFFF  }
0xb6: {  	_ =	strace $0x90000051  }
0xb7: {  	_ =	sfence  }
0xb8: {  	s30 =	sld [smem:$0x0];
	_ =	sdelay $0x2  }
0xb9: {  	s31 =	sshll.u32 s1, $0xD;
	s1 =	sshrl.u32 s1, $0x2  }
0xba: {  	s3 =	sand.u32 $0x4000, s31;
	s1 =	sadd.s32 s1, s30  }
0xbb: {  	s0 =	sor.u32 s3, s0;
	s1 =	sshll.u32 s1, $0x11  }
0xbc: {  	s0 =	sor.u32 s1, s0  }
0xbd: {  	s0 =	sadd.s32 $0x8F2B, s0  }
0xbe: {  	[sflag:s0] =	ssyncadd.remote.s32 $0x1  }
0xbf: {  	_ =	sfence.sel $0xFFFF  }
0xc0: {  	[dreg:$0x0] =	wrdreg $0xFFFFFFFF;
	(pc) =	sbr.abs _section_cstart, $3  }
0xc1: {  	[dreg:$0x1] =	wrdreg $0xFFFFFFFF  }
0xc2: {  	_ =	task.clear_ibuf [dreg:s7], $0x2FFFF;
	_ =	strace $0x9FFFFFFF  }
0xc3: {  	(tm) =	ssettm $0x7FFFFFFF  }
tec
execute0_lowered:
.L_overlay_start_1:
0x0: {  	(tag) =	ssettag $0x1  }
0x1: {  	s1 =	rddreg [dreg:$0x0]  }
0x2: {  	s0 =	rddreg [dreg:$0x1]  }
0x3: {  	s2 =	rddreg [dreg:$0x2];
	s10 =	stileid.u32  }
0x4: {  	s3 =	srdreg.scid;
	s7 =	smul.u32 $0x14000, s10  }
0x5: {  	s4 =	simm.s32 $0x0;
	s28 =	simm.s32 $0x0;
	s25 =	smul.u32 $0x50000, s10  }
0x6: {  	s3 =	sand.u32 $0x1, s3;
	[smem:$0x7FF] =	sst s4;
	s11 =	smul.u32 $0x7D00, s10  }
0x7: {  	s5 =	sshll.u32 s3, $0x4;
	s6 =	smul.u32 $0x140000, s3;
	_ =	strace $0x80000050  }
0x8: {  	s9 =	ssub.s32 $0x2, s3;
	s5 =	sor.u32 s10, s5;
	s31 =	sshrl.u32 s25, $0x2  }
0x9: {  	s23 =	sshrl.u32 s9, $0x1;
	s10 =	simm.s32 $0x8000;
	s12 =	sadd.s32 s31, s2  }
0xa: {  	s8 =	sshll.u32 s5, $0xC;
	s6 =	sadd.s32 s7, s6;
	s13 =	sadd.s32 $0x3C00, s12  }
0xb: {  	s22 =	smul.u32 $0x7D00, s5;
	s14 =	sadd.s32 $0x5000, s12;
	[dreg:$0xd] =	wrdreg s13  }
0xc: {  	s5 =	sadd.s32 $0x51C00, s0;
	s15 =	sadd.s32 $0x6400, s12;
	[dreg:$0xe] =	wrdreg s14  }
0xd: {  	s8 =	sadd.s32 s8, s0;
	s16 =	sadd.s32 $0x7800, s12;
	[dreg:$0xf] =	wrdreg s15  }
0xe: {  	s6 =	sshrl.u32 s6, $0x3;
	s17 =	sadd.s32 $0x8C00, s12;
	[dreg:$0x10] =	wrdreg s16  }
0xf: {  	s18 =	sadd.s32 $0xA000, s12;
	s21 =	sadd.s32 $0xB400, s12;
	[dreg:$0x11] =	wrdreg s17  }
0x10: {  	s25 =	sadd.s32 $0xDC00, s12;
	s31 =	sadd.s32 $0x12C00, s12;
	[dreg:$0x12] =	wrdreg s18  }
0x11: {  	s0 =	sadd.s32 s6, s0;
	s7 =	sshrl.u32 s22, $0x3;
	[dreg:$0x13] =	wrdreg s21  }
0x12: {  	s6 =	ssub.s32 s9, s23;
	s8 =	sadd.s32 $0x71000, s8;
	[dreg:$0x18] =	wrdreg s25  }
0x13: {  	s9 =	sadd.s32 $0x2800, s12;
	[dreg:$0x1c] =	wrdreg s31;
	s13 =	simm.s32 $0x8080  }
0x14: {  	s14 =	simm.s32 $0xA980;
	s15 =	simm.s32 $0x8100;
	[dreg:$0x5] =	wrdreg s8  }
0x15: {  	s16 =	simm.s32 $0x7;
	s24 =	sadd.s32 s5, s7;
	[dreg:$0xc] =	wrdreg s9  }
0x16: {  	s17 =	simm.s32 $0x2;
	s0 =	sadd.s32 $0x91000, s0;
	[dreg:$0x4] =	wrdreg s24  }
0x17: {  	s18 =	simm.s32 $0x8;
	s6 =	smax.u32 s6, $0x1;
	[dreg:$0x9] =	wrdreg s0  }
0x18: {  	s21 =	simm.s32 $0x4;
	s8 =	sadd.s32 $0x1400, s12;
	[dreg:$0xa] =	wrdreg s6  }
0x19: {  	s7 =	smul.u32 $0x7D000, s3;
	s26 =	sadd.s32 $0xF90, s24;
	[dreg:$0xb] =	wrdreg s8  }
0x1a: {  	s9 =	simm.s32 $0x1;
	s29 =	sadd.s32 $0x10, s24;
	[dreg:$0x6] =	wrdreg s26  }
0x1b: {  	s30 =	sadd.s32 $0x20, s24;
	s24 =	sadd.s32 $0xC800, s12;
	[dreg:$0x7] =	wrdreg s29  }
0x1c: {  	s8 =	simm.s32 $0x28;
	[dreg:$0x8] =	wrdreg s30;
	s3 =	sadd.s32 s11, s7  }
0x1d: {  	[dreg:$0x17] =	wrdreg s24;
	s26 =	sadd.s32 $0xF000, s12;
	s29 =	sadd.s32 $0x10400, s12  }
0x1e: {  	s30 =	sadd.s32 $0x11800, s12;
	s7 =	simm.s32 $0xA;
	[dreg:$0x19] =	wrdreg s26  }
0x1f: {  	s11 =	simm.s32 $0x9580;
	s19 =	sadd.s32 $0x280, s3;
	[dreg:$0x1a] =	wrdreg s29  }
0x20: {  	s20 =	sadd.s32 $0x200, s3;
	s23 =	sadd.s32 $0x180, s3;
	[dreg:$0x1b] =	wrdreg s30  }
0x21: {  	s3 =	simm.s32 $0x8180;
	s26 =	simm.s32 $0x6;
	s0 =	sshrl.u32 s19, $0x3  }
0x22: {  	s6 =	sshrl.u32 s20, $0x3;
	[dreg:$0x16] =	wrdreg s23;
	s0 =	sadd.s32 s0, s5  }
0x23: {  	s19 =	simm.s32 $0x3;
	s22 =	sadd.s32 s6, s5;
	[dreg:$0x14] =	wrdreg s0  }
0x24: {  	v0 =	vimm.f32 $0.0e+00;
	s20 =	simm.s32 $0x9;
	[dreg:$0x15] =	wrdreg s22;
	s22 =	simm.s32 $0x5  }
.LBB2_1:
0x25: {  	s6 =	simm.s32 $0x70;
	s23 =	simm.s32 $0x3C0  }
.LBB2_2:
0x26: {  	p0 =	sne.s32 s23, $0x4FC0;
	[tilespmem:s6+$0x8180] =	vst v0  }
0x27: {  	[tilespmem:s6+$0x8110] =	vst v0  }
0x28: {  	[tilespmem:s6+$0x8120] =	vst v0  }
.Ltmp0:
0x29: {  	[tilespmem:s6+$0x8130] =	vst v0;
	(pc) =	sbr.rel @p0 .LBB2_2-.Ltmp0, $4  }
0x2a: {  	[tilespmem:s6+$0x8140] =	vst v0  }
0x2b: {  	[tilespmem:s6+$0x8150] =	vst v0  }
0x2c: {  	[tilespmem:s6+$0x8160] =	vst v0  }
0x2d: {  	[tilespmem:s6+$0x8170] =	vst v0;
	s6 =	sshra.s32 s23, $0x2;
	s23 =	sadd.s32 $0x200, s23  }
0x2e: {  	[tilespmem:s6+$0x8180] =	vst v0  }
0x2f: {  	[tilespmem:s6+$0x8110] =	vst v0  }
0x30: {  	[tilespmem:s6+$0x8120] =	vst v0  }
0x31: {  	[tilespmem:s6+$0x8130] =	vst v0  }
0x32: {  	[tilespmem:s6+$0x8140] =	vst v0  }
0x33: {  	[tilespmem:s6+$0x8150] =	vst v0  }
0x34: {  	[tilespmem:s6+$0x8160] =	vst v0  }
0x35: {  	[tilespmem:s6+$0x8170] =	vst v0  }
0x36: {  	[spmem:s12] =	stream.linear.scatter [tilespmem:s3], [sflag:$0xA], $0x1400, $0x38;
	[tilespmem:$0x1FD80] =	vst v63  }
0x37: {  	_ =	swait.ge [sflag:s7], $0x1400  }
0x38: {  	[sflag:s7] =	ssyncset.done $0x0  }
0x39: {  	s0 =	rddreg [dreg:$0xb];
	[sflag:s7] =	ssyncadd.s32 $0xFFFFEC00  }
0x3a: {  	[spmem:s0] =	stream.linear.scatter [tilespmem:s3], [sflag:$0xA], $0x1400, $0x38;
	[tilespmem:$0x1FD80] =	vst v63  }
0x3b: {  	_ =	swait.ge [sflag:s7], $0x1400  }
0x3c: {  	[sflag:s7] =	ssyncset.done $0x0  }
0x3d: {  	s25 =	rddreg [dreg:$0xc];
	[sflag:s7] =	ssyncadd.s32 $0xFFFFEC00  }
0x3e: {  	[spmem:s25] =	stream.linear.scatter [tilespmem:s3], [sflag:$0xA], $0x1400, $0x38;
	[tilespmem:$0x1FD80] =	vst v63  }
0x3f: {  	_ =	swait.ge [sflag:s7], $0x1400  }
0x40: {  	[sflag:s7] =	ssyncset.done $0x0  }
0x41: {  	s6 =	rddreg [dreg:$0xd];
	[sflag:s7] =	ssyncadd.s32 $0xFFFFEC00  }
0x42: {  	[spmem:s6] =	stream.linear.scatter [tilespmem:s3], [sflag:$0xA], $0x1400, $0x38;
	[tilespmem:$0x1FD80] =	vst v63  }
0x43: {  	_ =	swait.ge [sflag:s7], $0x1400  }
0x44: {  	[sflag:s7] =	ssyncset.done $0x0  }
0x45: {  	s23 =	rddreg [dreg:$0xe];
	[sflag:s7] =	ssyncadd.s32 $0xFFFFEC00  }
0x46: {  	[spmem:s23] =	stream.linear.scatter [tilespmem:s3], [sflag:$0xA], $0x1400, $0x38;
	[tilespmem:$0x1FD80] =	vst v63  }
0x47: {  	_ =	swait.ge [sflag:s7], $0x1400  }
0x48: {  	[sflag:s7] =	ssyncset.done $0x0  }
0x49: {  	s24 =	rddreg [dreg:$0xf];
	[sflag:s7] =	ssyncadd.s32 $0xFFFFEC00  }
0x4a: {  	[spmem:s24] =	stream.linear.scatter [tilespmem:s3], [sflag:$0xA], $0x1400, $0x38;
	[tilespmem:$0x1FD80] =	vst v63  }
0x4b: {  	_ =	swait.ge [sflag:s7], $0x1400  }
0x4c: {  	[sflag:s7] =	ssyncset.done $0x0  }
0x4d: {  	s25 =	rddreg [dreg:$0x10];
	[sflag:s7] =	ssyncadd.s32 $0xFFFFEC00  }
0x4e: {  	[spmem:s25] =	stream.linear.scatter [tilespmem:s3], [sflag:$0xA], $0x1400, $0x38;
	[tilespmem:$0x1FD80] =	vst v63  }
0x4f: {  	_ =	swait.ge [sflag:s7], $0x1400  }
0x50: {  	[sflag:s7] =	ssyncset.done $0x0  }
0x51: {  	s6 =	rddreg [dreg:$0x11];
	[sflag:s7] =	ssyncadd.s32 $0xFFFFEC00  }
0x52: {  	[spmem:s6] =	stream.linear.scatter [tilespmem:s3], [sflag:$0xA], $0x1400, $0x38;
	[tilespmem:$0x1FD80] =	vst v63  }
0x53: {  	_ =	swait.ge [sflag:s7], $0x1400  }
0x54: {  	[sflag:s7] =	ssyncset.done $0x0  }
0x55: {  	s23 =	rddreg [dreg:$0x12];
	[sflag:s7] =	ssyncadd.s32 $0xFFFFEC00  }
0x56: {  	[spmem:s23] =	stream.linear.scatter [tilespmem:s3], [sflag:$0xA], $0x1400, $0x38;
	[tilespmem:$0x1FD80] =	vst v63  }
0x57: {  	_ =	swait.ge [sflag:s7], $0x1400  }
0x58: {  	[sflag:s7] =	ssyncset.done $0x0  }
0x59: {  	s24 =	rddreg [dreg:$0x13];
	[sflag:s7] =	ssyncadd.s32 $0xFFFFEC00  }
0x5a: {  	[spmem:s24] =	stream.linear.scatter [tilespmem:s3], [sflag:$0xA], $0x1400, $0x38;
	[tilespmem:$0x1FD80] =	vst v63  }
0x5b: {  	_ =	swait.ge [sflag:s7], $0x1400  }
0x5c: {  	[sflag:s7] =	ssyncset.done $0x0  }
0x5d: {  	s25 =	rddreg [dreg:$0x17];
	[sflag:s7] =	ssyncadd.s32 $0xFFFFEC00  }
0x5e: {  	[spmem:s25] =	stream.linear.scatter [tilespmem:s3], [sflag:$0xA], $0x1400, $0x38;
	[tilespmem:$0x1FD80] =	vst v63  }
0x5f: {  	_ =	swait.ge [sflag:s7], $0x1400  }
0x60: {  	[sflag:s7] =	ssyncset.done $0x0  }
0x61: {  	s6 =	rddreg [dreg:$0x18];
	[sflag:s7] =	ssyncadd.s32 $0xFFFFEC00  }
0x62: {  	[spmem:s6] =	stream.linear.scatter [tilespmem:s3], [sflag:$0xA], $0x1400, $0x38;
	[tilespmem:$0x1FD80] =	vst v63  }
0x63: {  	_ =	swait.ge [sflag:s7], $0x1400  }
0x64: {  	[sflag:s7] =	ssyncset.done $0x0  }
0x65: {  	s23 =	rddreg [dreg:$0x19];
	[sflag:s7] =	ssyncadd.s32 $0xFFFFEC00  }
0x66: {  	[spmem:s23] =	stream.linear.scatter [tilespmem:s3], [sflag:$0xA], $0x1400, $0x38;
	[tilespmem:$0x1FD80] =	vst v63  }
0x67: {  	_ =	swait.ge [sflag:s7], $0x1400  }
0x68: {  	[sflag:s7] =	ssyncset.done $0x0  }
0x69: {  	s24 =	rddreg [dreg:$0x1a];
	[sflag:s7] =	ssyncadd.s32 $0xFFFFEC00  }
0x6a: {  	[spmem:s24] =	stream.linear.scatter [tilespmem:s3], [sflag:$0xA], $0x1400, $0x38;
	[tilespmem:$0x1FD80] =	vst v63  }
0x6b: {  	_ =	swait.ge [sflag:s7], $0x1400  }
0x6c: {  	[sflag:s7] =	ssyncset.done $0x0  }
0x6d: {  	s25 =	rddreg [dreg:$0x1b];
	[sflag:s7] =	ssyncadd.s32 $0xFFFFEC00  }
0x6e: {  	[spmem:s25] =	stream.linear.scatter [tilespmem:s3], [sflag:$0xA], $0x1400, $0x38;
	[tilespmem:$0x1FD80] =	vst v63  }
0x6f: {  	_ =	swait.ge [sflag:s7], $0x1400  }
0x70: {  	[sflag:s7] =	ssyncset.done $0x0  }
0x71: {  	s6 =	rddreg [dreg:$0x1c];
	[sflag:s7] =	ssyncadd.s32 $0xFFFFEC00  }
0x72: {  	[spmem:s6] =	stream.linear.scatter [tilespmem:s3], [sflag:$0xA], $0x1400, $0x38;
	[tilespmem:$0x1FD80] =	vst v63  }
0x73: {  	_ =	swait.ge [sflag:s7], $0x1400  }
0x74: {  	[sflag:s7] =	ssyncset.done $0x0  }
0x75: {  	s6 =	simm.s32 $0x0;
	s23 =	rddreg [dreg:$0x5];
	[sflag:s7] =	ssyncadd.s32 $0xFFFFEC00  }
0x76: {  	[tilespmem:s6], [sflag:$0xA] =	stream.linear.gather [hbm4b:s23+s6], $0x7D00, $0x38;
	[tilespmem:$0x1FD80] =	vst v63  }
0x77: {  	_ =	swait.ge [sflag:s7], $0x7D00  }
0x78: {  	[sflag:s7] =	ssyncset.done $0x0  }
0x79: {  	[sflag:s7] =	ssyncadd.s32 $0xFFFF8300  }
0x7a: {  	s24 =	simm.s32 $0x7C80;
	[bflag:$0x0] =	sbarrier.arrive $0xFFFF  }
0x7b: {  	[tilespmem:s3], [sflag:$0x1] =	stream.indirect.gather [hbm4b:s1+s8], $0x80, s24, s8, $0xb8;
	[tilespmem:$0x1FD80] =	vst v63  }
0x7c: {  	_ =	swait.ge [sflag:s9], $0x1400  }
0x7d: {  	[sflag:s9] =	ssyncset.done $0x0  }
0x7e: {  	s25 =	rddreg [dreg:$0x6];
	[sflag:s9] =	ssyncadd.s32 $0xFFFFEC00  }
0x7f: {  	[tilespmem:s10], [sflag:$0xA] =	stream.linear.gather [hbm4b:s25+s6], $0x80, $0x38;
	[tilespmem:$0x1FD80] =	vst v63  }
0x80: {  	_ =	swait.ge [sflag:s7], $0x80  }
0x81: {  	[sflag:s7] =	ssyncset.done $0x0  }
0x82: {  	[sflag:s7] =	ssyncadd.s32 $0xFFFFFF80  }
0x83: {  	[spmem:s2] =	stream.indirect.scatter.add.f32 [tilespmem:s3], [sflag:$0xA], $0x80, s10, s8, $0xb8;
	[tilespmem:$0x1FD80] =	vst v63  }
0x84: {  	_ =	swait.ge [sflag:s7], $0x1400  }
0x85: {  	[sflag:s7] =	ssyncset.done $0x0  }
0x86: {  	[sflag:s7] =	ssyncadd.s32 $0xFFFFEC00  }
0x87: {  	[tilespmem:s3], [sflag:$0x1] =	stream.indirect.gather [hbm4b:s1+s8], $0x80, s6, s8, $0xb8;
	[tilespmem:$0x1FD80] =	vst v63  }
0x88: {  	s23 =	rddreg [dreg:$0x4]  }
0x89: {  	[tilespmem:s10], [sflag:$0x7] =	stream.linear.gather [hbm4b:s23+s6], $0x80, $0x38;
	[tilespmem:$0x1FD80] =	vst v63  }
0x8a: {  	s24 =	simm.s32 $0x80  }
0x8b: {  	[tilespmem:s11], [sflag:$0x2] =	stream.indirect.gather [hbm4b:s1+s8], $0x80, s24, s8, $0xb8;
	[tilespmem:$0x1FD80] =	vst v63  }
0x8c: {  	s25 =	rddreg [dreg:$0x7]  }
0x8d: {  	[tilespmem:s13], [sflag:$0x8] =	stream.linear.gather [hbm4b:s25+s6], $0x80, $0x38;
	[tilespmem:$0x1FD80] =	vst v63  }
0x8e: {  	s23 =	simm.s32 $0x100  }
0x8f: {  	[tilespmem:s14], [sflag:$0x3] =	stream.indirect.gather [hbm4b:s1+s8], $0x80, s23, s8, $0xb8;
	[tilespmem:$0x1FD80] =	vst v63  }
0x90: {  	s24 =	rddreg [dreg:$0x8]  }
0x91: {  	[tilespmem:s15], [sflag:$0x9] =	stream.linear.gather [hbm4b:s24+s6], $0x80, $0x38;
	[tilespmem:$0x1FD80] =	vst v63  }
0x92: {  	_ =	swait.ge [sflag:s9], $0x1400  }
0x93: {  	[sflag:s9] =	ssyncset.done $0x0  }
0x94: {  	[sflag:s9] =	ssyncadd.s32 $0xFFFFEC00  }
0x95: {  	_ =	swait.ge [sflag:s16], $0x80  }
0x96: {  	[sflag:s16] =	ssyncset.done $0x0  }
0x97: {  	[sflag:s16] =	ssyncadd.s32 $0xFFFFFF80  }
0x98: {  	[spmem:s2] =	stream.indirect.scatter.add.f32 [tilespmem:s3], [sflag:$0x4], $0x80, s10, s8, $0xb8;
	[tilespmem:$0x1FD80] =	vst v63  }
0x99: {  	_ =	swait.ge [sflag:s17], $0x1400  }
0x9a: {  	[sflag:s17] =	ssyncset.done $0x0  }
0x9b: {  	[sflag:s17] =	ssyncadd.s32 $0xFFFFEC00  }
0x9c: {  	_ =	swait.ge [sflag:s18], $0x80  }
0x9d: {  	[sflag:s18] =	ssyncset.done $0x0  }
0x9e: {  	[sflag:s18] =	ssyncadd.s32 $0xFFFFFF80  }
0x9f: {  	[spmem:s2] =	stream.indirect.scatter.add.f32 [tilespmem:s11], [sflag:$0x5], $0x80, s13, s8, $0xb8;
	[tilespmem:$0x1FD80] =	vst v63  }
0xa0: {  	_ =	swait.ge [sflag:s19], $0x1400  }
0xa1: {  	[sflag:s19] =	ssyncset.done $0x0  }
0xa2: {  	[sflag:s19] =	ssyncadd.s32 $0xFFFFEC00  }
0xa3: {  	_ =	swait.ge [sflag:s20], $0x80  }
0xa4: {  	[sflag:s20] =	ssyncset.done $0x0  }
0xa5: {  	[sflag:s20] =	ssyncadd.s32 $0xFFFFFF80  }
0xa6: {  	[spmem:s2] =	stream.indirect.scatter.add.f32 [tilespmem:s14], [sflag:$0x6], $0x80, s15, s8, $0xb8;
	[tilespmem:$0x1FD80] =	vst v63  }
0xa7: {  	_ =	swait.ge [sflag:s21], $0x1400  }
0xa8: {  	[sflag:s21] =	ssyncset.done $0x0;
	s24 =	rddreg [dreg:$0x16]  }
0xa9: {  	s25 =	simm.s32 $0x180;
	[sflag:s21] =	ssyncadd.s32 $0xFFFFEC00;
	s23 =	sshrl.u32 s24, $0x3  }
0xaa: {  	[tilespmem:s3], [sflag:$0x1] =	stream.indirect.gather [hbm4b:s1+s8], $0x80, s25, s8, $0xb8;
	[tilespmem:$0x1FD80] =	vst v63  }
0xab: {  	s0 =	sadd.s32 s5, s23  }
0xac: {  	[tilespmem:s10], [sflag:$0x7] =	stream.linear.gather [hbm4b:s0+s4], $0x80, $0x38;
	[tilespmem:$0x1FD80] =	vst v63  }
0xad: {  	_ =	swait.ge [sflag:s22], $0x1400  }
0xae: {  	[sflag:s22] =	ssyncset.done $0x0  }
0xaf: {  	s23 =	simm.s32 $0x200;
	[sflag:s22] =	ssyncadd.s32 $0xFFFFEC00  }
0xb0: {  	[tilespmem:s11], [sflag:$0x2] =	stream.indirect.gather [hbm4b:s1+s8], $0x80, s23, s8, $0xb8;
	[tilespmem:$0x1FD80] =	vst v63  }
0xb1: {  	s0 =	rddreg [dreg:$0x15]  }
0xb2: {  	[tilespmem:s13], [sflag:$0x8] =	stream.linear.gather [hbm4b:s0+s4], $0x80, $0x38;
	[tilespmem:$0x1FD80] =	vst v63  }
0xb3: {  	s29 =	simm.s32 $0x600;
	s31 =	sadd.s32 $0x180, s24;
	_ =	swait.ge [sflag:s26], $0x1400  }
0xb4: {  	s25 =	simm.s32 $0x280;
	[sflag:s26] =	ssyncset.done $0x0;
	s23 =	rddreg [dreg:$0x14]  }
0xb5: {  	s30 =	sadd.s32 $0x30, s0;
	[sflag:s26] =	ssyncadd.s32 $0xFFFFEC00;
	s6 =	sadd.s32 $0x30, s23  }
0xb6: {  	[tilespmem:s14], [sflag:$0x3] =	stream.indirect.gather [hbm4b:s1+s8], $0x80, s25, s8, $0xb8;
	[tilespmem:$0x1FD80] =	vst v63  }
.LBB2_4:
0xb7: {  	[tilespmem:s15], [sflag:$0x9] =	stream.linear.gather [hbm4b:s23+s4], $0x80, $0x38;
	[tilespmem:$0x1FD80] =	vst v63  }
0xb8: {  	s24 =	smov.u32 s29;
	s23 =	smov.u32 s6  }
0xb9: {  	p0 =	sne.s32 s29, $0x1E600;
	s29 =	sadd.s32 $0x600, s29;
	_ =	swait.ge [sflag:s9], $0x1400  }
0xba: {  	[sflag:s9] =	ssyncset.done $0x0  }
0xbb: {  	[sflag:s9] =	ssyncadd.s32 $0xFFFFEC00  }
0xbc: {  	_ =	swait.ge [sflag:s16], $0x80  }
0xbd: {  	[sflag:s16] =	ssyncset.done $0x0  }
0xbe: {  	[sflag:s16] =	ssyncadd.s32 $0xFFFFFF80  }
0xbf: {  	[spmem:s2] =	stream.indirect.scatter.add.f32 [tilespmem:s3], [sflag:$0x4], $0x80, s10, s8, $0xb8;
	[tilespmem:$0x1FD80] =	vst v63  }
0xc0: {  	_ =	swait.ge [sflag:s17], $0x1400  }
0xc1: {  	[sflag:s17] =	ssyncset.done $0x0  }
0xc2: {  	[sflag:s17] =	ssyncadd.s32 $0xFFFFEC00  }
0xc3: {  	_ =	swait.ge [sflag:s18], $0x80  }
0xc4: {  	[sflag:s18] =	ssyncset.done $0x0  }
0xc5: {  	[sflag:s18] =	ssyncadd.s32 $0xFFFFFF80  }
0xc6: {  	[spmem:s2] =	stream.indirect.scatter.add.f32 [tilespmem:s11], [sflag:$0x5], $0x80, s13, s8, $0xb8;
	[tilespmem:$0x1FD80] =	vst v63  }
0xc7: {  	_ =	swait.ge [sflag:s19], $0x1400  }
0xc8: {  	[sflag:s19] =	ssyncset.done $0x0  }
0xc9: {  	[sflag:s19] =	ssyncadd.s32 $0xFFFFEC00  }
0xca: {  	_ =	swait.ge [sflag:s20], $0x80  }
0xcb: {  	[sflag:s20] =	ssyncset.done $0x0  }
0xcc: {  	[sflag:s20] =	ssyncadd.s32 $0xFFFFFF80  }
0xcd: {  	[spmem:s2] =	stream.indirect.scatter.add.f32 [tilespmem:s14], [sflag:$0x6], $0x80, s15, s8, $0xb8;
	[tilespmem:$0x1FD80] =	vst v63  }
0xce: {  	_ =	swait.ge [sflag:s21], $0x1400  }
0xcf: {  	s24 =	sshra.s32 s24, $0x2;
	[sflag:s21] =	ssyncset.done $0x0  }
0xd0: {  	s0 =	sshrl.u32 s31, $0x3;
	s25 =	sadd.s32 $0x180, s24;
	[sflag:s21] =	ssyncadd.s32 $0xFFFFEC00  }
0xd1: {  	[tilespmem:s3], [sflag:$0x1] =	stream.indirect.gather [hbm4b:s1+s8], $0x80, s25, s8, $0xb8;
	[tilespmem:$0x1FD80] =	vst v63  }
0xd2: {  	s0 =	sadd.s32 s5, s0  }
0xd3: {  	[tilespmem:s10], [sflag:$0x7] =	stream.linear.gather [hbm4b:s0+s4], $0x80, $0x38;
	[tilespmem:$0x1FD80] =	vst v63  }
0xd4: {  	_ =	swait.ge [sflag:s22], $0x1400  }
0xd5: {  	[sflag:s22] =	ssyncset.done $0x0  }
0xd6: {  	s0 =	sadd.s32 $0x200, s24;
	[sflag:s22] =	ssyncadd.s32 $0xFFFFEC00  }
0xd7: {  	[tilespmem:s11], [sflag:$0x2] =	stream.indirect.gather [hbm4b:s1+s8], $0x80, s0, s8, $0xb8;
	[tilespmem:$0x1FD80] =	vst v63  }
0xd8: {  	_ = 	snop  }
0xd9: {  	[tilespmem:s13], [sflag:$0x8] =	stream.linear.gather [hbm4b:s30+s4], $0x80, $0x38;
	[tilespmem:$0x1FD80] =	vst v63  }
.Ltmp1:
0xda: {  	_ =	swait.ge [sflag:s26], $0x1400;
	(pc) =	sbr.rel @p0 .LBB2_4-.Ltmp1, $4  }
0xdb: {  	[sflag:s26] =	ssyncset.done $0x0  }
0xdc: {  	s0 =	sadd.s32 $0x280, s24;
	[sflag:s26] =	ssyncadd.s32 $0xFFFFEC00  }
0xdd: {  	[tilespmem:s14], [sflag:$0x3] =	stream.indirect.gather [hbm4b:s1+s8], $0x80, s0, s8, $0xb8;
	[tilespmem:$0x1FD80] =	vst v63  }
0xde: {  	s6 =	sadd.s32 $0x30, s6;
	s31 =	sadd.s32 $0x180, s31;
	s30 =	sadd.s32 $0x30, s30  }
0xdf: {  	[tilespmem:s15], [sflag:$0x9] =	stream.linear.gather [hbm4b:s23+s4], $0x80, $0x38;
	[tilespmem:$0x1FD80] =	vst v63  }
0xe0: {  	_ =	swait.ge [sflag:s9], $0x1400  }
0xe1: {  	[sflag:s9] =	ssyncset.done $0x0  }
0xe2: {  	[sflag:s9] =	ssyncadd.s32 $0xFFFFEC00  }
0xe3: {  	_ =	swait.ge [sflag:s16], $0x80  }
0xe4: {  	[sflag:s16] =	ssyncset.done $0x0  }
0xe5: {  	[sflag:s16] =	ssyncadd.s32 $0xFFFFFF80  }
0xe6: {  	[spmem:s2] =	stream.indirect.scatter.add.f32 [tilespmem:s3], [sflag:$0x4], $0x80, s10, s8, $0xb8;
	[tilespmem:$0x1FD80] =	vst v63  }
0xe7: {  	_ =	swait.ge [sflag:s17], $0x1400  }
0xe8: {  	[sflag:s17] =	ssyncset.done $0x0  }
0xe9: {  	[sflag:s17] =	ssyncadd.s32 $0xFFFFEC00  }
0xea: {  	_ =	swait.ge [sflag:s18], $0x80  }
0xeb: {  	[sflag:s18] =	ssyncset.done $0x0  }
0xec: {  	[sflag:s18] =	ssyncadd.s32 $0xFFFFFF80  }
0xed: {  	[spmem:s2] =	stream.indirect.scatter.add.f32 [tilespmem:s11], [sflag:$0x5], $0x80, s13, s8, $0xb8;
	[tilespmem:$0x1FD80] =	vst v63  }
0xee: {  	_ =	swait.ge [sflag:s19], $0x1400  }
0xef: {  	[sflag:s19] =	ssyncset.done $0x0  }
0xf0: {  	[sflag:s19] =	ssyncadd.s32 $0xFFFFEC00  }
0xf1: {  	_ =	swait.ge [sflag:s20], $0x80  }
0xf2: {  	[sflag:s20] =	ssyncset.done $0x0  }
0xf3: {  	[sflag:s20] =	ssyncadd.s32 $0xFFFFFF80  }
0xf4: {  	[spmem:s2] =	stream.indirect.scatter.add.f32 [tilespmem:s14], [sflag:$0x6], $0x80, s15, s8, $0xb8;
	[tilespmem:$0x1FD80] =	vst v63  }
0xf5: {  	_ =	swait.ge [sflag:s21], $0x1400  }
0xf6: {  	[sflag:s21] =	ssyncset.done $0x0  }
0xf7: {  	[sflag:s21] =	ssyncadd.s32 $0xFFFFEC00  }
0xf8: {  	_ =	swait.ge [sflag:s22], $0x1400  }
0xf9: {  	[sflag:s22] =	ssyncset.done $0x0  }
0xfa: {  	[sflag:s22] =	ssyncadd.s32 $0xFFFFEC00  }
0xfb: {  	_ =	swait.ge [sflag:s26], $0x1400  }
0xfc: {  	[sflag:s26] =	ssyncset.done $0x0  }
0xfd: {  	s0 =	stileid.u32;
	[sflag:s26] =	ssyncadd.s32 $0xFFFFEC00  }
0xfe: {  	s0 =	sshll.u32 s0, $0x6;
	[bflag:$0x0] =	sbarrier.arrive $0xFFFF  }
0xff: {  	s6 =	sshrl.u32 s12, $0x3;
	s0 =	sor.u32 $0x1C0A, s0;
	s30 =	rddreg [dreg:$0x9]  }
0x100: {  	[hbm:s30], [sflag:s0] =	dma.local [spmem:s6], $0x2800  }
0x101: {  	_ =	swait.ge [sflag:s7], $0x2800  }
0x102: {  	s28 =	sadd.s32 $0x1, s28;
	s31 =	rddreg [dreg:$0xa]  }
0x103: {  	p0 =	sne.s32 s28, s31  }
.Ltmp2:
0x104: {  	_ = 	snop;
	(pc) =	sbr.rel @p0 .LBB2_1-.Ltmp2, $3  }
0x105: {  	_ =	sdelay $0x1  }
0x106: {  	[sflag:s7] =	ssyncset.done $0x0  }
0x107: {  	[sflag:s7] =	ssyncadd.s32 $0xFFFFD800  }
0x108: {  	_ =	sfence.sel $0x180000  }
0x109: {  	[bflag:$0x0] =	sbarrier.arrive $0xFFFF  }
0x10a: {  	_ =	strace $0x90000050  }
0x10b: {  	s0 =	stileid.u32;
	[bflag:$0x2] =	sbarrier.arrive $0xFFFF  }
0x10c: {  	p0 =	sne.s32 s0, $0x0;
	s0 =	rddreg [dreg:$0x3]  }
0x10d: {  	s0 =	sadd.s32 @!p0 $0x100000, s0  }
0x10e: {  	[sflag:s0] =	ssyncadd.tile.s32 @!p0 $0x1;
	_ =	shalt  }
.Lfunc_end2:
_tile_overlayer_lowered:
.L_overlay_start_2:
0x10f: {  	(tag) =	ssettag $0x2  }
0x110: {  	s0 =	rddreg [dreg:$0x0];
	s2 =	stileid.u32  }
0x111: {  	s1 =	rddreg [dreg:$0x1];
	p0 =	sne.s32 s2, $0x0  }
0x112: {  	s3 =	rddreg [dreg:$0x2];
	[bflag:$0x3] =	sbarrier.arrive $0xFFFF;
	s2 =	simm.s32 @!p0 $0x1C0A  }
0x113: {  	[timem:s3], [sflag:s2] =	dma.local @!p0 [hbm:s0], s1  }
0x114: {  	s0 =	simm.s32 @!p0 $0xA  }
0x115: {  	_ =	swait.ge @!p0 [sflag:s0], s1  }
0x116: {  	s1 =	ssub.s32 @!p0 $0x0, s1;
	[sflag:s0] =	ssyncset.done @!p0 $0x0  }
0x117: {  	[sflag:s0] =	ssyncadd.s32 @!p0 s1  }
0x118: {  	[bflag:$0x3] =	sbarrier.arrive $0xFFFF  }
0x119: {  	_ =	shalt  }

</sc_bundles>
